<compile_context>
chip_gen: v7x
topology: tpu7x:2x2x1
jax: 0.10.2.dev20260603
libtpu: 0.0.44.dev20260713+nightly
codegen_flags: <defaults>
</compile_context>

<pallas_src>
import functools

import jax
import jax.numpy as jnp
import numpy as np
from jax import lax
from jax.experimental import pallas as pl
from jax.experimental.pallas import tpu as pltpu
from jax.experimental.pallas import tpu_sc as plsc

B, L, DIM = 4096, 50, 512
VOCAB = 22
MAX_CHARGE = 10

NC, NS = 2, 16
NW = NC * NS
BPW = B // NW
NSLOT = 3
TROWS = 1104
RPS = TROWS // NS
TOKPAD = 128
NCHUNK = DIM // 16


def _pos_encoding() -> jnp.ndarray:
    pos = np.arange(L, dtype=np.float64)[:, None]
    i = np.arange(DIM // 2, dtype=np.float64)[None, :]
    angle = pos / (10000.0 ** (2.0 * i / DIM))
    pe = np.zeros((L, DIM), dtype=np.float32)
    pe[:, 0::2] = np.sin(angle)
    pe[:, 1::2] = np.cos(angle)
    return jnp.asarray(pe)


def _body(tokens_hbm, charges_hbm, aa_hbm, pe_hbm, ct_hbm, out_hbm,
          buf0, buf1, buf2, idx0, idx1, idx2,
          tokens_v, charges_v, ct_v, t_sh,
          g0, g1, g2, w0, w1, w2):
    bufs = (buf0, buf1, buf2)
    idxs = (idx0, idx1, idx2)
    gsems = (g0, g1, g2)
    wsems = (w0, w1, w2)

    s = lax.axis_index("s")
    c = lax.axis_index("c")
    wid = s * NC + c

    pltpu.sync_copy(aa_hbm, buf0.at[pl.ds(0, VOCAB)])
    pltpu.sync_copy(pe_hbm, buf1)

    def build_row(k, carry):
        r = s * RPS + k
        v = r // L
        l = r - v * L
        for j in range(NCHUNK):
            tc, dm = j // 8, (16 * j) % 128
            buf2[0, tc, pl.ds(dm, 16)] = (
                buf0[v, tc, pl.ds(dm, 16)] + buf1[l, tc, pl.ds(dm, 16)])
        pltpu.sync_copy(buf2.at[pl.ds(0, 1)], t_sh.at[pl.ds(r, 1)])
        return carry

    lax.fori_loop(0, RPS, build_row, 0)

    tok_base = wid * (BPW * L)
    pltpu.sync_copy(tokens_hbm.at[pl.ds(tok_base, BPW * L)],
                    tokens_v.at[pl.ds(0, BPW * L)])
    zeros16 = jnp.zeros((16,), jnp.int32)
    for m in range(TOKPAD // 16):
        tokens_v[pl.ds(BPW * L + 16 * m, 16)] = zeros16
    pltpu.sync_copy(charges_hbm.at[pl.ds(wid * BPW, BPW)],
                    charges_v.at[pl.ds(0, BPW)])
    pltpu.sync_copy(ct_hbm, ct_v)

    plsc.subcore_barrier()

    iotas = [lax.iota(jnp.int32, 16) + (16 * k) for k in range(4)]

    def comp_idx(i, slot):
        base = i * L
        for k in range(4):
            tv = tokens_v[pl.ds(base + 16 * k, 16)]
            idxs[slot][pl.ds(16 * k, 16)] = tv * L + iotas[k]

    def start_gather(slot):
        return pltpu.make_async_copy(
            t_sh.at[idxs[slot].at[pl.ds(0, L)]], bufs[slot], gsems[slot])

    def start_write(i, slot):
        gb = wid * BPW + i
        return pltpu.make_async_copy(
            bufs[slot], out_hbm.at[:, gb // 8, :, gb % 8, :], wsems[slot])

    def charge_add(i, slot):
        cc = charges_v[pl.ds(i, 16)][0]
        cvs = [ct_v[cc, pl.ds(16 * j, 16)] for j in range(NCHUNK)]

        def row_add(r, rc, _buf=bufs[slot], _cvs=cvs):
            for j in range(NCHUNK):
                plsc.addupdate(
                    _buf.at[r, j // 8, pl.ds((16 * j) % 128, 16)], _cvs[j])
            return rc

        lax.fori_loop(0, L, row_add, 0)

    comp_idx(0, 0)
    start_gather(0).start()

    NFULL = (BPW // NSLOT) * NSLOT

    def gbody(g, carry):
        for b in range(NSLOT):
            i = g * NSLOT + b
            slot = b
            s2 = (b + 1) % NSLOT
            comp_idx(i + 1, s2)
            if b == NSLOT - 1:
                start_write(i, s2).wait()
            else:
                @pl.when(g > 0)
                def _():
                    start_write(i, s2).wait()
            start_gather(s2).start()
            start_gather(slot).wait()
            charge_add(i, slot)
            start_write(i, slot).start()
        return carry

    lax.fori_loop(0, NFULL // NSLOT, gbody, 0)

    for i in range(NFULL, BPW):
        slot = i % NSLOT
        s2 = (i + 1) % NSLOT
        if i + 1 < BPW:
            comp_idx(i + 1, s2)
            start_write(i, s2).wait()
            start_gather(s2).start()
        start_gather(slot).wait()
        charge_add(i, slot)
        start_write(i, slot).start()

    for i in range(BPW - NSLOT, BPW):
        start_write(0, i % NSLOT).wait()


@functools.partial(jax.jit, static_argnames=())
def _run(tokens_flat, charges, aa_table, pe, charge_table):
    mesh = plsc.VectorSubcoreMesh(core_axis_name="c", subcore_axis_name="s")
    fn = pl.kernel(
        _body,
        mesh=mesh,
        compiler_params=pltpu.CompilerParams(use_tc_tiling_on_sc=False),
        out_type=jax.ShapeDtypeStruct((L, B // 8, DIM // 128, 8, 128),
                                      jnp.float32),
        scratch_types=(
            [pltpu.VMEM((L, DIM // 128, 128), jnp.float32)
             for _ in range(NSLOT)]
            + [pltpu.VMEM((64,), jnp.int32) for _ in range(NSLOT)]
            + [pltpu.VMEM((BPW * L + TOKPAD,), jnp.int32),
               pltpu.VMEM((BPW + 16,), jnp.int32),
               pltpu.VMEM((MAX_CHARGE, DIM), jnp.float32),
               pltpu.VMEM_SHARED((TROWS, DIM // 128, 128), jnp.float32)]
            + [pltpu.SemaphoreType.DMA for _ in range(2 * NSLOT)]),
    )
    return fn(tokens_flat, charges, aa_table, pe, charge_table)


def kernel(tokens, charges, aa_table, charge_table):
    aa = aa_table.at[0].set(0.0).reshape(VOCAB, DIM // 128, 128)
    pe = _pos_encoding().reshape(L, DIM // 128, 128)
    tokens_flat = tokens.astype(jnp.int32).reshape(-1)
    out5 = _run(tokens_flat, charges.astype(jnp.int32), aa, pe, charge_table)
    return jnp.transpose(out5, (1, 3, 0, 2, 4)).reshape(B, L, DIM)

# --- scband reference (transcript-rebuilt; emitter-appended) ---
"""Pipeline reference for scband-peptide-transformer-38027640439281 (READ-ONLY COPY).

The authoritative reference and input builder live on the scoring server;
editing this copy changes nothing except your own understanding.
"""

import jax, jax.numpy as jnp
import numpy as np

B, L, DIM = 4096, 50, 512
VOCAB = 22        # 20 canonical residues (C carbamidomethylated) + '$' stop + padding_idx 0
MAX_CHARGE = 10


def positional_encoding(seq_len, d_model):
    # Standard sinusoidal positional encoding (depthcharge PositionalEncoder,
    # min_wavelength=1, max_wavelength=10000).
    pos = np.arange(seq_len, dtype=np.float64)[:, None]
    i = np.arange(d_model // 2, dtype=np.float64)[None, :]
    angle = pos / (10000.0 ** (2.0 * i / d_model))
    pe = np.zeros((seq_len, d_model), dtype=np.float32)
    pe[:, 0::2] = np.sin(angle)
    pe[:, 1::2] = np.cos(angle)
    return jnp.asarray(pe)


def setup_inputs(seed: int = 0) -> dict:
    key = jax.random.key(seed)
    k1, k2, k3, k4 = jax.random.split(key, 4)
    tokens = jax.random.randint(k1, (B, L), 0, VOCAB)            # 0 = padding
    charges = jax.random.randint(k2, (B,), 0, MAX_CHARGE)
    aa_table = jax.random.normal(k3, (VOCAB, DIM), dtype=jnp.float32) * 0.02
    aa_table = aa_table.at[0].set(0.0)                           # padding_idx=0
    charge_table = jax.random.normal(k4, (MAX_CHARGE, DIM), dtype=jnp.float32) * 0.02
    return {"tokens": tokens, "charges": charges, "aa_table": aa_table, "charge_table": charge_table}


def reference(tokens, charges, aa_table, charge_table):
    # aa_encoder (nn.Embedding with padding_idx=0)
    emb = jnp.take(aa_table, tokens, axis=0)                     # [B, L, DIM]
    emb = emb * (tokens != 0)[..., None].astype(emb.dtype)
    # pos_encoder (sinusoidal, added to embeddings)
    pe = positional_encoding(emb.shape[1], emb.shape[2])
    # charge_encoder broadcast over sequence dim
    charge_emb = jnp.take(charge_table, charges, axis=0)         # [B, DIM]
    return emb + pe[None, :, :] + charge_emb[:, None, :]

if __name__ == "__main__":
    import jax
    _d = setup_inputs()
    print(jax.jit(kernel)(*tuple(_d.values())))

</pallas_src>

<mosaic_0001>
#map = affine_map<(d0, d1) -> (0)>
#map1 = affine_map<(d0, d1) -> (0, 0, 0)>
#map2 = affine_map<(d0, d1) -> (0, 0)>
#map3 = affine_map<(d0, d1) -> (0, 0, 0, 0, 0)>
module attributes {stable_mosaic.version = 14 : i64} {
  func.func @_body(%arg0: i32, %arg1: i32, %arg2: memref<204800xi32, #tpu.memory_space<hbm>>, %arg3: memref<4096xi32, #tpu.memory_space<hbm>>, %arg4: memref<22x4x128xf32, #tpu.memory_space<hbm>>, %arg5: memref<50x4x128xf32, #tpu.memory_space<hbm>>, %arg6: memref<10x512xf32, #tpu.memory_space<hbm>>, %arg7: memref<50x512x4x8x128xf32, #tpu.memory_space<hbm>>, %arg8: memref<50x4x128xf32, #tpu.memory_space<vmem>>, %arg9: memref<50x4x128xf32, #tpu.memory_space<vmem>>, %arg10: memref<50x4x128xf32, #tpu.memory_space<vmem>>, %arg11: memref<64xi32, #tpu.memory_space<vmem>>, %arg12: memref<64xi32, #tpu.memory_space<vmem>>, %arg13: memref<64xi32, #tpu.memory_space<vmem>>, %arg14: memref<6528xi32, #tpu.memory_space<vmem>>, %arg15: memref<144xi32, #tpu.memory_space<vmem>>, %arg16: memref<10x512xf32, #tpu.memory_space<vmem>>, %arg17: memref<1104x4x128xf32, #tpu.memory_space<vmem_shared>>, %arg18: memref<!tpu.dma_semaphore, #tpu.memory_space<semaphore_mem>>, %arg19: memref<!tpu.dma_semaphore, #tpu.memory_space<semaphore_mem>>, %arg20: memref<!tpu.dma_semaphore, #tpu.memory_space<semaphore_mem>>, %arg21: memref<!tpu.dma_semaphore, #tpu.memory_space<semaphore_mem>>, %arg22: memref<!tpu.dma_semaphore, #tpu.memory_space<semaphore_mem>>, %arg23: memref<!tpu.dma_semaphore, #tpu.memory_space<semaphore_mem>>) attributes {dimension_semantics = [#tpu.dimension_semantics<core_parallel>, #tpu.dimension_semantics<subcore_parallel>], iteration_bounds = array<i64: 2, 16>, scalar_prefetch = 0 : i64, scratch_operands = 16 : i64, tpu.core_type = #tpu.core_type<sc_vector_subcore>, window_params = [{transform_indices = #map}, {transform_indices = #map}, {transform_indices = #map1}, {transform_indices = #map1}, {transform_indices = #map2}, {transform_indices = #map3}]} {
    %mul3A = arith.constant 2 : i32
    %mul3A_0 = arith.muli %arg1, %mul3A : i32
    %add3A = arith.addi %mul3A_0, %arg0 : i32
    "tpu.region"() ({
      %run_scoped3A = tpu.sem_alloc : memref<!tpu.dma_semaphore, #tpu.memory_space<semaphore_mem>>
      %dma_start3A_762 = arith.constant 0 : i32
      %dma_start3A_763 = arith.constant 0 : i32
      %dma_start3A_764 = arith.constant 0 : i32
      %dma_start3A_765 = tpu.memref_slice %arg8[%dma_start3A_762, %dma_start3A_763, %dma_start3A_764] : memref<50x4x128xf32, #tpu.memory_space<vmem>> -> memref<22x4x128xf32, #tpu.memory_space<vmem>>
      %dma_start3A_766 = arith.constant 0 : i32
      %dma_start3A_767 = arith.constant 0 : i32
      %dma_start3A_768 = arith.constant 0 : i32
      %dma_start3A_769 = tpu.memref_slice %arg8[%dma_start3A_766, %dma_start3A_767, %dma_start3A_768] : memref<50x4x128xf32, #tpu.memory_space<vmem>> -> memref<22x4x128xf32, #tpu.memory_space<vmem>>
      tpu.enqueue_dma source(%arg4 : memref<22x4x128xf32, #tpu.memory_space<hbm>>) target(%dma_start3A_769 : memref<22x4x128xf32, #tpu.memory_space<vmem>>) target_semaphore(%run_scoped3A : memref<!tpu.dma_semaphore, #tpu.memory_space<semaphore_mem>>)
      %dma_wait3A_770 = arith.constant 0 : i32
      %dma_wait3A_771 = arith.constant 0 : i32
      %dma_wait3A_772 = arith.constant 0 : i32
      %dma_wait3A_773 = tpu.memref_slice %arg8[%dma_wait3A_770, %dma_wait3A_771, %dma_wait3A_772] : memref<50x4x128xf32, #tpu.memory_space<vmem>> -> memref<22x4x128xf32, #tpu.memory_space<vmem>>
      %dma_wait3A_774 = arith.constant 0 : i32
      %dma_wait3A_775 = arith.constant 0 : i32
      %dma_wait3A_776 = arith.constant 0 : i32
      %dma_wait3A_777 = tpu.memref_slice %arg8[%dma_wait3A_774, %dma_wait3A_775, %dma_wait3A_776] : memref<50x4x128xf32, #tpu.memory_space<vmem>> -> memref<22x4x128xf32, #tpu.memory_space<vmem>>
      tpu.wait_dma2 semaphore(%run_scoped3A : memref<!tpu.dma_semaphore, #tpu.memory_space<semaphore_mem>>) src(%arg4 : memref<22x4x128xf32, #tpu.memory_space<hbm>>) dst(%dma_wait3A_777 : memref<22x4x128xf32, #tpu.memory_space<vmem>>)
      tpu.yield
    }) : () -> ()
    "tpu.region"() ({
      %run_scoped3A = tpu.sem_alloc : memref<!tpu.dma_semaphore, #tpu.memory_space<semaphore_mem>>
      tpu.enqueue_dma source(%arg5 : memref<50x4x128xf32, #tpu.memory_space<hbm>>) target(%arg9 : memref<50x4x128xf32, #tpu.memory_space<vmem>>) target_semaphore(%run_scoped3A : memref<!tpu.dma_semaphore, #tpu.memory_space<semaphore_mem>>)
      tpu.wait_dma2 semaphore(%run_scoped3A : memref<!tpu.dma_semaphore, #tpu.memory_space<semaphore_mem>>) src(%arg5 : memref<50x4x128xf32, #tpu.memory_space<hbm>>) dst(%arg9 : memref<50x4x128xf32, #tpu.memory_space<vmem>>)
      tpu.yield
    }) : () -> ()
    %scan3A = arith.constant 0 : i32
    %scan3A_1 = arith.constant 0 : i32
    %scan3A_2 = arith.constant 69 : i32
    %scan3A_3 = arith.addi %scan3A_1, %scan3A_2 : i32
    %scan3A_4 = arith.constant 1 : i32
    scf.for %scan3A_762 = %scan3A_1 to %scan3A_3 step %scan3A_4  : i32 {
      %mul3A_763 = arith.constant 69 : i32
      %mul3A_764 = arith.muli %arg1, %mul3A_763 : i32
      %add3A_765 = arith.addi %mul3A_764, %scan3A_762 : i32
      %jit3A_766 = arith.constant 50 : i32
      %div3A_767 = arith.divsi %add3A_765, %jit3A_766 : i32
      %sign3A_768 = arith.constant 0 : i32
      %sign3A_769 = arith.cmpi sgt, %add3A_765, %sign3A_768 : i32
      %sign3A_770 = arith.extui %sign3A_769 : i1 to i32
      %sign3A_771 = arith.constant 0 : i32
      %sign3A_772 = arith.cmpi slt, %add3A_765, %sign3A_771 : i32
      %sign3A_773 = arith.extui %sign3A_772 : i1 to i32
      %sign3A_774 = arith.subi %sign3A_770, %sign3A_773 : i32
      %sign3A_775 = arith.constant 0 : i32
      %sign3A_776 = arith.cmpi sgt, %jit3A_766, %sign3A_775 : i32
      %sign3A_777 = arith.extui %sign3A_776 : i1 to i32
      %sign3A_778 = arith.constant 0 : i32
      %sign3A_779 = arith.cmpi slt, %jit3A_766, %sign3A_778 : i32
      %sign3A_780 = arith.extui %sign3A_779 : i1 to i32
      %sign3A_781 = arith.subi %sign3A_777, %sign3A_780 : i32
      %ne3A_782 = arith.cmpi ne, %sign3A_774, %sign3A_781 : i32
      %rem3A_783 = arith.remsi %add3A_765, %jit3A_766 : i32
      %ne3A_784 = arith.constant 0 : i32
      %ne3A_785 = arith.cmpi ne, %rem3A_783, %ne3A_784 : i32
      %and3A_786 = arith.andi %ne3A_782, %ne3A_785 : i1
      %sub3A_787 = arith.constant 1 : i32
      %sub3A_788 = arith.subi %div3A_767, %sub3A_787 : i32
      %select_n3A_789 = arith.select %and3A_786, %sub3A_788, %div3A_767 : i32
      %mul3A_790 = arith.constant 50 : i32
      %mul3A_791 = arith.muli %select_n3A_789, %mul3A_790 : i32
      %sub3A_792 = arith.subi %add3A_765, %mul3A_791 : i32
      %get3A_793 = arith.constant 0 : i32
      %get3A_794 = arith.index_cast %select_n3A_789 : i32 to index
      %get3A_795 = arith.index_cast %get3A_793 : i32 to index
      %get3A_796 = arith.constant 0 : index
      %get3A_797 = tpu.vector_load %arg8[%get3A_794, %get3A_795, %get3A_796] {strides = array<i32>} : memref<50x4x128xf32, #tpu.memory_space<vmem>>, vector<1x1x16xf32>,
      %get3A_798 = vector.shape_cast %get3A_797 : vector<1x1x16xf32> to vector<16xf32>
      %get3A_799 = arith.constant 0 : i32
      %get3A_800 = arith.index_cast %sub3A_792 : i32 to index
      %get3A_801 = arith.index_cast %get3A_799 : i32 to index
      %get3A_802 = arith.constant 0 : index
      %get3A_803 = tpu.vector_load %arg9[%get3A_800, %get3A_801, %get3A_802] {strides = array<i32>} : memref<50x4x128xf32, #tpu.memory_space<vmem>>, vector<1x1x16xf32>,
      %get3A_804 = vector.shape_cast %get3A_803 : vector<1x1x16xf32> to vector<16xf32>
      %add3A_805 = arith.addf %get3A_798, %get3A_804 : vector<16xf32>
      %swap3A_806 = arith.constant 0 : i32
      %swap3A_807 = arith.constant 0 : i32
      %swap3A_808 = arith.index_cast %swap3A_806 : i32 to index
      %swap3A_809 = arith.index_cast %swap3A_807 : i32 to index
      %swap3A_810 = arith.constant 0 : index
      %swap3A_811 = tpu.vector_load %arg10[%swap3A_808, %swap3A_809, %swap3A_810] {strides = array<i32>} : memref<50x4x128xf32, #tpu.memory_space<vmem>>, vector<1x1x16xf32>,
      %swap3A_812 = vector.shape_cast %swap3A_811 : vector<1x1x16xf32> to vector<16xf32>
      %swap3A_813 = vector.shape_cast %add3A_805 : vector<16xf32> to vector<1x1x16xf32>
      tpu.vector_store %arg10[%swap3A_808, %swap3A_809, %swap3A_810], %swap3A_813 {strides = array<i32>} : memref<50x4x128xf32, #tpu.memory_space<vmem>>, vector<1x1x16xf32>,
      %get3A_814 = arith.constant 0 : i32
      %get3A_815 = arith.index_cast %select_n3A_789 : i32 to index
      %get3A_816 = arith.index_cast %get3A_814 : i32 to index
      %get3A_817 = arith.constant 16 : index
      %get3A_818 = tpu.vector_load %arg8[%get3A_815, %get3A_816, %get3A_817] {strides = array<i32>} : memref<50x4x128xf32, #tpu.memory_space<vmem>>, vector<1x1x16xf32>,
      %get3A_819 = vector.shape_cast %get3A_818 : vector<1x1x16xf32> to vector<16xf32>
      %get3A_820 = arith.constant 0 : i32
      %get3A_821 = arith.index_cast %sub3A_792 : i32 to index
      %get3A_822 = arith.index_cast %get3A_820 : i32 to index
      %get3A_823 = arith.constant 16 : index
      %get3A_824 = tpu.vector_load %arg9[%get3A_821, %get3A_822, %get3A_823] {strides = array<i32>} : memref<50x4x128xf32, #tpu.memory_space<vmem>>, vector<1x1x16xf32>,
      %get3A_825 = vector.shape_cast %get3A_824 : vector<1x1x16xf32> to vector<16xf32>
      %add3A_826 = arith.addf %get3A_819, %get3A_825 : vector<16xf32>
      %swap3A_827 = arith.constant 0 : i32
      %swap3A_828 = arith.constant 0 : i32
      %swap3A_829 = arith.index_cast %swap3A_827 : i32 to index
      %swap3A_830 = arith.index_cast %swap3A_828 : i32 to index
      %swap3A_831 = arith.constant 16 : index
      %swap3A_832 = tpu.vector_load %arg10[%swap3A_829, %swap3A_830, %swap3A_831] {strides = array<i32>} : memref<50x4x128xf32, #tpu.memory_space<vmem>>, vector<1x1x16xf32>,
      %swap3A_833 = vector.shape_cast %swap3A_832 : vector<1x1x16xf32> to vector<16xf32>
      %swap3A_834 = vector.shape_cast %add3A_826 : vector<16xf32> to vector<1x1x16xf32>
      tpu.vector_store %arg10[%swap3A_829, %swap3A_830, %swap3A_831], %swap3A_834 {strides = array<i32>} : memref<50x4x128xf32, #tpu.memory_space<vmem>>, vector<1x1x16xf32>,
      %get3A_835 = arith.constant 0 : i32
      %get3A_836 = arith.index_cast %select_n3A_789 : i32 to index
      %get3A_837 = arith.index_cast %get3A_835 : i32 to index
      %get3A_838 = arith.constant 32 : index
      %get3A_839 = tpu.vector_load %arg8[%get3A_836, %get3A_837, %get3A_838] {strides = array<i32>} : memref<50x4x128xf32, #tpu.memory_space<vmem>>, vector<1x1x16xf32>,
      %get3A_840 = vector.shape_cast %get3A_839 : vector<1x1x16xf32> to vector<16xf32>
      %get3A_841 = arith.constant 0 : i32
      %get3A_842 = arith.index_cast %sub3A_792 : i32 to index
      %get3A_843 = arith.index_cast %get3A_841 : i32 to index
      %get3A_844 = arith.constant 32 : index
      %get3A_845 = tpu.vector_load %arg9[%get3A_842, %get3A_843, %get3A_844] {strides = array<i32>} : memref<50x4x128xf32, #tpu.memory_space<vmem>>, vector<1x1x16xf32>,
      %get3A_846 = vector.shape_cast %get3A_845 : vector<1x1x16xf32> to vector<16xf32>
      %add3A_847 = arith.addf %get3A_840, %get3A_846 : vector<16xf32>
      %swap3A_848 = arith.constant 0 : i32
      %swap3A_849 = arith.constant 0 : i32
      %swap3A_850 = arith.index_cast %swap3A_848 : i32 to index
      %swap3A_851 = arith.index_cast %swap3A_849 : i32 to index
      %swap3A_852 = arith.constant 32 : index
      %swap3A_853 = tpu.vector_load %arg10[%swap3A_850, %swap3A_851, %swap3A_852] {strides = array<i32>} : memref<50x4x128xf32, #tpu.memory_space<vmem>>, vector<1x1x16xf32>,
      %swap3A_854 = vector.shape_cast %swap3A_853 : vector<1x1x16xf32> to vector<16xf32>
      %swap3A_855 = vector.shape_cast %add3A_847 : vector<16xf32> to vector<1x1x16xf32>
      tpu.vector_store %arg10[%swap3A_850, %swap3A_851, %swap3A_852], %swap3A_855 {strides = array<i32>} : memref<50x4x128xf32, #tpu.memory_space<vmem>>, vector<1x1x16xf32>,
      %get3A_856 = arith.constant 0 : i32
      %get3A_857 = arith.index_cast %select_n3A_789 : i32 to index
      %get3A_858 = arith.index_cast %get3A_856 : i32 to index
      %get3A_859 = arith.constant 48 : index
      %get3A_860 = tpu.vector_load %arg8[%get3A_857, %get3A_858, %get3A_859] {strides = array<i32>} : memref<50x4x128xf32, #tpu.memory_space<vmem>>, vector<1x1x16xf32>,
      %get3A_861 = vector.shape_cast %get3A_860 : vector<1x1x16xf32> to vector<16xf32>
      %get3A_862 = arith.constant 0 : i32
      %get3A_863 = arith.index_cast %sub3A_792 : i32 to index
      %get3A_864 = arith.index_cast %get3A_862 : i32 to index
      %get3A_865 = arith.constant 48 : index
      %get3A_866 = tpu.vector_load %arg9[%get3A_863, %get3A_864, %get3A_865] {strides = array<i32>} : memref<50x4x128xf32, #tpu.memory_space<vmem>>, vector<1x1x16xf32>,
      %get3A_867 = vector.shape_cast %get3A_866 : vector<1x1x16xf32> to vector<16xf32>
      %add3A_868 = arith.addf %get3A_861, %get3A_867 : vector<16xf32>
      %swap3A_869 = arith.constant 0 : i32
      %swap3A_870 = arith.constant 0 : i32
      %swap3A_871 = arith.index_cast %swap3A_869 : i32 to index
      %swap3A_872 = arith.index_cast %swap3A_870 : i32 to index
      %swap3A_873 = arith.constant 48 : index
      %swap3A_874 = tpu.vector_load %arg10[%swap3A_871, %swap3A_872, %swap3A_873] {strides = array<i32>} : memref<50x4x128xf32, #tpu.memory_space<vmem>>, vector<1x1x16xf32>,
      %swap3A_875 = vector.shape_cast %swap3A_874 : vector<1x1x16xf32> to vector<16xf32>
      %swap3A_876 = vector.shape_cast %add3A_868 : vector<16xf32> to vector<1x1x16xf32>
      tpu.vector_store %arg10[%swap3A_871, %swap3A_872, %swap3A_873], %swap3A_876 {strides = array<i32>} : memref<50x4x128xf32, #tpu.memory_space<vmem>>, vector<1x1x16xf32>,
      %get3A_877 = arith.constant 0 : i32
      %get3A_878 = arith.index_cast %select_n3A_789 : i32 to index
      %get3A_879 = arith.index_cast %get3A_877 : i32 to index
      %get3A_880 = arith.constant 64 : index
      %get3A_881 = tpu.vector_load %arg8[%get3A_878, %get3A_879, %get3A_880] {strides = array<i32>} : memref<50x4x128xf32, #tpu.memory_space<vmem>>, vector<1x1x16xf32>,
      %get3A_882 = vector.shape_cast %get3A_881 : vector<1x1x16xf32> to vector<16xf32>
      %get3A_883 = arith.constant 0 : i32
      %get3A_884 = arith.index_cast %sub3A_792 : i32 to index
      %get3A_885 = arith.index_cast %get3A_883 : i32 to index
      %get3A_886 = arith.constant 64 : index
      %get3A_887 = tpu.vector_load %arg9[%get3A_884, %get3A_885, %get3A_886] {strides = array<i32>} : memref<50x4x128xf32, #tpu.memory_space<vmem>>, vector<1x1x16xf32>,
      %get3A_888 = vector.shape_cast %get3A_887 : vector<1x1x16xf32> to vector<16xf32>
      %add3A_889 = arith.addf %get3A_882, %get3A_888 : vector<16xf32>
      %swap3A_890 = arith.constant 0 : i32
      %swap3A_891 = arith.constant 0 : i32
      %swap3A_892 = arith.index_cast %swap3A_890 : i32 to index
      %swap3A_893 = arith.index_cast %swap3A_891 : i32 to index
      %swap3A_894 = arith.constant 64 : index
      %swap3A_895 = tpu.vector_load %arg10[%swap3A_892, %swap3A_893, %swap3A_894] {strides = array<i32>} : memref<50x4x128xf32, #tpu.memory_space<vmem>>, vector<1x1x16xf32>,
      %swap3A_896 = vector.shape_cast %swap3A_895 : vector<1x1x16xf32> to vector<16xf32>
      %swap3A_897 = vector.shape_cast %add3A_889 : vector<16xf32> to vector<1x1x16xf32>
      tpu.vector_store %arg10[%swap3A_892, %swap3A_893, %swap3A_894], %swap3A_897 {strides = array<i32>} : memref<50x4x128xf32, #tpu.memory_space<vmem>>, vector<1x1x16xf32>,
      %get3A_898 = arith.constant 0 : i32
      %get3A_899 = arith.index_cast %select_n3A_789 : i32 to index
      %get3A_900 = arith.index_cast %get3A_898 : i32 to index
      %get3A_901 = arith.constant 80 : index
      %get3A_902 = tpu.vector_load %arg8[%get3A_899, %get3A_900, %get3A_901] {strides = array<i32>} : memref<50x4x128xf32, #tpu.memory_space<vmem>>, vector<1x1x16xf32>,
      %get3A_903 = vector.shape_cast %get3A_902 : vector<1x1x16xf32> to vector<16xf32>
      %get3A_904 = arith.constant 0 : i32
      %get3A_905 = arith.index_cast %sub3A_792 : i32 to index
      %get3A_906 = arith.index_cast %get3A_904 : i32 to index
      %get3A_907 = arith.constant 80 : index
      %get3A_908 = tpu.vector_load %arg9[%get3A_905, %get3A_906, %get3A_907] {strides = array<i32>} : memref<50x4x128xf32, #tpu.memory_space<vmem>>, vector<1x1x16xf32>,
      %get3A_909 = vector.shape_cast %get3A_908 : vector<1x1x16xf32> to vector<16xf32>
      %add3A_910 = arith.addf %get3A_903, %get3A_909 : vector<16xf32>
      %swap3A_911 = arith.constant 0 : i32
      %swap3A_912 = arith.constant 0 : i32
      %swap3A_913 = arith.index_cast %swap3A_911 : i32 to index
      %swap3A_914 = arith.index_cast %swap3A_912 : i32 to index
      %swap3A_915 = arith.constant 80 : index
      %swap3A_916 = tpu.vector_load %arg10[%swap3A_913, %swap3A_914, %swap3A_915] {strides = array<i32>} : memref<50x4x128xf32, #tpu.memory_space<vmem>>, vector<1x1x16xf32>,
      %swap3A_917 = vector.shape_cast %swap3A_916 : vector<1x1x16xf32> to vector<16xf32>
      %swap3A_918 = vector.shape_cast %add3A_910 : vector<16xf32> to vector<1x1x16xf32>
      tpu.vector_store %arg10[%swap3A_913, %swap3A_914, %swap3A_915], %swap3A_918 {strides = array<i32>} : memref<50x4x128xf32, #tpu.memory_space<vmem>>, vector<1x1x16xf32>,
      %get3A_919 = arith.constant 0 : i32
      %get3A_920 = arith.index_cast %select_n3A_789 : i32 to index
      %get3A_921 = arith.index_cast %get3A_919 : i32 to index
      %get3A_922 = arith.constant 96 : index
      %get3A_923 = tpu.vector_load %arg8[%get3A_920, %get3A_921, %get3A_922] {strides = array<i32>} : memref<50x4x128xf32, #tpu.memory_space<vmem>>, vector<1x1x16xf32>,
      %get3A_924 = vector.shape_cast %get3A_923 : vector<1x1x16xf32> to vector<16xf32>
      %get3A_925 = arith.constant 0 : i32
      %get3A_926 = arith.index_cast %sub3A_792 : i32 to index
      %get3A_927 = arith.index_cast %get3A_925 : i32 to index
      %get3A_928 = arith.constant 96 : index
      %get3A_929 = tpu.vector_load %arg9[%get3A_926, %get3A_927, %get3A_928] {strides = array<i32>} : memref<50x4x128xf32, #tpu.memory_space<vmem>>, vector<1x1x16xf32>,
      %get3A_930 = vector.shape_cast %get3A_929 : vector<1x1x16xf32> to vector<16xf32>
      %add3A_931 = arith.addf %get3A_924, %get3A_930 : vector<16xf32>
      %swap3A_932 = arith.constant 0 : i32
      %swap3A_933 = arith.constant 0 : i32
      %swap3A_934 = arith.index_cast %swap3A_932 : i32 to index
      %swap3A_935 = arith.index_cast %swap3A_933 : i32 to index
      %swap3A_936 = arith.constant 96 : index
      %swap3A_937 = tpu.vector_load %arg10[%swap3A_934, %swap3A_935, %swap3A_936] {strides = array<i32>} : memref<50x4x128xf32, #tpu.memory_space<vmem>>, vector<1x1x16xf32>,
      %swap3A_938 = vector.shape_cast %swap3A_937 : vector<1x1x16xf32> to vector<16xf32>
      %swap3A_939 = vector.shape_cast %add3A_931 : vector<16xf32> to vector<1x1x16xf32>
      tpu.vector_store %arg10[%swap3A_934, %swap3A_935, %swap3A_936], %swap3A_939 {strides = array<i32>} : memref<50x4x128xf32, #tpu.memory_space<vmem>>, vector<1x1x16xf32>,
      %get3A_940 = arith.constant 0 : i32
      %get3A_941 = arith.index_cast %select_n3A_789 : i32 to index
      %get3A_942 = arith.index_cast %get3A_940 : i32 to index
      %get3A_943 = arith.constant 112 : index
      %get3A_944 = tpu.vector_load %arg8[%get3A_941, %get3A_942, %get3A_943] {strides = array<i32>} : memref<50x4x128xf32, #tpu.memory_space<vmem>>, vector<1x1x16xf32>,
      %get3A_945 = vector.shape_cast %get3A_944 : vector<1x1x16xf32> to vector<16xf32>
      %get3A_946 = arith.constant 0 : i32
      %get3A_947 = arith.index_cast %sub3A_792 : i32 to index
      %get3A_948 = arith.index_cast %get3A_946 : i32 to index
      %get3A_949 = arith.constant 112 : index
      %get3A_950 = tpu.vector_load %arg9[%get3A_947, %get3A_948, %get3A_949] {strides = array<i32>} : memref<50x4x128xf32, #tpu.memory_space<vmem>>, vector<1x1x16xf32>,
      %get3A_951 = vector.shape_cast %get3A_950 : vector<1x1x16xf32> to vector<16xf32>
      %add3A_952 = arith.addf %get3A_945, %get3A_951 : vector<16xf32>
      %swap3A_953 = arith.constant 0 : i32
      %swap3A_954 = arith.constant 0 : i32
      %swap3A_955 = arith.index_cast %swap3A_953 : i32 to index
      %swap3A_956 = arith.index_cast %swap3A_954 : i32 to index
      %swap3A_957 = arith.constant 112 : index
      %swap3A_958 = tpu.vector_load %arg10[%swap3A_955, %swap3A_956, %swap3A_957] {strides = array<i32>} : memref<50x4x128xf32, #tpu.memory_space<vmem>>, vector<1x1x16xf32>,
      %swap3A_959 = vector.shape_cast %swap3A_958 : vector<1x1x16xf32> to vector<16xf32>
      %swap3A_960 = vector.shape_cast %add3A_952 : vector<16xf32> to vector<1x1x16xf32>
      tpu.vector_store %arg10[%swap3A_955, %swap3A_956, %swap3A_957], %swap3A_960 {strides = array<i32>} : memref<50x4x128xf32, #tpu.memory_space<vmem>>, vector<1x1x16xf32>,
      %get3A_961 = arith.constant 1 : i32
      %get3A_962 = arith.index_cast %select_n3A_789 : i32 to index
      %get3A_963 = arith.index_cast %get3A_961 : i32 to index
      %get3A_964 = arith.constant 0 : index
      %get3A_965 = tpu.vector_load %arg8[%get3A_962, %get3A_963, %get3A_964] {strides = array<i32>} : memref<50x4x128xf32, #tpu.memory_space<vmem>>, vector<1x1x16xf32>,
      %get3A_966 = vector.shape_cast %get3A_965 : vector<1x1x16xf32> to vector<16xf32>
      %get3A_967 = arith.constant 1 : i32
      %get3A_968 = arith.index_cast %sub3A_792 : i32 to index
      %get3A_969 = arith.index_cast %get3A_967 : i32 to index
      %get3A_970 = arith.constant 0 : index
      %get3A_971 = tpu.vector_load %arg9[%get3A_968, %get3A_969, %get3A_970] {strides = array<i32>} : memref<50x4x128xf32, #tpu.memory_space<vmem>>, vector<1x1x16xf32>,
      %get3A_972 = vector.shape_cast %get3A_971 : vector<1x1x16xf32> to vector<16xf32>
      %add3A_973 = arith.addf %get3A_966, %get3A_972 : vector<16xf32>
      %swap3A_974 = arith.constant 0 : i32
      %swap3A_975 = arith.constant 1 : i32
      %swap3A_976 = arith.index_cast %swap3A_974 : i32 to index
      %swap3A_977 = arith.index_cast %swap3A_975 : i32 to index
      %swap3A_978 = arith.constant 0 : index
      %swap3A_979 = tpu.vector_load %arg10[%swap3A_976, %swap3A_977, %swap3A_978] {strides = array<i32>} : memref<50x4x128xf32, #tpu.memory_space<vmem>>, vector<1x1x16xf32>,
      %swap3A_980 = vector.shape_cast %swap3A_979 : vector<1x1x16xf32> to vector<16xf32>
      %swap3A_981 = vector.shape_cast %add3A_973 : vector<16xf32> to vector<1x1x16xf32>
      tpu.vector_store %arg10[%swap3A_976, %swap3A_977, %swap3A_978], %swap3A_981 {strides = array<i32>} : memref<50x4x128xf32, #tpu.memory_space<vmem>>, vector<1x1x16xf32>,
      %get3A_982 = arith.constant 1 : i32
      %get3A_983 = arith.index_cast %select_n3A_789 : i32 to index
      %get3A_984 = arith.index_cast %get3A_982 : i32 to index
      %get3A_985 = arith.constant 16 : index
      %get3A_986 = tpu.vector_load %arg8[%get3A_983, %get3A_984, %get3A_985] {strides = array<i32>} : memref<50x4x128xf32, #tpu.memory_space<vmem>>, vector<1x1x16xf32>,
      %get3A_987 = vector.shape_cast %get3A_986 : vector<1x1x16xf32> to vector<16xf32>
      %get3A_988 = arith.constant 1 : i32
      %get3A_989 = arith.index_cast %sub3A_792 : i32 to index
      %get3A_990 = arith.index_cast %get3A_988 : i32 to index
      %get3A_991 = arith.constant 16 : index
      %get3A_992 = tpu.vector_load %arg9[%get3A_989, %get3A_990, %get3A_991] {strides = array<i32>} : memref<50x4x128xf32, #tpu.memory_space<vmem>>, vector<1x1x16xf32>,
      %get3A_993 = vector.shape_cast %get3A_992 : vector<1x1x16xf32> to vector<16xf32>
      %add3A_994 = arith.addf %get3A_987, %get3A_993 : vector<16xf32>
      %swap3A_995 = arith.constant 0 : i32
      %swap3A_996 = arith.constant 1 : i32
      %swap3A_997 = arith.index_cast %swap3A_995 : i32 to index
      %swap3A_998 = arith.index_cast %swap3A_996 : i32 to index
      %swap3A_999 = arith.constant 16 : index
      %swap3A_1000 = tpu.vector_load %arg10[%swap3A_997, %swap3A_998, %swap3A_999] {strides = array<i32>} : memref<50x4x128xf32, #tpu.memory_space<vmem>>, vector<1x1x16xf32>,
      %swap3A_1001 = vector.shape_cast %swap3A_1000 : vector<1x1x16xf32> to vector<16xf32>
      %swap3A_1002 = vector.shape_cast %add3A_994 : vector<16xf32> to vector<1x1x16xf32>
      tpu.vector_store %arg10[%swap3A_997, %swap3A_998, %swap3A_999], %swap3A_1002 {strides = array<i32>} : memref<50x4x128xf32, #tpu.memory_space<vmem>>, vector<1x1x16xf32>,
      %get3A_1003 = arith.constant 1 : i32
      %get3A_1004 = arith.index_cast %select_n3A_789 : i32 to index
      %get3A_1005 = arith.index_cast %get3A_1003 : i32 to index
      %get3A_1006 = arith.constant 32 : index
      %get3A_1007 = tpu.vector_load %arg8[%get3A_1004, %get3A_1005, %get3A_1006] {strides = array<i32>} : memref<50x4x128xf32, #tpu.memory_space<vmem>>, vector<1x1x16xf32>,
      %get3A_1008 = vector.shape_cast %get3A_1007 : vector<1x1x16xf32> to vector<16xf32>
      %get3A_1009 = arith.constant 1 : i32
      %get3A_1010 = arith.index_cast %sub3A_792 : i32 to index
      %get3A_1011 = arith.index_cast %get3A_1009 : i32 to index
      %get3A_1012 = arith.constant 32 : index
      %get3A_1013 = tpu.vector_load %arg9[%get3A_1010, %get3A_1011, %get3A_1012] {strides = array<i32>} : memref<50x4x128xf32, #tpu.memory_space<vmem>>, vector<1x1x16xf32>,
      %get3A_1014 = vector.shape_cast %get3A_1013 : vector<1x1x16xf32> to vector<16xf32>
      %add3A_1015 = arith.addf %get3A_1008, %get3A_1014 : vector<16xf32>
      %swap3A_1016 = arith.constant 0 : i32
      %swap3A_1017 = arith.constant 1 : i32
      %swap3A_1018 = arith.index_cast %swap3A_1016 : i32 to index
      %swap3A_1019 = arith.index_cast %swap3A_1017 : i32 to index
      %swap3A_1020 = arith.constant 32 : index
      %swap3A_1021 = tpu.vector_load %arg10[%swap3A_1018, %swap3A_1019, %swap3A_1020] {strides = array<i32>} : memref<50x4x128xf32, #tpu.memory_space<vmem>>, vector<1x1x16xf32>,
      %swap3A_1022 = vector.shape_cast %swap3A_1021 : vector<1x1x16xf32> to vector<16xf32>
      %swap3A_1023 = vector.shape_cast %add3A_1015 : vector<16xf32> to vector<1x1x16xf32>
      tpu.vector_store %arg10[%swap3A_1018, %swap3A_1019, %swap3A_1020], %swap3A_1023 {strides = array<i32>} : memref<50x4x128xf32, #tpu.memory_space<vmem>>, vector<1x1x16xf32>,
      %get3A_1024 = arith.constant 1 : i32
      %get3A_1025 = arith.index_cast %select_n3A_789 : i32 to index
      %get3A_1026 = arith.index_cast %get3A_1024 : i32 to index
      %get3A_1027 = arith.constant 48 : index
      %get3A_1028 = tpu.vector_load %arg8[%get3A_1025, %get3A_1026, %get3A_1027] {strides = array<i32>} : memref<50x4x128xf32, #tpu.memory_space<vmem>>, vector<1x1x16xf32>,
      %get3A_1029 = vector.shape_cast %get3A_1028 : vector<1x1x16xf32> to vector<16xf32>
      %get3A_1030 = arith.constant 1 : i32
      %get3A_1031 = arith.index_cast %sub3A_792 : i32 to index
      %get3A_1032 = arith.index_cast %get3A_1030 : i32 to index
      %get3A_1033 = arith.constant 48 : index
      %get3A_1034 = tpu.vector_load %arg9[%get3A_1031, %get3A_1032, %get3A_1033] {strides = array<i32>} : memref<50x4x128xf32, #tpu.memory_space<vmem>>, vector<1x1x16xf32>,
      %get3A_1035 = vector.shape_cast %get3A_1034 : vector<1x1x16xf32> to vector<16xf32>
      %add3A_1036 = arith.addf %get3A_1029, %get3A_1035 : vector<16xf32>
      %swap3A_1037 = arith.constant 0 : i32
      %swap3A_1038 = arith.constant 1 : i32
      %swap3A_1039 = arith.index_cast %swap3A_1037 : i32 to index
      %swap3A_1040 = arith.index_cast %swap3A_1038 : i32 to index
      %swap3A_1041 = arith.constant 48 : index
      %swap3A_1042 = tpu.vector_load %arg10[%swap3A_1039, %swap3A_1040, %swap3A_1041] {strides = array<i32>} : memref<50x4x128xf32, #tpu.memory_space<vmem>>, vector<1x1x16xf32>,
      %swap3A_1043 = vector.shape_cast %swap3A_1042 : vector<1x1x16xf32> to vector<16xf32>
      %swap3A_1044 = vector.shape_cast %add3A_1036 : vector<16xf32> to vector<1x1x16xf32>
      tpu.vector_store %arg10[%swap3A_1039, %swap3A_1040, %swap3A_1041], %swap3A_1044 {strides = array<i32>} : memref<50x4x128xf32, #tpu.memory_space<vmem>>, vector<1x1x16xf32>,
      %get3A_1045 = arith.constant 1 : i32
      %get3A_1046 = arith.index_cast %select_n3A_789 : i32 to index
      %get3A_1047 = arith.index_cast %get3A_1045 : i32 to index
      %get3A_1048 = arith.constant 64 : index
      %get3A_1049 = tpu.vector_load %arg8[%get3A_1046, %get3A_1047, %get3A_1048] {strides = array<i32>} : memref<50x4x128xf32, #tpu.memory_space<vmem>>, vector<1x1x16xf32>,
      %get3A_1050 = vector.shape_cast %get3A_1049 : vector<1x1x16xf32> to vector<16xf32>
      %get3A_1051 = arith.constant 1 : i32
      %get3A_1052 = arith.index_cast %sub3A_792 : i32 to index
      %get3A_1053 = arith.index_cast %get3A_1051 : i32 to index
      %get3A_1054 = arith.constant 64 : index
      %get3A_1055 = tpu.vector_load %arg9[%get3A_1052, %get3A_1053, %get3A_1054] {strides = array<i32>} : memref<50x4x128xf32, #tpu.memory_space<vmem>>, vector<1x1x16xf32>,
      %get3A_1056 = vector.shape_cast %get3A_1055 : vector<1x1x16xf32> to vector<16xf32>
      %add3A_1057 = arith.addf %get3A_1050, %get3A_1056 : vector<16xf32>
      %swap3A_1058 = arith.constant 0 : i32
      %swap3A_1059 = arith.constant 1 : i32
      %swap3A_1060 = arith.index_cast %swap3A_1058 : i32 to index
      %swap3A_1061 = arith.index_cast %swap3A_1059 : i32 to index
      %swap3A_1062 = arith.constant 64 : index
      %swap3A_1063 = tpu.vector_load %arg10[%swap3A_1060, %swap3A_1061, %swap3A_1062] {strides = array<i32>} : memref<50x4x128xf32, #tpu.memory_space<vmem>>, vector<1x1x16xf32>,
      %swap3A_1064 = vector.shape_cast %swap3A_1063 : vector<1x1x16xf32> to vector<16xf32>
      %swap3A_1065 = vector.shape_cast %add3A_1057 : vector<16xf32> to vector<1x1x16xf32>
      tpu.vector_store %arg10[%swap3A_1060, %swap3A_1061, %swap3A_1062], %swap3A_1065 {strides = array<i32>} : memref<50x4x128xf32, #tpu.memory_space<vmem>>, vector<1x1x16xf32>,
      %get3A_1066 = arith.constant 1 : i32
      %get3A_1067 = arith.index_cast %select_n3A_789 : i32 to index
      %get3A_1068 = arith.index_cast %get3A_1066 : i32 to index
      %get3A_1069 = arith.constant 80 : index
      %get3A_1070 = tpu.vector_load %arg8[%get3A_1067, %get3A_1068, %get3A_1069] {strides = array<i32>} : memref<50x4x128xf32, #tpu.memory_space<vmem>>, vector<1x1x16xf32>,
      %get3A_1071 = vector.shape_cast %get3A_1070 : vector<1x1x16xf32> to vector<16xf32>
      %get3A_1072 = arith.constant 1 : i32
      %get3A_1073 = arith.index_cast %sub3A_792 : i32 to index
      %get3A_1074 = arith.index_cast %get3A_1072 : i32 to index
      %get3A_1075 = arith.constant 80 : index
      %get3A_1076 = tpu.vector_load %arg9[%get3A_1073, %get3A_1074, %get3A_1075] {strides = array<i32>} : memref<50x4x128xf32, #tpu.memory_space<vmem>>, vector<1x1x16xf32>,
      %get3A_1077 = vector.shape_cast %get3A_1076 : vector<1x1x16xf32> to vector<16xf32>
      %add3A_1078 = arith.addf %get3A_1071, %get3A_1077 : vector<16xf32>
      %swap3A_1079 = arith.constant 0 : i32
      %swap3A_1080 = arith.constant 1 : i32
      %swap3A_1081 = arith.index_cast %swap3A_1079 : i32 to index
      %swap3A_1082 = arith.index_cast %swap3A_1080 : i32 to index
      %swap3A_1083 = arith.constant 80 : index
      %swap3A_1084 = tpu.vector_load %arg10[%swap3A_1081, %swap3A_1082, %swap3A_1083] {strides = array<i32>} : memref<50x4x128xf32, #tpu.memory_space<vmem>>, vector<1x1x16xf32>,
      %swap3A_1085 = vector.shape_cast %swap3A_1084 : vector<1x1x16xf32> to vector<16xf32>
      %swap3A_1086 = vector.shape_cast %add3A_1078 : vector<16xf32> to vector<1x1x16xf32>
      tpu.vector_store %arg10[%swap3A_1081, %swap3A_1082, %swap3A_1083], %swap3A_1086 {strides = array<i32>} : memref<50x4x128xf32, #tpu.memory_space<vmem>>, vector<1x1x16xf32>,
      %get3A_1087 = arith.constant 1 : i32
      %get3A_1088 = arith.index_cast %select_n3A_789 : i32 to index
      %get3A_1089 = arith.index_cast %get3A_1087 : i32 to index
      %get3A_1090 = arith.constant 96 : index
      %get3A_1091 = tpu.vector_load %arg8[%get3A_1088, %get3A_1089, %get3A_1090] {strides = array<i32>} : memref<50x4x128xf32, #tpu.memory_space<vmem>>, vector<1x1x16xf32>,
      %get3A_1092 = vector.shape_cast %get3A_1091 : vector<1x1x16xf32> to vector<16xf32>
      %get3A_1093 = arith.constant 1 : i32
      %get3A_1094 = arith.index_cast %sub3A_792 : i32 to index
      %get3A_1095 = arith.index_cast %get3A_1093 : i32 to index
      %get3A_1096 = arith.constant 96 : index
      %get3A_1097 = tpu.vector_load %arg9[%get3A_1094, %get3A_1095, %get3A_1096] {strides = array<i32>} : memref<50x4x128xf32, #tpu.memory_space<vmem>>, vector<1x1x16xf32>,
      %get3A_1098 = vector.shape_cast %get3A_1097 : vector<1x1x16xf32> to vector<16xf32>
      %add3A_1099 = arith.addf %get3A_1092, %get3A_1098 : vector<16xf32>
      %swap3A_1100 = arith.constant 0 : i32
      %swap3A_1101 = arith.constant 1 : i32
      %swap3A_1102 = arith.index_cast %swap3A_1100 : i32 to index
      %swap3A_1103 = arith.index_cast %swap3A_1101 : i32 to index
      %swap3A_1104 = arith.constant 96 : index
      %swap3A_1105 = tpu.vector_load %arg10[%swap3A_1102, %swap3A_1103, %swap3A_1104] {strides = array<i32>} : memref<50x4x128xf32, #tpu.memory_space<vmem>>, vector<1x1x16xf32>,
      %swap3A_1106 = vector.shape_cast %swap3A_1105 : vector<1x1x16xf32> to vector<16xf32>
      %swap3A_1107 = vector.shape_cast %add3A_1099 : vector<16xf32> to vector<1x1x16xf32>
      tpu.vector_store %arg10[%swap3A_1102, %swap3A_1103, %swap3A_1104], %swap3A_1107 {strides = array<i32>} : memref<50x4x128xf32, #tpu.memory_space<vmem>>, vector<1x1x16xf32>,
      %get3A_1108 = arith.constant 1 : i32
      %get3A_1109 = arith.index_cast %select_n3A_789 : i32 to index
      %get3A_1110 = arith.index_cast %get3A_1108 : i32 to index
      %get3A_1111 = arith.constant 112 : index
      %get3A_1112 = tpu.vector_load %arg8[%get3A_1109, %get3A_1110, %get3A_1111] {strides = array<i32>} : memref<50x4x128xf32, #tpu.memory_space<vmem>>, vector<1x1x16xf32>,
      %get3A_1113 = vector.shape_cast %get3A_1112 : vector<1x1x16xf32> to vector<16xf32>
      %get3A_1114 = arith.constant 1 : i32
      %get3A_1115 = arith.index_cast %sub3A_792 : i32 to index
      %get3A_1116 = arith.index_cast %get3A_1114 : i32 to index
      %get3A_1117 = arith.constant 112 : index
      %get3A_1118 = tpu.vector_load %arg9[%get3A_1115, %get3A_1116, %get3A_1117] {strides = array<i32>} : memref<50x4x128xf32, #tpu.memory_space<vmem>>, vector<1x1x16xf32>,
      %get3A_1119 = vector.shape_cast %get3A_1118 : vector<1x1x16xf32> to vector<16xf32>
      %add3A_1120 = arith.addf %get3A_1113, %get3A_1119 : vector<16xf32>
      %swap3A_1121 = arith.constant 0 : i32
      %swap3A_1122 = arith.constant 1 : i32
      %swap3A_1123 = arith.index_cast %swap3A_1121 : i32 to index
      %swap3A_1124 = arith.index_cast %swap3A_1122 : i32 to index
      %swap3A_1125 = arith.constant 112 : index
      %swap3A_1126 = tpu.vector_load %arg10[%swap3A_1123, %swap3A_1124, %swap3A_1125] {strides = array<i32>} : memref<50x4x128xf32, #tpu.memory_space<vmem>>, vector<1x1x16xf32>,
      %swap3A_1127 = vector.shape_cast %swap3A_1126 : vector<1x1x16xf32> to vector<16xf32>
      %swap3A_1128 = vector.shape_cast %add3A_1120 : vector<16xf32> to vector<1x1x16xf32>
      tpu.vector_store %arg10[%swap3A_1123, %swap3A_1124, %swap3A_1125], %swap3A_1128 {strides = array<i32>} : memref<50x4x128xf32, #tpu.memory_space<vmem>>, vector<1x1x16xf32>,
      %get3A_1129 = arith.constant 2 : i32
      %get3A_1130 = arith.index_cast %select_n3A_789 : i32 to index
      %get3A_1131 = arith.index_cast %get3A_1129 : i32 to index
      %get3A_1132 = arith.constant 0 : index
      %get3A_1133 = tpu.vector_load %arg8[%get3A_1130, %get3A_1131, %get3A_1132] {strides = array<i32>} : memref<50x4x128xf32, #tpu.memory_space<vmem>>, vector<1x1x16xf32>,
      %get3A_1134 = vector.shape_cast %get3A_1133 : vector<1x1x16xf32> to vector<16xf32>
      %get3A_1135 = arith.constant 2 : i32
      %get3A_1136 = arith.index_cast %sub3A_792 : i32 to index
      %get3A_1137 = arith.index_cast %get3A_1135 : i32 to index
      %get3A_1138 = arith.constant 0 : index
      %get3A_1139 = tpu.vector_load %arg9[%get3A_1136, %get3A_1137, %get3A_1138] {strides = array<i32>} : memref<50x4x128xf32, #tpu.memory_space<vmem>>, vector<1x1x16xf32>,
      %get3A_1140 = vector.shape_cast %get3A_1139 : vector<1x1x16xf32> to vector<16xf32>
      %add3A_1141 = arith.addf %get3A_1134, %get3A_1140 : vector<16xf32>
      %swap3A_1142 = arith.constant 0 : i32
      %swap3A_1143 = arith.constant 2 : i32
      %swap3A_1144 = arith.index_cast %swap3A_1142 : i32 to index
      %swap3A_1145 = arith.index_cast %swap3A_1143 : i32 to index
      %swap3A_1146 = arith.constant 0 : index
      %swap3A_1147 = tpu.vector_load %arg10[%swap3A_1144, %swap3A_1145, %swap3A_1146] {strides = array<i32>} : memref<50x4x128xf32, #tpu.memory_space<vmem>>, vector<1x1x16xf32>,
      %swap3A_1148 = vector.shape_cast %swap3A_1147 : vector<1x1x16xf32> to vector<16xf32>
      %swap3A_1149 = vector.shape_cast %add3A_1141 : vector<16xf32> to vector<1x1x16xf32>
      tpu.vector_store %arg10[%swap3A_1144, %swap3A_1145, %swap3A_1146], %swap3A_1149 {strides = array<i32>} : memref<50x4x128xf32, #tpu.memory_space<vmem>>, vector<1x1x16xf32>,
      %get3A_1150 = arith.constant 2 : i32
      %get3A_1151 = arith.index_cast %select_n3A_789 : i32 to index
      %get3A_1152 = arith.index_cast %get3A_1150 : i32 to index
      %get3A_1153 = arith.constant 16 : index
      %get3A_1154 = tpu.vector_load %arg8[%get3A_1151, %get3A_1152, %get3A_1153] {strides = array<i32>} : memref<50x4x128xf32, #tpu.memory_space<vmem>>, vector<1x1x16xf32>,
      %get3A_1155 = vector.shape_cast %get3A_1154 : vector<1x1x16xf32> to vector<16xf32>
      %get3A_1156 = arith.constant 2 : i32
      %get3A_1157 = arith.index_cast %sub3A_792 : i32 to index
      %get3A_1158 = arith.index_cast %get3A_1156 : i32 to index
      %get3A_1159 = arith.constant 16 : index
      %get3A_1160 = tpu.vector_load %arg9[%get3A_1157, %get3A_1158, %get3A_1159] {strides = array<i32>} : memref<50x4x128xf32, #tpu.memory_space<vmem>>, vector<1x1x16xf32>,
      %get3A_1161 = vector.shape_cast %get3A_1160 : vector<1x1x16xf32> to vector<16xf32>
      %add3A_1162 = arith.addf %get3A_1155, %get3A_1161 : vector<16xf32>
      %swap3A_1163 = arith.constant 0 : i32
      %swap3A_1164 = arith.constant 2 : i32
      %swap3A_1165 = arith.index_cast %swap3A_1163 : i32 to index
      %swap3A_1166 = arith.index_cast %swap3A_1164 : i32 to index
      %swap3A_1167 = arith.constant 16 : index
      %swap3A_1168 = tpu.vector_load %arg10[%swap3A_1165, %swap3A_1166, %swap3A_1167] {strides = array<i32>} : memref<50x4x128xf32, #tpu.memory_space<vmem>>, vector<1x1x16xf32>,
      %swap3A_1169 = vector.shape_cast %swap3A_1168 : vector<1x1x16xf32> to vector<16xf32>
      %swap3A_1170 = vector.shape_cast %add3A_1162 : vector<16xf32> to vector<1x1x16xf32>
      tpu.vector_store %arg10[%swap3A_1165, %swap3A_1166, %swap3A_1167], %swap3A_1170 {strides = array<i32>} : memref<50x4x128xf32, #tpu.memory_space<vmem>>, vector<1x1x16xf32>,
      %get3A_1171 = arith.constant 2 : i32
      %get3A_1172 = arith.index_cast %select_n3A_789 : i32 to index
      %get3A_1173 = arith.index_cast %get3A_1171 : i32 to index
      %get3A_1174 = arith.constant 32 : index
      %get3A_1175 = tpu.vector_load %arg8[%get3A_1172, %get3A_1173, %get3A_1174] {strides = array<i32>} : memref<50x4x128xf32, #tpu.memory_space<vmem>>, vector<1x1x16xf32>,
      %get3A_1176 = vector.shape_cast %get3A_1175 : vector<1x1x16xf32> to vector<16xf32>
      %get3A_1177 = arith.constant 2 : i32
      %get3A_1178 = arith.index_cast %sub3A_792 : i32 to index
      %get3A_1179 = arith.index_cast %get3A_1177 : i32 to index
      %get3A_1180 = arith.constant 32 : index
      %get3A_1181 = tpu.vector_load %arg9[%get3A_1178, %get3A_1179, %get3A_1180] {strides = array<i32>} : memref<50x4x128xf32, #tpu.memory_space<vmem>>, vector<1x1x16xf32>,
      %get3A_1182 = vector.shape_cast %get3A_1181 : vector<1x1x16xf32> to vector<16xf32>
      %add3A_1183 = arith.addf %get3A_1176, %get3A_1182 : vector<16xf32>
      %swap3A_1184 = arith.constant 0 : i32
      %swap3A_1185 = arith.constant 2 : i32
      %swap3A_1186 = arith.index_cast %swap3A_1184 : i32 to index
      %swap3A_1187 = arith.index_cast %swap3A_1185 : i32 to index
      %swap3A_1188 = arith.constant 32 : index
      %swap3A_1189 = tpu.vector_load %arg10[%swap3A_1186, %swap3A_1187, %swap3A_1188] {strides = array<i32>} : memref<50x4x128xf32, #tpu.memory_space<vmem>>, vector<1x1x16xf32>,
      %swap3A_1190 = vector.shape_cast %swap3A_1189 : vector<1x1x16xf32> to vector<16xf32>
      %swap3A_1191 = vector.shape_cast %add3A_1183 : vector<16xf32> to vector<1x1x16xf32>
      tpu.vector_store %arg10[%swap3A_1186, %swap3A_1187, %swap3A_1188], %swap3A_1191 {strides = array<i32>} : memref<50x4x128xf32, #tpu.memory_space<vmem>>, vector<1x1x16xf32>,
      %get3A_1192 = arith.constant 2 : i32
      %get3A_1193 = arith.index_cast %select_n3A_789 : i32 to index
      %get3A_1194 = arith.index_cast %get3A_1192 : i32 to index
      %get3A_1195 = arith.constant 48 : index
      %get3A_1196 = tpu.vector_load %arg8[%get3A_1193, %get3A_1194, %get3A_1195] {strides = array<i32>} : memref<50x4x128xf32, #tpu.memory_space<vmem>>, vector<1x1x16xf32>,
      %get3A_1197 = vector.shape_cast %get3A_1196 : vector<1x1x16xf32> to vector<16xf32>
      %get3A_1198 = arith.constant 2 : i32
      %get3A_1199 = arith.index_cast %sub3A_792 : i32 to index
      %get3A_1200 = arith.index_cast %get3A_1198 : i32 to index
      %get3A_1201 = arith.constant 48 : index
      %get3A_1202 = tpu.vector_load %arg9[%get3A_1199, %get3A_1200, %get3A_1201] {strides = array<i32>} : memref<50x4x128xf32, #tpu.memory_space<vmem>>, vector<1x1x16xf32>,
      %get3A_1203 = vector.shape_cast %get3A_1202 : vector<1x1x16xf32> to vector<16xf32>
      %add3A_1204 = arith.addf %get3A_1197, %get3A_1203 : vector<16xf32>
      %swap3A_1205 = arith.constant 0 : i32
      %swap3A_1206 = arith.constant 2 : i32
      %swap3A_1207 = arith.index_cast %swap3A_1205 : i32 to index
      %swap3A_1208 = arith.index_cast %swap3A_1206 : i32 to index
      %swap3A_1209 = arith.constant 48 : index
      %swap3A_1210 = tpu.vector_load %arg10[%swap3A_1207, %swap3A_1208, %swap3A_1209] {strides = array<i32>} : memref<50x4x128xf32, #tpu.memory_space<vmem>>, vector<1x1x16xf32>,
      %swap3A_1211 = vector.shape_cast %swap3A_1210 : vector<1x1x16xf32> to vector<16xf32>
      %swap3A_1212 = vector.shape_cast %add3A_1204 : vector<16xf32> to vector<1x1x16xf32>
      tpu.vector_store %arg10[%swap3A_1207, %swap3A_1208, %swap3A_1209], %swap3A_1212 {strides = array<i32>} : memref<50x4x128xf32, #tpu.memory_space<vmem>>, vector<1x1x16xf32>,
      %get3A_1213 = arith.constant 2 : i32
      %get3A_1214 = arith.index_cast %select_n3A_789 : i32 to index
      %get3A_1215 = arith.index_cast %get3A_1213 : i32 to index
      %get3A_1216 = arith.constant 64 : index
      %get3A_1217 = tpu.vector_load %arg8[%get3A_1214, %get3A_1215, %get3A_1216] {strides = array<i32>} : memref<50x4x128xf32, #tpu.memory_space<vmem>>, vector<1x1x16xf32>,
      %get3A_1218 = vector.shape_cast %get3A_1217 : vector<1x1x16xf32> to vector<16xf32>
      %get3A_1219 = arith.constant 2 : i32
      %get3A_1220 = arith.index_cast %sub3A_792 : i32 to index
      %get3A_1221 = arith.index_cast %get3A_1219 : i32 to index
      %get3A_1222 = arith.constant 64 : index
      %get3A_1223 = tpu.vector_load %arg9[%get3A_1220, %get3A_1221, %get3A_1222] {strides = array<i32>} : memref<50x4x128xf32, #tpu.memory_space<vmem>>, vector<1x1x16xf32>,
      %get3A_1224 = vector.shape_cast %get3A_1223 : vector<1x1x16xf32> to vector<16xf32>
      %add3A_1225 = arith.addf %get3A_1218, %get3A_1224 : vector<16xf32>
      %swap3A_1226 = arith.constant 0 : i32
      %swap3A_1227 = arith.constant 2 : i32
      %swap3A_1228 = arith.index_cast %swap3A_1226 : i32 to index
      %swap3A_1229 = arith.index_cast %swap3A_1227 : i32 to index
      %swap3A_1230 = arith.constant 64 : index
      %swap3A_1231 = tpu.vector_load %arg10[%swap3A_1228, %swap3A_1229, %swap3A_1230] {strides = array<i32>} : memref<50x4x128xf32, #tpu.memory_space<vmem>>, vector<1x1x16xf32>,
      %swap3A_1232 = vector.shape_cast %swap3A_1231 : vector<1x1x16xf32> to vector<16xf32>
      %swap3A_1233 = vector.shape_cast %add3A_1225 : vector<16xf32> to vector<1x1x16xf32>
      tpu.vector_store %arg10[%swap3A_1228, %swap3A_1229, %swap3A_1230], %swap3A_1233 {strides = array<i32>} : memref<50x4x128xf32, #tpu.memory_space<vmem>>, vector<1x1x16xf32>,
      %get3A_1234 = arith.constant 2 : i32
      %get3A_1235 = arith.index_cast %select_n3A_789 : i32 to index
      %get3A_1236 = arith.index_cast %get3A_1234 : i32 to index
      %get3A_1237 = arith.constant 80 : index
      %get3A_1238 = tpu.vector_load %arg8[%get3A_1235, %get3A_1236, %get3A_1237] {strides = array<i32>} : memref<50x4x128xf32, #tpu.memory_space<vmem>>, vector<1x1x16xf32>,
      %get3A_1239 = vector.shape_cast %get3A_1238 : vector<1x1x16xf32> to vector<16xf32>
      %get3A_1240 = arith.constant 2 : i32
      %get3A_1241 = arith.index_cast %sub3A_792 : i32 to index
      %get3A_1242 = arith.index_cast %get3A_1240 : i32 to index
      %get3A_1243 = arith.constant 80 : index
      %get3A_1244 = tpu.vector_load %arg9[%get3A_1241, %get3A_1242, %get3A_1243] {strides = array<i32>} : memref<50x4x128xf32, #tpu.memory_space<vmem>>, vector<1x1x16xf32>,
      %get3A_1245 = vector.shape_cast %get3A_1244 : vector<1x1x16xf32> to vector<16xf32>
      %add3A_1246 = arith.addf %get3A_1239, %get3A_1245 : vector<16xf32>
      %swap3A_1247 = arith.constant 0 : i32
      %swap3A_1248 = arith.constant 2 : i32
      %swap3A_1249 = arith.index_cast %swap3A_1247 : i32 to index
      %swap3A_1250 = arith.index_cast %swap3A_1248 : i32 to index
      %swap3A_1251 = arith.constant 80 : index
      %swap3A_1252 = tpu.vector_load %arg10[%swap3A_1249, %swap3A_1250, %swap3A_1251] {strides = array<i32>} : memref<50x4x128xf32, #tpu.memory_space<vmem>>, vector<1x1x16xf32>,
      %swap3A_1253 = vector.shape_cast %swap3A_1252 : vector<1x1x16xf32> to vector<16xf32>
      %swap3A_1254 = vector.shape_cast %add3A_1246 : vector<16xf32> to vector<1x1x16xf32>
      tpu.vector_store %arg10[%swap3A_1249, %swap3A_1250, %swap3A_1251], %swap3A_1254 {strides = array<i32>} : memref<50x4x128xf32, #tpu.memory_space<vmem>>, vector<1x1x16xf32>,
      %get3A_1255 = arith.constant 2 : i32
      %get3A_1256 = arith.index_cast %select_n3A_789 : i32 to index
      %get3A_1257 = arith.index_cast %get3A_1255 : i32 to index
      %get3A_1258 = arith.constant 96 : index
      %get3A_1259 = tpu.vector_load %arg8[%get3A_1256, %get3A_1257, %get3A_1258] {strides = array<i32>} : memref<50x4x128xf32, #tpu.memory_space<vmem>>, vector<1x1x16xf32>,
      %get3A_1260 = vector.shape_cast %get3A_1259 : vector<1x1x16xf32> to vector<16xf32>
      %get3A_1261 = arith.constant 2 : i32
      %get3A_1262 = arith.index_cast %sub3A_792 : i32 to index
      %get3A_1263 = arith.index_cast %get3A_1261 : i32 to index
      %get3A_1264 = arith.constant 96 : index
      %get3A_1265 = tpu.vector_load %arg9[%get3A_1262, %get3A_1263, %get3A_1264] {strides = array<i32>} : memref<50x4x128xf32, #tpu.memory_space<vmem>>, vector<1x1x16xf32>,
      %get3A_1266 = vector.shape_cast %get3A_1265 : vector<1x1x16xf32> to vector<16xf32>
      %add3A_1267 = arith.addf %get3A_1260, %get3A_1266 : vector<16xf32>
      %swap3A_1268 = arith.constant 0 : i32
      %swap3A_1269 = arith.constant 2 : i32
      %swap3A_1270 = arith.index_cast %swap3A_1268 : i32 to index
      %swap3A_1271 = arith.index_cast %swap3A_1269 : i32 to index
      %swap3A_1272 = arith.constant 96 : index
      %swap3A_1273 = tpu.vector_load %arg10[%swap3A_1270, %swap3A_1271, %swap3A_1272] {strides = array<i32>} : memref<50x4x128xf32, #tpu.memory_space<vmem>>, vector<1x1x16xf32>,
      %swap3A_1274 = vector.shape_cast %swap3A_1273 : vector<1x1x16xf32> to vector<16xf32>
      %swap3A_1275 = vector.shape_cast %add3A_1267 : vector<16xf32> to vector<1x1x16xf32>
      tpu.vector_store %arg10[%swap3A_1270, %swap3A_1271, %swap3A_1272], %swap3A_1275 {strides = array<i32>} : memref<50x4x128xf32, #tpu.memory_space<vmem>>, vector<1x1x16xf32>,
      %get3A_1276 = arith.constant 2 : i32
      %get3A_1277 = arith.index_cast %select_n3A_789 : i32 to index
      %get3A_1278 = arith.index_cast %get3A_1276 : i32 to index
      %get3A_1279 = arith.constant 112 : index
      %get3A_1280 = tpu.vector_load %arg8[%get3A_1277, %get3A_1278, %get3A_1279] {strides = array<i32>} : memref<50x4x128xf32, #tpu.memory_space<vmem>>, vector<1x1x16xf32>,
      %get3A_1281 = vector.shape_cast %get3A_1280 : vector<1x1x16xf32> to vector<16xf32>
      %get3A_1282 = arith.constant 2 : i32
      %get3A_1283 = arith.index_cast %sub3A_792 : i32 to index
      %get3A_1284 = arith.index_cast %get3A_1282 : i32 to index
      %get3A_1285 = arith.constant 112 : index
      %get3A_1286 = tpu.vector_load %arg9[%get3A_1283, %get3A_1284, %get3A_1285] {strides = array<i32>} : memref<50x4x128xf32, #tpu.memory_space<vmem>>, vector<1x1x16xf32>,
      %get3A_1287 = vector.shape_cast %get3A_1286 : vector<1x1x16xf32> to vector<16xf32>
      %add3A_1288 = arith.addf %get3A_1281, %get3A_1287 : vector<16xf32>
      %swap3A_1289 = arith.constant 0 : i32
      %swap3A_1290 = arith.constant 2 : i32
      %swap3A_1291 = arith.index_cast %swap3A_1289 : i32 to index
      %swap3A_1292 = arith.index_cast %swap3A_1290 : i32 to index
      %swap3A_1293 = arith.constant 112 : index
      %swap3A_1294 = tpu.vector_load %arg10[%swap3A_1291, %swap3A_1292, %swap3A_1293] {strides = array<i32>} : memref<50x4x128xf32, #tpu.memory_space<vmem>>, vector<1x1x16xf32>,
      %swap3A_1295 = vector.shape_cast %swap3A_1294 : vector<1x1x16xf32> to vector<16xf32>
      %swap3A_1296 = vector.shape_cast %add3A_1288 : vector<16xf32> to vector<1x1x16xf32>
      tpu.vector_store %arg10[%swap3A_1291, %swap3A_1292, %swap3A_1293], %swap3A_1296 {strides = array<i32>} : memref<50x4x128xf32, #tpu.memory_space<vmem>>, vector<1x1x16xf32>,
      %get3A_1297 = arith.constant 3 : i32
      %get3A_1298 = arith.index_cast %select_n3A_789 : i32 to index
      %get3A_1299 = arith.index_cast %get3A_1297 : i32 to index
      %get3A_1300 = arith.constant 0 : index
      %get3A_1301 = tpu.vector_load %arg8[%get3A_1298, %get3A_1299, %get3A_1300] {strides = array<i32>} : memref<50x4x128xf32, #tpu.memory_space<vmem>>, vector<1x1x16xf32>,
      %get3A_1302 = vector.shape_cast %get3A_1301 : vector<1x1x16xf32> to vector<16xf32>
      %get3A_1303 = arith.constant 3 : i32
      %get3A_1304 = arith.index_cast %sub3A_792 : i32 to index
      %get3A_1305 = arith.index_cast %get3A_1303 : i32 to index
      %get3A_1306 = arith.constant 0 : index
      %get3A_1307 = tpu.vector_load %arg9[%get3A_1304, %get3A_1305, %get3A_1306] {strides = array<i32>} : memref<50x4x128xf32, #tpu.memory_space<vmem>>, vector<1x1x16xf32>,
      %get3A_1308 = vector.shape_cast %get3A_1307 : vector<1x1x16xf32> to vector<16xf32>
      %add3A_1309 = arith.addf %get3A_1302, %get3A_1308 : vector<16xf32>
      %swap3A_1310 = arith.constant 0 : i32
      %swap3A_1311 = arith.constant 3 : i32
      %swap3A_1312 = arith.index_cast %swap3A_1310 : i32 to index
      %swap3A_1313 = arith.index_cast %swap3A_1311 : i32 to index
      %swap3A_1314 = arith.constant 0 : index
      %swap3A_1315 = tpu.vector_load %arg10[%swap3A_1312, %swap3A_1313, %swap3A_1314] {strides = array<i32>} : memref<50x4x128xf32, #tpu.memory_space<vmem>>, vector<1x1x16xf32>,
      %swap3A_1316 = vector.shape_cast %swap3A_1315 : vector<1x1x16xf32> to vector<16xf32>
      %swap3A_1317 = vector.shape_cast %add3A_1309 : vector<16xf32> to vector<1x1x16xf32>
      tpu.vector_store %arg10[%swap3A_1312, %swap3A_1313, %swap3A_1314], %swap3A_1317 {strides = array<i32>} : memref<50x4x128xf32, #tpu.memory_space<vmem>>, vector<1x1x16xf32>,
      %get3A_1318 = arith.constant 3 : i32
      %get3A_1319 = arith.index_cast %select_n3A_789 : i32 to index
      %get3A_1320 = arith.index_cast %get3A_1318 : i32 to index
      %get3A_1321 = arith.constant 16 : index
      %get3A_1322 = tpu.vector_load %arg8[%get3A_1319, %get3A_1320, %get3A_1321] {strides = array<i32>} : memref<50x4x128xf32, #tpu.memory_space<vmem>>, vector<1x1x16xf32>,
      %get3A_1323 = vector.shape_cast %get3A_1322 : vector<1x1x16xf32> to vector<16xf32>
      %get3A_1324 = arith.constant 3 : i32
      %get3A_1325 = arith.index_cast %sub3A_792 : i32 to index
      %get3A_1326 = arith.index_cast %get3A_1324 : i32 to index
      %get3A_1327 = arith.constant 16 : index
      %get3A_1328 = tpu.vector_load %arg9[%get3A_1325, %get3A_1326, %get3A_1327] {strides = array<i32>} : memref<50x4x128xf32, #tpu.memory_space<vmem>>, vector<1x1x16xf32>,
      %get3A_1329 = vector.shape_cast %get3A_1328 : vector<1x1x16xf32> to vector<16xf32>
      %add3A_1330 = arith.addf %get3A_1323, %get3A_1329 : vector<16xf32>
      %swap3A_1331 = arith.constant 0 : i32
      %swap3A_1332 = arith.constant 3 : i32
      %swap3A_1333 = arith.index_cast %swap3A_1331 : i32 to index
      %swap3A_1334 = arith.index_cast %swap3A_1332 : i32 to index
      %swap3A_1335 = arith.constant 16 : index
      %swap3A_1336 = tpu.vector_load %arg10[%swap3A_1333, %swap3A_1334, %swap3A_1335] {strides = array<i32>} : memref<50x4x128xf32, #tpu.memory_space<vmem>>, vector<1x1x16xf32>,
      %swap3A_1337 = vector.shape_cast %swap3A_1336 : vector<1x1x16xf32> to vector<16xf32>
      %swap3A_1338 = vector.shape_cast %add3A_1330 : vector<16xf32> to vector<1x1x16xf32>
      tpu.vector_store %arg10[%swap3A_1333, %swap3A_1334, %swap3A_1335], %swap3A_1338 {strides = array<i32>} : memref<50x4x128xf32, #tpu.memory_space<vmem>>, vector<1x1x16xf32>,
      %get3A_1339 = arith.constant 3 : i32
      %get3A_1340 = arith.index_cast %select_n3A_789 : i32 to index
      %get3A_1341 = arith.index_cast %get3A_1339 : i32 to index
      %get3A_1342 = arith.constant 32 : index
      %get3A_1343 = tpu.vector_load %arg8[%get3A_1340, %get3A_1341, %get3A_1342] {strides = array<i32>} : memref<50x4x128xf32, #tpu.memory_space<vmem>>, vector<1x1x16xf32>,
      %get3A_1344 = vector.shape_cast %get3A_1343 : vector<1x1x16xf32> to vector<16xf32>
      %get3A_1345 = arith.constant 3 : i32
      %get3A_1346 = arith.index_cast %sub3A_792 : i32 to index
      %get3A_1347 = arith.index_cast %get3A_1345 : i32 to index
      %get3A_1348 = arith.constant 32 : index
      %get3A_1349 = tpu.vector_load %arg9[%get3A_1346, %get3A_1347, %get3A_1348] {strides = array<i32>} : memref<50x4x128xf32, #tpu.memory_space<vmem>>, vector<1x1x16xf32>,
      %get3A_1350 = vector.shape_cast %get3A_1349 : vector<1x1x16xf32> to vector<16xf32>
      %add3A_1351 = arith.addf %get3A_1344, %get3A_1350 : vector<16xf32>
      %swap3A_1352 = arith.constant 0 : i32
      %swap3A_1353 = arith.constant 3 : i32
      %swap3A_1354 = arith.index_cast %swap3A_1352 : i32 to index
      %swap3A_1355 = arith.index_cast %swap3A_1353 : i32 to index
      %swap3A_1356 = arith.constant 32 : index
      %swap3A_1357 = tpu.vector_load %arg10[%swap3A_1354, %swap3A_1355, %swap3A_1356] {strides = array<i32>} : memref<50x4x128xf32, #tpu.memory_space<vmem>>, vector<1x1x16xf32>,
      %swap3A_1358 = vector.shape_cast %swap3A_1357 : vector<1x1x16xf32> to vector<16xf32>
      %swap3A_1359 = vector.shape_cast %add3A_1351 : vector<16xf32> to vector<1x1x16xf32>
      tpu.vector_store %arg10[%swap3A_1354, %swap3A_1355, %swap3A_1356], %swap3A_1359 {strides = array<i32>} : memref<50x4x128xf32, #tpu.memory_space<vmem>>, vector<1x1x16xf32>,
      %get3A_1360 = arith.constant 3 : i32
      %get3A_1361 = arith.index_cast %select_n3A_789 : i32 to index
      %get3A_1362 = arith.index_cast %get3A_1360 : i32 to index
      %get3A_1363 = arith.constant 48 : index
      %get3A_1364 = tpu.vector_load %arg8[%get3A_1361, %get3A_1362, %get3A_1363] {strides = array<i32>} : memref<50x4x128xf32, #tpu.memory_space<vmem>>, vector<1x1x16xf32>,
      %get3A_1365 = vector.shape_cast %get3A_1364 : vector<1x1x16xf32> to vector<16xf32>
      %get3A_1366 = arith.constant 3 : i32
      %get3A_1367 = arith.index_cast %sub3A_792 : i32 to index
      %get3A_1368 = arith.index_cast %get3A_1366 : i32 to index
      %get3A_1369 = arith.constant 48 : index
      %get3A_1370 = tpu.vector_load %arg9[%get3A_1367, %get3A_1368, %get3A_1369] {strides = array<i32>} : memref<50x4x128xf32, #tpu.memory_space<vmem>>, vector<1x1x16xf32>,
      %get3A_1371 = vector.shape_cast %get3A_1370 : vector<1x1x16xf32> to vector<16xf32>
      %add3A_1372 = arith.addf %get3A_1365, %get3A_1371 : vector<16xf32>
      %swap3A_1373 = arith.constant 0 : i32
      %swap3A_1374 = arith.constant 3 : i32
      %swap3A_1375 = arith.index_cast %swap3A_1373 : i32 to index
      %swap3A_1376 = arith.index_cast %swap3A_1374 : i32 to index
      %swap3A_1377 = arith.constant 48 : index
      %swap3A_1378 = tpu.vector_load %arg10[%swap3A_1375, %swap3A_1376, %swap3A_1377] {strides = array<i32>} : memref<50x4x128xf32, #tpu.memory_space<vmem>>, vector<1x1x16xf32>,
      %swap3A_1379 = vector.shape_cast %swap3A_1378 : vector<1x1x16xf32> to vector<16xf32>
      %swap3A_1380 = vector.shape_cast %add3A_1372 : vector<16xf32> to vector<1x1x16xf32>
      tpu.vector_store %arg10[%swap3A_1375, %swap3A_1376, %swap3A_1377], %swap3A_1380 {strides = array<i32>} : memref<50x4x128xf32, #tpu.memory_space<vmem>>, vector<1x1x16xf32>,
      %get3A_1381 = arith.constant 3 : i32
      %get3A_1382 = arith.index_cast %select_n3A_789 : i32 to index
      %get3A_1383 = arith.index_cast %get3A_1381 : i32 to index
      %get3A_1384 = arith.constant 64 : index
      %get3A_1385 = tpu.vector_load %arg8[%get3A_1382, %get3A_1383, %get3A_1384] {strides = array<i32>} : memref<50x4x128xf32, #tpu.memory_space<vmem>>, vector<1x1x16xf32>,
      %get3A_1386 = vector.shape_cast %get3A_1385 : vector<1x1x16xf32> to vector<16xf32>
      %get3A_1387 = arith.constant 3 : i32
      %get3A_1388 = arith.index_cast %sub3A_792 : i32 to index
      %get3A_1389 = arith.index_cast %get3A_1387 : i32 to index
      %get3A_1390 = arith.constant 64 : index
      %get3A_1391 = tpu.vector_load %arg9[%get3A_1388, %get3A_1389, %get3A_1390] {strides = array<i32>} : memref<50x4x128xf32, #tpu.memory_space<vmem>>, vector<1x1x16xf32>,
      %get3A_1392 = vector.shape_cast %get3A_1391 : vector<1x1x16xf32> to vector<16xf32>
      %add3A_1393 = arith.addf %get3A_1386, %get3A_1392 : vector<16xf32>
      %swap3A_1394 = arith.constant 0 : i32
      %swap3A_1395 = arith.constant 3 : i32
      %swap3A_1396 = arith.index_cast %swap3A_1394 : i32 to index
      %swap3A_1397 = arith.index_cast %swap3A_1395 : i32 to index
      %swap3A_1398 = arith.constant 64 : index
      %swap3A_1399 = tpu.vector_load %arg10[%swap3A_1396, %swap3A_1397, %swap3A_1398] {strides = array<i32>} : memref<50x4x128xf32, #tpu.memory_space<vmem>>, vector<1x1x16xf32>,
      %swap3A_1400 = vector.shape_cast %swap3A_1399 : vector<1x1x16xf32> to vector<16xf32>
      %swap3A_1401 = vector.shape_cast %add3A_1393 : vector<16xf32> to vector<1x1x16xf32>
      tpu.vector_store %arg10[%swap3A_1396, %swap3A_1397, %swap3A_1398], %swap3A_1401 {strides = array<i32>} : memref<50x4x128xf32, #tpu.memory_space<vmem>>, vector<1x1x16xf32>,
      %get3A_1402 = arith.constant 3 : i32
      %get3A_1403 = arith.index_cast %select_n3A_789 : i32 to index
      %get3A_1404 = arith.index_cast %get3A_1402 : i32 to index
      %get3A_1405 = arith.constant 80 : index
      %get3A_1406 = tpu.vector_load %arg8[%get3A_1403, %get3A_1404, %get3A_1405] {strides = array<i32>} : memref<50x4x128xf32, #tpu.memory_space<vmem>>, vector<1x1x16xf32>,
      %get3A_1407 = vector.shape_cast %get3A_1406 : vector<1x1x16xf32> to vector<16xf32>
      %get3A_1408 = arith.constant 3 : i32
      %get3A_1409 = arith.index_cast %sub3A_792 : i32 to index
      %get3A_1410 = arith.index_cast %get3A_1408 : i32 to index
      %get3A_1411 = arith.constant 80 : index
      %get3A_1412 = tpu.vector_load %arg9[%get3A_1409, %get3A_1410, %get3A_1411] {strides = array<i32>} : memref<50x4x128xf32, #tpu.memory_space<vmem>>, vector<1x1x16xf32>,
      %get3A_1413 = vector.shape_cast %get3A_1412 : vector<1x1x16xf32> to vector<16xf32>
      %add3A_1414 = arith.addf %get3A_1407, %get3A_1413 : vector<16xf32>
      %swap3A_1415 = arith.constant 0 : i32
      %swap3A_1416 = arith.constant 3 : i32
      %swap3A_1417 = arith.index_cast %swap3A_1415 : i32 to index
      %swap3A_1418 = arith.index_cast %swap3A_1416 : i32 to index
      %swap3A_1419 = arith.constant 80 : index
      %swap3A_1420 = tpu.vector_load %arg10[%swap3A_1417, %swap3A_1418, %swap3A_1419] {strides = array<i32>} : memref<50x4x128xf32, #tpu.memory_space<vmem>>, vector<1x1x16xf32>,
      %swap3A_1421 = vector.shape_cast %swap3A_1420 : vector<1x1x16xf32> to vector<16xf32>
      %swap3A_1422 = vector.shape_cast %add3A_1414 : vector<16xf32> to vector<1x1x16xf32>
      tpu.vector_store %arg10[%swap3A_1417, %swap3A_1418, %swap3A_1419], %swap3A_1422 {strides = array<i32>} : memref<50x4x128xf32, #tpu.memory_space<vmem>>, vector<1x1x16xf32>,
      %get3A_1423 = arith.constant 3 : i32
      %get3A_1424 = arith.index_cast %select_n3A_789 : i32 to index
      %get3A_1425 = arith.index_cast %get3A_1423 : i32 to index
      %get3A_1426 = arith.constant 96 : index
      %get3A_1427 = tpu.vector_load %arg8[%get3A_1424, %get3A_1425, %get3A_1426] {strides = array<i32>} : memref<50x4x128xf32, #tpu.memory_space<vmem>>, vector<1x1x16xf32>,
      %get3A_1428 = vector.shape_cast %get3A_1427 : vector<1x1x16xf32> to vector<16xf32>
      %get3A_1429 = arith.constant 3 : i32
      %get3A_1430 = arith.index_cast %sub3A_792 : i32 to index
      %get3A_1431 = arith.index_cast %get3A_1429 : i32 to index
      %get3A_1432 = arith.constant 96 : index
      %get3A_1433 = tpu.vector_load %arg9[%get3A_1430, %get3A_1431, %get3A_1432] {strides = array<i32>} : memref<50x4x128xf32, #tpu.memory_space<vmem>>, vector<1x1x16xf32>,
      %get3A_1434 = vector.shape_cast %get3A_1433 : vector<1x1x16xf32> to vector<16xf32>
      %add3A_1435 = arith.addf %get3A_1428, %get3A_1434 : vector<16xf32>
      %swap3A_1436 = arith.constant 0 : i32
      %swap3A_1437 = arith.constant 3 : i32
      %swap3A_1438 = arith.index_cast %swap3A_1436 : i32 to index
      %swap3A_1439 = arith.index_cast %swap3A_1437 : i32 to index
      %swap3A_1440 = arith.constant 96 : index
      %swap3A_1441 = tpu.vector_load %arg10[%swap3A_1438, %swap3A_1439, %swap3A_1440] {strides = array<i32>} : memref<50x4x128xf32, #tpu.memory_space<vmem>>, vector<1x1x16xf32>,
      %swap3A_1442 = vector.shape_cast %swap3A_1441 : vector<1x1x16xf32> to vector<16xf32>
      %swap3A_1443 = vector.shape_cast %add3A_1435 : vector<16xf32> to vector<1x1x16xf32>
      tpu.vector_store %arg10[%swap3A_1438, %swap3A_1439, %swap3A_1440], %swap3A_1443 {strides = array<i32>} : memref<50x4x128xf32, #tpu.memory_space<vmem>>, vector<1x1x16xf32>,
      %get3A_1444 = arith.constant 3 : i32
      %get3A_1445 = arith.index_cast %select_n3A_789 : i32 to index
      %get3A_1446 = arith.index_cast %get3A_1444 : i32 to index
      %get3A_1447 = arith.constant 112 : index
      %get3A_1448 = tpu.vector_load %arg8[%get3A_1445, %get3A_1446, %get3A_1447] {strides = array<i32>} : memref<50x4x128xf32, #tpu.memory_space<vmem>>, vector<1x1x16xf32>,
      %get3A_1449 = vector.shape_cast %get3A_1448 : vector<1x1x16xf32> to vector<16xf32>
      %get3A_1450 = arith.constant 3 : i32
      %get3A_1451 = arith.index_cast %sub3A_792 : i32 to index
      %get3A_1452 = arith.index_cast %get3A_1450 : i32 to index
      %get3A_1453 = arith.constant 112 : index
      %get3A_1454 = tpu.vector_load %arg9[%get3A_1451, %get3A_1452, %get3A_1453] {strides = array<i32>} : memref<50x4x128xf32, #tpu.memory_space<vmem>>, vector<1x1x16xf32>,
      %get3A_1455 = vector.shape_cast %get3A_1454 : vector<1x1x16xf32> to vector<16xf32>
      %add3A_1456 = arith.addf %get3A_1449, %get3A_1455 : vector<16xf32>
      %swap3A_1457 = arith.constant 0 : i32
      %swap3A_1458 = arith.constant 3 : i32
      %swap3A_1459 = arith.index_cast %swap3A_1457 : i32 to index
      %swap3A_1460 = arith.index_cast %swap3A_1458 : i32 to index
      %swap3A_1461 = arith.constant 112 : index
      %swap3A_1462 = tpu.vector_load %arg10[%swap3A_1459, %swap3A_1460, %swap3A_1461] {strides = array<i32>} : memref<50x4x128xf32, #tpu.memory_space<vmem>>, vector<1x1x16xf32>,
      %swap3A_1463 = vector.shape_cast %swap3A_1462 : vector<1x1x16xf32> to vector<16xf32>
      %swap3A_1464 = vector.shape_cast %add3A_1456 : vector<16xf32> to vector<1x1x16xf32>
      tpu.vector_store %arg10[%swap3A_1459, %swap3A_1460, %swap3A_1461], %swap3A_1464 {strides = array<i32>} : memref<50x4x128xf32, #tpu.memory_space<vmem>>, vector<1x1x16xf32>,
      "tpu.region"() ({
        %run_scoped3A = tpu.sem_alloc : memref<!tpu.dma_semaphore, #tpu.memory_space<semaphore_mem>>
        %dma_start3A_1465 = arith.constant 0 : i32
        %dma_start3A_1466 = arith.constant 0 : i32
        %dma_start3A_1467 = arith.constant 0 : i32
        %dma_start3A_1468 = tpu.memref_slice %arg10[%dma_start3A_1465, %dma_start3A_1466, %dma_start3A_1467] : memref<50x4x128xf32, #tpu.memory_space<vmem>> -> memref<1x4x128xf32, #tpu.memory_space<vmem>>
        %dma_start3A_1469 = arith.constant 0 : i32
        %dma_start3A_1470 = arith.constant 0 : i32
        %dma_start3A_1471 = tpu.memref_slice %arg17[%add3A_765, %dma_start3A_1469, %dma_start3A_1470] : memref<1104x4x128xf32, #tpu.memory_space<vmem_shared>> -> memref<1x4x128xf32, #tpu.memory_space<vmem_shared>>
        %dma_start3A_1472 = arith.constant 0 : i32
        %dma_start3A_1473 = arith.constant 0 : i32
        %dma_start3A_1474 = tpu.memref_slice %arg17[%add3A_765, %dma_start3A_1472, %dma_start3A_1473] : memref<1104x4x128xf32, #tpu.memory_space<vmem_shared>> -> memref<1x4x128xf32, #tpu.memory_space<vmem_shared>>
        %dma_start3A_1475 = arith.constant 0 : i32
        %dma_start3A_1476 = arith.constant 0 : i32
        %dma_start3A_1477 = arith.constant 0 : i32
        %dma_start3A_1478 = tpu.memref_slice %arg10[%dma_start3A_1475, %dma_start3A_1476, %dma_start3A_1477] : memref<50x4x128xf32, #tpu.memory_space<vmem>> -> memref<1x4x128xf32, #tpu.memory_space<vmem>>
        tpu.enqueue_dma source(%dma_start3A_1478 : memref<1x4x128xf32, #tpu.memory_space<vmem>>) target(%dma_start3A_1474 : memref<1x4x128xf32, #tpu.memory_space<vmem_shared>>) target_semaphore(%run_scoped3A : memref<!tpu.dma_semaphore, #tpu.memory_space<semaphore_mem>>)
        %dma_wait3A_1479 = arith.constant 0 : i32
        %dma_wait3A_1480 = arith.constant 0 : i32
        %dma_wait3A_1481 = arith.constant 0 : i32
        %dma_wait3A_1482 = tpu.memref_slice %arg10[%dma_wait3A_1479, %dma_wait3A_1480, %dma_wait3A_1481] : memref<50x4x128xf32, #tpu.memory_space<vmem>> -> memref<1x4x128xf32, #tpu.memory_space<vmem>>
        %dma_wait3A_1483 = arith.constant 0 : i32
        %dma_wait3A_1484 = arith.constant 0 : i32
        %dma_wait3A_1485 = tpu.memref_slice %arg17[%add3A_765, %dma_wait3A_1483, %dma_wait3A_1484] : memref<1104x4x128xf32, #tpu.memory_space<vmem_shared>> -> memref<1x4x128xf32, #tpu.memory_space<vmem_shared>>
        %dma_wait3A_1486 = arith.constant 0 : i32
        %dma_wait3A_1487 = arith.constant 0 : i32
        %dma_wait3A_1488 = tpu.memref_slice %arg17[%add3A_765, %dma_wait3A_1486, %dma_wait3A_1487] : memref<1104x4x128xf32, #tpu.memory_space<vmem_shared>> -> memref<1x4x128xf32, #tpu.memory_space<vmem_shared>>
        %dma_wait3A_1489 = arith.constant 0 : i32
        %dma_wait3A_1490 = arith.constant 0 : i32
        %dma_wait3A_1491 = arith.constant 0 : i32
        %dma_wait3A_1492 = tpu.memref_slice %arg10[%dma_wait3A_1489, %dma_wait3A_1490, %dma_wait3A_1491] : memref<50x4x128xf32, #tpu.memory_space<vmem>> -> memref<1x4x128xf32, #tpu.memory_space<vmem>>
        tpu.wait_dma2 semaphore(%run_scoped3A : memref<!tpu.dma_semaphore, #tpu.memory_space<semaphore_mem>>) src(%dma_wait3A_1492 : memref<1x4x128xf32, #tpu.memory_space<vmem>>) dst(%dma_wait3A_1488 : memref<1x4x128xf32, #tpu.memory_space<vmem_shared>>)
        tpu.yield
      }) : () -> ()
    }
    %scan3A_5 = arith.constant 69 : i32
    %mul3A_6 = arith.constant 6400 : i32
    %mul3A_7 = arith.muli %add3A, %mul3A_6 : i32
    "tpu.region"() ({
      %run_scoped3A = tpu.sem_alloc : memref<!tpu.dma_semaphore, #tpu.memory_space<semaphore_mem>>
      %dma_start3A_762 = arith.constant 0 : i32
      %dma_start3A_763 = tpu.memref_slice %arg14[%dma_start3A_762] : memref<6528xi32, #tpu.memory_space<vmem>> -> memref<6400xi32, #tpu.memory_space<vmem>>
      %dma_start3A_764 = tpu.memref_slice %arg2[%mul3A_7] : memref<204800xi32, #tpu.memory_space<hbm>> -> memref<6400xi32, #tpu.memory_space<hbm>>
      %dma_start3A_765 = arith.constant 0 : i32
      %dma_start3A_766 = tpu.memref_slice %arg14[%dma_start3A_765] : memref<6528xi32, #tpu.memory_space<vmem>> -> memref<6400xi32, #tpu.memory_space<vmem>>
      %dma_start3A_767 = tpu.memref_slice %arg2[%mul3A_7] : memref<204800xi32, #tpu.memory_space<hbm>> -> memref<6400xi32, #tpu.memory_space<hbm>>
      tpu.enqueue_dma source(%dma_start3A_767 : memref<6400xi32, #tpu.memory_space<hbm>>) target(%dma_start3A_766 : memref<6400xi32, #tpu.memory_space<vmem>>) target_semaphore(%run_scoped3A : memref<!tpu.dma_semaphore, #tpu.memory_space<semaphore_mem>>)
      %dma_wait3A_768 = arith.constant 0 : i32
      %dma_wait3A_769 = tpu.memref_slice %arg14[%dma_wait3A_768] : memref<6528xi32, #tpu.memory_space<vmem>> -> memref<6400xi32, #tpu.memory_space<vmem>>
      %dma_wait3A_770 = tpu.memref_slice %arg2[%mul3A_7] : memref<204800xi32, #tpu.memory_space<hbm>> -> memref<6400xi32, #tpu.memory_space<hbm>>
      %dma_wait3A_771 = arith.constant 0 : i32
      %dma_wait3A_772 = tpu.memref_slice %arg14[%dma_wait3A_771] : memref<6528xi32, #tpu.memory_space<vmem>> -> memref<6400xi32, #tpu.memory_space<vmem>>
      %dma_wait3A_773 = tpu.memref_slice %arg2[%mul3A_7] : memref<204800xi32, #tpu.memory_space<hbm>> -> memref<6400xi32, #tpu.memory_space<hbm>>
      tpu.wait_dma2 semaphore(%run_scoped3A : memref<!tpu.dma_semaphore, #tpu.memory_space<semaphore_mem>>) src(%dma_wait3A_773 : memref<6400xi32, #tpu.memory_space<hbm>>) dst(%dma_wait3A_772 : memref<6400xi32, #tpu.memory_space<vmem>>)
      tpu.yield
    }) : () -> ()
    %broadcast_in_dim3A = arith.constant 0 : i32
    %broadcast_in_dim3A_8 = vector.broadcast %broadcast_in_dim3A : i32 to vector<16xi32>
    %swap3A = arith.constant 6400 : index
    %swap3A_9 = tpu.vector_load %arg14[%swap3A] {strides = array<i32>} : memref<6528xi32, #tpu.memory_space<vmem>>, vector<16xi32>,
    %swap3A_10 = vector.shape_cast %swap3A_9 : vector<16xi32> to vector<16xi32>
    %swap3A_11 = vector.shape_cast %broadcast_in_dim3A_8 : vector<16xi32> to vector<16xi32>
    tpu.vector_store %arg14[%swap3A], %swap3A_11 {strides = array<i32>} : memref<6528xi32, #tpu.memory_space<vmem>>, vector<16xi32>,
    %swap3A_12 = arith.constant 6416 : index
    %swap3A_13 = tpu.vector_load %arg14[%swap3A_12] {strides = array<i32>} : memref<6528xi32, #tpu.memory_space<vmem>>, vector<16xi32>,
    %swap3A_14 = vector.shape_cast %swap3A_13 : vector<16xi32> to vector<16xi32>
    %swap3A_15 = vector.shape_cast %broadcast_in_dim3A_8 : vector<16xi32> to vector<16xi32>
    tpu.vector_store %arg14[%swap3A_12], %swap3A_15 {strides = array<i32>} : memref<6528xi32, #tpu.memory_space<vmem>>, vector<16xi32>,
    %swap3A_16 = arith.constant 6432 : index
    %swap3A_17 = tpu.vector_load %arg14[%swap3A_16] {strides = array<i32>} : memref<6528xi32, #tpu.memory_space<vmem>>, vector<16xi32>,
    %swap3A_18 = vector.shape_cast %swap3A_17 : vector<16xi32> to vector<16xi32>
    %swap3A_19 = vector.shape_cast %broadcast_in_dim3A_8 : vector<16xi32> to vector<16xi32>
    tpu.vector_store %arg14[%swap3A_16], %swap3A_19 {strides = array<i32>} : memref<6528xi32, #tpu.memory_space<vmem>>, vector<16xi32>,
    %swap3A_20 = arith.constant 6448 : index
    %swap3A_21 = tpu.vector_load %arg14[%swap3A_20] {strides = array<i32>} : memref<6528xi32, #tpu.memory_space<vmem>>, vector<16xi32>,
    %swap3A_22 = vector.shape_cast %swap3A_21 : vector<16xi32> to vector<16xi32>
    %swap3A_23 = vector.shape_cast %broadcast_in_dim3A_8 : vector<16xi32> to vector<16xi32>
    tpu.vector_store %arg14[%swap3A_20], %swap3A_23 {strides = array<i32>} : memref<6528xi32, #tpu.memory_space<vmem>>, vector<16xi32>,
    %swap3A_24 = arith.constant 6464 : index
    %swap3A_25 = tpu.vector_load %arg14[%swap3A_24] {strides = array<i32>} : memref<6528xi32, #tpu.memory_space<vmem>>, vector<16xi32>,
    %swap3A_26 = vector.shape_cast %swap3A_25 : vector<16xi32> to vector<16xi32>
    %swap3A_27 = vector.shape_cast %broadcast_in_dim3A_8 : vector<16xi32> to vector<16xi32>
    tpu.vector_store %arg14[%swap3A_24], %swap3A_27 {strides = array<i32>} : memref<6528xi32, #tpu.memory_space<vmem>>, vector<16xi32>,
    %swap3A_28 = arith.constant 6480 : index
    %swap3A_29 = tpu.vector_load %arg14[%swap3A_28] {strides = array<i32>} : memref<6528xi32, #tpu.memory_space<vmem>>, vector<16xi32>,
    %swap3A_30 = vector.shape_cast %swap3A_29 : vector<16xi32> to vector<16xi32>
    %swap3A_31 = vector.shape_cast %broadcast_in_dim3A_8 : vector<16xi32> to vector<16xi32>
    tpu.vector_store %arg14[%swap3A_28], %swap3A_31 {strides = array<i32>} : memref<6528xi32, #tpu.memory_space<vmem>>, vector<16xi32>,
    %swap3A_32 = arith.constant 6496 : index
    %swap3A_33 = tpu.vector_load %arg14[%swap3A_32] {strides = array<i32>} : memref<6528xi32, #tpu.memory_space<vmem>>, vector<16xi32>,
    %swap3A_34 = vector.shape_cast %swap3A_33 : vector<16xi32> to vector<16xi32>
    %swap3A_35 = vector.shape_cast %broadcast_in_dim3A_8 : vector<16xi32> to vector<16xi32>
    tpu.vector_store %arg14[%swap3A_32], %swap3A_35 {strides = array<i32>} : memref<6528xi32, #tpu.memory_space<vmem>>, vector<16xi32>,
    %swap3A_36 = arith.constant 6512 : index
    %swap3A_37 = tpu.vector_load %arg14[%swap3A_36] {strides = array<i32>} : memref<6528xi32, #tpu.memory_space<vmem>>, vector<16xi32>,
    %swap3A_38 = vector.shape_cast %swap3A_37 : vector<16xi32> to vector<16xi32>
    %swap3A_39 = vector.shape_cast %broadcast_in_dim3A_8 : vector<16xi32> to vector<16xi32>
    tpu.vector_store %arg14[%swap3A_36], %swap3A_39 {strides = array<i32>} : memref<6528xi32, #tpu.memory_space<vmem>>, vector<16xi32>,
    %mul3A_40 = arith.constant 128 : i32
    %mul3A_41 = arith.muli %add3A, %mul3A_40 : i32
    "tpu.region"() ({
      %run_scoped3A = tpu.sem_alloc : memref<!tpu.dma_semaphore, #tpu.memory_space<semaphore_mem>>
      %dma_start3A_762 = arith.constant 0 : i32
      %dma_start3A_763 = tpu.memref_slice %arg15[%dma_start3A_762] : memref<144xi32, #tpu.memory_space<vmem>> -> memref<128xi32, #tpu.memory_space<vmem>>
      %dma_start3A_764 = tpu.memref_slice %arg3[%mul3A_41] : memref<4096xi32, #tpu.memory_space<hbm>> -> memref<128xi32, #tpu.memory_space<hbm>>
      %dma_start3A_765 = arith.constant 0 : i32
      %dma_start3A_766 = tpu.memref_slice %arg15[%dma_start3A_765] : memref<144xi32, #tpu.memory_space<vmem>> -> memref<128xi32, #tpu.memory_space<vmem>>
      %dma_start3A_767 = tpu.memref_slice %arg3[%mul3A_41] : memref<4096xi32, #tpu.memory_space<hbm>> -> memref<128xi32, #tpu.memory_space<hbm>>
      tpu.enqueue_dma source(%dma_start3A_767 : memref<128xi32, #tpu.memory_space<hbm>>) target(%dma_start3A_766 : memref<128xi32, #tpu.memory_space<vmem>>) target_semaphore(%run_scoped3A : memref<!tpu.dma_semaphore, #tpu.memory_space<semaphore_mem>>)
      %dma_wait3A_768 = arith.constant 0 : i32
      %dma_wait3A_769 = tpu.memref_slice %arg15[%dma_wait3A_768] : memref<144xi32, #tpu.memory_space<vmem>> -> memref<128xi32, #tpu.memory_space<vmem>>
      %dma_wait3A_770 = tpu.memref_slice %arg3[%mul3A_41] : memref<4096xi32, #tpu.memory_space<hbm>> -> memref<128xi32, #tpu.memory_space<hbm>>
      %dma_wait3A_771 = arith.constant 0 : i32
      %dma_wait3A_772 = tpu.memref_slice %arg15[%dma_wait3A_771] : memref<144xi32, #tpu.memory_space<vmem>> -> memref<128xi32, #tpu.memory_space<vmem>>
      %dma_wait3A_773 = tpu.memref_slice %arg3[%mul3A_41] : memref<4096xi32, #tpu.memory_space<hbm>> -> memref<128xi32, #tpu.memory_space<hbm>>
      tpu.wait_dma2 semaphore(%run_scoped3A : memref<!tpu.dma_semaphore, #tpu.memory_space<semaphore_mem>>) src(%dma_wait3A_773 : memref<128xi32, #tpu.memory_space<hbm>>) dst(%dma_wait3A_772 : memref<128xi32, #tpu.memory_space<vmem>>)
      tpu.yield
    }) : () -> ()
    "tpu.region"() ({
      %run_scoped3A = tpu.sem_alloc : memref<!tpu.dma_semaphore, #tpu.memory_space<semaphore_mem>>
      tpu.enqueue_dma source(%arg6 : memref<10x512xf32, #tpu.memory_space<hbm>>) target(%arg16 : memref<10x512xf32, #tpu.memory_space<vmem>>) target_semaphore(%run_scoped3A : memref<!tpu.dma_semaphore, #tpu.memory_space<semaphore_mem>>)
      tpu.wait_dma2 semaphore(%run_scoped3A : memref<!tpu.dma_semaphore, #tpu.memory_space<semaphore_mem>>) src(%arg6 : memref<10x512xf32, #tpu.memory_space<hbm>>) dst(%arg16 : memref<10x512xf32, #tpu.memory_space<vmem>>)
      tpu.yield
    }) : () -> ()
    %barrier3A = arith.constant 0 : index
    tpu.barrier barrier_id(%barrier3A)
    %iota3A = tpu.iota {dimensions = array<i32: 0>} : vector<16xi32>
    %add3A_42 = arith.constant 0 : i32
    %add3A_43 = vector.broadcast %add3A_42 : i32 to vector<16xi32>
    %add3A_44 = arith.addi %iota3A, %add3A_43 : vector<16xi32>
    %iota3A_45 = tpu.iota {dimensions = array<i32: 0>} : vector<16xi32>
    %add3A_46 = arith.constant 16 : i32
    %add3A_47 = vector.broadcast %add3A_46 : i32 to vector<16xi32>
    %add3A_48 = arith.addi %iota3A_45, %add3A_47 : vector<16xi32>
    %iota3A_49 = tpu.iota {dimensions = array<i32: 0>} : vector<16xi32>
    %add3A_50 = arith.constant 32 : i32
    %add3A_51 = vector.broadcast %add3A_50 : i32 to vector<16xi32>
    %add3A_52 = arith.addi %iota3A_49, %add3A_51 : vector<16xi32>
    %iota3A_53 = tpu.iota {dimensions = array<i32: 0>} : vector<16xi32>
    %add3A_54 = arith.constant 48 : i32
    %add3A_55 = vector.broadcast %add3A_54 : i32 to vector<16xi32>
    %add3A_56 = arith.addi %iota3A_53, %add3A_55 : vector<16xi32>
    %get3A = arith.constant 0 : index
    %get3A_57 = tpu.vector_load %arg14[%get3A] {strides = array<i32>} : memref<6528xi32, #tpu.memory_space<vmem>>, vector<16xi32>,
    %get3A_58 = vector.shape_cast %get3A_57 : vector<16xi32> to vector<16xi32>
    %mul3A_59 = arith.constant 50 : i32
    %mul3A_60 = vector.broadcast %mul3A_59 : i32 to vector<16xi32>
    %mul3A_61 = arith.muli %get3A_58, %mul3A_60 : vector<16xi32>
    %add3A_62 = arith.addi %mul3A_61, %add3A_44 : vector<16xi32>
    %swap3A_63 = arith.constant 0 : index
    %swap3A_64 = tpu.vector_load %arg11[%swap3A_63] {strides = array<i32>} : memref<64xi32, #tpu.memory_space<vmem>>, vector<16xi32>,
    %swap3A_65 = vector.shape_cast %swap3A_64 : vector<16xi32> to vector<16xi32>
    %swap3A_66 = vector.shape_cast %add3A_62 : vector<16xi32> to vector<16xi32>
    tpu.vector_store %arg11[%swap3A_63], %swap3A_66 {strides = array<i32>} : memref<64xi32, #tpu.memory_space<vmem>>, vector<16xi32>,
    %get3A_67 = arith.constant 16 : index
    %get3A_68 = tpu.vector_load %arg14[%get3A_67] {strides = array<i32>} : memref<6528xi32, #tpu.memory_space<vmem>>, vector<16xi32>,
    %get3A_69 = vector.shape_cast %get3A_68 : vector<16xi32> to vector<16xi32>
    %mul3A_70 = arith.constant 50 : i32
    %mul3A_71 = vector.broadcast %mul3A_70 : i32 to vector<16xi32>
    %mul3A_72 = arith.muli %get3A_69, %mul3A_71 : vector<16xi32>
    %add3A_73 = arith.addi %mul3A_72, %add3A_48 : vector<16xi32>
    %swap3A_74 = arith.constant 16 : index
    %swap3A_75 = tpu.vector_load %arg11[%swap3A_74] {strides = array<i32>} : memref<64xi32, #tpu.memory_space<vmem>>, vector<16xi32>,
    %swap3A_76 = vector.shape_cast %swap3A_75 : vector<16xi32> to vector<16xi32>
    %swap3A_77 = vector.shape_cast %add3A_73 : vector<16xi32> to vector<16xi32>
    tpu.vector_store %arg11[%swap3A_74], %swap3A_77 {strides = array<i32>} : memref<64xi32, #tpu.memory_space<vmem>>, vector<16xi32>,
    %get3A_78 = arith.constant 32 : index
    %get3A_79 = tpu.vector_load %arg14[%get3A_78] {strides = array<i32>} : memref<6528xi32, #tpu.memory_space<vmem>>, vector<16xi32>,
    %get3A_80 = vector.shape_cast %get3A_79 : vector<16xi32> to vector<16xi32>
    %mul3A_81 = arith.constant 50 : i32
    %mul3A_82 = vector.broadcast %mul3A_81 : i32 to vector<16xi32>
    %mul3A_83 = arith.muli %get3A_80, %mul3A_82 : vector<16xi32>
    %add3A_84 = arith.addi %mul3A_83, %add3A_52 : vector<16xi32>
    %swap3A_85 = arith.constant 32 : index
    %swap3A_86 = tpu.vector_load %arg11[%swap3A_85] {strides = array<i32>} : memref<64xi32, #tpu.memory_space<vmem>>, vector<16xi32>,
    %swap3A_87 = vector.shape_cast %swap3A_86 : vector<16xi32> to vector<16xi32>
    %swap3A_88 = vector.shape_cast %add3A_84 : vector<16xi32> to vector<16xi32>
    tpu.vector_store %arg11[%swap3A_85], %swap3A_88 {strides = array<i32>} : memref<64xi32, #tpu.memory_space<vmem>>, vector<16xi32>,
    %get3A_89 = arith.constant 48 : index
    %get3A_90 = tpu.vector_load %arg14[%get3A_89] {strides = array<i32>} : memref<6528xi32, #tpu.memory_space<vmem>>, vector<16xi32>,
    %get3A_91 = vector.shape_cast %get3A_90 : vector<16xi32> to vector<16xi32>
    %mul3A_92 = arith.constant 50 : i32
    %mul3A_93 = vector.broadcast %mul3A_92 : i32 to vector<16xi32>
    %mul3A_94 = arith.muli %get3A_91, %mul3A_93 : vector<16xi32>
    %add3A_95 = arith.addi %mul3A_94, %add3A_56 : vector<16xi32>
    %swap3A_96 = arith.constant 48 : index
    %swap3A_97 = tpu.vector_load %arg11[%swap3A_96] {strides = array<i32>} : memref<64xi32, #tpu.memory_space<vmem>>, vector<16xi32>,
    %swap3A_98 = vector.shape_cast %swap3A_97 : vector<16xi32> to vector<16xi32>
    %swap3A_99 = vector.shape_cast %add3A_95 : vector<16xi32> to vector<16xi32>
    tpu.vector_store %arg11[%swap3A_96], %swap3A_99 {strides = array<i32>} : memref<64xi32, #tpu.memory_space<vmem>>, vector<16xi32>,
    %dma_start3A = arith.constant 0 : i32
    %dma_start3A_100 = tpu.memref_slice %arg11[%dma_start3A] : memref<64xi32, #tpu.memory_space<vmem>> -> memref<50xi32, #tpu.memory_space<vmem>>
    %dma_start3A_101 = arith.constant 0 : i32
    %dma_start3A_102 = arith.constant 0 : i32
    %dma_start3A_103 = arith.constant 0 : i32
    %dma_start3A_104 = tpu.memref_slice %arg17[%dma_start3A_101, %dma_start3A_102, %dma_start3A_103] : memref<1104x4x128xf32, #tpu.memory_space<vmem_shared>> -> memref<1104x4x128xf32, #tpu.memory_space<vmem_shared>>
    tpu.enqueue_indirect_dma source(%dma_start3A_104 : memref<1104x4x128xf32, #tpu.memory_space<vmem_shared>>) target(%arg8 : memref<50x4x128xf32, #tpu.memory_space<vmem>>) offsets(%dma_start3A_100 : memref<50xi32, #tpu.memory_space<vmem>>) semaphore(%arg18 : memref<!tpu.dma_semaphore, #tpu.memory_space<semaphore_mem>>)
    %scan3A_105 = arith.constant 0 : i32
    %scan3A_106 = arith.constant 0 : i32
    %scan3A_107 = arith.constant 42 : i32
    %scan3A_108 = arith.addi %scan3A_106, %scan3A_107 : i32
    %scan3A_109 = arith.constant 1 : i32
    scf.for %scan3A_762 = %scan3A_106 to %scan3A_108 step %scan3A_109  : i32 {
      %mul3A_763 = arith.constant 3 : i32
      %mul3A_764 = arith.muli %scan3A_762, %mul3A_763 : i32
      %add3A_765 = arith.constant 0 : i32
      %add3A_766 = arith.addi %mul3A_764, %add3A_765 : i32
      %add3A_767 = arith.constant 1 : i32
      %add3A_768 = arith.addi %add3A_766, %add3A_767 : i32
      %mul3A_769 = arith.constant 50 : i32
      %mul3A_770 = arith.muli %add3A_768, %mul3A_769 : i32
      %add3A_771 = arith.constant 0 : i32
      %add3A_772 = arith.addi %mul3A_770, %add3A_771 : i32
      %get3A_773 = arith.index_cast %add3A_772 : i32 to index
      %get3A_774 = tpu.vector_load %arg14[%get3A_773] {strides = array<i32>} : memref<6528xi32, #tpu.memory_space<vmem>>, vector<16xi32>,
      %get3A_775 = vector.shape_cast %get3A_774 : vector<16xi32> to vector<16xi32>
      %mul3A_776 = arith.constant 50 : i32
      %mul3A_777 = vector.broadcast %mul3A_776 : i32 to vector<16xi32>
      %mul3A_778 = arith.muli %get3A_775, %mul3A_777 : vector<16xi32>
      %add3A_779 = arith.addi %mul3A_778, %add3A_44 : vector<16xi32>
      %swap3A_780 = arith.constant 0 : index
      %swap3A_781 = tpu.vector_load %arg12[%swap3A_780] {strides = array<i32>} : memref<64xi32, #tpu.memory_space<vmem>>, vector<16xi32>,
      %swap3A_782 = vector.shape_cast %swap3A_781 : vector<16xi32> to vector<16xi32>
      %swap3A_783 = vector.shape_cast %add3A_779 : vector<16xi32> to vector<16xi32>
      tpu.vector_store %arg12[%swap3A_780], %swap3A_783 {strides = array<i32>} : memref<64xi32, #tpu.memory_space<vmem>>, vector<16xi32>,
      %add3A_784 = arith.constant 16 : i32
      %add3A_785 = arith.addi %mul3A_770, %add3A_784 : i32
      %get3A_786 = arith.index_cast %add3A_785 : i32 to index
      %get3A_787 = tpu.vector_load %arg14[%get3A_786] {strides = array<i32>} : memref<6528xi32, #tpu.memory_space<vmem>>, vector<16xi32>,
      %get3A_788 = vector.shape_cast %get3A_787 : vector<16xi32> to vector<16xi32>
      %mul3A_789 = arith.constant 50 : i32
      %mul3A_790 = vector.broadcast %mul3A_789 : i32 to vector<16xi32>
      %mul3A_791 = arith.muli %get3A_788, %mul3A_790 : vector<16xi32>
      %add3A_792 = arith.addi %mul3A_791, %add3A_48 : vector<16xi32>
      %swap3A_793 = arith.constant 16 : index
      %swap3A_794 = tpu.vector_load %arg12[%swap3A_793] {strides = array<i32>} : memref<64xi32, #tpu.memory_space<vmem>>, vector<16xi32>,
      %swap3A_795 = vector.shape_cast %swap3A_794 : vector<16xi32> to vector<16xi32>
      %swap3A_796 = vector.shape_cast %add3A_792 : vector<16xi32> to vector<16xi32>
      tpu.vector_store %arg12[%swap3A_793], %swap3A_796 {strides = array<i32>} : memref<64xi32, #tpu.memory_space<vmem>>, vector<16xi32>,
      %add3A_797 = arith.constant 32 : i32
      %add3A_798 = arith.addi %mul3A_770, %add3A_797 : i32
      %get3A_799 = arith.index_cast %add3A_798 : i32 to index
      %get3A_800 = tpu.vector_load %arg14[%get3A_799] {strides = array<i32>} : memref<6528xi32, #tpu.memory_space<vmem>>, vector<16xi32>,
      %get3A_801 = vector.shape_cast %get3A_800 : vector<16xi32> to vector<16xi32>
      %mul3A_802 = arith.constant 50 : i32
      %mul3A_803 = vector.broadcast %mul3A_802 : i32 to vector<16xi32>
      %mul3A_804 = arith.muli %get3A_801, %mul3A_803 : vector<16xi32>
      %add3A_805 = arith.addi %mul3A_804, %add3A_52 : vector<16xi32>
      %swap3A_806 = arith.constant 32 : index
      %swap3A_807 = tpu.vector_load %arg12[%swap3A_806] {strides = array<i32>} : memref<64xi32, #tpu.memory_space<vmem>>, vector<16xi32>,
      %swap3A_808 = vector.shape_cast %swap3A_807 : vector<16xi32> to vector<16xi32>
      %swap3A_809 = vector.shape_cast %add3A_805 : vector<16xi32> to vector<16xi32>
      tpu.vector_store %arg12[%swap3A_806], %swap3A_809 {strides = array<i32>} : memref<64xi32, #tpu.memory_space<vmem>>, vector<16xi32>,
      %add3A_810 = arith.constant 48 : i32
      %add3A_811 = arith.addi %mul3A_770, %add3A_810 : i32
      %get3A_812 = arith.index_cast %add3A_811 : i32 to index
      %get3A_813 = tpu.vector_load %arg14[%get3A_812] {strides = array<i32>} : memref<6528xi32, #tpu.memory_space<vmem>>, vector<16xi32>,
      %get3A_814 = vector.shape_cast %get3A_813 : vector<16xi32> to vector<16xi32>
      %mul3A_815 = arith.constant 50 : i32
      %mul3A_816 = vector.broadcast %mul3A_815 : i32 to vector<16xi32>
      %mul3A_817 = arith.muli %get3A_814, %mul3A_816 : vector<16xi32>
      %add3A_818 = arith.addi %mul3A_817, %add3A_56 : vector<16xi32>
      %swap3A_819 = arith.constant 48 : index
      %swap3A_820 = tpu.vector_load %arg12[%swap3A_819] {strides = array<i32>} : memref<64xi32, #tpu.memory_space<vmem>>, vector<16xi32>,
      %swap3A_821 = vector.shape_cast %swap3A_820 : vector<16xi32> to vector<16xi32>
      %swap3A_822 = vector.shape_cast %add3A_818 : vector<16xi32> to vector<16xi32>
      tpu.vector_store %arg12[%swap3A_819], %swap3A_822 {strides = array<i32>} : memref<64xi32, #tpu.memory_space<vmem>>, vector<16xi32>,
      %gt3A = arith.constant 0 : i32
      %gt3A_823 = arith.cmpi sgt, %scan3A_762, %gt3A : i32
      %convert_element_type3A = arith.extui %gt3A_823 : i1 to i32
      %cond3A = arith.constant 0 : i32
      %cond3A_824 = arith.cmpi ne, %convert_element_type3A, %cond3A : i32
      scf.if %cond3A_824 {
        %mul3A_1615 = arith.constant 128 : i32
        %mul3A_1616 = arith.muli %add3A, %mul3A_1615 : i32
        %add3A_1617 = arith.addi %mul3A_1616, %add3A_766 : i32
        %jit3A_1618 = arith.constant 8 : i32
        %div3A_1619 = arith.divsi %add3A_1617, %jit3A_1618 : i32
        %sign3A_1620 = arith.constant 0 : i32
        %sign3A_1621 = arith.cmpi sgt, %add3A_1617, %sign3A_1620 : i32
        %sign3A_1622 = arith.extui %sign3A_1621 : i1 to i32
        %sign3A_1623 = arith.constant 0 : i32
        %sign3A_1624 = arith.cmpi slt, %add3A_1617, %sign3A_1623 : i32
        %sign3A_1625 = arith.extui %sign3A_1624 : i1 to i32
        %sign3A_1626 = arith.subi %sign3A_1622, %sign3A_1625 : i32
        %sign3A_1627 = arith.constant 0 : i32
        %sign3A_1628 = arith.cmpi sgt, %jit3A_1618, %sign3A_1627 : i32
        %sign3A_1629 = arith.extui %sign3A_1628 : i1 to i32
        %sign3A_1630 = arith.constant 0 : i32
        %sign3A_1631 = arith.cmpi slt, %jit3A_1618, %sign3A_1630 : i32
        %sign3A_1632 = arith.extui %sign3A_1631 : i1 to i32
        %sign3A_1633 = arith.subi %sign3A_1629, %sign3A_1632 : i32
        %ne3A_1634 = arith.cmpi ne, %sign3A_1626, %sign3A_1633 : i32
        %rem3A_1635 = arith.remsi %add3A_1617, %jit3A_1618 : i32
        %ne3A_1636 = arith.constant 0 : i32
        %ne3A_1637 = arith.cmpi ne, %rem3A_1635, %ne3A_1636 : i32
        %and3A_1638 = arith.andi %ne3A_1634, %ne3A_1637 : i1
        %sub3A_1639 = arith.constant 1 : i32
        %sub3A_1640 = arith.subi %div3A_1619, %sub3A_1639 : i32
        %select_n3A_1641 = arith.select %and3A_1638, %sub3A_1640, %div3A_1619 : i32
        %jit3A_1642 = arith.constant 8 : i32
        %eq3A_1643 = arith.constant 0 : i32
        %eq3A_1644 = arith.cmpi eq, %jit3A_1642, %eq3A_1643 : i32
        %jit3A_1645 = arith.constant 1 : i32
        %select_n3A_1646 = arith.select %eq3A_1644, %jit3A_1645, %jit3A_1642 : i32
        %rem3A_1647 = arith.remsi %add3A_1617, %select_n3A_1646 : i32
        %ne3A_1648 = arith.constant 0 : i32
        %ne3A_1649 = arith.cmpi ne, %rem3A_1647, %ne3A_1648 : i32
        %lt3A_1650 = arith.constant 0 : i32
        %lt3A_1651 = arith.cmpi slt, %rem3A_1647, %lt3A_1650 : i32
        %lt3A_1652 = arith.constant 0 : i32
        %lt3A_1653 = arith.cmpi slt, %select_n3A_1646, %lt3A_1652 : i32
        %ne3A_1654 = arith.xori %lt3A_1651, %lt3A_1653 : i1
        %and3A_1655 = arith.andi %ne3A_1654, %ne3A_1649 : i1
        %add3A_1656 = arith.addi %rem3A_1647, %select_n3A_1646 : i32
        %select_n3A_1657 = arith.select %and3A_1655, %add3A_1656, %rem3A_1647 : i32
        %dma_wait3A_1658 = arith.constant 0 : i32
        %dma_wait3A_1659 = arith.constant 0 : i32
        %dma_wait3A_1660 = arith.constant 0 : i32
        %dma_wait3A_1661 = tpu.memref_slice %arg7[%dma_wait3A_1658, %select_n3A_1641, %dma_wait3A_1659, %select_n3A_1657, %dma_wait3A_1660] : memref<50x512x4x8x128xf32, #tpu.memory_space<hbm>> -> memref<50x1x4x1x128xf32, #tpu.memory_space<hbm>>
        %dma_wait3A_1662 = tpu.memref_squeeze %dma_wait3A_1661 : memref<50x1x4x1x128xf32, #tpu.memory_space<hbm>> -> memref<50x4x128xf32, #tpu.memory_space<hbm>>
        %dma_wait3A_1663 = arith.constant 0 : i32
        %dma_wait3A_1664 = arith.constant 0 : i32
        %dma_wait3A_1665 = arith.constant 0 : i32
        %dma_wait3A_1666 = tpu.memref_slice %arg7[%dma_wait3A_1663, %select_n3A_1641, %dma_wait3A_1664, %select_n3A_1657, %dma_wait3A_1665] : memref<50x512x4x8x128xf32, #tpu.memory_space<hbm>> -> memref<50x1x4x1x128xf32, #tpu.memory_space<hbm>>
        %dma_wait3A_1667 = tpu.memref_squeeze %dma_wait3A_1666 : memref<50x1x4x1x128xf32, #tpu.memory_space<hbm>> -> memref<50x4x128xf32, #tpu.memory_space<hbm>>
        tpu.wait_dma2 semaphore(%arg22 : memref<!tpu.dma_semaphore, #tpu.memory_space<semaphore_mem>>) src(%arg9 : memref<50x4x128xf32, #tpu.memory_space<vmem>>) dst(%dma_wait3A_1667 : memref<50x4x128xf32, #tpu.memory_space<hbm>>)
      } else {
      }
      %dma_start3A_825 = arith.constant 0 : i32
      %dma_start3A_826 = tpu.memref_slice %arg12[%dma_start3A_825] : memref<64xi32, #tpu.memory_space<vmem>> -> memref<50xi32, #tpu.memory_space<vmem>>
      %dma_start3A_827 = arith.constant 0 : i32
      %dma_start3A_828 = arith.constant 0 : i32
      %dma_start3A_829 = arith.constant 0 : i32
      %dma_start3A_830 = tpu.memref_slice %arg17[%dma_start3A_827, %dma_start3A_828, %dma_start3A_829] : memref<1104x4x128xf32, #tpu.memory_space<vmem_shared>> -> memref<1104x4x128xf32, #tpu.memory_space<vmem_shared>>
      tpu.enqueue_indirect_dma source(%dma_start3A_830 : memref<1104x4x128xf32, #tpu.memory_space<vmem_shared>>) target(%arg9 : memref<50x4x128xf32, #tpu.memory_space<vmem>>) offsets(%dma_start3A_826 : memref<50xi32, #tpu.memory_space<vmem>>) semaphore(%arg19 : memref<!tpu.dma_semaphore, #tpu.memory_space<semaphore_mem>>)
      %dma_wait3A_831 = arith.constant 0 : i32
      %dma_wait3A_832 = tpu.memref_slice %arg11[%dma_wait3A_831] : memref<64xi32, #tpu.memory_space<vmem>> -> memref<50xi32, #tpu.memory_space<vmem>>
      %dma_wait3A_833 = arith.constant 0 : i32
      %dma_wait3A_834 = arith.constant 0 : i32
      %dma_wait3A_835 = arith.constant 0 : i32
      %dma_wait3A_836 = tpu.memref_slice %arg17[%dma_wait3A_833, %dma_wait3A_834, %dma_wait3A_835] : memref<1104x4x128xf32, #tpu.memory_space<vmem_shared>> -> memref<1104x4x128xf32, #tpu.memory_space<vmem_shared>>
      tpu.wait_indirect_dma semaphore(%arg18 : memref<!tpu.dma_semaphore, #tpu.memory_space<semaphore_mem>>) src(%dma_wait3A_836 : memref<1104x4x128xf32, #tpu.memory_space<vmem_shared>>) dst(%arg8 : memref<50x4x128xf32, #tpu.memory_space<vmem>>)
      %get3A_837 = arith.index_cast %add3A_766 : i32 to index
      %get3A_838 = tpu.vector_load %arg15[%get3A_837] {strides = array<i32>} : memref<144xi32, #tpu.memory_space<vmem>>, vector<16xi32>,
      %get3A_839 = vector.shape_cast %get3A_838 : vector<16xi32> to vector<16xi32>
      %slice3A_840 = vector.extract_strided_slice %get3A_839 {offsets = [0], sizes = [1], strides = [1]} : vector<16xi32> to vector<1xi32>
      %squeeze3A_841 = vector.extract %slice3A_840[0] : i32 from vector<1xi32>
      %get3A_842 = arith.index_cast %squeeze3A_841 : i32 to index
      %get3A_843 = arith.constant 0 : index
      %get3A_844 = tpu.vector_load %arg16[%get3A_842, %get3A_843] {strides = array<i32>} : memref<10x512xf32, #tpu.memory_space<vmem>>, vector<1x16xf32>,
      %get3A_845 = vector.shape_cast %get3A_844 : vector<1x16xf32> to vector<16xf32>
      %get3A_846 = arith.index_cast %squeeze3A_841 : i32 to index
      %get3A_847 = arith.constant 16 : index
      %get3A_848 = tpu.vector_load %arg16[%get3A_846, %get3A_847] {strides = array<i32>} : memref<10x512xf32, #tpu.memory_space<vmem>>, vector<1x16xf32>,
      %get3A_849 = vector.shape_cast %get3A_848 : vector<1x16xf32> to vector<16xf32>
      %get3A_850 = arith.index_cast %squeeze3A_841 : i32 to index
      %get3A_851 = arith.constant 32 : index
      %get3A_852 = tpu.vector_load %arg16[%get3A_850, %get3A_851] {strides = array<i32>} : memref<10x512xf32, #tpu.memory_space<vmem>>, vector<1x16xf32>,
      %get3A_853 = vector.shape_cast %get3A_852 : vector<1x16xf32> to vector<16xf32>
      %get3A_854 = arith.index_cast %squeeze3A_841 : i32 to index
      %get3A_855 = arith.constant 48 : index
      %get3A_856 = tpu.vector_load %arg16[%get3A_854, %get3A_855] {strides = array<i32>} : memref<10x512xf32, #tpu.memory_space<vmem>>, vector<1x16xf32>,
      %get3A_857 = vector.shape_cast %get3A_856 : vector<1x16xf32> to vector<16xf32>
      %get3A_858 = arith.index_cast %squeeze3A_841 : i32 to index
      %get3A_859 = arith.constant 64 : index
      %get3A_860 = tpu.vector_load %arg16[%get3A_858, %get3A_859] {strides = array<i32>} : memref<10x512xf32, #tpu.memory_space<vmem>>, vector<1x16xf32>,
      %get3A_861 = vector.shape_cast %get3A_860 : vector<1x16xf32> to vector<16xf32>
      %get3A_862 = arith.index_cast %squeeze3A_841 : i32 to index
      %get3A_863 = arith.constant 80 : index
      %get3A_864 = tpu.vector_load %arg16[%get3A_862, %get3A_863] {strides = array<i32>} : memref<10x512xf32, #tpu.memory_space<vmem>>, vector<1x16xf32>,
      %get3A_865 = vector.shape_cast %get3A_864 : vector<1x16xf32> to vector<16xf32>
      %get3A_866 = arith.index_cast %squeeze3A_841 : i32 to index
      %get3A_867 = arith.constant 96 : index
      %get3A_868 = tpu.vector_load %arg16[%get3A_866, %get3A_867] {strides = array<i32>} : memref<10x512xf32, #tpu.memory_space<vmem>>, vector<1x16xf32>,
      %get3A_869 = vector.shape_cast %get3A_868 : vector<1x16xf32> to vector<16xf32>
      %get3A_870 = arith.index_cast %squeeze3A_841 : i32 to index
      %get3A_871 = arith.constant 112 : index
      %get3A_872 = tpu.vector_load %arg16[%get3A_870, %get3A_871] {strides = array<i32>} : memref<10x512xf32, #tpu.memory_space<vmem>>, vector<1x16xf32>,
      %get3A_873 = vector.shape_cast %get3A_872 : vector<1x16xf32> to vector<16xf32>
      %get3A_874 = arith.index_cast %squeeze3A_841 : i32 to index
      %get3A_875 = arith.constant 128 : index
      %get3A_876 = tpu.vector_load %arg16[%get3A_874, %get3A_875] {strides = array<i32>} : memref<10x512xf32, #tpu.memory_space<vmem>>, vector<1x16xf32>,
      %get3A_877 = vector.shape_cast %get3A_876 : vector<1x16xf32> to vector<16xf32>
      %get3A_878 = arith.index_cast %squeeze3A_841 : i32 to index
      %get3A_879 = arith.constant 144 : index
      %get3A_880 = tpu.vector_load %arg16[%get3A_878, %get3A_879] {strides = array<i32>} : memref<10x512xf32, #tpu.memory_space<vmem>>, vector<1x16xf32>,
      %get3A_881 = vector.shape_cast %get3A_880 : vector<1x16xf32> to vector<16xf32>
      %get3A_882 = arith.index_cast %squeeze3A_841 : i32 to index
      %get3A_883 = arith.constant 160 : index
      %get3A_884 = tpu.vector_load %arg16[%get3A_882, %get3A_883] {strides = array<i32>} : memref<10x512xf32, #tpu.memory_space<vmem>>, vector<1x16xf32>,
      %get3A_885 = vector.shape_cast %get3A_884 : vector<1x16xf32> to vector<16xf32>
      %get3A_886 = arith.index_cast %squeeze3A_841 : i32 to index
      %get3A_887 = arith.constant 176 : index
      %get3A_888 = tpu.vector_load %arg16[%get3A_886, %get3A_887] {strides = array<i32>} : memref<10x512xf32, #tpu.memory_space<vmem>>, vector<1x16xf32>,
      %get3A_889 = vector.shape_cast %get3A_888 : vector<1x16xf32> to vector<16xf32>
      %get3A_890 = arith.index_cast %squeeze3A_841 : i32 to index
      %get3A_891 = arith.constant 192 : index
      %get3A_892 = tpu.vector_load %arg16[%get3A_890, %get3A_891] {strides = array<i32>} : memref<10x512xf32, #tpu.memory_space<vmem>>, vector<1x16xf32>,
      %get3A_893 = vector.shape_cast %get3A_892 : vector<1x16xf32> to vector<16xf32>
      %get3A_894 = arith.index_cast %squeeze3A_841 : i32 to index
      %get3A_895 = arith.constant 208 : index
      %get3A_896 = tpu.vector_load %arg16[%get3A_894, %get3A_895] {strides = array<i32>} : memref<10x512xf32, #tpu.memory_space<vmem>>, vector<1x16xf32>,
      %get3A_897 = vector.shape_cast %get3A_896 : vector<1x16xf32> to vector<16xf32>
      %get3A_898 = arith.index_cast %squeeze3A_841 : i32 to index
      %get3A_899 = arith.constant 224 : index
      %get3A_900 = tpu.vector_load %arg16[%get3A_898, %get3A_899] {strides = array<i32>} : memref<10x512xf32, #tpu.memory_space<vmem>>, vector<1x16xf32>,
      %get3A_901 = vector.shape_cast %get3A_900 : vector<1x16xf32> to vector<16xf32>
      %get3A_902 = arith.index_cast %squeeze3A_841 : i32 to index
      %get3A_903 = arith.constant 240 : index
      %get3A_904 = tpu.vector_load %arg16[%get3A_902, %get3A_903] {strides = array<i32>} : memref<10x512xf32, #tpu.memory_space<vmem>>, vector<1x16xf32>,
      %get3A_905 = vector.shape_cast %get3A_904 : vector<1x16xf32> to vector<16xf32>
      %get3A_906 = arith.index_cast %squeeze3A_841 : i32 to index
      %get3A_907 = arith.constant 256 : index
      %get3A_908 = tpu.vector_load %arg16[%get3A_906, %get3A_907] {strides = array<i32>} : memref<10x512xf32, #tpu.memory_space<vmem>>, vector<1x16xf32>,
      %get3A_909 = vector.shape_cast %get3A_908 : vector<1x16xf32> to vector<16xf32>
      %get3A_910 = arith.index_cast %squeeze3A_841 : i32 to index
      %get3A_911 = arith.constant 272 : index
      %get3A_912 = tpu.vector_load %arg16[%get3A_910, %get3A_911] {strides = array<i32>} : memref<10x512xf32, #tpu.memory_space<vmem>>, vector<1x16xf32>,
      %get3A_913 = vector.shape_cast %get3A_912 : vector<1x16xf32> to vector<16xf32>
      %get3A_914 = arith.index_cast %squeeze3A_841 : i32 to index
      %get3A_915 = arith.constant 288 : index
      %get3A_916 = tpu.vector_load %arg16[%get3A_914, %get3A_915] {strides = array<i32>} : memref<10x512xf32, #tpu.memory_space<vmem>>, vector<1x16xf32>,
      %get3A_917 = vector.shape_cast %get3A_916 : vector<1x16xf32> to vector<16xf32>
      %get3A_918 = arith.index_cast %squeeze3A_841 : i32 to index
      %get3A_919 = arith.constant 304 : index
      %get3A_920 = tpu.vector_load %arg16[%get3A_918, %get3A_919] {strides = array<i32>} : memref<10x512xf32, #tpu.memory_space<vmem>>, vector<1x16xf32>,
      %get3A_921 = vector.shape_cast %get3A_920 : vector<1x16xf32> to vector<16xf32>
      %get3A_922 = arith.index_cast %squeeze3A_841 : i32 to index
      %get3A_923 = arith.constant 320 : index
      %get3A_924 = tpu.vector_load %arg16[%get3A_922, %get3A_923] {strides = array<i32>} : memref<10x512xf32, #tpu.memory_space<vmem>>, vector<1x16xf32>,
      %get3A_925 = vector.shape_cast %get3A_924 : vector<1x16xf32> to vector<16xf32>
      %get3A_926 = arith.index_cast %squeeze3A_841 : i32 to index
      %get3A_927 = arith.constant 336 : index
      %get3A_928 = tpu.vector_load %arg16[%get3A_926, %get3A_927] {strides = array<i32>} : memref<10x512xf32, #tpu.memory_space<vmem>>, vector<1x16xf32>,
      %get3A_929 = vector.shape_cast %get3A_928 : vector<1x16xf32> to vector<16xf32>
      %get3A_930 = arith.index_cast %squeeze3A_841 : i32 to index
      %get3A_931 = arith.constant 352 : index
      %get3A_932 = tpu.vector_load %arg16[%get3A_930, %get3A_931] {strides = array<i32>} : memref<10x512xf32, #tpu.memory_space<vmem>>, vector<1x16xf32>,
      %get3A_933 = vector.shape_cast %get3A_932 : vector<1x16xf32> to vector<16xf32>
      %get3A_934 = arith.index_cast %squeeze3A_841 : i32 to index
      %get3A_935 = arith.constant 368 : index
      %get3A_936 = tpu.vector_load %arg16[%get3A_934, %get3A_935] {strides = array<i32>} : memref<10x512xf32, #tpu.memory_space<vmem>>, vector<1x16xf32>,
      %get3A_937 = vector.shape_cast %get3A_936 : vector<1x16xf32> to vector<16xf32>
      %get3A_938 = arith.index_cast %squeeze3A_841 : i32 to index
      %get3A_939 = arith.constant 384 : index
      %get3A_940 = tpu.vector_load %arg16[%get3A_938, %get3A_939] {strides = array<i32>} : memref<10x512xf32, #tpu.memory_space<vmem>>, vector<1x16xf32>,
      %get3A_941 = vector.shape_cast %get3A_940 : vector<1x16xf32> to vector<16xf32>
      %get3A_942 = arith.index_cast %squeeze3A_841 : i32 to index
      %get3A_943 = arith.constant 400 : index
      %get3A_944 = tpu.vector_load %arg16[%get3A_942, %get3A_943] {strides = array<i32>} : memref<10x512xf32, #tpu.memory_space<vmem>>, vector<1x16xf32>,
      %get3A_945 = vector.shape_cast %get3A_944 : vector<1x16xf32> to vector<16xf32>
      %get3A_946 = arith.index_cast %squeeze3A_841 : i32 to index
      %get3A_947 = arith.constant 416 : index
      %get3A_948 = tpu.vector_load %arg16[%get3A_946, %get3A_947] {strides = array<i32>} : memref<10x512xf32, #tpu.memory_space<vmem>>, vector<1x16xf32>,
      %get3A_949 = vector.shape_cast %get3A_948 : vector<1x16xf32> to vector<16xf32>
      %get3A_950 = arith.index_cast %squeeze3A_841 : i32 to index
      %get3A_951 = arith.constant 432 : index
      %get3A_952 = tpu.vector_load %arg16[%get3A_950, %get3A_951] {strides = array<i32>} : memref<10x512xf32, #tpu.memory_space<vmem>>, vector<1x16xf32>,
      %get3A_953 = vector.shape_cast %get3A_952 : vector<1x16xf32> to vector<16xf32>
      %get3A_954 = arith.index_cast %squeeze3A_841 : i32 to index
      %get3A_955 = arith.constant 448 : index
      %get3A_956 = tpu.vector_load %arg16[%get3A_954, %get3A_955] {strides = array<i32>} : memref<10x512xf32, #tpu.memory_space<vmem>>, vector<1x16xf32>,
      %get3A_957 = vector.shape_cast %get3A_956 : vector<1x16xf32> to vector<16xf32>
      %get3A_958 = arith.index_cast %squeeze3A_841 : i32 to index
      %get3A_959 = arith.constant 464 : index
      %get3A_960 = tpu.vector_load %arg16[%get3A_958, %get3A_959] {strides = array<i32>} : memref<10x512xf32, #tpu.memory_space<vmem>>, vector<1x16xf32>,
      %get3A_961 = vector.shape_cast %get3A_960 : vector<1x16xf32> to vector<16xf32>
      %get3A_962 = arith.index_cast %squeeze3A_841 : i32 to index
      %get3A_963 = arith.constant 480 : index
      %get3A_964 = tpu.vector_load %arg16[%get3A_962, %get3A_963] {strides = array<i32>} : memref<10x512xf32, #tpu.memory_space<vmem>>, vector<1x16xf32>,
      %get3A_965 = vector.shape_cast %get3A_964 : vector<1x16xf32> to vector<16xf32>
      %get3A_966 = arith.index_cast %squeeze3A_841 : i32 to index
      %get3A_967 = arith.constant 496 : index
      %get3A_968 = tpu.vector_load %arg16[%get3A_966, %get3A_967] {strides = array<i32>} : memref<10x512xf32, #tpu.memory_space<vmem>>, vector<1x16xf32>,
      %get3A_969 = vector.shape_cast %get3A_968 : vector<1x16xf32> to vector<16xf32>
      %scan3A_970 = arith.constant 0 : i32
      %scan3A_971 = arith.constant 0 : i32
      %scan3A_972 = arith.constant 50 : i32
      %scan3A_973 = arith.addi %scan3A_971, %scan3A_972 : i32
      %scan3A_974 = arith.constant 1 : i32
      scf.for %scan3A_1615 = %scan3A_971 to %scan3A_973 step %scan3A_974  : i32 {
        %swap3A_1616 = arith.constant 0 : i32
        %swap3A_1617 = arith.index_cast %scan3A_1615 : i32 to index
        %swap3A_1618 = arith.index_cast %swap3A_1616 : i32 to index
        %swap3A_1619 = arith.constant 0 : index
        %swap3A_1620 = tpu.vector_load %arg8[%swap3A_1617, %swap3A_1618, %swap3A_1619] {strides = array<i32>} : memref<50x4x128xf32, #tpu.memory_space<vmem>>, vector<1x1x16xf32>,
        %swap3A_1621 = vector.shape_cast %swap3A_1620 : vector<1x1x16xf32> to vector<16xf32>
        %swap3A_1622 = vector.shape_cast %get3A_845 : vector<16xf32> to vector<1x1x16xf32>
        tpu.vector_store %arg8[%swap3A_1617, %swap3A_1618, %swap3A_1619], %swap3A_1622 {add = true, strides = array<i32>} : memref<50x4x128xf32, #tpu.memory_space<vmem>>, vector<1x1x16xf32>,
        %swap3A_1623 = arith.constant 0 : i32
        %swap3A_1624 = arith.index_cast %scan3A_1615 : i32 to index
        %swap3A_1625 = arith.index_cast %swap3A_1623 : i32 to index
        %swap3A_1626 = arith.constant 16 : index
        %swap3A_1627 = tpu.vector_load %arg8[%swap3A_1624, %swap3A_1625, %swap3A_1626] {strides = array<i32>} : memref<50x4x128xf32, #tpu.memory_space<vmem>>, vector<1x1x16xf32>,
        %swap3A_1628 = vector.shape_cast %swap3A_1627 : vector<1x1x16xf32> to vector<16xf32>
        %swap3A_1629 = vector.shape_cast %get3A_849 : vector<16xf32> to vector<1x1x16xf32>
        tpu.vector_store %arg8[%swap3A_1624, %swap3A_1625, %swap3A_1626], %swap3A_1629 {add = true, strides = array<i32>} : memref<50x4x128xf32, #tpu.memory_space<vmem>>, vector<1x1x16xf32>,
        %swap3A_1630 = arith.constant 0 : i32
        %swap3A_1631 = arith.index_cast %scan3A_1615 : i32 to index
        %swap3A_1632 = arith.index_cast %swap3A_1630 : i32 to index
        %swap3A_1633 = arith.constant 32 : index
        %swap3A_1634 = tpu.vector_load %arg8[%swap3A_1631, %swap3A_1632, %swap3A_1633] {strides = array<i32>} : memref<50x4x128xf32, #tpu.memory_space<vmem>>, vector<1x1x16xf32>,
        %swap3A_1635 = vector.shape_cast %swap3A_1634 : vector<1x1x16xf32> to vector<16xf32>
        %swap3A_1636 = vector.shape_cast %get3A_853 : vector<16xf32> to vector<1x1x16xf32>
        tpu.vector_store %arg8[%swap3A_1631, %swap3A_1632, %swap3A_1633], %swap3A_1636 {add = true, strides = array<i32>} : memref<50x4x128xf32, #tpu.memory_space<vmem>>, vector<1x1x16xf32>,
        %swap3A_1637 = arith.constant 0 : i32
        %swap3A_1638 = arith.index_cast %scan3A_1615 : i32 to index
        %swap3A_1639 = arith.index_cast %swap3A_1637 : i32 to index
        %swap3A_1640 = arith.constant 48 : index
        %swap3A_1641 = tpu.vector_load %arg8[%swap3A_1638, %swap3A_1639, %swap3A_1640] {strides = array<i32>} : memref<50x4x128xf32, #tpu.memory_space<vmem>>, vector<1x1x16xf32>,
        %swap3A_1642 = vector.shape_cast %swap3A_1641 : vector<1x1x16xf32> to vector<16xf32>
        %swap3A_1643 = vector.shape_cast %get3A_857 : vector<16xf32> to vector<1x1x16xf32>
        tpu.vector_store %arg8[%swap3A_1638, %swap3A_1639, %swap3A_1640], %swap3A_1643 {add = true, strides = array<i32>} : memref<50x4x128xf32, #tpu.memory_space<vmem>>, vector<1x1x16xf32>,
        %swap3A_1644 = arith.constant 0 : i32
        %swap3A_1645 = arith.index_cast %scan3A_1615 : i32 to index
        %swap3A_1646 = arith.index_cast %swap3A_1644 : i32 to index
        %swap3A_1647 = arith.constant 64 : index
        %swap3A_1648 = tpu.vector_load %arg8[%swap3A_1645, %swap3A_1646, %swap3A_1647] {strides = array<i32>} : memref<50x4x128xf32, #tpu.memory_space<vmem>>, vector<1x1x16xf32>,
        %swap3A_1649 = vector.shape_cast %swap3A_1648 : vector<1x1x16xf32> to vector<16xf32>
        %swap3A_1650 = vector.shape_cast %get3A_861 : vector<16xf32> to vector<1x1x16xf32>
        tpu.vector_store %arg8[%swap3A_1645, %swap3A_1646, %swap3A_1647], %swap3A_1650 {add = true, strides = array<i32>} : memref<50x4x128xf32, #tpu.memory_space<vmem>>, vector<1x1x16xf32>,
        %swap3A_1651 = arith.constant 0 : i32
        %swap3A_1652 = arith.index_cast %scan3A_1615 : i32 to index
        %swap3A_1653 = arith.index_cast %swap3A_1651 : i32 to index
        %swap3A_1654 = arith.constant 80 : index
        %swap3A_1655 = tpu.vector_load %arg8[%swap3A_1652, %swap3A_1653, %swap3A_1654] {strides = array<i32>} : memref<50x4x128xf32, #tpu.memory_space<vmem>>, vector<1x1x16xf32>,
        %swap3A_1656 = vector.shape_cast %swap3A_1655 : vector<1x1x16xf32> to vector<16xf32>
        %swap3A_1657 = vector.shape_cast %get3A_865 : vector<16xf32> to vector<1x1x16xf32>
        tpu.vector_store %arg8[%swap3A_1652, %swap3A_1653, %swap3A_1654], %swap3A_1657 {add = true, strides = array<i32>} : memref<50x4x128xf32, #tpu.memory_space<vmem>>, vector<1x1x16xf32>,
        %swap3A_1658 = arith.constant 0 : i32
        %swap3A_1659 = arith.index_cast %scan3A_1615 : i32 to index
        %swap3A_1660 = arith.index_cast %swap3A_1658 : i32 to index
        %swap3A_1661 = arith.constant 96 : index
        %swap3A_1662 = tpu.vector_load %arg8[%swap3A_1659, %swap3A_1660, %swap3A_1661] {strides = array<i32>} : memref<50x4x128xf32, #tpu.memory_space<vmem>>, vector<1x1x16xf32>,
        %swap3A_1663 = vector.shape_cast %swap3A_1662 : vector<1x1x16xf32> to vector<16xf32>
        %swap3A_1664 = vector.shape_cast %get3A_869 : vector<16xf32> to vector<1x1x16xf32>
        tpu.vector_store %arg8[%swap3A_1659, %swap3A_1660, %swap3A_1661], %swap3A_1664 {add = true, strides = array<i32>} : memref<50x4x128xf32, #tpu.memory_space<vmem>>, vector<1x1x16xf32>,
        %swap3A_1665 = arith.constant 0 : i32
        %swap3A_1666 = arith.index_cast %scan3A_1615 : i32 to index
        %swap3A_1667 = arith.index_cast %swap3A_1665 : i32 to index
        %swap3A_1668 = arith.constant 112 : index
        %swap3A_1669 = tpu.vector_load %arg8[%swap3A_1666, %swap3A_1667, %swap3A_1668] {strides = array<i32>} : memref<50x4x128xf32, #tpu.memory_space<vmem>>, vector<1x1x16xf32>,
        %swap3A_1670 = vector.shape_cast %swap3A_1669 : vector<1x1x16xf32> to vector<16xf32>
        %swap3A_1671 = vector.shape_cast %get3A_873 : vector<16xf32> to vector<1x1x16xf32>
        tpu.vector_store %arg8[%swap3A_1666, %swap3A_1667, %swap3A_1668], %swap3A_1671 {add = true, strides = array<i32>} : memref<50x4x128xf32, #tpu.memory_space<vmem>>, vector<1x1x16xf32>,
        %swap3A_1672 = arith.constant 1 : i32
        %swap3A_1673 = arith.index_cast %scan3A_1615 : i32 to index
        %swap3A_1674 = arith.index_cast %swap3A_1672 : i32 to index
        %swap3A_1675 = arith.constant 0 : index
        %swap3A_1676 = tpu.vector_load %arg8[%swap3A_1673, %swap3A_1674, %swap3A_1675] {strides = array<i32>} : memref<50x4x128xf32, #tpu.memory_space<vmem>>, vector<1x1x16xf32>,
        %swap3A_1677 = vector.shape_cast %swap3A_1676 : vector<1x1x16xf32> to vector<16xf32>
        %swap3A_1678 = vector.shape_cast %get3A_877 : vector<16xf32> to vector<1x1x16xf32>
        tpu.vector_store %arg8[%swap3A_1673, %swap3A_1674, %swap3A_1675], %swap3A_1678 {add = true, strides = array<i32>} : memref<50x4x128xf32, #tpu.memory_space<vmem>>, vector<1x1x16xf32>,
        %swap3A_1679 = arith.constant 1 : i32
        %swap3A_1680 = arith.index_cast %scan3A_1615 : i32 to index
        %swap3A_1681 = arith.index_cast %swap3A_1679 : i32 to index
        %swap3A_1682 = arith.constant 16 : index
        %swap3A_1683 = tpu.vector_load %arg8[%swap3A_1680, %swap3A_1681, %swap3A_1682] {strides = array<i32>} : memref<50x4x128xf32, #tpu.memory_space<vmem>>, vector<1x1x16xf32>,
        %swap3A_1684 = vector.shape_cast %swap3A_1683 : vector<1x1x16xf32> to vector<16xf32>
        %swap3A_1685 = vector.shape_cast %get3A_881 : vector<16xf32> to vector<1x1x16xf32>
        tpu.vector_store %arg8[%swap3A_1680, %swap3A_1681, %swap3A_1682], %swap3A_1685 {add = true, strides = array<i32>} : memref<50x4x128xf32, #tpu.memory_space<vmem>>, vector<1x1x16xf32>,
        %swap3A_1686 = arith.constant 1 : i32
        %swap3A_1687 = arith.index_cast %scan3A_1615 : i32 to index
        %swap3A_1688 = arith.index_cast %swap3A_1686 : i32 to index
        %swap3A_1689 = arith.constant 32 : index
        %swap3A_1690 = tpu.vector_load %arg8[%swap3A_1687, %swap3A_1688, %swap3A_1689] {strides = array<i32>} : memref<50x4x128xf32, #tpu.memory_space<vmem>>, vector<1x1x16xf32>,
        %swap3A_1691 = vector.shape_cast %swap3A_1690 : vector<1x1x16xf32> to vector<16xf32>
        %swap3A_1692 = vector.shape_cast %get3A_885 : vector<16xf32> to vector<1x1x16xf32>
        tpu.vector_store %arg8[%swap3A_1687, %swap3A_1688, %swap3A_1689], %swap3A_1692 {add = true, strides = array<i32>} : memref<50x4x128xf32, #tpu.memory_space<vmem>>, vector<1x1x16xf32>,
        %swap3A_1693 = arith.constant 1 : i32
        %swap3A_1694 = arith.index_cast %scan3A_1615 : i32 to index
        %swap3A_1695 = arith.index_cast %swap3A_1693 : i32 to index
        %swap3A_1696 = arith.constant 48 : index
        %swap3A_1697 = tpu.vector_load %arg8[%swap3A_1694, %swap3A_1695, %swap3A_1696] {strides = array<i32>} : memref<50x4x128xf32, #tpu.memory_space<vmem>>, vector<1x1x16xf32>,
        %swap3A_1698 = vector.shape_cast %swap3A_1697 : vector<1x1x16xf32> to vector<16xf32>
        %swap3A_1699 = vector.shape_cast %get3A_889 : vector<16xf32> to vector<1x1x16xf32>
        tpu.vector_store %arg8[%swap3A_1694, %swap3A_1695, %swap3A_1696], %swap3A_1699 {add = true, strides = array<i32>} : memref<50x4x128xf32, #tpu.memory_space<vmem>>, vector<1x1x16xf32>,
        %swap3A_1700 = arith.constant 1 : i32
        %swap3A_1701 = arith.index_cast %scan3A_1615 : i32 to index
        %swap3A_1702 = arith.index_cast %swap3A_1700 : i32 to index
        %swap3A_1703 = arith.constant 64 : index
        %swap3A_1704 = tpu.vector_load %arg8[%swap3A_1701, %swap3A_1702, %swap3A_1703] {strides = array<i32>} : memref<50x4x128xf32, #tpu.memory_space<vmem>>, vector<1x1x16xf32>,
        %swap3A_1705 = vector.shape_cast %swap3A_1704 : vector<1x1x16xf32> to vector<16xf32>
        %swap3A_1706 = vector.shape_cast %get3A_893 : vector<16xf32> to vector<1x1x16xf32>
        tpu.vector_store %arg8[%swap3A_1701, %swap3A_1702, %swap3A_1703], %swap3A_1706 {add = true, strides = array<i32>} : memref<50x4x128xf32, #tpu.memory_space<vmem>>, vector<1x1x16xf32>,
        %swap3A_1707 = arith.constant 1 : i32
        %swap3A_1708 = arith.index_cast %scan3A_1615 : i32 to index
        %swap3A_1709 = arith.index_cast %swap3A_1707 : i32 to index
        %swap3A_1710 = arith.constant 80 : index
        %swap3A_1711 = tpu.vector_load %arg8[%swap3A_1708, %swap3A_1709, %swap3A_1710] {strides = array<i32>} : memref<50x4x128xf32, #tpu.memory_space<vmem>>, vector<1x1x16xf32>,
        %swap3A_1712 = vector.shape_cast %swap3A_1711 : vector<1x1x16xf32> to vector<16xf32>
        %swap3A_1713 = vector.shape_cast %get3A_897 : vector<16xf32> to vector<1x1x16xf32>
        tpu.vector_store %arg8[%swap3A_1708, %swap3A_1709, %swap3A_1710], %swap3A_1713 {add = true, strides = array<i32>} : memref<50x4x128xf32, #tpu.memory_space<vmem>>, vector<1x1x16xf32>,
        %swap3A_1714 = arith.constant 1 : i32
        %swap3A_1715 = arith.index_cast %scan3A_1615 : i32 to index
        %swap3A_1716 = arith.index_cast %swap3A_1714 : i32 to index
        %swap3A_1717 = arith.constant 96 : index
        %swap3A_1718 = tpu.vector_load %arg8[%swap3A_1715, %swap3A_1716, %swap3A_1717] {strides = array<i32>} : memref<50x4x128xf32, #tpu.memory_space<vmem>>, vector<1x1x16xf32>,
        %swap3A_1719 = vector.shape_cast %swap3A_1718 : vector<1x1x16xf32> to vector<16xf32>
        %swap3A_1720 = vector.shape_cast %get3A_901 : vector<16xf32> to vector<1x1x16xf32>
        tpu.vector_store %arg8[%swap3A_1715, %swap3A_1716, %swap3A_1717], %swap3A_1720 {add = true, strides = array<i32>} : memref<50x4x128xf32, #tpu.memory_space<vmem>>, vector<1x1x16xf32>,
        %swap3A_1721 = arith.constant 1 : i32
        %swap3A_1722 = arith.index_cast %scan3A_1615 : i32 to index
        %swap3A_1723 = arith.index_cast %swap3A_1721 : i32 to index
        %swap3A_1724 = arith.constant 112 : index
        %swap3A_1725 = tpu.vector_load %arg8[%swap3A_1722, %swap3A_1723, %swap3A_1724] {strides = array<i32>} : memref<50x4x128xf32, #tpu.memory_space<vmem>>, vector<1x1x16xf32>,
        %swap3A_1726 = vector.shape_cast %swap3A_1725 : vector<1x1x16xf32> to vector<16xf32>
        %swap3A_1727 = vector.shape_cast %get3A_905 : vector<16xf32> to vector<1x1x16xf32>
        tpu.vector_store %arg8[%swap3A_1722, %swap3A_1723, %swap3A_1724], %swap3A_1727 {add = true, strides = array<i32>} : memref<50x4x128xf32, #tpu.memory_space<vmem>>, vector<1x1x16xf32>,
        %swap3A_1728 = arith.constant 2 : i32
        %swap3A_1729 = arith.index_cast %scan3A_1615 : i32 to index
        %swap3A_1730 = arith.index_cast %swap3A_1728 : i32 to index
        %swap3A_1731 = arith.constant 0 : index
        %swap3A_1732 = tpu.vector_load %arg8[%swap3A_1729, %swap3A_1730, %swap3A_1731] {strides = array<i32>} : memref<50x4x128xf32, #tpu.memory_space<vmem>>, vector<1x1x16xf32>,
        %swap3A_1733 = vector.shape_cast %swap3A_1732 : vector<1x1x16xf32> to vector<16xf32>
        %swap3A_1734 = vector.shape_cast %get3A_909 : vector<16xf32> to vector<1x1x16xf32>
        tpu.vector_store %arg8[%swap3A_1729, %swap3A_1730, %swap3A_1731], %swap3A_1734 {add = true, strides = array<i32>} : memref<50x4x128xf32, #tpu.memory_space<vmem>>, vector<1x1x16xf32>,
        %swap3A_1735 = arith.constant 2 : i32
        %swap3A_1736 = arith.index_cast %scan3A_1615 : i32 to index
        %swap3A_1737 = arith.index_cast %swap3A_1735 : i32 to index
        %swap3A_1738 = arith.constant 16 : index
        %swap3A_1739 = tpu.vector_load %arg8[%swap3A_1736, %swap3A_1737, %swap3A_1738] {strides = array<i32>} : memref<50x4x128xf32, #tpu.memory_space<vmem>>, vector<1x1x16xf32>,
        %swap3A_1740 = vector.shape_cast %swap3A_1739 : vector<1x1x16xf32> to vector<16xf32>
        %swap3A_1741 = vector.shape_cast %get3A_913 : vector<16xf32> to vector<1x1x16xf32>
        tpu.vector_store %arg8[%swap3A_1736, %swap3A_1737, %swap3A_1738], %swap3A_1741 {add = true, strides = array<i32>} : memref<50x4x128xf32, #tpu.memory_space<vmem>>, vector<1x1x16xf32>,
        %swap3A_1742 = arith.constant 2 : i32
        %swap3A_1743 = arith.index_cast %scan3A_1615 : i32 to index
        %swap3A_1744 = arith.index_cast %swap3A_1742 : i32 to index
        %swap3A_1745 = arith.constant 32 : index
        %swap3A_1746 = tpu.vector_load %arg8[%swap3A_1743, %swap3A_1744, %swap3A_1745] {strides = array<i32>} : memref<50x4x128xf32, #tpu.memory_space<vmem>>, vector<1x1x16xf32>,
        %swap3A_1747 = vector.shape_cast %swap3A_1746 : vector<1x1x16xf32> to vector<16xf32>
        %swap3A_1748 = vector.shape_cast %get3A_917 : vector<16xf32> to vector<1x1x16xf32>
        tpu.vector_store %arg8[%swap3A_1743, %swap3A_1744, %swap3A_1745], %swap3A_1748 {add = true, strides = array<i32>} : memref<50x4x128xf32, #tpu.memory_space<vmem>>, vector<1x1x16xf32>,
        %swap3A_1749 = arith.constant 2 : i32
        %swap3A_1750 = arith.index_cast %scan3A_1615 : i32 to index
        %swap3A_1751 = arith.index_cast %swap3A_1749 : i32 to index
        %swap3A_1752 = arith.constant 48 : index
        %swap3A_1753 = tpu.vector_load %arg8[%swap3A_1750, %swap3A_1751, %swap3A_1752] {strides = array<i32>} : memref<50x4x128xf32, #tpu.memory_space<vmem>>, vector<1x1x16xf32>,
        %swap3A_1754 = vector.shape_cast %swap3A_1753 : vector<1x1x16xf32> to vector<16xf32>
        %swap3A_1755 = vector.shape_cast %get3A_921 : vector<16xf32> to vector<1x1x16xf32>
        tpu.vector_store %arg8[%swap3A_1750, %swap3A_1751, %swap3A_1752], %swap3A_1755 {add = true, strides = array<i32>} : memref<50x4x128xf32, #tpu.memory_space<vmem>>, vector<1x1x16xf32>,
        %swap3A_1756 = arith.constant 2 : i32
        %swap3A_1757 = arith.index_cast %scan3A_1615 : i32 to index
        %swap3A_1758 = arith.index_cast %swap3A_1756 : i32 to index
        %swap3A_1759 = arith.constant 64 : index
        %swap3A_1760 = tpu.vector_load %arg8[%swap3A_1757, %swap3A_1758, %swap3A_1759] {strides = array<i32>} : memref<50x4x128xf32, #tpu.memory_space<vmem>>, vector<1x1x16xf32>,
        %swap3A_1761 = vector.shape_cast %swap3A_1760 : vector<1x1x16xf32> to vector<16xf32>
        %swap3A_1762 = vector.shape_cast %get3A_925 : vector<16xf32> to vector<1x1x16xf32>
        tpu.vector_store %arg8[%swap3A_1757, %swap3A_1758, %swap3A_1759], %swap3A_1762 {add = true, strides = array<i32>} : memref<50x4x128xf32, #tpu.memory_space<vmem>>, vector<1x1x16xf32>,
        %swap3A_1763 = arith.constant 2 : i32
        %swap3A_1764 = arith.index_cast %scan3A_1615 : i32 to index
        %swap3A_1765 = arith.index_cast %swap3A_1763 : i32 to index
        %swap3A_1766 = arith.constant 80 : index
        %swap3A_1767 = tpu.vector_load %arg8[%swap3A_1764, %swap3A_1765, %swap3A_1766] {strides = array<i32>} : memref<50x4x128xf32, #tpu.memory_space<vmem>>, vector<1x1x16xf32>,
        %swap3A_1768 = vector.shape_cast %swap3A_1767 : vector<1x1x16xf32> to vector<16xf32>
        %swap3A_1769 = vector.shape_cast %get3A_929 : vector<16xf32> to vector<1x1x16xf32>
        tpu.vector_store %arg8[%swap3A_1764, %swap3A_1765, %swap3A_1766], %swap3A_1769 {add = true, strides = array<i32>} : memref<50x4x128xf32, #tpu.memory_space<vmem>>, vector<1x1x16xf32>,
        %swap3A_1770 = arith.constant 2 : i32
        %swap3A_1771 = arith.index_cast %scan3A_1615 : i32 to index
        %swap3A_1772 = arith.index_cast %swap3A_1770 : i32 to index
        %swap3A_1773 = arith.constant 96 : index
        %swap3A_1774 = tpu.vector_load %arg8[%swap3A_1771, %swap3A_1772, %swap3A_1773] {strides = array<i32>} : memref<50x4x128xf32, #tpu.memory_space<vmem>>, vector<1x1x16xf32>,
        %swap3A_1775 = vector.shape_cast %swap3A_1774 : vector<1x1x16xf32> to vector<16xf32>
        %swap3A_1776 = vector.shape_cast %get3A_933 : vector<16xf32> to vector<1x1x16xf32>
        tpu.vector_store %arg8[%swap3A_1771, %swap3A_1772, %swap3A_1773], %swap3A_1776 {add = true, strides = array<i32>} : memref<50x4x128xf32, #tpu.memory_space<vmem>>, vector<1x1x16xf32>,
        %swap3A_1777 = arith.constant 2 : i32
        %swap3A_1778 = arith.index_cast %scan3A_1615 : i32 to index
        %swap3A_1779 = arith.index_cast %swap3A_1777 : i32 to index
        %swap3A_1780 = arith.constant 112 : index
        %swap3A_1781 = tpu.vector_load %arg8[%swap3A_1778, %swap3A_1779, %swap3A_1780] {strides = array<i32>} : memref<50x4x128xf32, #tpu.memory_space<vmem>>, vector<1x1x16xf32>,
        %swap3A_1782 = vector.shape_cast %swap3A_1781 : vector<1x1x16xf32> to vector<16xf32>
        %swap3A_1783 = vector.shape_cast %get3A_937 : vector<16xf32> to vector<1x1x16xf32>
        tpu.vector_store %arg8[%swap3A_1778, %swap3A_1779, %swap3A_1780], %swap3A_1783 {add = true, strides = array<i32>} : memref<50x4x128xf32, #tpu.memory_space<vmem>>, vector<1x1x16xf32>,
        %swap3A_1784 = arith.constant 3 : i32
        %swap3A_1785 = arith.index_cast %scan3A_1615 : i32 to index
        %swap3A_1786 = arith.index_cast %swap3A_1784 : i32 to index
        %swap3A_1787 = arith.constant 0 : index
        %swap3A_1788 = tpu.vector_load %arg8[%swap3A_1785, %swap3A_1786, %swap3A_1787] {strides = array<i32>} : memref<50x4x128xf32, #tpu.memory_space<vmem>>, vector<1x1x16xf32>,
        %swap3A_1789 = vector.shape_cast %swap3A_1788 : vector<1x1x16xf32> to vector<16xf32>
        %swap3A_1790 = vector.shape_cast %get3A_941 : vector<16xf32> to vector<1x1x16xf32>
        tpu.vector_store %arg8[%swap3A_1785, %swap3A_1786, %swap3A_1787], %swap3A_1790 {add = true, strides = array<i32>} : memref<50x4x128xf32, #tpu.memory_space<vmem>>, vector<1x1x16xf32>,
        %swap3A_1791 = arith.constant 3 : i32
        %swap3A_1792 = arith.index_cast %scan3A_1615 : i32 to index
        %swap3A_1793 = arith.index_cast %swap3A_1791 : i32 to index
        %swap3A_1794 = arith.constant 16 : index
        %swap3A_1795 = tpu.vector_load %arg8[%swap3A_1792, %swap3A_1793, %swap3A_1794] {strides = array<i32>} : memref<50x4x128xf32, #tpu.memory_space<vmem>>, vector<1x1x16xf32>,
        %swap3A_1796 = vector.shape_cast %swap3A_1795 : vector<1x1x16xf32> to vector<16xf32>
        %swap3A_1797 = vector.shape_cast %get3A_945 : vector<16xf32> to vector<1x1x16xf32>
        tpu.vector_store %arg8[%swap3A_1792, %swap3A_1793, %swap3A_1794], %swap3A_1797 {add = true, strides = array<i32>} : memref<50x4x128xf32, #tpu.memory_space<vmem>>, vector<1x1x16xf32>,
        %swap3A_1798 = arith.constant 3 : i32
        %swap3A_1799 = arith.index_cast %scan3A_1615 : i32 to index
        %swap3A_1800 = arith.index_cast %swap3A_1798 : i32 to index
        %swap3A_1801 = arith.constant 32 : index
        %swap3A_1802 = tpu.vector_load %arg8[%swap3A_1799, %swap3A_1800, %swap3A_1801] {strides = array<i32>} : memref<50x4x128xf32, #tpu.memory_space<vmem>>, vector<1x1x16xf32>,
        %swap3A_1803 = vector.shape_cast %swap3A_1802 : vector<1x1x16xf32> to vector<16xf32>
        %swap3A_1804 = vector.shape_cast %get3A_949 : vector<16xf32> to vector<1x1x16xf32>
        tpu.vector_store %arg8[%swap3A_1799, %swap3A_1800, %swap3A_1801], %swap3A_1804 {add = true, strides = array<i32>} : memref<50x4x128xf32, #tpu.memory_space<vmem>>, vector<1x1x16xf32>,
        %swap3A_1805 = arith.constant 3 : i32
        %swap3A_1806 = arith.index_cast %scan3A_1615 : i32 to index
        %swap3A_1807 = arith.index_cast %swap3A_1805 : i32 to index
        %swap3A_1808 = arith.constant 48 : index
        %swap3A_1809 = tpu.vector_load %arg8[%swap3A_1806, %swap3A_1807, %swap3A_1808] {strides = array<i32>} : memref<50x4x128xf32, #tpu.memory_space<vmem>>, vector<1x1x16xf32>,
        %swap3A_1810 = vector.shape_cast %swap3A_1809 : vector<1x1x16xf32> to vector<16xf32>
        %swap3A_1811 = vector.shape_cast %get3A_953 : vector<16xf32> to vector<1x1x16xf32>
        tpu.vector_store %arg8[%swap3A_1806, %swap3A_1807, %swap3A_1808], %swap3A_1811 {add = true, strides = array<i32>} : memref<50x4x128xf32, #tpu.memory_space<vmem>>, vector<1x1x16xf32>,
        %swap3A_1812 = arith.constant 3 : i32
        %swap3A_1813 = arith.index_cast %scan3A_1615 : i32 to index
        %swap3A_1814 = arith.index_cast %swap3A_1812 : i32 to index
        %swap3A_1815 = arith.constant 64 : index
        %swap3A_1816 = tpu.vector_load %arg8[%swap3A_1813, %swap3A_1814, %swap3A_1815] {strides = array<i32>} : memref<50x4x128xf32, #tpu.memory_space<vmem>>, vector<1x1x16xf32>,
        %swap3A_1817 = vector.shape_cast %swap3A_1816 : vector<1x1x16xf32> to vector<16xf32>
        %swap3A_1818 = vector.shape_cast %get3A_957 : vector<16xf32> to vector<1x1x16xf32>
        tpu.vector_store %arg8[%swap3A_1813, %swap3A_1814, %swap3A_1815], %swap3A_1818 {add = true, strides = array<i32>} : memref<50x4x128xf32, #tpu.memory_space<vmem>>, vector<1x1x16xf32>,
        %swap3A_1819 = arith.constant 3 : i32
        %swap3A_1820 = arith.index_cast %scan3A_1615 : i32 to index
        %swap3A_1821 = arith.index_cast %swap3A_1819 : i32 to index
        %swap3A_1822 = arith.constant 80 : index
        %swap3A_1823 = tpu.vector_load %arg8[%swap3A_1820, %swap3A_1821, %swap3A_1822] {strides = array<i32>} : memref<50x4x128xf32, #tpu.memory_space<vmem>>, vector<1x1x16xf32>,
        %swap3A_1824 = vector.shape_cast %swap3A_1823 : vector<1x1x16xf32> to vector<16xf32>
        %swap3A_1825 = vector.shape_cast %get3A_961 : vector<16xf32> to vector<1x1x16xf32>
        tpu.vector_store %arg8[%swap3A_1820, %swap3A_1821, %swap3A_1822], %swap3A_1825 {add = true, strides = array<i32>} : memref<50x4x128xf32, #tpu.memory_space<vmem>>, vector<1x1x16xf32>,
        %swap3A_1826 = arith.constant 3 : i32
        %swap3A_1827 = arith.index_cast %scan3A_1615 : i32 to index
        %swap3A_1828 = arith.index_cast %swap3A_1826 : i32 to index
        %swap3A_1829 = arith.constant 96 : index
        %swap3A_1830 = tpu.vector_load %arg8[%swap3A_1827, %swap3A_1828, %swap3A_1829] {strides = array<i32>} : memref<50x4x128xf32, #tpu.memory_space<vmem>>, vector<1x1x16xf32>,
        %swap3A_1831 = vector.shape_cast %swap3A_1830 : vector<1x1x16xf32> to vector<16xf32>
        %swap3A_1832 = vector.shape_cast %get3A_965 : vector<16xf32> to vector<1x1x16xf32>
        tpu.vector_store %arg8[%swap3A_1827, %swap3A_1828, %swap3A_1829], %swap3A_1832 {add = true, strides = array<i32>} : memref<50x4x128xf32, #tpu.memory_space<vmem>>, vector<1x1x16xf32>,
        %swap3A_1833 = arith.constant 3 : i32
        %swap3A_1834 = arith.index_cast %scan3A_1615 : i32 to index
        %swap3A_1835 = arith.index_cast %swap3A_1833 : i32 to index
        %swap3A_1836 = arith.constant 112 : index
        %swap3A_1837 = tpu.vector_load %arg8[%swap3A_1834, %swap3A_1835, %swap3A_1836] {strides = array<i32>} : memref<50x4x128xf32, #tpu.memory_space<vmem>>, vector<1x1x16xf32>,
        %swap3A_1838 = vector.shape_cast %swap3A_1837 : vector<1x1x16xf32> to vector<16xf32>
        %swap3A_1839 = vector.shape_cast %get3A_969 : vector<16xf32> to vector<1x1x16xf32>
        tpu.vector_store %arg8[%swap3A_1834, %swap3A_1835, %swap3A_1836], %swap3A_1839 {add = true, strides = array<i32>} : memref<50x4x128xf32, #tpu.memory_space<vmem>>, vector<1x1x16xf32>,
      }
      %scan3A_975 = arith.constant 50 : i32
      %mul3A_976 = arith.constant 128 : i32
      %mul3A_977 = arith.muli %add3A, %mul3A_976 : i32
      %add3A_978 = arith.addi %mul3A_977, %add3A_766 : i32
      %jit3A_979 = arith.constant 8 : i32
      %div3A_980 = arith.divsi %add3A_978, %jit3A_979 : i32
      %sign3A_981 = arith.constant 0 : i32
      %sign3A_982 = arith.cmpi sgt, %add3A_978, %sign3A_981 : i32
      %sign3A_983 = arith.extui %sign3A_982 : i1 to i32
      %sign3A_984 = arith.constant 0 : i32
      %sign3A_985 = arith.cmpi slt, %add3A_978, %sign3A_984 : i32
      %sign3A_986 = arith.extui %sign3A_985 : i1 to i32
      %sign3A_987 = arith.subi %sign3A_983, %sign3A_986 : i32
      %sign3A_988 = arith.constant 0 : i32
      %sign3A_989 = arith.cmpi sgt, %jit3A_979, %sign3A_988 : i32
      %sign3A_990 = arith.extui %sign3A_989 : i1 to i32
      %sign3A_991 = arith.constant 0 : i32
      %sign3A_992 = arith.cmpi slt, %jit3A_979, %sign3A_991 : i32
      %sign3A_993 = arith.extui %sign3A_992 : i1 to i32
      %sign3A_994 = arith.subi %sign3A_990, %sign3A_993 : i32
      %ne3A_995 = arith.cmpi ne, %sign3A_987, %sign3A_994 : i32
      %rem3A_996 = arith.remsi %add3A_978, %jit3A_979 : i32
      %ne3A_997 = arith.constant 0 : i32
      %ne3A_998 = arith.cmpi ne, %rem3A_996, %ne3A_997 : i32
      %and3A_999 = arith.andi %ne3A_995, %ne3A_998 : i1
      %sub3A_1000 = arith.constant 1 : i32
      %sub3A_1001 = arith.subi %div3A_980, %sub3A_1000 : i32
      %select_n3A_1002 = arith.select %and3A_999, %sub3A_1001, %div3A_980 : i32
      %jit3A_1003 = arith.constant 8 : i32
      %eq3A_1004 = arith.constant 0 : i32
      %eq3A_1005 = arith.cmpi eq, %jit3A_1003, %eq3A_1004 : i32
      %jit3A_1006 = arith.constant 1 : i32
      %select_n3A_1007 = arith.select %eq3A_1005, %jit3A_1006, %jit3A_1003 : i32
      %rem3A_1008 = arith.remsi %add3A_978, %select_n3A_1007 : i32
      %ne3A_1009 = arith.constant 0 : i32
      %ne3A_1010 = arith.cmpi ne, %rem3A_1008, %ne3A_1009 : i32
      %lt3A_1011 = arith.constant 0 : i32
      %lt3A_1012 = arith.cmpi slt, %rem3A_1008, %lt3A_1011 : i32
      %lt3A_1013 = arith.constant 0 : i32
      %lt3A_1014 = arith.cmpi slt, %select_n3A_1007, %lt3A_1013 : i32
      %ne3A_1015 = arith.xori %lt3A_1012, %lt3A_1014 : i1
      %and3A_1016 = arith.andi %ne3A_1015, %ne3A_1010 : i1
      %add3A_1017 = arith.addi %rem3A_1008, %select_n3A_1007 : i32
      %select_n3A_1018 = arith.select %and3A_1016, %add3A_1017, %rem3A_1008 : i32
      %dma_start3A_1019 = arith.constant 0 : i32
      %dma_start3A_1020 = arith.constant 0 : i32
      %dma_start3A_1021 = arith.constant 0 : i32
      %dma_start3A_1022 = tpu.memref_slice %arg7[%dma_start3A_1019, %select_n3A_1002, %dma_start3A_1020, %select_n3A_1018, %dma_start3A_1021] : memref<50x512x4x8x128xf32, #tpu.memory_space<hbm>> -> memref<50x1x4x1x128xf32, #tpu.memory_space<hbm>>
      %dma_start3A_1023 = tpu.memref_squeeze %dma_start3A_1022 : memref<50x1x4x1x128xf32, #tpu.memory_space<hbm>> -> memref<50x4x128xf32, #tpu.memory_space<hbm>>
      %dma_start3A_1024 = arith.constant 0 : i32
      %dma_start3A_1025 = arith.constant 0 : i32
      %dma_start3A_1026 = arith.constant 0 : i32
      %dma_start3A_1027 = tpu.memref_slice %arg7[%dma_start3A_1024, %select_n3A_1002, %dma_start3A_1025, %select_n3A_1018, %dma_start3A_1026] : memref<50x512x4x8x128xf32, #tpu.memory_space<hbm>> -> memref<50x1x4x1x128xf32, #tpu.memory_space<hbm>>
      %dma_start3A_1028 = tpu.memref_squeeze %dma_start3A_1027 : memref<50x1x4x1x128xf32, #tpu.memory_space<hbm>> -> memref<50x4x128xf32, #tpu.memory_space<hbm>>
      tpu.enqueue_dma source(%arg8 : memref<50x4x128xf32, #tpu.memory_space<vmem>>) target(%dma_start3A_1028 : memref<50x4x128xf32, #tpu.memory_space<hbm>>) target_semaphore(%arg21 : memref<!tpu.dma_semaphore, #tpu.memory_space<semaphore_mem>>)
      %mul3A_1029 = arith.constant 3 : i32
      %mul3A_1030 = arith.muli %scan3A_762, %mul3A_1029 : i32
      %add3A_1031 = arith.constant 1 : i32
      %add3A_1032 = arith.addi %mul3A_1030, %add3A_1031 : i32
      %add3A_1033 = arith.constant 1 : i32
      %add3A_1034 = arith.addi %add3A_1032, %add3A_1033 : i32
      %mul3A_1035 = arith.constant 50 : i32
      %mul3A_1036 = arith.muli %add3A_1034, %mul3A_1035 : i32
      %add3A_1037 = arith.constant 0 : i32
      %add3A_1038 = arith.addi %mul3A_1036, %add3A_1037 : i32
      %get3A_1039 = arith.index_cast %add3A_1038 : i32 to index
      %get3A_1040 = tpu.vector_load %arg14[%get3A_1039] {strides = array<i32>} : memref<6528xi32, #tpu.memory_space<vmem>>, vector<16xi32>,
      %get3A_1041 = vector.shape_cast %get3A_1040 : vector<16xi32> to vector<16xi32>
      %mul3A_1042 = arith.constant 50 : i32
      %mul3A_1043 = vector.broadcast %mul3A_1042 : i32 to vector<16xi32>
      %mul3A_1044 = arith.muli %get3A_1041, %mul3A_1043 : vector<16xi32>
      %add3A_1045 = arith.addi %mul3A_1044, %add3A_44 : vector<16xi32>
      %swap3A_1046 = arith.constant 0 : index
      %swap3A_1047 = tpu.vector_load %arg13[%swap3A_1046] {strides = array<i32>} : memref<64xi32, #tpu.memory_space<vmem>>, vector<16xi32>,
      %swap3A_1048 = vector.shape_cast %swap3A_1047 : vector<16xi32> to vector<16xi32>
      %swap3A_1049 = vector.shape_cast %add3A_1045 : vector<16xi32> to vector<16xi32>
      tpu.vector_store %arg13[%swap3A_1046], %swap3A_1049 {strides = array<i32>} : memref<64xi32, #tpu.memory_space<vmem>>, vector<16xi32>,
      %add3A_1050 = arith.constant 16 : i32
      %add3A_1051 = arith.addi %mul3A_1036, %add3A_1050 : i32
      %get3A_1052 = arith.index_cast %add3A_1051 : i32 to index
      %get3A_1053 = tpu.vector_load %arg14[%get3A_1052] {strides = array<i32>} : memref<6528xi32, #tpu.memory_space<vmem>>, vector<16xi32>,
      %get3A_1054 = vector.shape_cast %get3A_1053 : vector<16xi32> to vector<16xi32>
      %mul3A_1055 = arith.constant 50 : i32
      %mul3A_1056 = vector.broadcast %mul3A_1055 : i32 to vector<16xi32>
      %mul3A_1057 = arith.muli %get3A_1054, %mul3A_1056 : vector<16xi32>
      %add3A_1058 = arith.addi %mul3A_1057, %add3A_48 : vector<16xi32>
      %swap3A_1059 = arith.constant 16 : index
      %swap3A_1060 = tpu.vector_load %arg13[%swap3A_1059] {strides = array<i32>} : memref<64xi32, #tpu.memory_space<vmem>>, vector<16xi32>,
      %swap3A_1061 = vector.shape_cast %swap3A_1060 : vector<16xi32> to vector<16xi32>
      %swap3A_1062 = vector.shape_cast %add3A_1058 : vector<16xi32> to vector<16xi32>
      tpu.vector_store %arg13[%swap3A_1059], %swap3A_1062 {strides = array<i32>} : memref<64xi32, #tpu.memory_space<vmem>>, vector<16xi32>,
      %add3A_1063 = arith.constant 32 : i32
      %add3A_1064 = arith.addi %mul3A_1036, %add3A_1063 : i32
      %get3A_1065 = arith.index_cast %add3A_1064 : i32 to index
      %get3A_1066 = tpu.vector_load %arg14[%get3A_1065] {strides = array<i32>} : memref<6528xi32, #tpu.memory_space<vmem>>, vector<16xi32>,
      %get3A_1067 = vector.shape_cast %get3A_1066 : vector<16xi32> to vector<16xi32>
      %mul3A_1068 = arith.constant 50 : i32
      %mul3A_1069 = vector.broadcast %mul3A_1068 : i32 to vector<16xi32>
      %mul3A_1070 = arith.muli %get3A_1067, %mul3A_1069 : vector<16xi32>
      %add3A_1071 = arith.addi %mul3A_1070, %add3A_52 : vector<16xi32>
      %swap3A_1072 = arith.constant 32 : index
      %swap3A_1073 = tpu.vector_load %arg13[%swap3A_1072] {strides = array<i32>} : memref<64xi32, #tpu.memory_space<vmem>>, vector<16xi32>,
      %swap3A_1074 = vector.shape_cast %swap3A_1073 : vector<16xi32> to vector<16xi32>
      %swap3A_1075 = vector.shape_cast %add3A_1071 : vector<16xi32> to vector<16xi32>
      tpu.vector_store %arg13[%swap3A_1072], %swap3A_1075 {strides = array<i32>} : memref<64xi32, #tpu.memory_space<vmem>>, vector<16xi32>,
      %add3A_1076 = arith.constant 48 : i32
      %add3A_1077 = arith.addi %mul3A_1036, %add3A_1076 : i32
      %get3A_1078 = arith.index_cast %add3A_1077 : i32 to index
      %get3A_1079 = tpu.vector_load %arg14[%get3A_1078] {strides = array<i32>} : memref<6528xi32, #tpu.memory_space<vmem>>, vector<16xi32>,
      %get3A_1080 = vector.shape_cast %get3A_1079 : vector<16xi32> to vector<16xi32>
      %mul3A_1081 = arith.constant 50 : i32
      %mul3A_1082 = vector.broadcast %mul3A_1081 : i32 to vector<16xi32>
      %mul3A_1083 = arith.muli %get3A_1080, %mul3A_1082 : vector<16xi32>
      %add3A_1084 = arith.addi %mul3A_1083, %add3A_56 : vector<16xi32>
      %swap3A_1085 = arith.constant 48 : index
      %swap3A_1086 = tpu.vector_load %arg13[%swap3A_1085] {strides = array<i32>} : memref<64xi32, #tpu.memory_space<vmem>>, vector<16xi32>,
      %swap3A_1087 = vector.shape_cast %swap3A_1086 : vector<16xi32> to vector<16xi32>
      %swap3A_1088 = vector.shape_cast %add3A_1084 : vector<16xi32> to vector<16xi32>
      tpu.vector_store %arg13[%swap3A_1085], %swap3A_1088 {strides = array<i32>} : memref<64xi32, #tpu.memory_space<vmem>>, vector<16xi32>,
      %gt3A_1089 = arith.constant 0 : i32
      %gt3A_1090 = arith.cmpi sgt, %scan3A_762, %gt3A_1089 : i32
      %convert_element_type3A_1091 = arith.extui %gt3A_1090 : i1 to i32
      %cond3A_1092 = arith.constant 0 : i32
      %cond3A_1093 = arith.cmpi ne, %convert_element_type3A_1091, %cond3A_1092 : i32
      scf.if %cond3A_1093 {
        %mul3A_1615 = arith.constant 128 : i32
        %mul3A_1616 = arith.muli %add3A, %mul3A_1615 : i32
        %add3A_1617 = arith.addi %mul3A_1616, %add3A_1032 : i32
        %jit3A_1618 = arith.constant 8 : i32
        %div3A_1619 = arith.divsi %add3A_1617, %jit3A_1618 : i32
        %sign3A_1620 = arith.constant 0 : i32
        %sign3A_1621 = arith.cmpi sgt, %add3A_1617, %sign3A_1620 : i32
        %sign3A_1622 = arith.extui %sign3A_1621 : i1 to i32
        %sign3A_1623 = arith.constant 0 : i32
        %sign3A_1624 = arith.cmpi slt, %add3A_1617, %sign3A_1623 : i32
        %sign3A_1625 = arith.extui %sign3A_1624 : i1 to i32
        %sign3A_1626 = arith.subi %sign3A_1622, %sign3A_1625 : i32
        %sign3A_1627 = arith.constant 0 : i32
        %sign3A_1628 = arith.cmpi sgt, %jit3A_1618, %sign3A_1627 : i32
        %sign3A_1629 = arith.extui %sign3A_1628 : i1 to i32
        %sign3A_1630 = arith.constant 0 : i32
        %sign3A_1631 = arith.cmpi slt, %jit3A_1618, %sign3A_1630 : i32
        %sign3A_1632 = arith.extui %sign3A_1631 : i1 to i32
        %sign3A_1633 = arith.subi %sign3A_1629, %sign3A_1632 : i32
        %ne3A_1634 = arith.cmpi ne, %sign3A_1626, %sign3A_1633 : i32
        %rem3A_1635 = arith.remsi %add3A_1617, %jit3A_1618 : i32
        %ne3A_1636 = arith.constant 0 : i32
        %ne3A_1637 = arith.cmpi ne, %rem3A_1635, %ne3A_1636 : i32
        %and3A_1638 = arith.andi %ne3A_1634, %ne3A_1637 : i1
        %sub3A_1639 = arith.constant 1 : i32
        %sub3A_1640 = arith.subi %div3A_1619, %sub3A_1639 : i32
        %select_n3A_1641 = arith.select %and3A_1638, %sub3A_1640, %div3A_1619 : i32
        %jit3A_1642 = arith.constant 8 : i32
        %eq3A_1643 = arith.constant 0 : i32
        %eq3A_1644 = arith.cmpi eq, %jit3A_1642, %eq3A_1643 : i32
        %jit3A_1645 = arith.constant 1 : i32
        %select_n3A_1646 = arith.select %eq3A_1644, %jit3A_1645, %jit3A_1642 : i32
        %rem3A_1647 = arith.remsi %add3A_1617, %select_n3A_1646 : i32
        %ne3A_1648 = arith.constant 0 : i32
        %ne3A_1649 = arith.cmpi ne, %rem3A_1647, %ne3A_1648 : i32
        %lt3A_1650 = arith.constant 0 : i32
        %lt3A_1651 = arith.cmpi slt, %rem3A_1647, %lt3A_1650 : i32
        %lt3A_1652 = arith.constant 0 : i32
        %lt3A_1653 = arith.cmpi slt, %select_n3A_1646, %lt3A_1652 : i32
        %ne3A_1654 = arith.xori %lt3A_1651, %lt3A_1653 : i1
        %and3A_1655 = arith.andi %ne3A_1654, %ne3A_1649 : i1
        %add3A_1656 = arith.addi %rem3A_1647, %select_n3A_1646 : i32
        %select_n3A_1657 = arith.select %and3A_1655, %add3A_1656, %rem3A_1647 : i32
        %dma_wait3A_1658 = arith.constant 0 : i32
        %dma_wait3A_1659 = arith.constant 0 : i32
        %dma_wait3A_1660 = arith.constant 0 : i32
        %dma_wait3A_1661 = tpu.memref_slice %arg7[%dma_wait3A_1658, %select_n3A_1641, %dma_wait3A_1659, %select_n3A_1657, %dma_wait3A_1660] : memref<50x512x4x8x128xf32, #tpu.memory_space<hbm>> -> memref<50x1x4x1x128xf32, #tpu.memory_space<hbm>>
        %dma_wait3A_1662 = tpu.memref_squeeze %dma_wait3A_1661 : memref<50x1x4x1x128xf32, #tpu.memory_space<hbm>> -> memref<50x4x128xf32, #tpu.memory_space<hbm>>
        %dma_wait3A_1663 = arith.constant 0 : i32
        %dma_wait3A_1664 = arith.constant 0 : i32
        %dma_wait3A_1665 = arith.constant 0 : i32
        %dma_wait3A_1666 = tpu.memref_slice %arg7[%dma_wait3A_1663, %select_n3A_1641, %dma_wait3A_1664, %select_n3A_1657, %dma_wait3A_1665] : memref<50x512x4x8x128xf32, #tpu.memory_space<hbm>> -> memref<50x1x4x1x128xf32, #tpu.memory_space<hbm>>
        %dma_wait3A_1667 = tpu.memref_squeeze %dma_wait3A_1666 : memref<50x1x4x1x128xf32, #tpu.memory_space<hbm>> -> memref<50x4x128xf32, #tpu.memory_space<hbm>>
        tpu.wait_dma2 semaphore(%arg23 : memref<!tpu.dma_semaphore, #tpu.memory_space<semaphore_mem>>) src(%arg10 : memref<50x4x128xf32, #tpu.memory_space<vmem>>) dst(%dma_wait3A_1667 : memref<50x4x128xf32, #tpu.memory_space<hbm>>)
      } else {
      }
      %dma_start3A_1094 = arith.constant 0 : i32
      %dma_start3A_1095 = tpu.memref_slice %arg13[%dma_start3A_1094] : memref<64xi32, #tpu.memory_space<vmem>> -> memref<50xi32, #tpu.memory_space<vmem>>
      %dma_start3A_1096 = arith.constant 0 : i32
      %dma_start3A_1097 = arith.constant 0 : i32
      %dma_start3A_1098 = arith.constant 0 : i32
      %dma_start3A_1099 = tpu.memref_slice %arg17[%dma_start3A_1096, %dma_start3A_1097, %dma_start3A_1098] : memref<1104x4x128xf32, #tpu.memory_space<vmem_shared>> -> memref<1104x4x128xf32, #tpu.memory_space<vmem_shared>>
      tpu.enqueue_indirect_dma source(%dma_start3A_1099 : memref<1104x4x128xf32, #tpu.memory_space<vmem_shared>>) target(%arg10 : memref<50x4x128xf32, #tpu.memory_space<vmem>>) offsets(%dma_start3A_1095 : memref<50xi32, #tpu.memory_space<vmem>>) semaphore(%arg20 : memref<!tpu.dma_semaphore, #tpu.memory_space<semaphore_mem>>)
      %dma_wait3A_1100 = arith.constant 0 : i32
      %dma_wait3A_1101 = tpu.memref_slice %arg12[%dma_wait3A_1100] : memref<64xi32, #tpu.memory_space<vmem>> -> memref<50xi32, #tpu.memory_space<vmem>>
      %dma_wait3A_1102 = arith.constant 0 : i32
      %dma_wait3A_1103 = arith.constant 0 : i32
      %dma_wait3A_1104 = arith.constant 0 : i32
      %dma_wait3A_1105 = tpu.memref_slice %arg17[%dma_wait3A_1102, %dma_wait3A_1103, %dma_wait3A_1104] : memref<1104x4x128xf32, #tpu.memory_space<vmem_shared>> -> memref<1104x4x128xf32, #tpu.memory_space<vmem_shared>>
      tpu.wait_indirect_dma semaphore(%arg19 : memref<!tpu.dma_semaphore, #tpu.memory_space<semaphore_mem>>) src(%dma_wait3A_1105 : memref<1104x4x128xf32, #tpu.memory_space<vmem_shared>>) dst(%arg9 : memref<50x4x128xf32, #tpu.memory_space<vmem>>)
      %get3A_1106 = arith.index_cast %add3A_1032 : i32 to index
      %get3A_1107 = tpu.vector_load %arg15[%get3A_1106] {strides = array<i32>} : memref<144xi32, #tpu.memory_space<vmem>>, vector<16xi32>,
      %get3A_1108 = vector.shape_cast %get3A_1107 : vector<16xi32> to vector<16xi32>
      %slice3A_1109 = vector.extract_strided_slice %get3A_1108 {offsets = [0], sizes = [1], strides = [1]} : vector<16xi32> to vector<1xi32>
      %squeeze3A_1110 = vector.extract %slice3A_1109[0] : i32 from vector<1xi32>
      %get3A_1111 = arith.index_cast %squeeze3A_1110 : i32 to index
      %get3A_1112 = arith.constant 0 : index
      %get3A_1113 = tpu.vector_load %arg16[%get3A_1111, %get3A_1112] {strides = array<i32>} : memref<10x512xf32, #tpu.memory_space<vmem>>, vector<1x16xf32>,
      %get3A_1114 = vector.shape_cast %get3A_1113 : vector<1x16xf32> to vector<16xf32>
      %get3A_1115 = arith.index_cast %squeeze3A_1110 : i32 to index
      %get3A_1116 = arith.constant 16 : index
      %get3A_1117 = tpu.vector_load %arg16[%get3A_1115, %get3A_1116] {strides = array<i32>} : memref<10x512xf32, #tpu.memory_space<vmem>>, vector<1x16xf32>,
      %get3A_1118 = vector.shape_cast %get3A_1117 : vector<1x16xf32> to vector<16xf32>
      %get3A_1119 = arith.index_cast %squeeze3A_1110 : i32 to index
      %get3A_1120 = arith.constant 32 : index
      %get3A_1121 = tpu.vector_load %arg16[%get3A_1119, %get3A_1120] {strides = array<i32>} : memref<10x512xf32, #tpu.memory_space<vmem>>, vector<1x16xf32>,
      %get3A_1122 = vector.shape_cast %get3A_1121 : vector<1x16xf32> to vector<16xf32>
      %get3A_1123 = arith.index_cast %squeeze3A_1110 : i32 to index
      %get3A_1124 = arith.constant 48 : index
      %get3A_1125 = tpu.vector_load %arg16[%get3A_1123, %get3A_1124] {strides = array<i32>} : memref<10x512xf32, #tpu.memory_space<vmem>>, vector<1x16xf32>,
      %get3A_1126 = vector.shape_cast %get3A_1125 : vector<1x16xf32> to vector<16xf32>
      %get3A_1127 = arith.index_cast %squeeze3A_1110 : i32 to index
      %get3A_1128 = arith.constant 64 : index
      %get3A_1129 = tpu.vector_load %arg16[%get3A_1127, %get3A_1128] {strides = array<i32>} : memref<10x512xf32, #tpu.memory_space<vmem>>, vector<1x16xf32>,
      %get3A_1130 = vector.shape_cast %get3A_1129 : vector<1x16xf32> to vector<16xf32>
      %get3A_1131 = arith.index_cast %squeeze3A_1110 : i32 to index
      %get3A_1132 = arith.constant 80 : index
      %get3A_1133 = tpu.vector_load %arg16[%get3A_1131, %get3A_1132] {strides = array<i32>} : memref<10x512xf32, #tpu.memory_space<vmem>>, vector<1x16xf32>,
      %get3A_1134 = vector.shape_cast %get3A_1133 : vector<1x16xf32> to vector<16xf32>
      %get3A_1135 = arith.index_cast %squeeze3A_1110 : i32 to index
      %get3A_1136 = arith.constant 96 : index
      %get3A_1137 = tpu.vector_load %arg16[%get3A_1135, %get3A_1136] {strides = array<i32>} : memref<10x512xf32, #tpu.memory_space<vmem>>, vector<1x16xf32>,
      %get3A_1138 = vector.shape_cast %get3A_1137 : vector<1x16xf32> to vector<16xf32>
      %get3A_1139 = arith.index_cast %squeeze3A_1110 : i32 to index
      %get3A_1140 = arith.constant 112 : index
      %get3A_1141 = tpu.vector_load %arg16[%get3A_1139, %get3A_1140] {strides = array<i32>} : memref<10x512xf32, #tpu.memory_space<vmem>>, vector<1x16xf32>,
      %get3A_1142 = vector.shape_cast %get3A_1141 : vector<1x16xf32> to vector<16xf32>
      %get3A_1143 = arith.index_cast %squeeze3A_1110 : i32 to index
      %get3A_1144 = arith.constant 128 : index
      %get3A_1145 = tpu.vector_load %arg16[%get3A_1143, %get3A_1144] {strides = array<i32>} : memref<10x512xf32, #tpu.memory_space<vmem>>, vector<1x16xf32>,
      %get3A_1146 = vector.shape_cast %get3A_1145 : vector<1x16xf32> to vector<16xf32>
      %get3A_1147 = arith.index_cast %squeeze3A_1110 : i32 to index
      %get3A_1148 = arith.constant 144 : index
      %get3A_1149 = tpu.vector_load %arg16[%get3A_1147, %get3A_1148] {strides = array<i32>} : memref<10x512xf32, #tpu.memory_space<vmem>>, vector<1x16xf32>,
      %get3A_1150 = vector.shape_cast %get3A_1149 : vector<1x16xf32> to vector<16xf32>
      %get3A_1151 = arith.index_cast %squeeze3A_1110 : i32 to index
      %get3A_1152 = arith.constant 160 : index
      %get3A_1153 = tpu.vector_load %arg16[%get3A_1151, %get3A_1152] {strides = array<i32>} : memref<10x512xf32, #tpu.memory_space<vmem>>, vector<1x16xf32>,
      %get3A_1154 = vector.shape_cast %get3A_1153 : vector<1x16xf32> to vector<16xf32>
      %get3A_1155 = arith.index_cast %squeeze3A_1110 : i32 to index
      %get3A_1156 = arith.constant 176 : index
      %get3A_1157 = tpu.vector_load %arg16[%get3A_1155, %get3A_1156] {strides = array<i32>} : memref<10x512xf32, #tpu.memory_space<vmem>>, vector<1x16xf32>,
      %get3A_1158 = vector.shape_cast %get3A_1157 : vector<1x16xf32> to vector<16xf32>
      %get3A_1159 = arith.index_cast %squeeze3A_1110 : i32 to index
      %get3A_1160 = arith.constant 192 : index
      %get3A_1161 = tpu.vector_load %arg16[%get3A_1159, %get3A_1160] {strides = array<i32>} : memref<10x512xf32, #tpu.memory_space<vmem>>, vector<1x16xf32>,
      %get3A_1162 = vector.shape_cast %get3A_1161 : vector<1x16xf32> to vector<16xf32>
      %get3A_1163 = arith.index_cast %squeeze3A_1110 : i32 to index
      %get3A_1164 = arith.constant 208 : index
      %get3A_1165 = tpu.vector_load %arg16[%get3A_1163, %get3A_1164] {strides = array<i32>} : memref<10x512xf32, #tpu.memory_space<vmem>>, vector<1x16xf32>,
      %get3A_1166 = vector.shape_cast %get3A_1165 : vector<1x16xf32> to vector<16xf32>
      %get3A_1167 = arith.index_cast %squeeze3A_1110 : i32 to index
      %get3A_1168 = arith.constant 224 : index
      %get3A_1169 = tpu.vector_load %arg16[%get3A_1167, %get3A_1168] {strides = array<i32>} : memref<10x512xf32, #tpu.memory_space<vmem>>, vector<1x16xf32>,
      %get3A_1170 = vector.shape_cast %get3A_1169 : vector<1x16xf32> to vector<16xf32>
      %get3A_1171 = arith.index_cast %squeeze3A_1110 : i32 to index
      %get3A_1172 = arith.constant 240 : index
      %get3A_1173 = tpu.vector_load %arg16[%get3A_1171, %get3A_1172] {strides = array<i32>} : memref<10x512xf32, #tpu.memory_space<vmem>>, vector<1x16xf32>,
      %get3A_1174 = vector.shape_cast %get3A_1173 : vector<1x16xf32> to vector<16xf32>
      %get3A_1175 = arith.index_cast %squeeze3A_1110 : i32 to index
      %get3A_1176 = arith.constant 256 : index
      %get3A_1177 = tpu.vector_load %arg16[%get3A_1175, %get3A_1176] {strides = array<i32>} : memref<10x512xf32, #tpu.memory_space<vmem>>, vector<1x16xf32>,
      %get3A_1178 = vector.shape_cast %get3A_1177 : vector<1x16xf32> to vector<16xf32>
      %get3A_1179 = arith.index_cast %squeeze3A_1110 : i32 to index
      %get3A_1180 = arith.constant 272 : index
      %get3A_1181 = tpu.vector_load %arg16[%get3A_1179, %get3A_1180] {strides = array<i32>} : memref<10x512xf32, #tpu.memory_space<vmem>>, vector<1x16xf32>,
      %get3A_1182 = vector.shape_cast %get3A_1181 : vector<1x16xf32> to vector<16xf32>
      %get3A_1183 = arith.index_cast %squeeze3A_1110 : i32 to index
      %get3A_1184 = arith.constant 288 : index
      %get3A_1185 = tpu.vector_load %arg16[%get3A_1183, %get3A_1184] {strides = array<i32>} : memref<10x512xf32, #tpu.memory_space<vmem>>, vector<1x16xf32>,
      %get3A_1186 = vector.shape_cast %get3A_1185 : vector<1x16xf32> to vector<16xf32>
      %get3A_1187 = arith.index_cast %squeeze3A_1110 : i32 to index
      %get3A_1188 = arith.constant 304 : index
      %get3A_1189 = tpu.vector_load %arg16[%get3A_1187, %get3A_1188] {strides = array<i32>} : memref<10x512xf32, #tpu.memory_space<vmem>>, vector<1x16xf32>,
      %get3A_1190 = vector.shape_cast %get3A_1189 : vector<1x16xf32> to vector<16xf32>
      %get3A_1191 = arith.index_cast %squeeze3A_1110 : i32 to index
      %get3A_1192 = arith.constant 320 : index
      %get3A_1193 = tpu.vector_load %arg16[%get3A_1191, %get3A_1192] {strides = array<i32>} : memref<10x512xf32, #tpu.memory_space<vmem>>, vector<1x16xf32>,
      %get3A_1194 = vector.shape_cast %get3A_1193 : vector<1x16xf32> to vector<16xf32>
      %get3A_1195 = arith.index_cast %squeeze3A_1110 : i32 to index
      %get3A_1196 = arith.constant 336 : index
      %get3A_1197 = tpu.vector_load %arg16[%get3A_1195, %get3A_1196] {strides = array<i32>} : memref<10x512xf32, #tpu.memory_space<vmem>>, vector<1x16xf32>,
      %get3A_1198 = vector.shape_cast %get3A_1197 : vector<1x16xf32> to vector<16xf32>
      %get3A_1199 = arith.index_cast %squeeze3A_1110 : i32 to index
      %get3A_1200 = arith.constant 352 : index
      %get3A_1201 = tpu.vector_load %arg16[%get3A_1199, %get3A_1200] {strides = array<i32>} : memref<10x512xf32, #tpu.memory_space<vmem>>, vector<1x16xf32>,
      %get3A_1202 = vector.shape_cast %get3A_1201 : vector<1x16xf32> to vector<16xf32>
      %get3A_1203 = arith.index_cast %squeeze3A_1110 : i32 to index
      %get3A_1204 = arith.constant 368 : index
      %get3A_1205 = tpu.vector_load %arg16[%get3A_1203, %get3A_1204] {strides = array<i32>} : memref<10x512xf32, #tpu.memory_space<vmem>>, vector<1x16xf32>,
      %get3A_1206 = vector.shape_cast %get3A_1205 : vector<1x16xf32> to vector<16xf32>
      %get3A_1207 = arith.index_cast %squeeze3A_1110 : i32 to index
      %get3A_1208 = arith.constant 384 : index
      %get3A_1209 = tpu.vector_load %arg16[%get3A_1207, %get3A_1208] {strides = array<i32>} : memref<10x512xf32, #tpu.memory_space<vmem>>, vector<1x16xf32>,
      %get3A_1210 = vector.shape_cast %get3A_1209 : vector<1x16xf32> to vector<16xf32>
      %get3A_1211 = arith.index_cast %squeeze3A_1110 : i32 to index
      %get3A_1212 = arith.constant 400 : index
      %get3A_1213 = tpu.vector_load %arg16[%get3A_1211, %get3A_1212] {strides = array<i32>} : memref<10x512xf32, #tpu.memory_space<vmem>>, vector<1x16xf32>,
      %get3A_1214 = vector.shape_cast %get3A_1213 : vector<1x16xf32> to vector<16xf32>
      %get3A_1215 = arith.index_cast %squeeze3A_1110 : i32 to index
      %get3A_1216 = arith.constant 416 : index
      %get3A_1217 = tpu.vector_load %arg16[%get3A_1215, %get3A_1216] {strides = array<i32>} : memref<10x512xf32, #tpu.memory_space<vmem>>, vector<1x16xf32>,
      %get3A_1218 = vector.shape_cast %get3A_1217 : vector<1x16xf32> to vector<16xf32>
      %get3A_1219 = arith.index_cast %squeeze3A_1110 : i32 to index
      %get3A_1220 = arith.constant 432 : index
      %get3A_1221 = tpu.vector_load %arg16[%get3A_1219, %get3A_1220] {strides = array<i32>} : memref<10x512xf32, #tpu.memory_space<vmem>>, vector<1x16xf32>,
      %get3A_1222 = vector.shape_cast %get3A_1221 : vector<1x16xf32> to vector<16xf32>
      %get3A_1223 = arith.index_cast %squeeze3A_1110 : i32 to index
      %get3A_1224 = arith.constant 448 : index
      %get3A_1225 = tpu.vector_load %arg16[%get3A_1223, %get3A_1224] {strides = array<i32>} : memref<10x512xf32, #tpu.memory_space<vmem>>, vector<1x16xf32>,
      %get3A_1226 = vector.shape_cast %get3A_1225 : vector<1x16xf32> to vector<16xf32>
      %get3A_1227 = arith.index_cast %squeeze3A_1110 : i32 to index
      %get3A_1228 = arith.constant 464 : index
      %get3A_1229 = tpu.vector_load %arg16[%get3A_1227, %get3A_1228] {strides = array<i32>} : memref<10x512xf32, #tpu.memory_space<vmem>>, vector<1x16xf32>,
      %get3A_1230 = vector.shape_cast %get3A_1229 : vector<1x16xf32> to vector<16xf32>
      %get3A_1231 = arith.index_cast %squeeze3A_1110 : i32 to index
      %get3A_1232 = arith.constant 480 : index
      %get3A_1233 = tpu.vector_load %arg16[%get3A_1231, %get3A_1232] {strides = array<i32>} : memref<10x512xf32, #tpu.memory_space<vmem>>, vector<1x16xf32>,
      %get3A_1234 = vector.shape_cast %get3A_1233 : vector<1x16xf32> to vector<16xf32>
      %get3A_1235 = arith.index_cast %squeeze3A_1110 : i32 to index
      %get3A_1236 = arith.constant 496 : index
      %get3A_1237 = tpu.vector_load %arg16[%get3A_1235, %get3A_1236] {strides = array<i32>} : memref<10x512xf32, #tpu.memory_space<vmem>>, vector<1x16xf32>,
      %get3A_1238 = vector.shape_cast %get3A_1237 : vector<1x16xf32> to vector<16xf32>
      %scan3A_1239 = arith.constant 0 : i32
      %scan3A_1240 = arith.constant 0 : i32
      %scan3A_1241 = arith.constant 50 : i32
      %scan3A_1242 = arith.addi %scan3A_1240, %scan3A_1241 : i32
      %scan3A_1243 = arith.constant 1 : i32
      scf.for %scan3A_1615 = %scan3A_1240 to %scan3A_1242 step %scan3A_1243  : i32 {
        %swap3A_1616 = arith.constant 0 : i32
        %swap3A_1617 = arith.index_cast %scan3A_1615 : i32 to index
        %swap3A_1618 = arith.index_cast %swap3A_1616 : i32 to index
        %swap3A_1619 = arith.constant 0 : index
        %swap3A_1620 = tpu.vector_load %arg9[%swap3A_1617, %swap3A_1618, %swap3A_1619] {strides = array<i32>} : memref<50x4x128xf32, #tpu.memory_space<vmem>>, vector<1x1x16xf32>,
        %swap3A_1621 = vector.shape_cast %swap3A_1620 : vector<1x1x16xf32> to vector<16xf32>
        %swap3A_1622 = vector.shape_cast %get3A_1114 : vector<16xf32> to vector<1x1x16xf32>
        tpu.vector_store %arg9[%swap3A_1617, %swap3A_1618, %swap3A_1619], %swap3A_1622 {add = true, strides = array<i32>} : memref<50x4x128xf32, #tpu.memory_space<vmem>>, vector<1x1x16xf32>,
        %swap3A_1623 = arith.constant 0 : i32
        %swap3A_1624 = arith.index_cast %scan3A_1615 : i32 to index
        %swap3A_1625 = arith.index_cast %swap3A_1623 : i32 to index
        %swap3A_1626 = arith.constant 16 : index
        %swap3A_1627 = tpu.vector_load %arg9[%swap3A_1624, %swap3A_1625, %swap3A_1626] {strides = array<i32>} : memref<50x4x128xf32, #tpu.memory_space<vmem>>, vector<1x1x16xf32>,
        %swap3A_1628 = vector.shape_cast %swap3A_1627 : vector<1x1x16xf32> to vector<16xf32>
        %swap3A_1629 = vector.shape_cast %get3A_1118 : vector<16xf32> to vector<1x1x16xf32>
        tpu.vector_store %arg9[%swap3A_1624, %swap3A_1625, %swap3A_1626], %swap3A_1629 {add = true, strides = array<i32>} : memref<50x4x128xf32, #tpu.memory_space<vmem>>, vector<1x1x16xf32>,
        %swap3A_1630 = arith.constant 0 : i32
        %swap3A_1631 = arith.index_cast %scan3A_1615 : i32 to index
        %swap3A_1632 = arith.index_cast %swap3A_1630 : i32 to index
        %swap3A_1633 = arith.constant 32 : index
        %swap3A_1634 = tpu.vector_load %arg9[%swap3A_1631, %swap3A_1632, %swap3A_1633] {strides = array<i32>} : memref<50x4x128xf32, #tpu.memory_space<vmem>>, vector<1x1x16xf32>,
        %swap3A_1635 = vector.shape_cast %swap3A_1634 : vector<1x1x16xf32> to vector<16xf32>
        %swap3A_1636 = vector.shape_cast %get3A_1122 : vector<16xf32> to vector<1x1x16xf32>
        tpu.vector_store %arg9[%swap3A_1631, %swap3A_1632, %swap3A_1633], %swap3A_1636 {add = true, strides = array<i32>} : memref<50x4x128xf32, #tpu.memory_space<vmem>>, vector<1x1x16xf32>,
        %swap3A_1637 = arith.constant 0 : i32
        %swap3A_1638 = arith.index_cast %scan3A_1615 : i32 to index
        %swap3A_1639 = arith.index_cast %swap3A_1637 : i32 to index
        %swap3A_1640 = arith.constant 48 : index
        %swap3A_1641 = tpu.vector_load %arg9[%swap3A_1638, %swap3A_1639, %swap3A_1640] {strides = array<i32>} : memref<50x4x128xf32, #tpu.memory_space<vmem>>, vector<1x1x16xf32>,
        %swap3A_1642 = vector.shape_cast %swap3A_1641 : vector<1x1x16xf32> to vector<16xf32>
        %swap3A_1643 = vector.shape_cast %get3A_1126 : vector<16xf32> to vector<1x1x16xf32>
        tpu.vector_store %arg9[%swap3A_1638, %swap3A_1639, %swap3A_1640], %swap3A_1643 {add = true, strides = array<i32>} : memref<50x4x128xf32, #tpu.memory_space<vmem>>, vector<1x1x16xf32>,
        %swap3A_1644 = arith.constant 0 : i32
        %swap3A_1645 = arith.index_cast %scan3A_1615 : i32 to index
        %swap3A_1646 = arith.index_cast %swap3A_1644 : i32 to index
        %swap3A_1647 = arith.constant 64 : index
        %swap3A_1648 = tpu.vector_load %arg9[%swap3A_1645, %swap3A_1646, %swap3A_1647] {strides = array<i32>} : memref<50x4x128xf32, #tpu.memory_space<vmem>>, vector<1x1x16xf32>,
        %swap3A_1649 = vector.shape_cast %swap3A_1648 : vector<1x1x16xf32> to vector<16xf32>
        %swap3A_1650 = vector.shape_cast %get3A_1130 : vector<16xf32> to vector<1x1x16xf32>
        tpu.vector_store %arg9[%swap3A_1645, %swap3A_1646, %swap3A_1647], %swap3A_1650 {add = true, strides = array<i32>} : memref<50x4x128xf32, #tpu.memory_space<vmem>>, vector<1x1x16xf32>,
        %swap3A_1651 = arith.constant 0 : i32
        %swap3A_1652 = arith.index_cast %scan3A_1615 : i32 to index
        %swap3A_1653 = arith.index_cast %swap3A_1651 : i32 to index
        %swap3A_1654 = arith.constant 80 : index
        %swap3A_1655 = tpu.vector_load %arg9[%swap3A_1652, %swap3A_1653, %swap3A_1654] {strides = array<i32>} : memref<50x4x128xf32, #tpu.memory_space<vmem>>, vector<1x1x16xf32>,
        %swap3A_1656 = vector.shape_cast %swap3A_1655 : vector<1x1x16xf32> to vector<16xf32>
        %swap3A_1657 = vector.shape_cast %get3A_1134 : vector<16xf32> to vector<1x1x16xf32>
        tpu.vector_store %arg9[%swap3A_1652, %swap3A_1653, %swap3A_1654], %swap3A_1657 {add = true, strides = array<i32>} : memref<50x4x128xf32, #tpu.memory_space<vmem>>, vector<1x1x16xf32>,
        %swap3A_1658 = arith.constant 0 : i32
        %swap3A_1659 = arith.index_cast %scan3A_1615 : i32 to index
        %swap3A_1660 = arith.index_cast %swap3A_1658 : i32 to index
        %swap3A_1661 = arith.constant 96 : index
        %swap3A_1662 = tpu.vector_load %arg9[%swap3A_1659, %swap3A_1660, %swap3A_1661] {strides = array<i32>} : memref<50x4x128xf32, #tpu.memory_space<vmem>>, vector<1x1x16xf32>,
        %swap3A_1663 = vector.shape_cast %swap3A_1662 : vector<1x1x16xf32> to vector<16xf32>
        %swap3A_1664 = vector.shape_cast %get3A_1138 : vector<16xf32> to vector<1x1x16xf32>
        tpu.vector_store %arg9[%swap3A_1659, %swap3A_1660, %swap3A_1661], %swap3A_1664 {add = true, strides = array<i32>} : memref<50x4x128xf32, #tpu.memory_space<vmem>>, vector<1x1x16xf32>,
        %swap3A_1665 = arith.constant 0 : i32
        %swap3A_1666 = arith.index_cast %scan3A_1615 : i32 to index
        %swap3A_1667 = arith.index_cast %swap3A_1665 : i32 to index
        %swap3A_1668 = arith.constant 112 : index
        %swap3A_1669 = tpu.vector_load %arg9[%swap3A_1666, %swap3A_1667, %swap3A_1668] {strides = array<i32>} : memref<50x4x128xf32, #tpu.memory_space<vmem>>, vector<1x1x16xf32>,
        %swap3A_1670 = vector.shape_cast %swap3A_1669 : vector<1x1x16xf32> to vector<16xf32>
        %swap3A_1671 = vector.shape_cast %get3A_1142 : vector<16xf32> to vector<1x1x16xf32>
        tpu.vector_store %arg9[%swap3A_1666, %swap3A_1667, %swap3A_1668], %swap3A_1671 {add = true, strides = array<i32>} : memref<50x4x128xf32, #tpu.memory_space<vmem>>, vector<1x1x16xf32>,
        %swap3A_1672 = arith.constant 1 : i32
        %swap3A_1673 = arith.index_cast %scan3A_1615 : i32 to index
        %swap3A_1674 = arith.index_cast %swap3A_1672 : i32 to index
        %swap3A_1675 = arith.constant 0 : index
        %swap3A_1676 = tpu.vector_load %arg9[%swap3A_1673, %swap3A_1674, %swap3A_1675] {strides = array<i32>} : memref<50x4x128xf32, #tpu.memory_space<vmem>>, vector<1x1x16xf32>,
        %swap3A_1677 = vector.shape_cast %swap3A_1676 : vector<1x1x16xf32> to vector<16xf32>
        %swap3A_1678 = vector.shape_cast %get3A_1146 : vector<16xf32> to vector<1x1x16xf32>
        tpu.vector_store %arg9[%swap3A_1673, %swap3A_1674, %swap3A_1675], %swap3A_1678 {add = true, strides = array<i32>} : memref<50x4x128xf32, #tpu.memory_space<vmem>>, vector<1x1x16xf32>,
        %swap3A_1679 = arith.constant 1 : i32
        %swap3A_1680 = arith.index_cast %scan3A_1615 : i32 to index
        %swap3A_1681 = arith.index_cast %swap3A_1679 : i32 to index
        %swap3A_1682 = arith.constant 16 : index
        %swap3A_1683 = tpu.vector_load %arg9[%swap3A_1680, %swap3A_1681, %swap3A_1682] {strides = array<i32>} : memref<50x4x128xf32, #tpu.memory_space<vmem>>, vector<1x1x16xf32>,
        %swap3A_1684 = vector.shape_cast %swap3A_1683 : vector<1x1x16xf32> to vector<16xf32>
        %swap3A_1685 = vector.shape_cast %get3A_1150 : vector<16xf32> to vector<1x1x16xf32>
        tpu.vector_store %arg9[%swap3A_1680, %swap3A_1681, %swap3A_1682], %swap3A_1685 {add = true, strides = array<i32>} : memref<50x4x128xf32, #tpu.memory_space<vmem>>, vector<1x1x16xf32>,
        %swap3A_1686 = arith.constant 1 : i32
        %swap3A_1687 = arith.index_cast %scan3A_1615 : i32 to index
        %swap3A_1688 = arith.index_cast %swap3A_1686 : i32 to index
        %swap3A_1689 = arith.constant 32 : index
        %swap3A_1690 = tpu.vector_load %arg9[%swap3A_1687, %swap3A_1688, %swap3A_1689] {strides = array<i32>} : memref<50x4x128xf32, #tpu.memory_space<vmem>>, vector<1x1x16xf32>,
        %swap3A_1691 = vector.shape_cast %swap3A_1690 : vector<1x1x16xf32> to vector<16xf32>
        %swap3A_1692 = vector.shape_cast %get3A_1154 : vector<16xf32> to vector<1x1x16xf32>
        tpu.vector_store %arg9[%swap3A_1687, %swap3A_1688, %swap3A_1689], %swap3A_1692 {add = true, strides = array<i32>} : memref<50x4x128xf32, #tpu.memory_space<vmem>>, vector<1x1x16xf32>,
        %swap3A_1693 = arith.constant 1 : i32
        %swap3A_1694 = arith.index_cast %scan3A_1615 : i32 to index
        %swap3A_1695 = arith.index_cast %swap3A_1693 : i32 to index
        %swap3A_1696 = arith.constant 48 : index
        %swap3A_1697 = tpu.vector_load %arg9[%swap3A_1694, %swap3A_1695, %swap3A_1696] {strides = array<i32>} : memref<50x4x128xf32, #tpu.memory_space<vmem>>, vector<1x1x16xf32>,
        %swap3A_1698 = vector.shape_cast %swap3A_1697 : vector<1x1x16xf32> to vector<16xf32>
        %swap3A_1699 = vector.shape_cast %get3A_1158 : vector<16xf32> to vector<1x1x16xf32>
        tpu.vector_store %arg9[%swap3A_1694, %swap3A_1695, %swap3A_1696], %swap3A_1699 {add = true, strides = array<i32>} : memref<50x4x128xf32, #tpu.memory_space<vmem>>, vector<1x1x16xf32>,
        %swap3A_1700 = arith.constant 1 : i32
        %swap3A_1701 = arith.index_cast %scan3A_1615 : i32 to index
        %swap3A_1702 = arith.index_cast %swap3A_1700 : i32 to index
        %swap3A_1703 = arith.constant 64 : index
        %swap3A_1704 = tpu.vector_load %arg9[%swap3A_1701, %swap3A_1702, %swap3A_1703] {strides = array<i32>} : memref<50x4x128xf32, #tpu.memory_space<vmem>>, vector<1x1x16xf32>,
        %swap3A_1705 = vector.shape_cast %swap3A_1704 : vector<1x1x16xf32> to vector<16xf32>
        %swap3A_1706 = vector.shape_cast %get3A_1162 : vector<16xf32> to vector<1x1x16xf32>
        tpu.vector_store %arg9[%swap3A_1701, %swap3A_1702, %swap3A_1703], %swap3A_1706 {add = true, strides = array<i32>} : memref<50x4x128xf32, #tpu.memory_space<vmem>>, vector<1x1x16xf32>,
        %swap3A_1707 = arith.constant 1 : i32
        %swap3A_1708 = arith.index_cast %scan3A_1615 : i32 to index
        %swap3A_1709 = arith.index_cast %swap3A_1707 : i32 to index
        %swap3A_1710 = arith.constant 80 : index
        %swap3A_1711 = tpu.vector_load %arg9[%swap3A_1708, %swap3A_1709, %swap3A_1710] {strides = array<i32>} : memref<50x4x128xf32, #tpu.memory_space<vmem>>, vector<1x1x16xf32>,
        %swap3A_1712 = vector.shape_cast %swap3A_1711 : vector<1x1x16xf32> to vector<16xf32>
        %swap3A_1713 = vector.shape_cast %get3A_1166 : vector<16xf32> to vector<1x1x16xf32>
        tpu.vector_store %arg9[%swap3A_1708, %swap3A_1709, %swap3A_1710], %swap3A_1713 {add = true, strides = array<i32>} : memref<50x4x128xf32, #tpu.memory_space<vmem>>, vector<1x1x16xf32>,
        %swap3A_1714 = arith.constant 1 : i32
        %swap3A_1715 = arith.index_cast %scan3A_1615 : i32 to index
        %swap3A_1716 = arith.index_cast %swap3A_1714 : i32 to index
        %swap3A_1717 = arith.constant 96 : index
        %swap3A_1718 = tpu.vector_load %arg9[%swap3A_1715, %swap3A_1716, %swap3A_1717] {strides = array<i32>} : memref<50x4x128xf32, #tpu.memory_space<vmem>>, vector<1x1x16xf32>,
        %swap3A_1719 = vector.shape_cast %swap3A_1718 : vector<1x1x16xf32> to vector<16xf32>
        %swap3A_1720 = vector.shape_cast %get3A_1170 : vector<16xf32> to vector<1x1x16xf32>
        tpu.vector_store %arg9[%swap3A_1715, %swap3A_1716, %swap3A_1717], %swap3A_1720 {add = true, strides = array<i32>} : memref<50x4x128xf32, #tpu.memory_space<vmem>>, vector<1x1x16xf32>,
        %swap3A_1721 = arith.constant 1 : i32
        %swap3A_1722 = arith.index_cast %scan3A_1615 : i32 to index
        %swap3A_1723 = arith.index_cast %swap3A_1721 : i32 to index
        %swap3A_1724 = arith.constant 112 : index
        %swap3A_1725 = tpu.vector_load %arg9[%swap3A_1722, %swap3A_1723, %swap3A_1724] {strides = array<i32>} : memref<50x4x128xf32, #tpu.memory_space<vmem>>, vector<1x1x16xf32>,
        %swap3A_1726 = vector.shape_cast %swap3A_1725 : vector<1x1x16xf32> to vector<16xf32>
        %swap3A_1727 = vector.shape_cast %get3A_1174 : vector<16xf32> to vector<1x1x16xf32>
        tpu.vector_store %arg9[%swap3A_1722, %swap3A_1723, %swap3A_1724], %swap3A_1727 {add = true, strides = array<i32>} : memref<50x4x128xf32, #tpu.memory_space<vmem>>, vector<1x1x16xf32>,
        %swap3A_1728 = arith.constant 2 : i32
        %swap3A_1729 = arith.index_cast %scan3A_1615 : i32 to index
        %swap3A_1730 = arith.index_cast %swap3A_1728 : i32 to index
        %swap3A_1731 = arith.constant 0 : index
        %swap3A_1732 = tpu.vector_load %arg9[%swap3A_1729, %swap3A_1730, %swap3A_1731] {strides = array<i32>} : memref<50x4x128xf32, #tpu.memory_space<vmem>>, vector<1x1x16xf32>,
        %swap3A_1733 = vector.shape_cast %swap3A_1732 : vector<1x1x16xf32> to vector<16xf32>
        %swap3A_1734 = vector.shape_cast %get3A_1178 : vector<16xf32> to vector<1x1x16xf32>
        tpu.vector_store %arg9[%swap3A_1729, %swap3A_1730, %swap3A_1731], %swap3A_1734 {add = true, strides = array<i32>} : memref<50x4x128xf32, #tpu.memory_space<vmem>>, vector<1x1x16xf32>,
        %swap3A_1735 = arith.constant 2 : i32
        %swap3A_1736 = arith.index_cast %scan3A_1615 : i32 to index
        %swap3A_1737 = arith.index_cast %swap3A_1735 : i32 to index
        %swap3A_1738 = arith.constant 16 : index
        %swap3A_1739 = tpu.vector_load %arg9[%swap3A_1736, %swap3A_1737, %swap3A_1738] {strides = array<i32>} : memref<50x4x128xf32, #tpu.memory_space<vmem>>, vector<1x1x16xf32>,
        %swap3A_1740 = vector.shape_cast %swap3A_1739 : vector<1x1x16xf32> to vector<16xf32>
        %swap3A_1741 = vector.shape_cast %get3A_1182 : vector<16xf32> to vector<1x1x16xf32>
        tpu.vector_store %arg9[%swap3A_1736, %swap3A_1737, %swap3A_1738], %swap3A_1741 {add = true, strides = array<i32>} : memref<50x4x128xf32, #tpu.memory_space<vmem>>, vector<1x1x16xf32>,
        %swap3A_1742 = arith.constant 2 : i32
        %swap3A_1743 = arith.index_cast %scan3A_1615 : i32 to index
        %swap3A_1744 = arith.index_cast %swap3A_1742 : i32 to index
        %swap3A_1745 = arith.constant 32 : index
        %swap3A_1746 = tpu.vector_load %arg9[%swap3A_1743, %swap3A_1744, %swap3A_1745] {strides = array<i32>} : memref<50x4x128xf32, #tpu.memory_space<vmem>>, vector<1x1x16xf32>,
        %swap3A_1747 = vector.shape_cast %swap3A_1746 : vector<1x1x16xf32> to vector<16xf32>
        %swap3A_1748 = vector.shape_cast %get3A_1186 : vector<16xf32> to vector<1x1x16xf32>
        tpu.vector_store %arg9[%swap3A_1743, %swap3A_1744, %swap3A_1745], %swap3A_1748 {add = true, strides = array<i32>} : memref<50x4x128xf32, #tpu.memory_space<vmem>>, vector<1x1x16xf32>,
        %swap3A_1749 = arith.constant 2 : i32
        %swap3A_1750 = arith.index_cast %scan3A_1615 : i32 to index
        %swap3A_1751 = arith.index_cast %swap3A_1749 : i32 to index
        %swap3A_1752 = arith.constant 48 : index
        %swap3A_1753 = tpu.vector_load %arg9[%swap3A_1750, %swap3A_1751, %swap3A_1752] {strides = array<i32>} : memref<50x4x128xf32, #tpu.memory_space<vmem>>, vector<1x1x16xf32>,
        %swap3A_1754 = vector.shape_cast %swap3A_1753 : vector<1x1x16xf32> to vector<16xf32>
        %swap3A_1755 = vector.shape_cast %get3A_1190 : vector<16xf32> to vector<1x1x16xf32>
        tpu.vector_store %arg9[%swap3A_1750, %swap3A_1751, %swap3A_1752], %swap3A_1755 {add = true, strides = array<i32>} : memref<50x4x128xf32, #tpu.memory_space<vmem>>, vector<1x1x16xf32>,
        %swap3A_1756 = arith.constant 2 : i32
        %swap3A_1757 = arith.index_cast %scan3A_1615 : i32 to index
        %swap3A_1758 = arith.index_cast %swap3A_1756 : i32 to index
        %swap3A_1759 = arith.constant 64 : index
        %swap3A_1760 = tpu.vector_load %arg9[%swap3A_1757, %swap3A_1758, %swap3A_1759] {strides = array<i32>} : memref<50x4x128xf32, #tpu.memory_space<vmem>>, vector<1x1x16xf32>,
        %swap3A_1761 = vector.shape_cast %swap3A_1760 : vector<1x1x16xf32> to vector<16xf32>
        %swap3A_1762 = vector.shape_cast %get3A_1194 : vector<16xf32> to vector<1x1x16xf32>
        tpu.vector_store %arg9[%swap3A_1757, %swap3A_1758, %swap3A_1759], %swap3A_1762 {add = true, strides = array<i32>} : memref<50x4x128xf32, #tpu.memory_space<vmem>>, vector<1x1x16xf32>,
        %swap3A_1763 = arith.constant 2 : i32
        %swap3A_1764 = arith.index_cast %scan3A_1615 : i32 to index
        %swap3A_1765 = arith.index_cast %swap3A_1763 : i32 to index
        %swap3A_1766 = arith.constant 80 : index
        %swap3A_1767 = tpu.vector_load %arg9[%swap3A_1764, %swap3A_1765, %swap3A_1766] {strides = array<i32>} : memref<50x4x128xf32, #tpu.memory_space<vmem>>, vector<1x1x16xf32>,
        %swap3A_1768 = vector.shape_cast %swap3A_1767 : vector<1x1x16xf32> to vector<16xf32>
        %swap3A_1769 = vector.shape_cast %get3A_1198 : vector<16xf32> to vector<1x1x16xf32>
        tpu.vector_store %arg9[%swap3A_1764, %swap3A_1765, %swap3A_1766], %swap3A_1769 {add = true, strides = array<i32>} : memref<50x4x128xf32, #tpu.memory_space<vmem>>, vector<1x1x16xf32>,
        %swap3A_1770 = arith.constant 2 : i32
        %swap3A_1771 = arith.index_cast %scan3A_1615 : i32 to index
        %swap3A_1772 = arith.index_cast %swap3A_1770 : i32 to index
        %swap3A_1773 = arith.constant 96 : index
        %swap3A_1774 = tpu.vector_load %arg9[%swap3A_1771, %swap3A_1772, %swap3A_1773] {strides = array<i32>} : memref<50x4x128xf32, #tpu.memory_space<vmem>>, vector<1x1x16xf32>,
        %swap3A_1775 = vector.shape_cast %swap3A_1774 : vector<1x1x16xf32> to vector<16xf32>
        %swap3A_1776 = vector.shape_cast %get3A_1202 : vector<16xf32> to vector<1x1x16xf32>
        tpu.vector_store %arg9[%swap3A_1771, %swap3A_1772, %swap3A_1773], %swap3A_1776 {add = true, strides = array<i32>} : memref<50x4x128xf32, #tpu.memory_space<vmem>>, vector<1x1x16xf32>,
        %swap3A_1777 = arith.constant 2 : i32
        %swap3A_1778 = arith.index_cast %scan3A_1615 : i32 to index
        %swap3A_1779 = arith.index_cast %swap3A_1777 : i32 to index
        %swap3A_1780 = arith.constant 112 : index
        %swap3A_1781 = tpu.vector_load %arg9[%swap3A_1778, %swap3A_1779, %swap3A_1780] {strides = array<i32>} : memref<50x4x128xf32, #tpu.memory_space<vmem>>, vector<1x1x16xf32>,
        %swap3A_1782 = vector.shape_cast %swap3A_1781 : vector<1x1x16xf32> to vector<16xf32>
        %swap3A_1783 = vector.shape_cast %get3A_1206 : vector<16xf32> to vector<1x1x16xf32>
        tpu.vector_store %arg9[%swap3A_1778, %swap3A_1779, %swap3A_1780], %swap3A_1783 {add = true, strides = array<i32>} : memref<50x4x128xf32, #tpu.memory_space<vmem>>, vector<1x1x16xf32>,
        %swap3A_1784 = arith.constant 3 : i32
        %swap3A_1785 = arith.index_cast %scan3A_1615 : i32 to index
        %swap3A_1786 = arith.index_cast %swap3A_1784 : i32 to index
        %swap3A_1787 = arith.constant 0 : index
        %swap3A_1788 = tpu.vector_load %arg9[%swap3A_1785, %swap3A_1786, %swap3A_1787] {strides = array<i32>} : memref<50x4x128xf32, #tpu.memory_space<vmem>>, vector<1x1x16xf32>,
        %swap3A_1789 = vector.shape_cast %swap3A_1788 : vector<1x1x16xf32> to vector<16xf32>
        %swap3A_1790 = vector.shape_cast %get3A_1210 : vector<16xf32> to vector<1x1x16xf32>
        tpu.vector_store %arg9[%swap3A_1785, %swap3A_1786, %swap3A_1787], %swap3A_1790 {add = true, strides = array<i32>} : memref<50x4x128xf32, #tpu.memory_space<vmem>>, vector<1x1x16xf32>,
        %swap3A_1791 = arith.constant 3 : i32
        %swap3A_1792 = arith.index_cast %scan3A_1615 : i32 to index
        %swap3A_1793 = arith.index_cast %swap3A_1791 : i32 to index
        %swap3A_1794 = arith.constant 16 : index
        %swap3A_1795 = tpu.vector_load %arg9[%swap3A_1792, %swap3A_1793, %swap3A_1794] {strides = array<i32>} : memref<50x4x128xf32, #tpu.memory_space<vmem>>, vector<1x1x16xf32>,
        %swap3A_1796 = vector.shape_cast %swap3A_1795 : vector<1x1x16xf32> to vector<16xf32>
        %swap3A_1797 = vector.shape_cast %get3A_1214 : vector<16xf32> to vector<1x1x16xf32>
        tpu.vector_store %arg9[%swap3A_1792, %swap3A_1793, %swap3A_1794], %swap3A_1797 {add = true, strides = array<i32>} : memref<50x4x128xf32, #tpu.memory_space<vmem>>, vector<1x1x16xf32>,
        %swap3A_1798 = arith.constant 3 : i32
        %swap3A_1799 = arith.index_cast %scan3A_1615 : i32 to index
        %swap3A_1800 = arith.index_cast %swap3A_1798 : i32 to index
        %swap3A_1801 = arith.constant 32 : index
        %swap3A_1802 = tpu.vector_load %arg9[%swap3A_1799, %swap3A_1800, %swap3A_1801] {strides = array<i32>} : memref<50x4x128xf32, #tpu.memory_space<vmem>>, vector<1x1x16xf32>,
        %swap3A_1803 = vector.shape_cast %swap3A_1802 : vector<1x1x16xf32> to vector<16xf32>
        %swap3A_1804 = vector.shape_cast %get3A_1218 : vector<16xf32> to vector<1x1x16xf32>
        tpu.vector_store %arg9[%swap3A_1799, %swap3A_1800, %swap3A_1801], %swap3A_1804 {add = true, strides = array<i32>} : memref<50x4x128xf32, #tpu.memory_space<vmem>>, vector<1x1x16xf32>,
        %swap3A_1805 = arith.constant 3 : i32
        %swap3A_1806 = arith.index_cast %scan3A_1615 : i32 to index
        %swap3A_1807 = arith.index_cast %swap3A_1805 : i32 to index
        %swap3A_1808 = arith.constant 48 : index
        %swap3A_1809 = tpu.vector_load %arg9[%swap3A_1806, %swap3A_1807, %swap3A_1808] {strides = array<i32>} : memref<50x4x128xf32, #tpu.memory_space<vmem>>, vector<1x1x16xf32>,
        %swap3A_1810 = vector.shape_cast %swap3A_1809 : vector<1x1x16xf32> to vector<16xf32>
        %swap3A_1811 = vector.shape_cast %get3A_1222 : vector<16xf32> to vector<1x1x16xf32>
        tpu.vector_store %arg9[%swap3A_1806, %swap3A_1807, %swap3A_1808], %swap3A_1811 {add = true, strides = array<i32>} : memref<50x4x128xf32, #tpu.memory_space<vmem>>, vector<1x1x16xf32>,
        %swap3A_1812 = arith.constant 3 : i32
        %swap3A_1813 = arith.index_cast %scan3A_1615 : i32 to index
        %swap3A_1814 = arith.index_cast %swap3A_1812 : i32 to index
        %swap3A_1815 = arith.constant 64 : index
        %swap3A_1816 = tpu.vector_load %arg9[%swap3A_1813, %swap3A_1814, %swap3A_1815] {strides = array<i32>} : memref<50x4x128xf32, #tpu.memory_space<vmem>>, vector<1x1x16xf32>,
        %swap3A_1817 = vector.shape_cast %swap3A_1816 : vector<1x1x16xf32> to vector<16xf32>
        %swap3A_1818 = vector.shape_cast %get3A_1226 : vector<16xf32> to vector<1x1x16xf32>
        tpu.vector_store %arg9[%swap3A_1813, %swap3A_1814, %swap3A_1815], %swap3A_1818 {add = true, strides = array<i32>} : memref<50x4x128xf32, #tpu.memory_space<vmem>>, vector<1x1x16xf32>,
        %swap3A_1819 = arith.constant 3 : i32
        %swap3A_1820 = arith.index_cast %scan3A_1615 : i32 to index
        %swap3A_1821 = arith.index_cast %swap3A_1819 : i32 to index
        %swap3A_1822 = arith.constant 80 : index
        %swap3A_1823 = tpu.vector_load %arg9[%swap3A_1820, %swap3A_1821, %swap3A_1822] {strides = array<i32>} : memref<50x4x128xf32, #tpu.memory_space<vmem>>, vector<1x1x16xf32>,
        %swap3A_1824 = vector.shape_cast %swap3A_1823 : vector<1x1x16xf32> to vector<16xf32>
        %swap3A_1825 = vector.shape_cast %get3A_1230 : vector<16xf32> to vector<1x1x16xf32>
        tpu.vector_store %arg9[%swap3A_1820, %swap3A_1821, %swap3A_1822], %swap3A_1825 {add = true, strides = array<i32>} : memref<50x4x128xf32, #tpu.memory_space<vmem>>, vector<1x1x16xf32>,
        %swap3A_1826 = arith.constant 3 : i32
        %swap3A_1827 = arith.index_cast %scan3A_1615 : i32 to index
        %swap3A_1828 = arith.index_cast %swap3A_1826 : i32 to index
        %swap3A_1829 = arith.constant 96 : index
        %swap3A_1830 = tpu.vector_load %arg9[%swap3A_1827, %swap3A_1828, %swap3A_1829] {strides = array<i32>} : memref<50x4x128xf32, #tpu.memory_space<vmem>>, vector<1x1x16xf32>,
        %swap3A_1831 = vector.shape_cast %swap3A_1830 : vector<1x1x16xf32> to vector<16xf32>
        %swap3A_1832 = vector.shape_cast %get3A_1234 : vector<16xf32> to vector<1x1x16xf32>
        tpu.vector_store %arg9[%swap3A_1827, %swap3A_1828, %swap3A_1829], %swap3A_1832 {add = true, strides = array<i32>} : memref<50x4x128xf32, #tpu.memory_space<vmem>>, vector<1x1x16xf32>,
        %swap3A_1833 = arith.constant 3 : i32
        %swap3A_1834 = arith.index_cast %scan3A_1615 : i32 to index
        %swap3A_1835 = arith.index_cast %swap3A_1833 : i32 to index
        %swap3A_1836 = arith.constant 112 : index
        %swap3A_1837 = tpu.vector_load %arg9[%swap3A_1834, %swap3A_1835, %swap3A_1836] {strides = array<i32>} : memref<50x4x128xf32, #tpu.memory_space<vmem>>, vector<1x1x16xf32>,
        %swap3A_1838 = vector.shape_cast %swap3A_1837 : vector<1x1x16xf32> to vector<16xf32>
        %swap3A_1839 = vector.shape_cast %get3A_1238 : vector<16xf32> to vector<1x1x16xf32>
        tpu.vector_store %arg9[%swap3A_1834, %swap3A_1835, %swap3A_1836], %swap3A_1839 {add = true, strides = array<i32>} : memref<50x4x128xf32, #tpu.memory_space<vmem>>, vector<1x1x16xf32>,
      }
      %scan3A_1244 = arith.constant 50 : i32
      %mul3A_1245 = arith.constant 128 : i32
      %mul3A_1246 = arith.muli %add3A, %mul3A_1245 : i32
      %add3A_1247 = arith.addi %mul3A_1246, %add3A_1032 : i32
      %jit3A_1248 = arith.constant 8 : i32
      %div3A_1249 = arith.divsi %add3A_1247, %jit3A_1248 : i32
      %sign3A_1250 = arith.constant 0 : i32
      %sign3A_1251 = arith.cmpi sgt, %add3A_1247, %sign3A_1250 : i32
      %sign3A_1252 = arith.extui %sign3A_1251 : i1 to i32
      %sign3A_1253 = arith.constant 0 : i32
      %sign3A_1254 = arith.cmpi slt, %add3A_1247, %sign3A_1253 : i32
      %sign3A_1255 = arith.extui %sign3A_1254 : i1 to i32
      %sign3A_1256 = arith.subi %sign3A_1252, %sign3A_1255 : i32
      %sign3A_1257 = arith.constant 0 : i32
      %sign3A_1258 = arith.cmpi sgt, %jit3A_1248, %sign3A_1257 : i32
      %sign3A_1259 = arith.extui %sign3A_1258 : i1 to i32
      %sign3A_1260 = arith.constant 0 : i32
      %sign3A_1261 = arith.cmpi slt, %jit3A_1248, %sign3A_1260 : i32
      %sign3A_1262 = arith.extui %sign3A_1261 : i1 to i32
      %sign3A_1263 = arith.subi %sign3A_1259, %sign3A_1262 : i32
      %ne3A_1264 = arith.cmpi ne, %sign3A_1256, %sign3A_1263 : i32
      %rem3A_1265 = arith.remsi %add3A_1247, %jit3A_1248 : i32
      %ne3A_1266 = arith.constant 0 : i32
      %ne3A_1267 = arith.cmpi ne, %rem3A_1265, %ne3A_1266 : i32
      %and3A_1268 = arith.andi %ne3A_1264, %ne3A_1267 : i1
      %sub3A_1269 = arith.constant 1 : i32
      %sub3A_1270 = arith.subi %div3A_1249, %sub3A_1269 : i32
      %select_n3A_1271 = arith.select %and3A_1268, %sub3A_1270, %div3A_1249 : i32
      %jit3A_1272 = arith.constant 8 : i32
      %eq3A_1273 = arith.constant 0 : i32
      %eq3A_1274 = arith.cmpi eq, %jit3A_1272, %eq3A_1273 : i32
      %jit3A_1275 = arith.constant 1 : i32
      %select_n3A_1276 = arith.select %eq3A_1274, %jit3A_1275, %jit3A_1272 : i32
      %rem3A_1277 = arith.remsi %add3A_1247, %select_n3A_1276 : i32
      %ne3A_1278 = arith.constant 0 : i32
      %ne3A_1279 = arith.cmpi ne, %rem3A_1277, %ne3A_1278 : i32
      %lt3A_1280 = arith.constant 0 : i32
      %lt3A_1281 = arith.cmpi slt, %rem3A_1277, %lt3A_1280 : i32
      %lt3A_1282 = arith.constant 0 : i32
      %lt3A_1283 = arith.cmpi slt, %select_n3A_1276, %lt3A_1282 : i32
      %ne3A_1284 = arith.xori %lt3A_1281, %lt3A_1283 : i1
      %and3A_1285 = arith.andi %ne3A_1284, %ne3A_1279 : i1
      %add3A_1286 = arith.addi %rem3A_1277, %select_n3A_1276 : i32
      %select_n3A_1287 = arith.select %and3A_1285, %add3A_1286, %rem3A_1277 : i32
      %dma_start3A_1288 = arith.constant 0 : i32
      %dma_start3A_1289 = arith.constant 0 : i32
      %dma_start3A_1290 = arith.constant 0 : i32
      %dma_start3A_1291 = tpu.memref_slice %arg7[%dma_start3A_1288, %select_n3A_1271, %dma_start3A_1289, %select_n3A_1287, %dma_start3A_1290] : memref<50x512x4x8x128xf32, #tpu.memory_space<hbm>> -> memref<50x1x4x1x128xf32, #tpu.memory_space<hbm>>
      %dma_start3A_1292 = tpu.memref_squeeze %dma_start3A_1291 : memref<50x1x4x1x128xf32, #tpu.memory_space<hbm>> -> memref<50x4x128xf32, #tpu.memory_space<hbm>>
      %dma_start3A_1293 = arith.constant 0 : i32
      %dma_start3A_1294 = arith.constant 0 : i32
      %dma_start3A_1295 = arith.constant 0 : i32
      %dma_start3A_1296 = tpu.memref_slice %arg7[%dma_start3A_1293, %select_n3A_1271, %dma_start3A_1294, %select_n3A_1287, %dma_start3A_1295] : memref<50x512x4x8x128xf32, #tpu.memory_space<hbm>> -> memref<50x1x4x1x128xf32, #tpu.memory_space<hbm>>
      %dma_start3A_1297 = tpu.memref_squeeze %dma_start3A_1296 : memref<50x1x4x1x128xf32, #tpu.memory_space<hbm>> -> memref<50x4x128xf32, #tpu.memory_space<hbm>>
      tpu.enqueue_dma source(%arg9 : memref<50x4x128xf32, #tpu.memory_space<vmem>>) target(%dma_start3A_1297 : memref<50x4x128xf32, #tpu.memory_space<hbm>>) target_semaphore(%arg22 : memref<!tpu.dma_semaphore, #tpu.memory_space<semaphore_mem>>)
      %mul3A_1298 = arith.constant 3 : i32
      %mul3A_1299 = arith.muli %scan3A_762, %mul3A_1298 : i32
      %add3A_1300 = arith.constant 2 : i32
      %add3A_1301 = arith.addi %mul3A_1299, %add3A_1300 : i32
      %add3A_1302 = arith.constant 1 : i32
      %add3A_1303 = arith.addi %add3A_1301, %add3A_1302 : i32
      %mul3A_1304 = arith.constant 50 : i32
      %mul3A_1305 = arith.muli %add3A_1303, %mul3A_1304 : i32
      %add3A_1306 = arith.constant 0 : i32
      %add3A_1307 = arith.addi %mul3A_1305, %add3A_1306 : i32
      %get3A_1308 = arith.index_cast %add3A_1307 : i32 to index
      %get3A_1309 = tpu.vector_load %arg14[%get3A_1308] {strides = array<i32>} : memref<6528xi32, #tpu.memory_space<vmem>>, vector<16xi32>,
      %get3A_1310 = vector.shape_cast %get3A_1309 : vector<16xi32> to vector<16xi32>
      %mul3A_1311 = arith.constant 50 : i32
      %mul3A_1312 = vector.broadcast %mul3A_1311 : i32 to vector<16xi32>
      %mul3A_1313 = arith.muli %get3A_1310, %mul3A_1312 : vector<16xi32>
      %add3A_1314 = arith.addi %mul3A_1313, %add3A_44 : vector<16xi32>
      %swap3A_1315 = arith.constant 0 : index
      %swap3A_1316 = tpu.vector_load %arg11[%swap3A_1315] {strides = array<i32>} : memref<64xi32, #tpu.memory_space<vmem>>, vector<16xi32>,
      %swap3A_1317 = vector.shape_cast %swap3A_1316 : vector<16xi32> to vector<16xi32>
      %swap3A_1318 = vector.shape_cast %add3A_1314 : vector<16xi32> to vector<16xi32>
      tpu.vector_store %arg11[%swap3A_1315], %swap3A_1318 {strides = array<i32>} : memref<64xi32, #tpu.memory_space<vmem>>, vector<16xi32>,
      %add3A_1319 = arith.constant 16 : i32
      %add3A_1320 = arith.addi %mul3A_1305, %add3A_1319 : i32
      %get3A_1321 = arith.index_cast %add3A_1320 : i32 to index
      %get3A_1322 = tpu.vector_load %arg14[%get3A_1321] {strides = array<i32>} : memref<6528xi32, #tpu.memory_space<vmem>>, vector<16xi32>,
      %get3A_1323 = vector.shape_cast %get3A_1322 : vector<16xi32> to vector<16xi32>
      %mul3A_1324 = arith.constant 50 : i32
      %mul3A_1325 = vector.broadcast %mul3A_1324 : i32 to vector<16xi32>
      %mul3A_1326 = arith.muli %get3A_1323, %mul3A_1325 : vector<16xi32>
      %add3A_1327 = arith.addi %mul3A_1326, %add3A_48 : vector<16xi32>
      %swap3A_1328 = arith.constant 16 : index
      %swap3A_1329 = tpu.vector_load %arg11[%swap3A_1328] {strides = array<i32>} : memref<64xi32, #tpu.memory_space<vmem>>, vector<16xi32>,
      %swap3A_1330 = vector.shape_cast %swap3A_1329 : vector<16xi32> to vector<16xi32>
      %swap3A_1331 = vector.shape_cast %add3A_1327 : vector<16xi32> to vector<16xi32>
      tpu.vector_store %arg11[%swap3A_1328], %swap3A_1331 {strides = array<i32>} : memref<64xi32, #tpu.memory_space<vmem>>, vector<16xi32>,
      %add3A_1332 = arith.constant 32 : i32
      %add3A_1333 = arith.addi %mul3A_1305, %add3A_1332 : i32
      %get3A_1334 = arith.index_cast %add3A_1333 : i32 to index
      %get3A_1335 = tpu.vector_load %arg14[%get3A_1334] {strides = array<i32>} : memref<6528xi32, #tpu.memory_space<vmem>>, vector<16xi32>,
      %get3A_1336 = vector.shape_cast %get3A_1335 : vector<16xi32> to vector<16xi32>
      %mul3A_1337 = arith.constant 50 : i32
      %mul3A_1338 = vector.broadcast %mul3A_1337 : i32 to vector<16xi32>
      %mul3A_1339 = arith.muli %get3A_1336, %mul3A_1338 : vector<16xi32>
      %add3A_1340 = arith.addi %mul3A_1339, %add3A_52 : vector<16xi32>
      %swap3A_1341 = arith.constant 32 : index
      %swap3A_1342 = tpu.vector_load %arg11[%swap3A_1341] {strides = array<i32>} : memref<64xi32, #tpu.memory_space<vmem>>, vector<16xi32>,
      %swap3A_1343 = vector.shape_cast %swap3A_1342 : vector<16xi32> to vector<16xi32>
      %swap3A_1344 = vector.shape_cast %add3A_1340 : vector<16xi32> to vector<16xi32>
      tpu.vector_store %arg11[%swap3A_1341], %swap3A_1344 {strides = array<i32>} : memref<64xi32, #tpu.memory_space<vmem>>, vector<16xi32>,
      %add3A_1345 = arith.constant 48 : i32
      %add3A_1346 = arith.addi %mul3A_1305, %add3A_1345 : i32
      %get3A_1347 = arith.index_cast %add3A_1346 : i32 to index
      %get3A_1348 = tpu.vector_load %arg14[%get3A_1347] {strides = array<i32>} : memref<6528xi32, #tpu.memory_space<vmem>>, vector<16xi32>,
      %get3A_1349 = vector.shape_cast %get3A_1348 : vector<16xi32> to vector<16xi32>
      %mul3A_1350 = arith.constant 50 : i32
      %mul3A_1351 = vector.broadcast %mul3A_1350 : i32 to vector<16xi32>
      %mul3A_1352 = arith.muli %get3A_1349, %mul3A_1351 : vector<16xi32>
      %add3A_1353 = arith.addi %mul3A_1352, %add3A_56 : vector<16xi32>
      %swap3A_1354 = arith.constant 48 : index
      %swap3A_1355 = tpu.vector_load %arg11[%swap3A_1354] {strides = array<i32>} : memref<64xi32, #tpu.memory_space<vmem>>, vector<16xi32>,
      %swap3A_1356 = vector.shape_cast %swap3A_1355 : vector<16xi32> to vector<16xi32>
      %swap3A_1357 = vector.shape_cast %add3A_1353 : vector<16xi32> to vector<16xi32>
      tpu.vector_store %arg11[%swap3A_1354], %swap3A_1357 {strides = array<i32>} : memref<64xi32, #tpu.memory_space<vmem>>, vector<16xi32>,
      %mul3A_1358 = arith.constant 128 : i32
      %mul3A_1359 = arith.muli %add3A, %mul3A_1358 : i32
      %add3A_1360 = arith.addi %mul3A_1359, %add3A_1301 : i32
      %jit3A_1361 = arith.constant 8 : i32
      %div3A_1362 = arith.divsi %add3A_1360, %jit3A_1361 : i32
      %sign3A_1363 = arith.constant 0 : i32
      %sign3A_1364 = arith.cmpi sgt, %add3A_1360, %sign3A_1363 : i32
      %sign3A_1365 = arith.extui %sign3A_1364 : i1 to i32
      %sign3A_1366 = arith.constant 0 : i32
      %sign3A_1367 = arith.cmpi slt, %add3A_1360, %sign3A_1366 : i32
      %sign3A_1368 = arith.extui %sign3A_1367 : i1 to i32
      %sign3A_1369 = arith.subi %sign3A_1365, %sign3A_1368 : i32
      %sign3A_1370 = arith.constant 0 : i32
      %sign3A_1371 = arith.cmpi sgt, %jit3A_1361, %sign3A_1370 : i32
      %sign3A_1372 = arith.extui %sign3A_1371 : i1 to i32
      %sign3A_1373 = arith.constant 0 : i32
      %sign3A_1374 = arith.cmpi slt, %jit3A_1361, %sign3A_1373 : i32
      %sign3A_1375 = arith.extui %sign3A_1374 : i1 to i32
      %sign3A_1376 = arith.subi %sign3A_1372, %sign3A_1375 : i32
      %ne3A_1377 = arith.cmpi ne, %sign3A_1369, %sign3A_1376 : i32
      %rem3A_1378 = arith.remsi %add3A_1360, %jit3A_1361 : i32
      %ne3A_1379 = arith.constant 0 : i32
      %ne3A_1380 = arith.cmpi ne, %rem3A_1378, %ne3A_1379 : i32
      %and3A_1381 = arith.andi %ne3A_1377, %ne3A_1380 : i1
      %sub3A_1382 = arith.constant 1 : i32
      %sub3A_1383 = arith.subi %div3A_1362, %sub3A_1382 : i32
      %select_n3A_1384 = arith.select %and3A_1381, %sub3A_1383, %div3A_1362 : i32
      %jit3A_1385 = arith.constant 8 : i32
      %eq3A_1386 = arith.constant 0 : i32
      %eq3A_1387 = arith.cmpi eq, %jit3A_1385, %eq3A_1386 : i32
      %jit3A_1388 = arith.constant 1 : i32
      %select_n3A_1389 = arith.select %eq3A_1387, %jit3A_1388, %jit3A_1385 : i32
      %rem3A_1390 = arith.remsi %add3A_1360, %select_n3A_1389 : i32
      %ne3A_1391 = arith.constant 0 : i32
      %ne3A_1392 = arith.cmpi ne, %rem3A_1390, %ne3A_1391 : i32
      %lt3A_1393 = arith.constant 0 : i32
      %lt3A_1394 = arith.cmpi slt, %rem3A_1390, %lt3A_1393 : i32
      %lt3A_1395 = arith.constant 0 : i32
      %lt3A_1396 = arith.cmpi slt, %select_n3A_1389, %lt3A_1395 : i32
      %ne3A_1397 = arith.xori %lt3A_1394, %lt3A_1396 : i1
      %and3A_1398 = arith.andi %ne3A_1397, %ne3A_1392 : i1
      %add3A_1399 = arith.addi %rem3A_1390, %select_n3A_1389 : i32
      %select_n3A_1400 = arith.select %and3A_1398, %add3A_1399, %rem3A_1390 : i32
      %dma_wait3A_1401 = arith.constant 0 : i32
      %dma_wait3A_1402 = arith.constant 0 : i32
      %dma_wait3A_1403 = arith.constant 0 : i32
      %dma_wait3A_1404 = tpu.memref_slice %arg7[%dma_wait3A_1401, %select_n3A_1384, %dma_wait3A_1402, %select_n3A_1400, %dma_wait3A_1403] : memref<50x512x4x8x128xf32, #tpu.memory_space<hbm>> -> memref<50x1x4x1x128xf32, #tpu.memory_space<hbm>>
      %dma_wait3A_1405 = tpu.memref_squeeze %dma_wait3A_1404 : memref<50x1x4x1x128xf32, #tpu.memory_space<hbm>> -> memref<50x4x128xf32, #tpu.memory_space<hbm>>
      %dma_wait3A_1406 = arith.constant 0 : i32
      %dma_wait3A_1407 = arith.constant 0 : i32
      %dma_wait3A_1408 = arith.constant 0 : i32
      %dma_wait3A_1409 = tpu.memref_slice %arg7[%dma_wait3A_1406, %select_n3A_1384, %dma_wait3A_1407, %select_n3A_1400, %dma_wait3A_1408] : memref<50x512x4x8x128xf32, #tpu.memory_space<hbm>> -> memref<50x1x4x1x128xf32, #tpu.memory_space<hbm>>
      %dma_wait3A_1410 = tpu.memref_squeeze %dma_wait3A_1409 : memref<50x1x4x1x128xf32, #tpu.memory_space<hbm>> -> memref<50x4x128xf32, #tpu.memory_space<hbm>>
      tpu.wait_dma2 semaphore(%arg21 : memref<!tpu.dma_semaphore, #tpu.memory_space<semaphore_mem>>) src(%arg8 : memref<50x4x128xf32, #tpu.memory_space<vmem>>) dst(%dma_wait3A_1410 : memref<50x4x128xf32, #tpu.memory_space<hbm>>)
      %dma_start3A_1411 = arith.constant 0 : i32
      %dma_start3A_1412 = tpu.memref_slice %arg11[%dma_start3A_1411] : memref<64xi32, #tpu.memory_space<vmem>> -> memref<50xi32, #tpu.memory_space<vmem>>
      %dma_start3A_1413 = arith.constant 0 : i32
      %dma_start3A_1414 = arith.constant 0 : i32
      %dma_start3A_1415 = arith.constant 0 : i32
      %dma_start3A_1416 = tpu.memref_slice %arg17[%dma_start3A_1413, %dma_start3A_1414, %dma_start3A_1415] : memref<1104x4x128xf32, #tpu.memory_space<vmem_shared>> -> memref<1104x4x128xf32, #tpu.memory_space<vmem_shared>>
      tpu.enqueue_indirect_dma source(%dma_start3A_1416 : memref<1104x4x128xf32, #tpu.memory_space<vmem_shared>>) target(%arg8 : memref<50x4x128xf32, #tpu.memory_space<vmem>>) offsets(%dma_start3A_1412 : memref<50xi32, #tpu.memory_space<vmem>>) semaphore(%arg18 : memref<!tpu.dma_semaphore, #tpu.memory_space<semaphore_mem>>)
      %dma_wait3A_1417 = arith.constant 0 : i32
      %dma_wait3A_1418 = tpu.memref_slice %arg13[%dma_wait3A_1417] : memref<64xi32, #tpu.memory_space<vmem>> -> memref<50xi32, #tpu.memory_space<vmem>>
      %dma_wait3A_1419 = arith.constant 0 : i32
      %dma_wait3A_1420 = arith.constant 0 : i32
      %dma_wait3A_1421 = arith.constant 0 : i32
      %dma_wait3A_1422 = tpu.memref_slice %arg17[%dma_wait3A_1419, %dma_wait3A_1420, %dma_wait3A_1421] : memref<1104x4x128xf32, #tpu.memory_space<vmem_shared>> -> memref<1104x4x128xf32, #tpu.memory_space<vmem_shared>>
      tpu.wait_indirect_dma semaphore(%arg20 : memref<!tpu.dma_semaphore, #tpu.memory_space<semaphore_mem>>) src(%dma_wait3A_1422 : memref<1104x4x128xf32, #tpu.memory_space<vmem_shared>>) dst(%arg10 : memref<50x4x128xf32, #tpu.memory_space<vmem>>)
      %get3A_1423 = arith.index_cast %add3A_1301 : i32 to index
      %get3A_1424 = tpu.vector_load %arg15[%get3A_1423] {strides = array<i32>} : memref<144xi32, #tpu.memory_space<vmem>>, vector<16xi32>,
      %get3A_1425 = vector.shape_cast %get3A_1424 : vector<16xi32> to vector<16xi32>
      %slice3A_1426 = vector.extract_strided_slice %get3A_1425 {offsets = [0], sizes = [1], strides = [1]} : vector<16xi32> to vector<1xi32>
      %squeeze3A_1427 = vector.extract %slice3A_1426[0] : i32 from vector<1xi32>
      %get3A_1428 = arith.index_cast %squeeze3A_1427 : i32 to index
      %get3A_1429 = arith.constant 0 : index
      %get3A_1430 = tpu.vector_load %arg16[%get3A_1428, %get3A_1429] {strides = array<i32>} : memref<10x512xf32, #tpu.memory_space<vmem>>, vector<1x16xf32>,
      %get3A_1431 = vector.shape_cast %get3A_1430 : vector<1x16xf32> to vector<16xf32>
      %get3A_1432 = arith.index_cast %squeeze3A_1427 : i32 to index
      %get3A_1433 = arith.constant 16 : index
      %get3A_1434 = tpu.vector_load %arg16[%get3A_1432, %get3A_1433] {strides = array<i32>} : memref<10x512xf32, #tpu.memory_space<vmem>>, vector<1x16xf32>,
      %get3A_1435 = vector.shape_cast %get3A_1434 : vector<1x16xf32> to vector<16xf32>
      %get3A_1436 = arith.index_cast %squeeze3A_1427 : i32 to index
      %get3A_1437 = arith.constant 32 : index
      %get3A_1438 = tpu.vector_load %arg16[%get3A_1436, %get3A_1437] {strides = array<i32>} : memref<10x512xf32, #tpu.memory_space<vmem>>, vector<1x16xf32>,
      %get3A_1439 = vector.shape_cast %get3A_1438 : vector<1x16xf32> to vector<16xf32>
      %get3A_1440 = arith.index_cast %squeeze3A_1427 : i32 to index
      %get3A_1441 = arith.constant 48 : index
      %get3A_1442 = tpu.vector_load %arg16[%get3A_1440, %get3A_1441] {strides = array<i32>} : memref<10x512xf32, #tpu.memory_space<vmem>>, vector<1x16xf32>,
      %get3A_1443 = vector.shape_cast %get3A_1442 : vector<1x16xf32> to vector<16xf32>
      %get3A_1444 = arith.index_cast %squeeze3A_1427 : i32 to index
      %get3A_1445 = arith.constant 64 : index
      %get3A_1446 = tpu.vector_load %arg16[%get3A_1444, %get3A_1445] {strides = array<i32>} : memref<10x512xf32, #tpu.memory_space<vmem>>, vector<1x16xf32>,
      %get3A_1447 = vector.shape_cast %get3A_1446 : vector<1x16xf32> to vector<16xf32>
      %get3A_1448 = arith.index_cast %squeeze3A_1427 : i32 to index
      %get3A_1449 = arith.constant 80 : index
      %get3A_1450 = tpu.vector_load %arg16[%get3A_1448, %get3A_1449] {strides = array<i32>} : memref<10x512xf32, #tpu.memory_space<vmem>>, vector<1x16xf32>,
      %get3A_1451 = vector.shape_cast %get3A_1450 : vector<1x16xf32> to vector<16xf32>
      %get3A_1452 = arith.index_cast %squeeze3A_1427 : i32 to index
      %get3A_1453 = arith.constant 96 : index
      %get3A_1454 = tpu.vector_load %arg16[%get3A_1452, %get3A_1453] {strides = array<i32>} : memref<10x512xf32, #tpu.memory_space<vmem>>, vector<1x16xf32>,
      %get3A_1455 = vector.shape_cast %get3A_1454 : vector<1x16xf32> to vector<16xf32>
      %get3A_1456 = arith.index_cast %squeeze3A_1427 : i32 to index
      %get3A_1457 = arith.constant 112 : index
      %get3A_1458 = tpu.vector_load %arg16[%get3A_1456, %get3A_1457] {strides = array<i32>} : memref<10x512xf32, #tpu.memory_space<vmem>>, vector<1x16xf32>,
      %get3A_1459 = vector.shape_cast %get3A_1458 : vector<1x16xf32> to vector<16xf32>
      %get3A_1460 = arith.index_cast %squeeze3A_1427 : i32 to index
      %get3A_1461 = arith.constant 128 : index
      %get3A_1462 = tpu.vector_load %arg16[%get3A_1460, %get3A_1461] {strides = array<i32>} : memref<10x512xf32, #tpu.memory_space<vmem>>, vector<1x16xf32>,
      %get3A_1463 = vector.shape_cast %get3A_1462 : vector<1x16xf32> to vector<16xf32>
      %get3A_1464 = arith.index_cast %squeeze3A_1427 : i32 to index
      %get3A_1465 = arith.constant 144 : index
      %get3A_1466 = tpu.vector_load %arg16[%get3A_1464, %get3A_1465] {strides = array<i32>} : memref<10x512xf32, #tpu.memory_space<vmem>>, vector<1x16xf32>,
      %get3A_1467 = vector.shape_cast %get3A_1466 : vector<1x16xf32> to vector<16xf32>
      %get3A_1468 = arith.index_cast %squeeze3A_1427 : i32 to index
      %get3A_1469 = arith.constant 160 : index
      %get3A_1470 = tpu.vector_load %arg16[%get3A_1468, %get3A_1469] {strides = array<i32>} : memref<10x512xf32, #tpu.memory_space<vmem>>, vector<1x16xf32>,
      %get3A_1471 = vector.shape_cast %get3A_1470 : vector<1x16xf32> to vector<16xf32>
      %get3A_1472 = arith.index_cast %squeeze3A_1427 : i32 to index
      %get3A_1473 = arith.constant 176 : index
      %get3A_1474 = tpu.vector_load %arg16[%get3A_1472, %get3A_1473] {strides = array<i32>} : memref<10x512xf32, #tpu.memory_space<vmem>>, vector<1x16xf32>,
      %get3A_1475 = vector.shape_cast %get3A_1474 : vector<1x16xf32> to vector<16xf32>
      %get3A_1476 = arith.index_cast %squeeze3A_1427 : i32 to index
      %get3A_1477 = arith.constant 192 : index
      %get3A_1478 = tpu.vector_load %arg16[%get3A_1476, %get3A_1477] {strides = array<i32>} : memref<10x512xf32, #tpu.memory_space<vmem>>, vector<1x16xf32>,
      %get3A_1479 = vector.shape_cast %get3A_1478 : vector<1x16xf32> to vector<16xf32>
      %get3A_1480 = arith.index_cast %squeeze3A_1427 : i32 to index
      %get3A_1481 = arith.constant 208 : index
      %get3A_1482 = tpu.vector_load %arg16[%get3A_1480, %get3A_1481] {strides = array<i32>} : memref<10x512xf32, #tpu.memory_space<vmem>>, vector<1x16xf32>,
      %get3A_1483 = vector.shape_cast %get3A_1482 : vector<1x16xf32> to vector<16xf32>
      %get3A_1484 = arith.index_cast %squeeze3A_1427 : i32 to index
      %get3A_1485 = arith.constant 224 : index
      %get3A_1486 = tpu.vector_load %arg16[%get3A_1484, %get3A_1485] {strides = array<i32>} : memref<10x512xf32, #tpu.memory_space<vmem>>, vector<1x16xf32>,
      %get3A_1487 = vector.shape_cast %get3A_1486 : vector<1x16xf32> to vector<16xf32>
      %get3A_1488 = arith.index_cast %squeeze3A_1427 : i32 to index
      %get3A_1489 = arith.constant 240 : index
      %get3A_1490 = tpu.vector_load %arg16[%get3A_1488, %get3A_1489] {strides = array<i32>} : memref<10x512xf32, #tpu.memory_space<vmem>>, vector<1x16xf32>,
      %get3A_1491 = vector.shape_cast %get3A_1490 : vector<1x16xf32> to vector<16xf32>
      %get3A_1492 = arith.index_cast %squeeze3A_1427 : i32 to index
      %get3A_1493 = arith.constant 256 : index
      %get3A_1494 = tpu.vector_load %arg16[%get3A_1492, %get3A_1493] {strides = array<i32>} : memref<10x512xf32, #tpu.memory_space<vmem>>, vector<1x16xf32>,
      %get3A_1495 = vector.shape_cast %get3A_1494 : vector<1x16xf32> to vector<16xf32>
      %get3A_1496 = arith.index_cast %squeeze3A_1427 : i32 to index
      %get3A_1497 = arith.constant 272 : index
      %get3A_1498 = tpu.vector_load %arg16[%get3A_1496, %get3A_1497] {strides = array<i32>} : memref<10x512xf32, #tpu.memory_space<vmem>>, vector<1x16xf32>,
      %get3A_1499 = vector.shape_cast %get3A_1498 : vector<1x16xf32> to vector<16xf32>
      %get3A_1500 = arith.index_cast %squeeze3A_1427 : i32 to index
      %get3A_1501 = arith.constant 288 : index
      %get3A_1502 = tpu.vector_load %arg16[%get3A_1500, %get3A_1501] {strides = array<i32>} : memref<10x512xf32, #tpu.memory_space<vmem>>, vector<1x16xf32>,
      %get3A_1503 = vector.shape_cast %get3A_1502 : vector<1x16xf32> to vector<16xf32>
      %get3A_1504 = arith.index_cast %squeeze3A_1427 : i32 to index
      %get3A_1505 = arith.constant 304 : index
      %get3A_1506 = tpu.vector_load %arg16[%get3A_1504, %get3A_1505] {strides = array<i32>} : memref<10x512xf32, #tpu.memory_space<vmem>>, vector<1x16xf32>,
      %get3A_1507 = vector.shape_cast %get3A_1506 : vector<1x16xf32> to vector<16xf32>
      %get3A_1508 = arith.index_cast %squeeze3A_1427 : i32 to index
      %get3A_1509 = arith.constant 320 : index
      %get3A_1510 = tpu.vector_load %arg16[%get3A_1508, %get3A_1509] {strides = array<i32>} : memref<10x512xf32, #tpu.memory_space<vmem>>, vector<1x16xf32>,
      %get3A_1511 = vector.shape_cast %get3A_1510 : vector<1x16xf32> to vector<16xf32>
      %get3A_1512 = arith.index_cast %squeeze3A_1427 : i32 to index
      %get3A_1513 = arith.constant 336 : index
      %get3A_1514 = tpu.vector_load %arg16[%get3A_1512, %get3A_1513] {strides = array<i32>} : memref<10x512xf32, #tpu.memory_space<vmem>>, vector<1x16xf32>,
      %get3A_1515 = vector.shape_cast %get3A_1514 : vector<1x16xf32> to vector<16xf32>
      %get3A_1516 = arith.index_cast %squeeze3A_1427 : i32 to index
      %get3A_1517 = arith.constant 352 : index
      %get3A_1518 = tpu.vector_load %arg16[%get3A_1516, %get3A_1517] {strides = array<i32>} : memref<10x512xf32, #tpu.memory_space<vmem>>, vector<1x16xf32>,
      %get3A_1519 = vector.shape_cast %get3A_1518 : vector<1x16xf32> to vector<16xf32>
      %get3A_1520 = arith.index_cast %squeeze3A_1427 : i32 to index
      %get3A_1521 = arith.constant 368 : index
      %get3A_1522 = tpu.vector_load %arg16[%get3A_1520, %get3A_1521] {strides = array<i32>} : memref<10x512xf32, #tpu.memory_space<vmem>>, vector<1x16xf32>,
      %get3A_1523 = vector.shape_cast %get3A_1522 : vector<1x16xf32> to vector<16xf32>
      %get3A_1524 = arith.index_cast %squeeze3A_1427 : i32 to index
      %get3A_1525 = arith.constant 384 : index
      %get3A_1526 = tpu.vector_load %arg16[%get3A_1524, %get3A_1525] {strides = array<i32>} : memref<10x512xf32, #tpu.memory_space<vmem>>, vector<1x16xf32>,
      %get3A_1527 = vector.shape_cast %get3A_1526 : vector<1x16xf32> to vector<16xf32>
      %get3A_1528 = arith.index_cast %squeeze3A_1427 : i32 to index
      %get3A_1529 = arith.constant 400 : index
      %get3A_1530 = tpu.vector_load %arg16[%get3A_1528, %get3A_1529] {strides = array<i32>} : memref<10x512xf32, #tpu.memory_space<vmem>>, vector<1x16xf32>,
      %get3A_1531 = vector.shape_cast %get3A_1530 : vector<1x16xf32> to vector<16xf32>
      %get3A_1532 = arith.index_cast %squeeze3A_1427 : i32 to index
      %get3A_1533 = arith.constant 416 : index
      %get3A_1534 = tpu.vector_load %arg16[%get3A_1532, %get3A_1533] {strides = array<i32>} : memref<10x512xf32, #tpu.memory_space<vmem>>, vector<1x16xf32>,
      %get3A_1535 = vector.shape_cast %get3A_1534 : vector<1x16xf32> to vector<16xf32>
      %get3A_1536 = arith.index_cast %squeeze3A_1427 : i32 to index
      %get3A_1537 = arith.constant 432 : index
      %get3A_1538 = tpu.vector_load %arg16[%get3A_1536, %get3A_1537] {strides = array<i32>} : memref<10x512xf32, #tpu.memory_space<vmem>>, vector<1x16xf32>,
      %get3A_1539 = vector.shape_cast %get3A_1538 : vector<1x16xf32> to vector<16xf32>
      %get3A_1540 = arith.index_cast %squeeze3A_1427 : i32 to index
      %get3A_1541 = arith.constant 448 : index
      %get3A_1542 = tpu.vector_load %arg16[%get3A_1540, %get3A_1541] {strides = array<i32>} : memref<10x512xf32, #tpu.memory_space<vmem>>, vector<1x16xf32>,
      %get3A_1543 = vector.shape_cast %get3A_1542 : vector<1x16xf32> to vector<16xf32>
      %get3A_1544 = arith.index_cast %squeeze3A_1427 : i32 to index
      %get3A_1545 = arith.constant 464 : index
      %get3A_1546 = tpu.vector_load %arg16[%get3A_1544, %get3A_1545] {strides = array<i32>} : memref<10x512xf32, #tpu.memory_space<vmem>>, vector<1x16xf32>,
      %get3A_1547 = vector.shape_cast %get3A_1546 : vector<1x16xf32> to vector<16xf32>
      %get3A_1548 = arith.index_cast %squeeze3A_1427 : i32 to index
      %get3A_1549 = arith.constant 480 : index
      %get3A_1550 = tpu.vector_load %arg16[%get3A_1548, %get3A_1549] {strides = array<i32>} : memref<10x512xf32, #tpu.memory_space<vmem>>, vector<1x16xf32>,
      %get3A_1551 = vector.shape_cast %get3A_1550 : vector<1x16xf32> to vector<16xf32>
      %get3A_1552 = arith.index_cast %squeeze3A_1427 : i32 to index
      %get3A_1553 = arith.constant 496 : index
      %get3A_1554 = tpu.vector_load %arg16[%get3A_1552, %get3A_1553] {strides = array<i32>} : memref<10x512xf32, #tpu.memory_space<vmem>>, vector<1x16xf32>,
      %get3A_1555 = vector.shape_cast %get3A_1554 : vector<1x16xf32> to vector<16xf32>
      %scan3A_1556 = arith.constant 0 : i32
      %scan3A_1557 = arith.constant 0 : i32
      %scan3A_1558 = arith.constant 50 : i32
      %scan3A_1559 = arith.addi %scan3A_1557, %scan3A_1558 : i32
      %scan3A_1560 = arith.constant 1 : i32
      scf.for %scan3A_1615 = %scan3A_1557 to %scan3A_1559 step %scan3A_1560  : i32 {
        %swap3A_1616 = arith.constant 0 : i32
        %swap3A_1617 = arith.index_cast %scan3A_1615 : i32 to index
        %swap3A_1618 = arith.index_cast %swap3A_1616 : i32 to index
        %swap3A_1619 = arith.constant 0 : index
        %swap3A_1620 = tpu.vector_load %arg10[%swap3A_1617, %swap3A_1618, %swap3A_1619] {strides = array<i32>} : memref<50x4x128xf32, #tpu.memory_space<vmem>>, vector<1x1x16xf32>,
        %swap3A_1621 = vector.shape_cast %swap3A_1620 : vector<1x1x16xf32> to vector<16xf32>
        %swap3A_1622 = vector.shape_cast %get3A_1431 : vector<16xf32> to vector<1x1x16xf32>
        tpu.vector_store %arg10[%swap3A_1617, %swap3A_1618, %swap3A_1619], %swap3A_1622 {add = true, strides = array<i32>} : memref<50x4x128xf32, #tpu.memory_space<vmem>>, vector<1x1x16xf32>,
        %swap3A_1623 = arith.constant 0 : i32
        %swap3A_1624 = arith.index_cast %scan3A_1615 : i32 to index
        %swap3A_1625 = arith.index_cast %swap3A_1623 : i32 to index
        %swap3A_1626 = arith.constant 16 : index
        %swap3A_1627 = tpu.vector_load %arg10[%swap3A_1624, %swap3A_1625, %swap3A_1626] {strides = array<i32>} : memref<50x4x128xf32, #tpu.memory_space<vmem>>, vector<1x1x16xf32>,
        %swap3A_1628 = vector.shape_cast %swap3A_1627 : vector<1x1x16xf32> to vector<16xf32>
        %swap3A_1629 = vector.shape_cast %get3A_1435 : vector<16xf32> to vector<1x1x16xf32>
        tpu.vector_store %arg10[%swap3A_1624, %swap3A_1625, %swap3A_1626], %swap3A_1629 {add = true, strides = array<i32>} : memref<50x4x128xf32, #tpu.memory_space<vmem>>, vector<1x1x16xf32>,
        %swap3A_1630 = arith.constant 0 : i32
        %swap3A_1631 = arith.index_cast %scan3A_1615 : i32 to index
        %swap3A_1632 = arith.index_cast %swap3A_1630 : i32 to index
        %swap3A_1633 = arith.constant 32 : index
        %swap3A_1634 = tpu.vector_load %arg10[%swap3A_1631, %swap3A_1632, %swap3A_1633] {strides = array<i32>} : memref<50x4x128xf32, #tpu.memory_space<vmem>>, vector<1x1x16xf32>,
        %swap3A_1635 = vector.shape_cast %swap3A_1634 : vector<1x1x16xf32> to vector<16xf32>
        %swap3A_1636 = vector.shape_cast %get3A_1439 : vector<16xf32> to vector<1x1x16xf32>
        tpu.vector_store %arg10[%swap3A_1631, %swap3A_1632, %swap3A_1633], %swap3A_1636 {add = true, strides = array<i32>} : memref<50x4x128xf32, #tpu.memory_space<vmem>>, vector<1x1x16xf32>,
        %swap3A_1637 = arith.constant 0 : i32
        %swap3A_1638 = arith.index_cast %scan3A_1615 : i32 to index
        %swap3A_1639 = arith.index_cast %swap3A_1637 : i32 to index
        %swap3A_1640 = arith.constant 48 : index
        %swap3A_1641 = tpu.vector_load %arg10[%swap3A_1638, %swap3A_1639, %swap3A_1640] {strides = array<i32>} : memref<50x4x128xf32, #tpu.memory_space<vmem>>, vector<1x1x16xf32>,
        %swap3A_1642 = vector.shape_cast %swap3A_1641 : vector<1x1x16xf32> to vector<16xf32>
        %swap3A_1643 = vector.shape_cast %get3A_1443 : vector<16xf32> to vector<1x1x16xf32>
        tpu.vector_store %arg10[%swap3A_1638, %swap3A_1639, %swap3A_1640], %swap3A_1643 {add = true, strides = array<i32>} : memref<50x4x128xf32, #tpu.memory_space<vmem>>, vector<1x1x16xf32>,
        %swap3A_1644 = arith.constant 0 : i32
        %swap3A_1645 = arith.index_cast %scan3A_1615 : i32 to index
        %swap3A_1646 = arith.index_cast %swap3A_1644 : i32 to index
        %swap3A_1647 = arith.constant 64 : index
        %swap3A_1648 = tpu.vector_load %arg10[%swap3A_1645, %swap3A_1646, %swap3A_1647] {strides = array<i32>} : memref<50x4x128xf32, #tpu.memory_space<vmem>>, vector<1x1x16xf32>,
        %swap3A_1649 = vector.shape_cast %swap3A_1648 : vector<1x1x16xf32> to vector<16xf32>
        %swap3A_1650 = vector.shape_cast %get3A_1447 : vector<16xf32> to vector<1x1x16xf32>
        tpu.vector_store %arg10[%swap3A_1645, %swap3A_1646, %swap3A_1647], %swap3A_1650 {add = true, strides = array<i32>} : memref<50x4x128xf32, #tpu.memory_space<vmem>>, vector<1x1x16xf32>,
        %swap3A_1651 = arith.constant 0 : i32
        %swap3A_1652 = arith.index_cast %scan3A_1615 : i32 to index
        %swap3A_1653 = arith.index_cast %swap3A_1651 : i32 to index
        %swap3A_1654 = arith.constant 80 : index
        %swap3A_1655 = tpu.vector_load %arg10[%swap3A_1652, %swap3A_1653, %swap3A_1654] {strides = array<i32>} : memref<50x4x128xf32, #tpu.memory_space<vmem>>, vector<1x1x16xf32>,
        %swap3A_1656 = vector.shape_cast %swap3A_1655 : vector<1x1x16xf32> to vector<16xf32>
        %swap3A_1657 = vector.shape_cast %get3A_1451 : vector<16xf32> to vector<1x1x16xf32>
        tpu.vector_store %arg10[%swap3A_1652, %swap3A_1653, %swap3A_1654], %swap3A_1657 {add = true, strides = array<i32>} : memref<50x4x128xf32, #tpu.memory_space<vmem>>, vector<1x1x16xf32>,
        %swap3A_1658 = arith.constant 0 : i32
        %swap3A_1659 = arith.index_cast %scan3A_1615 : i32 to index
        %swap3A_1660 = arith.index_cast %swap3A_1658 : i32 to index
        %swap3A_1661 = arith.constant 96 : index
        %swap3A_1662 = tpu.vector_load %arg10[%swap3A_1659, %swap3A_1660, %swap3A_1661] {strides = array<i32>} : memref<50x4x128xf32, #tpu.memory_space<vmem>>, vector<1x1x16xf32>,
        %swap3A_1663 = vector.shape_cast %swap3A_1662 : vector<1x1x16xf32> to vector<16xf32>
        %swap3A_1664 = vector.shape_cast %get3A_1455 : vector<16xf32> to vector<1x1x16xf32>
        tpu.vector_store %arg10[%swap3A_1659, %swap3A_1660, %swap3A_1661], %swap3A_1664 {add = true, strides = array<i32>} : memref<50x4x128xf32, #tpu.memory_space<vmem>>, vector<1x1x16xf32>,
        %swap3A_1665 = arith.constant 0 : i32
        %swap3A_1666 = arith.index_cast %scan3A_1615 : i32 to index
        %swap3A_1667 = arith.index_cast %swap3A_1665 : i32 to index
        %swap3A_1668 = arith.constant 112 : index
        %swap3A_1669 = tpu.vector_load %arg10[%swap3A_1666, %swap3A_1667, %swap3A_1668] {strides = array<i32>} : memref<50x4x128xf32, #tpu.memory_space<vmem>>, vector<1x1x16xf32>,
        %swap3A_1670 = vector.shape_cast %swap3A_1669 : vector<1x1x16xf32> to vector<16xf32>
        %swap3A_1671 = vector.shape_cast %get3A_1459 : vector<16xf32> to vector<1x1x16xf32>
        tpu.vector_store %arg10[%swap3A_1666, %swap3A_1667, %swap3A_1668], %swap3A_1671 {add = true, strides = array<i32>} : memref<50x4x128xf32, #tpu.memory_space<vmem>>, vector<1x1x16xf32>,
        %swap3A_1672 = arith.constant 1 : i32
        %swap3A_1673 = arith.index_cast %scan3A_1615 : i32 to index
        %swap3A_1674 = arith.index_cast %swap3A_1672 : i32 to index
        %swap3A_1675 = arith.constant 0 : index
        %swap3A_1676 = tpu.vector_load %arg10[%swap3A_1673, %swap3A_1674, %swap3A_1675] {strides = array<i32>} : memref<50x4x128xf32, #tpu.memory_space<vmem>>, vector<1x1x16xf32>,
        %swap3A_1677 = vector.shape_cast %swap3A_1676 : vector<1x1x16xf32> to vector<16xf32>
        %swap3A_1678 = vector.shape_cast %get3A_1463 : vector<16xf32> to vector<1x1x16xf32>
        tpu.vector_store %arg10[%swap3A_1673, %swap3A_1674, %swap3A_1675], %swap3A_1678 {add = true, strides = array<i32>} : memref<50x4x128xf32, #tpu.memory_space<vmem>>, vector<1x1x16xf32>,
        %swap3A_1679 = arith.constant 1 : i32
        %swap3A_1680 = arith.index_cast %scan3A_1615 : i32 to index
        %swap3A_1681 = arith.index_cast %swap3A_1679 : i32 to index
        %swap3A_1682 = arith.constant 16 : index
        %swap3A_1683 = tpu.vector_load %arg10[%swap3A_1680, %swap3A_1681, %swap3A_1682] {strides = array<i32>} : memref<50x4x128xf32, #tpu.memory_space<vmem>>, vector<1x1x16xf32>,
        %swap3A_1684 = vector.shape_cast %swap3A_1683 : vector<1x1x16xf32> to vector<16xf32>
        %swap3A_1685 = vector.shape_cast %get3A_1467 : vector<16xf32> to vector<1x1x16xf32>
        tpu.vector_store %arg10[%swap3A_1680, %swap3A_1681, %swap3A_1682], %swap3A_1685 {add = true, strides = array<i32>} : memref<50x4x128xf32, #tpu.memory_space<vmem>>, vector<1x1x16xf32>,
        %swap3A_1686 = arith.constant 1 : i32
        %swap3A_1687 = arith.index_cast %scan3A_1615 : i32 to index
        %swap3A_1688 = arith.index_cast %swap3A_1686 : i32 to index
        %swap3A_1689 = arith.constant 32 : index
        %swap3A_1690 = tpu.vector_load %arg10[%swap3A_1687, %swap3A_1688, %swap3A_1689] {strides = array<i32>} : memref<50x4x128xf32, #tpu.memory_space<vmem>>, vector<1x1x16xf32>,
        %swap3A_1691 = vector.shape_cast %swap3A_1690 : vector<1x1x16xf32> to vector<16xf32>
        %swap3A_1692 = vector.shape_cast %get3A_1471 : vector<16xf32> to vector<1x1x16xf32>
        tpu.vector_store %arg10[%swap3A_1687, %swap3A_1688, %swap3A_1689], %swap3A_1692 {add = true, strides = array<i32>} : memref<50x4x128xf32, #tpu.memory_space<vmem>>, vector<1x1x16xf32>,
        %swap3A_1693 = arith.constant 1 : i32
        %swap3A_1694 = arith.index_cast %scan3A_1615 : i32 to index
        %swap3A_1695 = arith.index_cast %swap3A_1693 : i32 to index
        %swap3A_1696 = arith.constant 48 : index
        %swap3A_1697 = tpu.vector_load %arg10[%swap3A_1694, %swap3A_1695, %swap3A_1696] {strides = array<i32>} : memref<50x4x128xf32, #tpu.memory_space<vmem>>, vector<1x1x16xf32>,
        %swap3A_1698 = vector.shape_cast %swap3A_1697 : vector<1x1x16xf32> to vector<16xf32>
        %swap3A_1699 = vector.shape_cast %get3A_1475 : vector<16xf32> to vector<1x1x16xf32>
        tpu.vector_store %arg10[%swap3A_1694, %swap3A_1695, %swap3A_1696], %swap3A_1699 {add = true, strides = array<i32>} : memref<50x4x128xf32, #tpu.memory_space<vmem>>, vector<1x1x16xf32>,
        %swap3A_1700 = arith.constant 1 : i32
        %swap3A_1701 = arith.index_cast %scan3A_1615 : i32 to index
        %swap3A_1702 = arith.index_cast %swap3A_1700 : i32 to index
        %swap3A_1703 = arith.constant 64 : index
        %swap3A_1704 = tpu.vector_load %arg10[%swap3A_1701, %swap3A_1702, %swap3A_1703] {strides = array<i32>} : memref<50x4x128xf32, #tpu.memory_space<vmem>>, vector<1x1x16xf32>,
        %swap3A_1705 = vector.shape_cast %swap3A_1704 : vector<1x1x16xf32> to vector<16xf32>
        %swap3A_1706 = vector.shape_cast %get3A_1479 : vector<16xf32> to vector<1x1x16xf32>
        tpu.vector_store %arg10[%swap3A_1701, %swap3A_1702, %swap3A_1703], %swap3A_1706 {add = true, strides = array<i32>} : memref<50x4x128xf32, #tpu.memory_space<vmem>>, vector<1x1x16xf32>,
        %swap3A_1707 = arith.constant 1 : i32
        %swap3A_1708 = arith.index_cast %scan3A_1615 : i32 to index
        %swap3A_1709 = arith.index_cast %swap3A_1707 : i32 to index
        %swap3A_1710 = arith.constant 80 : index
        %swap3A_1711 = tpu.vector_load %arg10[%swap3A_1708, %swap3A_1709, %swap3A_1710] {strides = array<i32>} : memref<50x4x128xf32, #tpu.memory_space<vmem>>, vector<1x1x16xf32>,
        %swap3A_1712 = vector.shape_cast %swap3A_1711 : vector<1x1x16xf32> to vector<16xf32>
        %swap3A_1713 = vector.shape_cast %get3A_1483 : vector<16xf32> to vector<1x1x16xf32>
        tpu.vector_store %arg10[%swap3A_1708, %swap3A_1709, %swap3A_1710], %swap3A_1713 {add = true, strides = array<i32>} : memref<50x4x128xf32, #tpu.memory_space<vmem>>, vector<1x1x16xf32>,
        %swap3A_1714 = arith.constant 1 : i32
        %swap3A_1715 = arith.index_cast %scan3A_1615 : i32 to index
        %swap3A_1716 = arith.index_cast %swap3A_1714 : i32 to index
        %swap3A_1717 = arith.constant 96 : index
        %swap3A_1718 = tpu.vector_load %arg10[%swap3A_1715, %swap3A_1716, %swap3A_1717] {strides = array<i32>} : memref<50x4x128xf32, #tpu.memory_space<vmem>>, vector<1x1x16xf32>,
        %swap3A_1719 = vector.shape_cast %swap3A_1718 : vector<1x1x16xf32> to vector<16xf32>
        %swap3A_1720 = vector.shape_cast %get3A_1487 : vector<16xf32> to vector<1x1x16xf32>
        tpu.vector_store %arg10[%swap3A_1715, %swap3A_1716, %swap3A_1717], %swap3A_1720 {add = true, strides = array<i32>} : memref<50x4x128xf32, #tpu.memory_space<vmem>>, vector<1x1x16xf32>,
        %swap3A_1721 = arith.constant 1 : i32
        %swap3A_1722 = arith.index_cast %scan3A_1615 : i32 to index
        %swap3A_1723 = arith.index_cast %swap3A_1721 : i32 to index
        %swap3A_1724 = arith.constant 112 : index
        %swap3A_1725 = tpu.vector_load %arg10[%swap3A_1722, %swap3A_1723, %swap3A_1724] {strides = array<i32>} : memref<50x4x128xf32, #tpu.memory_space<vmem>>, vector<1x1x16xf32>,
        %swap3A_1726 = vector.shape_cast %swap3A_1725 : vector<1x1x16xf32> to vector<16xf32>
        %swap3A_1727 = vector.shape_cast %get3A_1491 : vector<16xf32> to vector<1x1x16xf32>
        tpu.vector_store %arg10[%swap3A_1722, %swap3A_1723, %swap3A_1724], %swap3A_1727 {add = true, strides = array<i32>} : memref<50x4x128xf32, #tpu.memory_space<vmem>>, vector<1x1x16xf32>,
        %swap3A_1728 = arith.constant 2 : i32
        %swap3A_1729 = arith.index_cast %scan3A_1615 : i32 to index
        %swap3A_1730 = arith.index_cast %swap3A_1728 : i32 to index
        %swap3A_1731 = arith.constant 0 : index
        %swap3A_1732 = tpu.vector_load %arg10[%swap3A_1729, %swap3A_1730, %swap3A_1731] {strides = array<i32>} : memref<50x4x128xf32, #tpu.memory_space<vmem>>, vector<1x1x16xf32>,
        %swap3A_1733 = vector.shape_cast %swap3A_1732 : vector<1x1x16xf32> to vector<16xf32>
        %swap3A_1734 = vector.shape_cast %get3A_1495 : vector<16xf32> to vector<1x1x16xf32>
        tpu.vector_store %arg10[%swap3A_1729, %swap3A_1730, %swap3A_1731], %swap3A_1734 {add = true, strides = array<i32>} : memref<50x4x128xf32, #tpu.memory_space<vmem>>, vector<1x1x16xf32>,
        %swap3A_1735 = arith.constant 2 : i32
        %swap3A_1736 = arith.index_cast %scan3A_1615 : i32 to index
        %swap3A_1737 = arith.index_cast %swap3A_1735 : i32 to index
        %swap3A_1738 = arith.constant 16 : index
        %swap3A_1739 = tpu.vector_load %arg10[%swap3A_1736, %swap3A_1737, %swap3A_1738] {strides = array<i32>} : memref<50x4x128xf32, #tpu.memory_space<vmem>>, vector<1x1x16xf32>,
        %swap3A_1740 = vector.shape_cast %swap3A_1739 : vector<1x1x16xf32> to vector<16xf32>
        %swap3A_1741 = vector.shape_cast %get3A_1499 : vector<16xf32> to vector<1x1x16xf32>
        tpu.vector_store %arg10[%swap3A_1736, %swap3A_1737, %swap3A_1738], %swap3A_1741 {add = true, strides = array<i32>} : memref<50x4x128xf32, #tpu.memory_space<vmem>>, vector<1x1x16xf32>,
        %swap3A_1742 = arith.constant 2 : i32
        %swap3A_1743 = arith.index_cast %scan3A_1615 : i32 to index
        %swap3A_1744 = arith.index_cast %swap3A_1742 : i32 to index
        %swap3A_1745 = arith.constant 32 : index
        %swap3A_1746 = tpu.vector_load %arg10[%swap3A_1743, %swap3A_1744, %swap3A_1745] {strides = array<i32>} : memref<50x4x128xf32, #tpu.memory_space<vmem>>, vector<1x1x16xf32>,
        %swap3A_1747 = vector.shape_cast %swap3A_1746 : vector<1x1x16xf32> to vector<16xf32>
        %swap3A_1748 = vector.shape_cast %get3A_1503 : vector<16xf32> to vector<1x1x16xf32>
        tpu.vector_store %arg10[%swap3A_1743, %swap3A_1744, %swap3A_1745], %swap3A_1748 {add = true, strides = array<i32>} : memref<50x4x128xf32, #tpu.memory_space<vmem>>, vector<1x1x16xf32>,
        %swap3A_1749 = arith.constant 2 : i32
        %swap3A_1750 = arith.index_cast %scan3A_1615 : i32 to index
        %swap3A_1751 = arith.index_cast %swap3A_1749 : i32 to index
        %swap3A_1752 = arith.constant 48 : index
        %swap3A_1753 = tpu.vector_load %arg10[%swap3A_1750, %swap3A_1751, %swap3A_1752] {strides = array<i32>} : memref<50x4x128xf32, #tpu.memory_space<vmem>>, vector<1x1x16xf32>,
        %swap3A_1754 = vector.shape_cast %swap3A_1753 : vector<1x1x16xf32> to vector<16xf32>
        %swap3A_1755 = vector.shape_cast %get3A_1507 : vector<16xf32> to vector<1x1x16xf32>
        tpu.vector_store %arg10[%swap3A_1750, %swap3A_1751, %swap3A_1752], %swap3A_1755 {add = true, strides = array<i32>} : memref<50x4x128xf32, #tpu.memory_space<vmem>>, vector<1x1x16xf32>,
        %swap3A_1756 = arith.constant 2 : i32
        %swap3A_1757 = arith.index_cast %scan3A_1615 : i32 to index
        %swap3A_1758 = arith.index_cast %swap3A_1756 : i32 to index
        %swap3A_1759 = arith.constant 64 : index
        %swap3A_1760 = tpu.vector_load %arg10[%swap3A_1757, %swap3A_1758, %swap3A_1759] {strides = array<i32>} : memref<50x4x128xf32, #tpu.memory_space<vmem>>, vector<1x1x16xf32>,
        %swap3A_1761 = vector.shape_cast %swap3A_1760 : vector<1x1x16xf32> to vector<16xf32>
        %swap3A_1762 = vector.shape_cast %get3A_1511 : vector<16xf32> to vector<1x1x16xf32>
        tpu.vector_store %arg10[%swap3A_1757, %swap3A_1758, %swap3A_1759], %swap3A_1762 {add = true, strides = array<i32>} : memref<50x4x128xf32, #tpu.memory_space<vmem>>, vector<1x1x16xf32>,
        %swap3A_1763 = arith.constant 2 : i32
        %swap3A_1764 = arith.index_cast %scan3A_1615 : i32 to index
        %swap3A_1765 = arith.index_cast %swap3A_1763 : i32 to index
        %swap3A_1766 = arith.constant 80 : index
        %swap3A_1767 = tpu.vector_load %arg10[%swap3A_1764, %swap3A_1765, %swap3A_1766] {strides = array<i32>} : memref<50x4x128xf32, #tpu.memory_space<vmem>>, vector<1x1x16xf32>,
        %swap3A_1768 = vector.shape_cast %swap3A_1767 : vector<1x1x16xf32> to vector<16xf32>
        %swap3A_1769 = vector.shape_cast %get3A_1515 : vector<16xf32> to vector<1x1x16xf32>
        tpu.vector_store %arg10[%swap3A_1764, %swap3A_1765, %swap3A_1766], %swap3A_1769 {add = true, strides = array<i32>} : memref<50x4x128xf32, #tpu.memory_space<vmem>>, vector<1x1x16xf32>,
        %swap3A_1770 = arith.constant 2 : i32
        %swap3A_1771 = arith.index_cast %scan3A_1615 : i32 to index
        %swap3A_1772 = arith.index_cast %swap3A_1770 : i32 to index
        %swap3A_1773 = arith.constant 96 : index
        %swap3A_1774 = tpu.vector_load %arg10[%swap3A_1771, %swap3A_1772, %swap3A_1773] {strides = array<i32>} : memref<50x4x128xf32, #tpu.memory_space<vmem>>, vector<1x1x16xf32>,
        %swap3A_1775 = vector.shape_cast %swap3A_1774 : vector<1x1x16xf32> to vector<16xf32>
        %swap3A_1776 = vector.shape_cast %get3A_1519 : vector<16xf32> to vector<1x1x16xf32>
        tpu.vector_store %arg10[%swap3A_1771, %swap3A_1772, %swap3A_1773], %swap3A_1776 {add = true, strides = array<i32>} : memref<50x4x128xf32, #tpu.memory_space<vmem>>, vector<1x1x16xf32>,
        %swap3A_1777 = arith.constant 2 : i32
        %swap3A_1778 = arith.index_cast %scan3A_1615 : i32 to index
        %swap3A_1779 = arith.index_cast %swap3A_1777 : i32 to index
        %swap3A_1780 = arith.constant 112 : index
        %swap3A_1781 = tpu.vector_load %arg10[%swap3A_1778, %swap3A_1779, %swap3A_1780] {strides = array<i32>} : memref<50x4x128xf32, #tpu.memory_space<vmem>>, vector<1x1x16xf32>,
        %swap3A_1782 = vector.shape_cast %swap3A_1781 : vector<1x1x16xf32> to vector<16xf32>
        %swap3A_1783 = vector.shape_cast %get3A_1523 : vector<16xf32> to vector<1x1x16xf32>
        tpu.vector_store %arg10[%swap3A_1778, %swap3A_1779, %swap3A_1780], %swap3A_1783 {add = true, strides = array<i32>} : memref<50x4x128xf32, #tpu.memory_space<vmem>>, vector<1x1x16xf32>,
        %swap3A_1784 = arith.constant 3 : i32
        %swap3A_1785 = arith.index_cast %scan3A_1615 : i32 to index
        %swap3A_1786 = arith.index_cast %swap3A_1784 : i32 to index
        %swap3A_1787 = arith.constant 0 : index
        %swap3A_1788 = tpu.vector_load %arg10[%swap3A_1785, %swap3A_1786, %swap3A_1787] {strides = array<i32>} : memref<50x4x128xf32, #tpu.memory_space<vmem>>, vector<1x1x16xf32>,
        %swap3A_1789 = vector.shape_cast %swap3A_1788 : vector<1x1x16xf32> to vector<16xf32>
        %swap3A_1790 = vector.shape_cast %get3A_1527 : vector<16xf32> to vector<1x1x16xf32>
        tpu.vector_store %arg10[%swap3A_1785, %swap3A_1786, %swap3A_1787], %swap3A_1790 {add = true, strides = array<i32>} : memref<50x4x128xf32, #tpu.memory_space<vmem>>, vector<1x1x16xf32>,
        %swap3A_1791 = arith.constant 3 : i32
        %swap3A_1792 = arith.index_cast %scan3A_1615 : i32 to index
        %swap3A_1793 = arith.index_cast %swap3A_1791 : i32 to index
        %swap3A_1794 = arith.constant 16 : index
        %swap3A_1795 = tpu.vector_load %arg10[%swap3A_1792, %swap3A_1793, %swap3A_1794] {strides = array<i32>} : memref<50x4x128xf32, #tpu.memory_space<vmem>>, vector<1x1x16xf32>,
        %swap3A_1796 = vector.shape_cast %swap3A_1795 : vector<1x1x16xf32> to vector<16xf32>
        %swap3A_1797 = vector.shape_cast %get3A_1531 : vector<16xf32> to vector<1x1x16xf32>
        tpu.vector_store %arg10[%swap3A_1792, %swap3A_1793, %swap3A_1794], %swap3A_1797 {add = true, strides = array<i32>} : memref<50x4x128xf32, #tpu.memory_space<vmem>>, vector<1x1x16xf32>,
        %swap3A_1798 = arith.constant 3 : i32
        %swap3A_1799 = arith.index_cast %scan3A_1615 : i32 to index
        %swap3A_1800 = arith.index_cast %swap3A_1798 : i32 to index
        %swap3A_1801 = arith.constant 32 : index
        %swap3A_1802 = tpu.vector_load %arg10[%swap3A_1799, %swap3A_1800, %swap3A_1801] {strides = array<i32>} : memref<50x4x128xf32, #tpu.memory_space<vmem>>, vector<1x1x16xf32>,
        %swap3A_1803 = vector.shape_cast %swap3A_1802 : vector<1x1x16xf32> to vector<16xf32>
        %swap3A_1804 = vector.shape_cast %get3A_1535 : vector<16xf32> to vector<1x1x16xf32>
        tpu.vector_store %arg10[%swap3A_1799, %swap3A_1800, %swap3A_1801], %swap3A_1804 {add = true, strides = array<i32>} : memref<50x4x128xf32, #tpu.memory_space<vmem>>, vector<1x1x16xf32>,
        %swap3A_1805 = arith.constant 3 : i32
        %swap3A_1806 = arith.index_cast %scan3A_1615 : i32 to index
        %swap3A_1807 = arith.index_cast %swap3A_1805 : i32 to index
        %swap3A_1808 = arith.constant 48 : index
        %swap3A_1809 = tpu.vector_load %arg10[%swap3A_1806, %swap3A_1807, %swap3A_1808] {strides = array<i32>} : memref<50x4x128xf32, #tpu.memory_space<vmem>>, vector<1x1x16xf32>,
        %swap3A_1810 = vector.shape_cast %swap3A_1809 : vector<1x1x16xf32> to vector<16xf32>
        %swap3A_1811 = vector.shape_cast %get3A_1539 : vector<16xf32> to vector<1x1x16xf32>
        tpu.vector_store %arg10[%swap3A_1806, %swap3A_1807, %swap3A_1808], %swap3A_1811 {add = true, strides = array<i32>} : memref<50x4x128xf32, #tpu.memory_space<vmem>>, vector<1x1x16xf32>,
        %swap3A_1812 = arith.constant 3 : i32
        %swap3A_1813 = arith.index_cast %scan3A_1615 : i32 to index
        %swap3A_1814 = arith.index_cast %swap3A_1812 : i32 to index
        %swap3A_1815 = arith.constant 64 : index
        %swap3A_1816 = tpu.vector_load %arg10[%swap3A_1813, %swap3A_1814, %swap3A_1815] {strides = array<i32>} : memref<50x4x128xf32, #tpu.memory_space<vmem>>, vector<1x1x16xf32>,
        %swap3A_1817 = vector.shape_cast %swap3A_1816 : vector<1x1x16xf32> to vector<16xf32>
        %swap3A_1818 = vector.shape_cast %get3A_1543 : vector<16xf32> to vector<1x1x16xf32>
        tpu.vector_store %arg10[%swap3A_1813, %swap3A_1814, %swap3A_1815], %swap3A_1818 {add = true, strides = array<i32>} : memref<50x4x128xf32, #tpu.memory_space<vmem>>, vector<1x1x16xf32>,
        %swap3A_1819 = arith.constant 3 : i32
        %swap3A_1820 = arith.index_cast %scan3A_1615 : i32 to index
        %swap3A_1821 = arith.index_cast %swap3A_1819 : i32 to index
        %swap3A_1822 = arith.constant 80 : index
        %swap3A_1823 = tpu.vector_load %arg10[%swap3A_1820, %swap3A_1821, %swap3A_1822] {strides = array<i32>} : memref<50x4x128xf32, #tpu.memory_space<vmem>>, vector<1x1x16xf32>,
        %swap3A_1824 = vector.shape_cast %swap3A_1823 : vector<1x1x16xf32> to vector<16xf32>
        %swap3A_1825 = vector.shape_cast %get3A_1547 : vector<16xf32> to vector<1x1x16xf32>
        tpu.vector_store %arg10[%swap3A_1820, %swap3A_1821, %swap3A_1822], %swap3A_1825 {add = true, strides = array<i32>} : memref<50x4x128xf32, #tpu.memory_space<vmem>>, vector<1x1x16xf32>,
        %swap3A_1826 = arith.constant 3 : i32
        %swap3A_1827 = arith.index_cast %scan3A_1615 : i32 to index
        %swap3A_1828 = arith.index_cast %swap3A_1826 : i32 to index
        %swap3A_1829 = arith.constant 96 : index
        %swap3A_1830 = tpu.vector_load %arg10[%swap3A_1827, %swap3A_1828, %swap3A_1829] {strides = array<i32>} : memref<50x4x128xf32, #tpu.memory_space<vmem>>, vector<1x1x16xf32>,
        %swap3A_1831 = vector.shape_cast %swap3A_1830 : vector<1x1x16xf32> to vector<16xf32>
        %swap3A_1832 = vector.shape_cast %get3A_1551 : vector<16xf32> to vector<1x1x16xf32>
        tpu.vector_store %arg10[%swap3A_1827, %swap3A_1828, %swap3A_1829], %swap3A_1832 {add = true, strides = array<i32>} : memref<50x4x128xf32, #tpu.memory_space<vmem>>, vector<1x1x16xf32>,
        %swap3A_1833 = arith.constant 3 : i32
        %swap3A_1834 = arith.index_cast %scan3A_1615 : i32 to index
        %swap3A_1835 = arith.index_cast %swap3A_1833 : i32 to index
        %swap3A_1836 = arith.constant 112 : index
        %swap3A_1837 = tpu.vector_load %arg10[%swap3A_1834, %swap3A_1835, %swap3A_1836] {strides = array<i32>} : memref<50x4x128xf32, #tpu.memory_space<vmem>>, vector<1x1x16xf32>,
        %swap3A_1838 = vector.shape_cast %swap3A_1837 : vector<1x1x16xf32> to vector<16xf32>
        %swap3A_1839 = vector.shape_cast %get3A_1555 : vector<16xf32> to vector<1x1x16xf32>
        tpu.vector_store %arg10[%swap3A_1834, %swap3A_1835, %swap3A_1836], %swap3A_1839 {add = true, strides = array<i32>} : memref<50x4x128xf32, #tpu.memory_space<vmem>>, vector<1x1x16xf32>,
      }
      %scan3A_1561 = arith.constant 50 : i32
      %mul3A_1562 = arith.constant 128 : i32
      %mul3A_1563 = arith.muli %add3A, %mul3A_1562 : i32
      %add3A_1564 = arith.addi %mul3A_1563, %add3A_1301 : i32
      %jit3A_1565 = arith.constant 8 : i32
      %div3A_1566 = arith.divsi %add3A_1564, %jit3A_1565 : i32
      %sign3A_1567 = arith.constant 0 : i32
      %sign3A_1568 = arith.cmpi sgt, %add3A_1564, %sign3A_1567 : i32
      %sign3A_1569 = arith.extui %sign3A_1568 : i1 to i32
      %sign3A_1570 = arith.constant 0 : i32
      %sign3A_1571 = arith.cmpi slt, %add3A_1564, %sign3A_1570 : i32
      %sign3A_1572 = arith.extui %sign3A_1571 : i1 to i32
      %sign3A_1573 = arith.subi %sign3A_1569, %sign3A_1572 : i32
      %sign3A_1574 = arith.constant 0 : i32
      %sign3A_1575 = arith.cmpi sgt, %jit3A_1565, %sign3A_1574 : i32
      %sign3A_1576 = arith.extui %sign3A_1575 : i1 to i32
      %sign3A_1577 = arith.constant 0 : i32
      %sign3A_1578 = arith.cmpi slt, %jit3A_1565, %sign3A_1577 : i32
      %sign3A_1579 = arith.extui %sign3A_1578 : i1 to i32
      %sign3A_1580 = arith.subi %sign3A_1576, %sign3A_1579 : i32
      %ne3A_1581 = arith.cmpi ne, %sign3A_1573, %sign3A_1580 : i32
      %rem3A_1582 = arith.remsi %add3A_1564, %jit3A_1565 : i32
      %ne3A_1583 = arith.constant 0 : i32
      %ne3A_1584 = arith.cmpi ne, %rem3A_1582, %ne3A_1583 : i32
      %and3A_1585 = arith.andi %ne3A_1581, %ne3A_1584 : i1
      %sub3A_1586 = arith.constant 1 : i32
      %sub3A_1587 = arith.subi %div3A_1566, %sub3A_1586 : i32
      %select_n3A_1588 = arith.select %and3A_1585, %sub3A_1587, %div3A_1566 : i32
      %jit3A_1589 = arith.constant 8 : i32
      %eq3A_1590 = arith.constant 0 : i32
      %eq3A_1591 = arith.cmpi eq, %jit3A_1589, %eq3A_1590 : i32
      %jit3A_1592 = arith.constant 1 : i32
      %select_n3A_1593 = arith.select %eq3A_1591, %jit3A_1592, %jit3A_1589 : i32
      %rem3A_1594 = arith.remsi %add3A_1564, %select_n3A_1593 : i32
      %ne3A_1595 = arith.constant 0 : i32
      %ne3A_1596 = arith.cmpi ne, %rem3A_1594, %ne3A_1595 : i32
      %lt3A_1597 = arith.constant 0 : i32
      %lt3A_1598 = arith.cmpi slt, %rem3A_1594, %lt3A_1597 : i32
      %lt3A_1599 = arith.constant 0 : i32
      %lt3A_1600 = arith.cmpi slt, %select_n3A_1593, %lt3A_1599 : i32
      %ne3A_1601 = arith.xori %lt3A_1598, %lt3A_1600 : i1
      %and3A_1602 = arith.andi %ne3A_1601, %ne3A_1596 : i1
      %add3A_1603 = arith.addi %rem3A_1594, %select_n3A_1593 : i32
      %select_n3A_1604 = arith.select %and3A_1602, %add3A_1603, %rem3A_1594 : i32
      %dma_start3A_1605 = arith.constant 0 : i32
      %dma_start3A_1606 = arith.constant 0 : i32
      %dma_start3A_1607 = arith.constant 0 : i32
      %dma_start3A_1608 = tpu.memref_slice %arg7[%dma_start3A_1605, %select_n3A_1588, %dma_start3A_1606, %select_n3A_1604, %dma_start3A_1607] : memref<50x512x4x8x128xf32, #tpu.memory_space<hbm>> -> memref<50x1x4x1x128xf32, #tpu.memory_space<hbm>>
      %dma_start3A_1609 = tpu.memref_squeeze %dma_start3A_1608 : memref<50x1x4x1x128xf32, #tpu.memory_space<hbm>> -> memref<50x4x128xf32, #tpu.memory_space<hbm>>
      %dma_start3A_1610 = arith.constant 0 : i32
      %dma_start3A_1611 = arith.constant 0 : i32
      %dma_start3A_1612 = arith.constant 0 : i32
      %dma_start3A_1613 = tpu.memref_slice %arg7[%dma_start3A_1610, %select_n3A_1588, %dma_start3A_1611, %select_n3A_1604, %dma_start3A_1612] : memref<50x512x4x8x128xf32, #tpu.memory_space<hbm>> -> memref<50x1x4x1x128xf32, #tpu.memory_space<hbm>>
      %dma_start3A_1614 = tpu.memref_squeeze %dma_start3A_1613 : memref<50x1x4x1x128xf32, #tpu.memory_space<hbm>> -> memref<50x4x128xf32, #tpu.memory_space<hbm>>
      tpu.enqueue_dma source(%arg10 : memref<50x4x128xf32, #tpu.memory_space<vmem>>) target(%dma_start3A_1614 : memref<50x4x128xf32, #tpu.memory_space<hbm>>) target_semaphore(%arg23 : memref<!tpu.dma_semaphore, #tpu.memory_space<semaphore_mem>>)
    }
    %scan3A_110 = arith.constant 42 : i32
    %get3A_111 = arith.constant 6350 : index
    %get3A_112 = tpu.vector_load %arg14[%get3A_111] {strides = array<i32>} : memref<6528xi32, #tpu.memory_space<vmem>>, vector<16xi32>,
    %get3A_113 = vector.shape_cast %get3A_112 : vector<16xi32> to vector<16xi32>
    %mul3A_114 = arith.constant 50 : i32
    %mul3A_115 = vector.broadcast %mul3A_114 : i32 to vector<16xi32>
    %mul3A_116 = arith.muli %get3A_113, %mul3A_115 : vector<16xi32>
    %add3A_117 = arith.addi %mul3A_116, %add3A_44 : vector<16xi32>
    %swap3A_118 = arith.constant 0 : index
    %swap3A_119 = tpu.vector_load %arg12[%swap3A_118] {strides = array<i32>} : memref<64xi32, #tpu.memory_space<vmem>>, vector<16xi32>,
    %swap3A_120 = vector.shape_cast %swap3A_119 : vector<16xi32> to vector<16xi32>
    %swap3A_121 = vector.shape_cast %add3A_117 : vector<16xi32> to vector<16xi32>
    tpu.vector_store %arg12[%swap3A_118], %swap3A_121 {strides = array<i32>} : memref<64xi32, #tpu.memory_space<vmem>>, vector<16xi32>,
    %get3A_122 = arith.constant 6366 : index
    %get3A_123 = tpu.vector_load %arg14[%get3A_122] {strides = array<i32>} : memref<6528xi32, #tpu.memory_space<vmem>>, vector<16xi32>,
    %get3A_124 = vector.shape_cast %get3A_123 : vector<16xi32> to vector<16xi32>
    %mul3A_125 = arith.constant 50 : i32
    %mul3A_126 = vector.broadcast %mul3A_125 : i32 to vector<16xi32>
    %mul3A_127 = arith.muli %get3A_124, %mul3A_126 : vector<16xi32>
    %add3A_128 = arith.addi %mul3A_127, %add3A_48 : vector<16xi32>
    %swap3A_129 = arith.constant 16 : index
    %swap3A_130 = tpu.vector_load %arg12[%swap3A_129] {strides = array<i32>} : memref<64xi32, #tpu.memory_space<vmem>>, vector<16xi32>,
    %swap3A_131 = vector.shape_cast %swap3A_130 : vector<16xi32> to vector<16xi32>
    %swap3A_132 = vector.shape_cast %add3A_128 : vector<16xi32> to vector<16xi32>
    tpu.vector_store %arg12[%swap3A_129], %swap3A_132 {strides = array<i32>} : memref<64xi32, #tpu.memory_space<vmem>>, vector<16xi32>,
    %get3A_133 = arith.constant 6382 : index
    %get3A_134 = tpu.vector_load %arg14[%get3A_133] {strides = array<i32>} : memref<6528xi32, #tpu.memory_space<vmem>>, vector<16xi32>,
    %get3A_135 = vector.shape_cast %get3A_134 : vector<16xi32> to vector<16xi32>
    %mul3A_136 = arith.constant 50 : i32
    %mul3A_137 = vector.broadcast %mul3A_136 : i32 to vector<16xi32>
    %mul3A_138 = arith.muli %get3A_135, %mul3A_137 : vector<16xi32>
    %add3A_139 = arith.addi %mul3A_138, %add3A_52 : vector<16xi32>
    %swap3A_140 = arith.constant 32 : index
    %swap3A_141 = tpu.vector_load %arg12[%swap3A_140] {strides = array<i32>} : memref<64xi32, #tpu.memory_space<vmem>>, vector<16xi32>,
    %swap3A_142 = vector.shape_cast %swap3A_141 : vector<16xi32> to vector<16xi32>
    %swap3A_143 = vector.shape_cast %add3A_139 : vector<16xi32> to vector<16xi32>
    tpu.vector_store %arg12[%swap3A_140], %swap3A_143 {strides = array<i32>} : memref<64xi32, #tpu.memory_space<vmem>>, vector<16xi32>,
    %get3A_144 = arith.constant 6398 : index
    %get3A_145 = tpu.vector_load %arg14[%get3A_144] {strides = array<i32>} : memref<6528xi32, #tpu.memory_space<vmem>>, vector<16xi32>,
    %get3A_146 = vector.shape_cast %get3A_145 : vector<16xi32> to vector<16xi32>
    %mul3A_147 = arith.constant 50 : i32
    %mul3A_148 = vector.broadcast %mul3A_147 : i32 to vector<16xi32>
    %mul3A_149 = arith.muli %get3A_146, %mul3A_148 : vector<16xi32>
    %add3A_150 = arith.addi %mul3A_149, %add3A_56 : vector<16xi32>
    %swap3A_151 = arith.constant 48 : index
    %swap3A_152 = tpu.vector_load %arg12[%swap3A_151] {strides = array<i32>} : memref<64xi32, #tpu.memory_space<vmem>>, vector<16xi32>,
    %swap3A_153 = vector.shape_cast %swap3A_152 : vector<16xi32> to vector<16xi32>
    %swap3A_154 = vector.shape_cast %add3A_150 : vector<16xi32> to vector<16xi32>
    tpu.vector_store %arg12[%swap3A_151], %swap3A_154 {strides = array<i32>} : memref<64xi32, #tpu.memory_space<vmem>>, vector<16xi32>,
    %mul3A_155 = arith.constant 128 : i32
    %mul3A_156 = arith.muli %add3A, %mul3A_155 : i32
    %add3A_157 = arith.constant 126 : i32
    %add3A_158 = arith.addi %mul3A_156, %add3A_157 : i32
    %jit3A = arith.constant 8 : i32
    %div3A = arith.divsi %add3A_158, %jit3A : i32
    %sign3A = arith.constant 0 : i32
    %sign3A_159 = arith.cmpi sgt, %add3A_158, %sign3A : i32
    %sign3A_160 = arith.extui %sign3A_159 : i1 to i32
    %sign3A_161 = arith.constant 0 : i32
    %sign3A_162 = arith.cmpi slt, %add3A_158, %sign3A_161 : i32
    %sign3A_163 = arith.extui %sign3A_162 : i1 to i32
    %sign3A_164 = arith.subi %sign3A_160, %sign3A_163 : i32
    %sign3A_165 = arith.constant 0 : i32
    %sign3A_166 = arith.cmpi sgt, %jit3A, %sign3A_165 : i32
    %sign3A_167 = arith.extui %sign3A_166 : i1 to i32
    %sign3A_168 = arith.constant 0 : i32
    %sign3A_169 = arith.cmpi slt, %jit3A, %sign3A_168 : i32
    %sign3A_170 = arith.extui %sign3A_169 : i1 to i32
    %sign3A_171 = arith.subi %sign3A_167, %sign3A_170 : i32
    %ne3A = arith.cmpi ne, %sign3A_164, %sign3A_171 : i32
    %rem3A = arith.remsi %add3A_158, %jit3A : i32
    %ne3A_172 = arith.constant 0 : i32
    %ne3A_173 = arith.cmpi ne, %rem3A, %ne3A_172 : i32
    %and3A = arith.andi %ne3A, %ne3A_173 : i1
    %sub3A = arith.constant 1 : i32
    %sub3A_174 = arith.subi %div3A, %sub3A : i32
    %select_n3A = arith.select %and3A, %sub3A_174, %div3A : i32
    %jit3A_175 = arith.constant 8 : i32
    %eq3A = arith.constant 0 : i32
    %eq3A_176 = arith.cmpi eq, %jit3A_175, %eq3A : i32
    %jit3A_177 = arith.constant 1 : i32
    %select_n3A_178 = arith.select %eq3A_176, %jit3A_177, %jit3A_175 : i32
    %rem3A_179 = arith.remsi %add3A_158, %select_n3A_178 : i32
    %ne3A_180 = arith.constant 0 : i32
    %ne3A_181 = arith.cmpi ne, %rem3A_179, %ne3A_180 : i32
    %lt3A = arith.constant 0 : i32
    %lt3A_182 = arith.cmpi slt, %rem3A_179, %lt3A : i32
    %lt3A_183 = arith.constant 0 : i32
    %lt3A_184 = arith.cmpi slt, %select_n3A_178, %lt3A_183 : i32
    %ne3A_185 = arith.xori %lt3A_182, %lt3A_184 : i1
    %and3A_186 = arith.andi %ne3A_185, %ne3A_181 : i1
    %add3A_187 = arith.addi %rem3A_179, %select_n3A_178 : i32
    %select_n3A_188 = arith.select %and3A_186, %add3A_187, %rem3A_179 : i32
    %dma_wait3A = arith.constant 0 : i32
    %dma_wait3A_189 = arith.constant 0 : i32
    %dma_wait3A_190 = arith.constant 0 : i32
    %dma_wait3A_191 = tpu.memref_slice %arg7[%dma_wait3A, %select_n3A, %dma_wait3A_189, %select_n3A_188, %dma_wait3A_190] : memref<50x512x4x8x128xf32, #tpu.memory_space<hbm>> -> memref<50x1x4x1x128xf32, #tpu.memory_space<hbm>>
    %dma_wait3A_192 = tpu.memref_squeeze %dma_wait3A_191 : memref<50x1x4x1x128xf32, #tpu.memory_space<hbm>> -> memref<50x4x128xf32, #tpu.memory_space<hbm>>
    %dma_wait3A_193 = arith.constant 0 : i32
    %dma_wait3A_194 = arith.constant 0 : i32
    %dma_wait3A_195 = arith.constant 0 : i32
    %dma_wait3A_196 = tpu.memref_slice %arg7[%dma_wait3A_193, %select_n3A, %dma_wait3A_194, %select_n3A_188, %dma_wait3A_195] : memref<50x512x4x8x128xf32, #tpu.memory_space<hbm>> -> memref<50x1x4x1x128xf32, #tpu.memory_space<hbm>>
    %dma_wait3A_197 = tpu.memref_squeeze %dma_wait3A_196 : memref<50x1x4x1x128xf32, #tpu.memory_space<hbm>> -> memref<50x4x128xf32, #tpu.memory_space<hbm>>
    tpu.wait_dma2 semaphore(%arg22 : memref<!tpu.dma_semaphore, #tpu.memory_space<semaphore_mem>>) src(%arg9 : memref<50x4x128xf32, #tpu.memory_space<vmem>>) dst(%dma_wait3A_197 : memref<50x4x128xf32, #tpu.memory_space<hbm>>)
    %dma_start3A_198 = arith.constant 0 : i32
    %dma_start3A_199 = tpu.memref_slice %arg12[%dma_start3A_198] : memref<64xi32, #tpu.memory_space<vmem>> -> memref<50xi32, #tpu.memory_space<vmem>>
    %dma_start3A_200 = arith.constant 0 : i32
    %dma_start3A_201 = arith.constant 0 : i32
    %dma_start3A_202 = arith.constant 0 : i32
    %dma_start3A_203 = tpu.memref_slice %arg17[%dma_start3A_200, %dma_start3A_201, %dma_start3A_202] : memref<1104x4x128xf32, #tpu.memory_space<vmem_shared>> -> memref<1104x4x128xf32, #tpu.memory_space<vmem_shared>>
    tpu.enqueue_indirect_dma source(%dma_start3A_203 : memref<1104x4x128xf32, #tpu.memory_space<vmem_shared>>) target(%arg9 : memref<50x4x128xf32, #tpu.memory_space<vmem>>) offsets(%dma_start3A_199 : memref<50xi32, #tpu.memory_space<vmem>>) semaphore(%arg19 : memref<!tpu.dma_semaphore, #tpu.memory_space<semaphore_mem>>)
    %dma_wait3A_204 = arith.constant 0 : i32
    %dma_wait3A_205 = tpu.memref_slice %arg11[%dma_wait3A_204] : memref<64xi32, #tpu.memory_space<vmem>> -> memref<50xi32, #tpu.memory_space<vmem>>
    %dma_wait3A_206 = arith.constant 0 : i32
    %dma_wait3A_207 = arith.constant 0 : i32
    %dma_wait3A_208 = arith.constant 0 : i32
    %dma_wait3A_209 = tpu.memref_slice %arg17[%dma_wait3A_206, %dma_wait3A_207, %dma_wait3A_208] : memref<1104x4x128xf32, #tpu.memory_space<vmem_shared>> -> memref<1104x4x128xf32, #tpu.memory_space<vmem_shared>>
    tpu.wait_indirect_dma semaphore(%arg18 : memref<!tpu.dma_semaphore, #tpu.memory_space<semaphore_mem>>) src(%dma_wait3A_209 : memref<1104x4x128xf32, #tpu.memory_space<vmem_shared>>) dst(%arg8 : memref<50x4x128xf32, #tpu.memory_space<vmem>>)
    %get3A_210 = arith.constant 126 : index
    %get3A_211 = tpu.vector_load %arg15[%get3A_210] {strides = array<i32>} : memref<144xi32, #tpu.memory_space<vmem>>, vector<16xi32>,
    %get3A_212 = vector.shape_cast %get3A_211 : vector<16xi32> to vector<16xi32>
    %slice3A = vector.extract_strided_slice %get3A_212 {offsets = [0], sizes = [1], strides = [1]} : vector<16xi32> to vector<1xi32>
    %squeeze3A = vector.extract %slice3A[0] : i32 from vector<1xi32>
    %get3A_213 = arith.index_cast %squeeze3A : i32 to index
    %get3A_214 = arith.constant 0 : index
    %get3A_215 = tpu.vector_load %arg16[%get3A_213, %get3A_214] {strides = array<i32>} : memref<10x512xf32, #tpu.memory_space<vmem>>, vector<1x16xf32>,
    %get3A_216 = vector.shape_cast %get3A_215 : vector<1x16xf32> to vector<16xf32>
    %get3A_217 = arith.index_cast %squeeze3A : i32 to index
    %get3A_218 = arith.constant 16 : index
    %get3A_219 = tpu.vector_load %arg16[%get3A_217, %get3A_218] {strides = array<i32>} : memref<10x512xf32, #tpu.memory_space<vmem>>, vector<1x16xf32>,
    %get3A_220 = vector.shape_cast %get3A_219 : vector<1x16xf32> to vector<16xf32>
    %get3A_221 = arith.index_cast %squeeze3A : i32 to index
    %get3A_222 = arith.constant 32 : index
    %get3A_223 = tpu.vector_load %arg16[%get3A_221, %get3A_222] {strides = array<i32>} : memref<10x512xf32, #tpu.memory_space<vmem>>, vector<1x16xf32>,
    %get3A_224 = vector.shape_cast %get3A_223 : vector<1x16xf32> to vector<16xf32>
    %get3A_225 = arith.index_cast %squeeze3A : i32 to index
    %get3A_226 = arith.constant 48 : index
    %get3A_227 = tpu.vector_load %arg16[%get3A_225, %get3A_226] {strides = array<i32>} : memref<10x512xf32, #tpu.memory_space<vmem>>, vector<1x16xf32>,
    %get3A_228 = vector.shape_cast %get3A_227 : vector<1x16xf32> to vector<16xf32>
    %get3A_229 = arith.index_cast %squeeze3A : i32 to index
    %get3A_230 = arith.constant 64 : index
    %get3A_231 = tpu.vector_load %arg16[%get3A_229, %get3A_230] {strides = array<i32>} : memref<10x512xf32, #tpu.memory_space<vmem>>, vector<1x16xf32>,
    %get3A_232 = vector.shape_cast %get3A_231 : vector<1x16xf32> to vector<16xf32>
    %get3A_233 = arith.index_cast %squeeze3A : i32 to index
    %get3A_234 = arith.constant 80 : index
    %get3A_235 = tpu.vector_load %arg16[%get3A_233, %get3A_234] {strides = array<i32>} : memref<10x512xf32, #tpu.memory_space<vmem>>, vector<1x16xf32>,
    %get3A_236 = vector.shape_cast %get3A_235 : vector<1x16xf32> to vector<16xf32>
    %get3A_237 = arith.index_cast %squeeze3A : i32 to index
    %get3A_238 = arith.constant 96 : index
    %get3A_239 = tpu.vector_load %arg16[%get3A_237, %get3A_238] {strides = array<i32>} : memref<10x512xf32, #tpu.memory_space<vmem>>, vector<1x16xf32>,
    %get3A_240 = vector.shape_cast %get3A_239 : vector<1x16xf32> to vector<16xf32>
    %get3A_241 = arith.index_cast %squeeze3A : i32 to index
    %get3A_242 = arith.constant 112 : index
    %get3A_243 = tpu.vector_load %arg16[%get3A_241, %get3A_242] {strides = array<i32>} : memref<10x512xf32, #tpu.memory_space<vmem>>, vector<1x16xf32>,
    %get3A_244 = vector.shape_cast %get3A_243 : vector<1x16xf32> to vector<16xf32>
    %get3A_245 = arith.index_cast %squeeze3A : i32 to index
    %get3A_246 = arith.constant 128 : index
    %get3A_247 = tpu.vector_load %arg16[%get3A_245, %get3A_246] {strides = array<i32>} : memref<10x512xf32, #tpu.memory_space<vmem>>, vector<1x16xf32>,
    %get3A_248 = vector.shape_cast %get3A_247 : vector<1x16xf32> to vector<16xf32>
    %get3A_249 = arith.index_cast %squeeze3A : i32 to index
    %get3A_250 = arith.constant 144 : index
    %get3A_251 = tpu.vector_load %arg16[%get3A_249, %get3A_250] {strides = array<i32>} : memref<10x512xf32, #tpu.memory_space<vmem>>, vector<1x16xf32>,
    %get3A_252 = vector.shape_cast %get3A_251 : vector<1x16xf32> to vector<16xf32>
    %get3A_253 = arith.index_cast %squeeze3A : i32 to index
    %get3A_254 = arith.constant 160 : index
    %get3A_255 = tpu.vector_load %arg16[%get3A_253, %get3A_254] {strides = array<i32>} : memref<10x512xf32, #tpu.memory_space<vmem>>, vector<1x16xf32>,
    %get3A_256 = vector.shape_cast %get3A_255 : vector<1x16xf32> to vector<16xf32>
    %get3A_257 = arith.index_cast %squeeze3A : i32 to index
    %get3A_258 = arith.constant 176 : index
    %get3A_259 = tpu.vector_load %arg16[%get3A_257, %get3A_258] {strides = array<i32>} : memref<10x512xf32, #tpu.memory_space<vmem>>, vector<1x16xf32>,
    %get3A_260 = vector.shape_cast %get3A_259 : vector<1x16xf32> to vector<16xf32>
    %get3A_261 = arith.index_cast %squeeze3A : i32 to index
    %get3A_262 = arith.constant 192 : index
    %get3A_263 = tpu.vector_load %arg16[%get3A_261, %get3A_262] {strides = array<i32>} : memref<10x512xf32, #tpu.memory_space<vmem>>, vector<1x16xf32>,
    %get3A_264 = vector.shape_cast %get3A_263 : vector<1x16xf32> to vector<16xf32>
    %get3A_265 = arith.index_cast %squeeze3A : i32 to index
    %get3A_266 = arith.constant 208 : index
    %get3A_267 = tpu.vector_load %arg16[%get3A_265, %get3A_266] {strides = array<i32>} : memref<10x512xf32, #tpu.memory_space<vmem>>, vector<1x16xf32>,
    %get3A_268 = vector.shape_cast %get3A_267 : vector<1x16xf32> to vector<16xf32>
    %get3A_269 = arith.index_cast %squeeze3A : i32 to index
    %get3A_270 = arith.constant 224 : index
    %get3A_271 = tpu.vector_load %arg16[%get3A_269, %get3A_270] {strides = array<i32>} : memref<10x512xf32, #tpu.memory_space<vmem>>, vector<1x16xf32>,
    %get3A_272 = vector.shape_cast %get3A_271 : vector<1x16xf32> to vector<16xf32>
    %get3A_273 = arith.index_cast %squeeze3A : i32 to index
    %get3A_274 = arith.constant 240 : index
    %get3A_275 = tpu.vector_load %arg16[%get3A_273, %get3A_274] {strides = array<i32>} : memref<10x512xf32, #tpu.memory_space<vmem>>, vector<1x16xf32>,
    %get3A_276 = vector.shape_cast %get3A_275 : vector<1x16xf32> to vector<16xf32>
    %get3A_277 = arith.index_cast %squeeze3A : i32 to index
    %get3A_278 = arith.constant 256 : index
    %get3A_279 = tpu.vector_load %arg16[%get3A_277, %get3A_278] {strides = array<i32>} : memref<10x512xf32, #tpu.memory_space<vmem>>, vector<1x16xf32>,
    %get3A_280 = vector.shape_cast %get3A_279 : vector<1x16xf32> to vector<16xf32>
    %get3A_281 = arith.index_cast %squeeze3A : i32 to index
    %get3A_282 = arith.constant 272 : index
    %get3A_283 = tpu.vector_load %arg16[%get3A_281, %get3A_282] {strides = array<i32>} : memref<10x512xf32, #tpu.memory_space<vmem>>, vector<1x16xf32>,
    %get3A_284 = vector.shape_cast %get3A_283 : vector<1x16xf32> to vector<16xf32>
    %get3A_285 = arith.index_cast %squeeze3A : i32 to index
    %get3A_286 = arith.constant 288 : index
    %get3A_287 = tpu.vector_load %arg16[%get3A_285, %get3A_286] {strides = array<i32>} : memref<10x512xf32, #tpu.memory_space<vmem>>, vector<1x16xf32>,
    %get3A_288 = vector.shape_cast %get3A_287 : vector<1x16xf32> to vector<16xf32>
    %get3A_289 = arith.index_cast %squeeze3A : i32 to index
    %get3A_290 = arith.constant 304 : index
    %get3A_291 = tpu.vector_load %arg16[%get3A_289, %get3A_290] {strides = array<i32>} : memref<10x512xf32, #tpu.memory_space<vmem>>, vector<1x16xf32>,
    %get3A_292 = vector.shape_cast %get3A_291 : vector<1x16xf32> to vector<16xf32>
    %get3A_293 = arith.index_cast %squeeze3A : i32 to index
    %get3A_294 = arith.constant 320 : index
    %get3A_295 = tpu.vector_load %arg16[%get3A_293, %get3A_294] {strides = array<i32>} : memref<10x512xf32, #tpu.memory_space<vmem>>, vector<1x16xf32>,
    %get3A_296 = vector.shape_cast %get3A_295 : vector<1x16xf32> to vector<16xf32>
    %get3A_297 = arith.index_cast %squeeze3A : i32 to index
    %get3A_298 = arith.constant 336 : index
    %get3A_299 = tpu.vector_load %arg16[%get3A_297, %get3A_298] {strides = array<i32>} : memref<10x512xf32, #tpu.memory_space<vmem>>, vector<1x16xf32>,
    %get3A_300 = vector.shape_cast %get3A_299 : vector<1x16xf32> to vector<16xf32>
    %get3A_301 = arith.index_cast %squeeze3A : i32 to index
    %get3A_302 = arith.constant 352 : index
    %get3A_303 = tpu.vector_load %arg16[%get3A_301, %get3A_302] {strides = array<i32>} : memref<10x512xf32, #tpu.memory_space<vmem>>, vector<1x16xf32>,
    %get3A_304 = vector.shape_cast %get3A_303 : vector<1x16xf32> to vector<16xf32>
    %get3A_305 = arith.index_cast %squeeze3A : i32 to index
    %get3A_306 = arith.constant 368 : index
    %get3A_307 = tpu.vector_load %arg16[%get3A_305, %get3A_306] {strides = array<i32>} : memref<10x512xf32, #tpu.memory_space<vmem>>, vector<1x16xf32>,
    %get3A_308 = vector.shape_cast %get3A_307 : vector<1x16xf32> to vector<16xf32>
    %get3A_309 = arith.index_cast %squeeze3A : i32 to index
    %get3A_310 = arith.constant 384 : index
    %get3A_311 = tpu.vector_load %arg16[%get3A_309, %get3A_310] {strides = array<i32>} : memref<10x512xf32, #tpu.memory_space<vmem>>, vector<1x16xf32>,
    %get3A_312 = vector.shape_cast %get3A_311 : vector<1x16xf32> to vector<16xf32>
    %get3A_313 = arith.index_cast %squeeze3A : i32 to index
    %get3A_314 = arith.constant 400 : index
    %get3A_315 = tpu.vector_load %arg16[%get3A_313, %get3A_314] {strides = array<i32>} : memref<10x512xf32, #tpu.memory_space<vmem>>, vector<1x16xf32>,
    %get3A_316 = vector.shape_cast %get3A_315 : vector<1x16xf32> to vector<16xf32>
    %get3A_317 = arith.index_cast %squeeze3A : i32 to index
    %get3A_318 = arith.constant 416 : index
    %get3A_319 = tpu.vector_load %arg16[%get3A_317, %get3A_318] {strides = array<i32>} : memref<10x512xf32, #tpu.memory_space<vmem>>, vector<1x16xf32>,
    %get3A_320 = vector.shape_cast %get3A_319 : vector<1x16xf32> to vector<16xf32>
    %get3A_321 = arith.index_cast %squeeze3A : i32 to index
    %get3A_322 = arith.constant 432 : index
    %get3A_323 = tpu.vector_load %arg16[%get3A_321, %get3A_322] {strides = array<i32>} : memref<10x512xf32, #tpu.memory_space<vmem>>, vector<1x16xf32>,
    %get3A_324 = vector.shape_cast %get3A_323 : vector<1x16xf32> to vector<16xf32>
    %get3A_325 = arith.index_cast %squeeze3A : i32 to index
    %get3A_326 = arith.constant 448 : index
    %get3A_327 = tpu.vector_load %arg16[%get3A_325, %get3A_326] {strides = array<i32>} : memref<10x512xf32, #tpu.memory_space<vmem>>, vector<1x16xf32>,
    %get3A_328 = vector.shape_cast %get3A_327 : vector<1x16xf32> to vector<16xf32>
    %get3A_329 = arith.index_cast %squeeze3A : i32 to index
    %get3A_330 = arith.constant 464 : index
    %get3A_331 = tpu.vector_load %arg16[%get3A_329, %get3A_330] {strides = array<i32>} : memref<10x512xf32, #tpu.memory_space<vmem>>, vector<1x16xf32>,
    %get3A_332 = vector.shape_cast %get3A_331 : vector<1x16xf32> to vector<16xf32>
    %get3A_333 = arith.index_cast %squeeze3A : i32 to index
    %get3A_334 = arith.constant 480 : index
    %get3A_335 = tpu.vector_load %arg16[%get3A_333, %get3A_334] {strides = array<i32>} : memref<10x512xf32, #tpu.memory_space<vmem>>, vector<1x16xf32>,
    %get3A_336 = vector.shape_cast %get3A_335 : vector<1x16xf32> to vector<16xf32>
    %get3A_337 = arith.index_cast %squeeze3A : i32 to index
    %get3A_338 = arith.constant 496 : index
    %get3A_339 = tpu.vector_load %arg16[%get3A_337, %get3A_338] {strides = array<i32>} : memref<10x512xf32, #tpu.memory_space<vmem>>, vector<1x16xf32>,
    %get3A_340 = vector.shape_cast %get3A_339 : vector<1x16xf32> to vector<16xf32>
    %scan3A_341 = arith.constant 0 : i32
    %scan3A_342 = arith.constant 0 : i32
    %scan3A_343 = arith.constant 50 : i32
    %scan3A_344 = arith.addi %scan3A_342, %scan3A_343 : i32
    %scan3A_345 = arith.constant 1 : i32
    scf.for %scan3A_762 = %scan3A_342 to %scan3A_344 step %scan3A_345  : i32 {
      %swap3A_763 = arith.constant 0 : i32
      %swap3A_764 = arith.index_cast %scan3A_762 : i32 to index
      %swap3A_765 = arith.index_cast %swap3A_763 : i32 to index
      %swap3A_766 = arith.constant 0 : index
      %swap3A_767 = tpu.vector_load %arg8[%swap3A_764, %swap3A_765, %swap3A_766] {strides = array<i32>} : memref<50x4x128xf32, #tpu.memory_space<vmem>>, vector<1x1x16xf32>,
      %swap3A_768 = vector.shape_cast %swap3A_767 : vector<1x1x16xf32> to vector<16xf32>
      %swap3A_769 = vector.shape_cast %get3A_216 : vector<16xf32> to vector<1x1x16xf32>
      tpu.vector_store %arg8[%swap3A_764, %swap3A_765, %swap3A_766], %swap3A_769 {add = true, strides = array<i32>} : memref<50x4x128xf32, #tpu.memory_space<vmem>>, vector<1x1x16xf32>,
      %swap3A_770 = arith.constant 0 : i32
      %swap3A_771 = arith.index_cast %scan3A_762 : i32 to index
      %swap3A_772 = arith.index_cast %swap3A_770 : i32 to index
      %swap3A_773 = arith.constant 16 : index
      %swap3A_774 = tpu.vector_load %arg8[%swap3A_771, %swap3A_772, %swap3A_773] {strides = array<i32>} : memref<50x4x128xf32, #tpu.memory_space<vmem>>, vector<1x1x16xf32>,
      %swap3A_775 = vector.shape_cast %swap3A_774 : vector<1x1x16xf32> to vector<16xf32>
      %swap3A_776 = vector.shape_cast %get3A_220 : vector<16xf32> to vector<1x1x16xf32>
      tpu.vector_store %arg8[%swap3A_771, %swap3A_772, %swap3A_773], %swap3A_776 {add = true, strides = array<i32>} : memref<50x4x128xf32, #tpu.memory_space<vmem>>, vector<1x1x16xf32>,
      %swap3A_777 = arith.constant 0 : i32
      %swap3A_778 = arith.index_cast %scan3A_762 : i32 to index
      %swap3A_779 = arith.index_cast %swap3A_777 : i32 to index
      %swap3A_780 = arith.constant 32 : index
      %swap3A_781 = tpu.vector_load %arg8[%swap3A_778, %swap3A_779, %swap3A_780] {strides = array<i32>} : memref<50x4x128xf32, #tpu.memory_space<vmem>>, vector<1x1x16xf32>,
      %swap3A_782 = vector.shape_cast %swap3A_781 : vector<1x1x16xf32> to vector<16xf32>
      %swap3A_783 = vector.shape_cast %get3A_224 : vector<16xf32> to vector<1x1x16xf32>
      tpu.vector_store %arg8[%swap3A_778, %swap3A_779, %swap3A_780], %swap3A_783 {add = true, strides = array<i32>} : memref<50x4x128xf32, #tpu.memory_space<vmem>>, vector<1x1x16xf32>,
      %swap3A_784 = arith.constant 0 : i32
      %swap3A_785 = arith.index_cast %scan3A_762 : i32 to index
      %swap3A_786 = arith.index_cast %swap3A_784 : i32 to index
      %swap3A_787 = arith.constant 48 : index
      %swap3A_788 = tpu.vector_load %arg8[%swap3A_785, %swap3A_786, %swap3A_787] {strides = array<i32>} : memref<50x4x128xf32, #tpu.memory_space<vmem>>, vector<1x1x16xf32>,
      %swap3A_789 = vector.shape_cast %swap3A_788 : vector<1x1x16xf32> to vector<16xf32>
      %swap3A_790 = vector.shape_cast %get3A_228 : vector<16xf32> to vector<1x1x16xf32>
      tpu.vector_store %arg8[%swap3A_785, %swap3A_786, %swap3A_787], %swap3A_790 {add = true, strides = array<i32>} : memref<50x4x128xf32, #tpu.memory_space<vmem>>, vector<1x1x16xf32>,
      %swap3A_791 = arith.constant 0 : i32
      %swap3A_792 = arith.index_cast %scan3A_762 : i32 to index
      %swap3A_793 = arith.index_cast %swap3A_791 : i32 to index
      %swap3A_794 = arith.constant 64 : index
      %swap3A_795 = tpu.vector_load %arg8[%swap3A_792, %swap3A_793, %swap3A_794] {strides = array<i32>} : memref<50x4x128xf32, #tpu.memory_space<vmem>>, vector<1x1x16xf32>,
      %swap3A_796 = vector.shape_cast %swap3A_795 : vector<1x1x16xf32> to vector<16xf32>
      %swap3A_797 = vector.shape_cast %get3A_232 : vector<16xf32> to vector<1x1x16xf32>
      tpu.vector_store %arg8[%swap3A_792, %swap3A_793, %swap3A_794], %swap3A_797 {add = true, strides = array<i32>} : memref<50x4x128xf32, #tpu.memory_space<vmem>>, vector<1x1x16xf32>,
      %swap3A_798 = arith.constant 0 : i32
      %swap3A_799 = arith.index_cast %scan3A_762 : i32 to index
      %swap3A_800 = arith.index_cast %swap3A_798 : i32 to index
      %swap3A_801 = arith.constant 80 : index
      %swap3A_802 = tpu.vector_load %arg8[%swap3A_799, %swap3A_800, %swap3A_801] {strides = array<i32>} : memref<50x4x128xf32, #tpu.memory_space<vmem>>, vector<1x1x16xf32>,
      %swap3A_803 = vector.shape_cast %swap3A_802 : vector<1x1x16xf32> to vector<16xf32>
      %swap3A_804 = vector.shape_cast %get3A_236 : vector<16xf32> to vector<1x1x16xf32>
      tpu.vector_store %arg8[%swap3A_799, %swap3A_800, %swap3A_801], %swap3A_804 {add = true, strides = array<i32>} : memref<50x4x128xf32, #tpu.memory_space<vmem>>, vector<1x1x16xf32>,
      %swap3A_805 = arith.constant 0 : i32
      %swap3A_806 = arith.index_cast %scan3A_762 : i32 to index
      %swap3A_807 = arith.index_cast %swap3A_805 : i32 to index
      %swap3A_808 = arith.constant 96 : index
      %swap3A_809 = tpu.vector_load %arg8[%swap3A_806, %swap3A_807, %swap3A_808] {strides = array<i32>} : memref<50x4x128xf32, #tpu.memory_space<vmem>>, vector<1x1x16xf32>,
      %swap3A_810 = vector.shape_cast %swap3A_809 : vector<1x1x16xf32> to vector<16xf32>
      %swap3A_811 = vector.shape_cast %get3A_240 : vector<16xf32> to vector<1x1x16xf32>
      tpu.vector_store %arg8[%swap3A_806, %swap3A_807, %swap3A_808], %swap3A_811 {add = true, strides = array<i32>} : memref<50x4x128xf32, #tpu.memory_space<vmem>>, vector<1x1x16xf32>,
      %swap3A_812 = arith.constant 0 : i32
      %swap3A_813 = arith.index_cast %scan3A_762 : i32 to index
      %swap3A_814 = arith.index_cast %swap3A_812 : i32 to index
      %swap3A_815 = arith.constant 112 : index
      %swap3A_816 = tpu.vector_load %arg8[%swap3A_813, %swap3A_814, %swap3A_815] {strides = array<i32>} : memref<50x4x128xf32, #tpu.memory_space<vmem>>, vector<1x1x16xf32>,
      %swap3A_817 = vector.shape_cast %swap3A_816 : vector<1x1x16xf32> to vector<16xf32>
      %swap3A_818 = vector.shape_cast %get3A_244 : vector<16xf32> to vector<1x1x16xf32>
      tpu.vector_store %arg8[%swap3A_813, %swap3A_814, %swap3A_815], %swap3A_818 {add = true, strides = array<i32>} : memref<50x4x128xf32, #tpu.memory_space<vmem>>, vector<1x1x16xf32>,
      %swap3A_819 = arith.constant 1 : i32
      %swap3A_820 = arith.index_cast %scan3A_762 : i32 to index
      %swap3A_821 = arith.index_cast %swap3A_819 : i32 to index
      %swap3A_822 = arith.constant 0 : index
      %swap3A_823 = tpu.vector_load %arg8[%swap3A_820, %swap3A_821, %swap3A_822] {strides = array<i32>} : memref<50x4x128xf32, #tpu.memory_space<vmem>>, vector<1x1x16xf32>,
      %swap3A_824 = vector.shape_cast %swap3A_823 : vector<1x1x16xf32> to vector<16xf32>
      %swap3A_825 = vector.shape_cast %get3A_248 : vector<16xf32> to vector<1x1x16xf32>
      tpu.vector_store %arg8[%swap3A_820, %swap3A_821, %swap3A_822], %swap3A_825 {add = true, strides = array<i32>} : memref<50x4x128xf32, #tpu.memory_space<vmem>>, vector<1x1x16xf32>,
      %swap3A_826 = arith.constant 1 : i32
      %swap3A_827 = arith.index_cast %scan3A_762 : i32 to index
      %swap3A_828 = arith.index_cast %swap3A_826 : i32 to index
      %swap3A_829 = arith.constant 16 : index
      %swap3A_830 = tpu.vector_load %arg8[%swap3A_827, %swap3A_828, %swap3A_829] {strides = array<i32>} : memref<50x4x128xf32, #tpu.memory_space<vmem>>, vector<1x1x16xf32>,
      %swap3A_831 = vector.shape_cast %swap3A_830 : vector<1x1x16xf32> to vector<16xf32>
      %swap3A_832 = vector.shape_cast %get3A_252 : vector<16xf32> to vector<1x1x16xf32>
      tpu.vector_store %arg8[%swap3A_827, %swap3A_828, %swap3A_829], %swap3A_832 {add = true, strides = array<i32>} : memref<50x4x128xf32, #tpu.memory_space<vmem>>, vector<1x1x16xf32>,
      %swap3A_833 = arith.constant 1 : i32
      %swap3A_834 = arith.index_cast %scan3A_762 : i32 to index
      %swap3A_835 = arith.index_cast %swap3A_833 : i32 to index
      %swap3A_836 = arith.constant 32 : index
      %swap3A_837 = tpu.vector_load %arg8[%swap3A_834, %swap3A_835, %swap3A_836] {strides = array<i32>} : memref<50x4x128xf32, #tpu.memory_space<vmem>>, vector<1x1x16xf32>,
      %swap3A_838 = vector.shape_cast %swap3A_837 : vector<1x1x16xf32> to vector<16xf32>
      %swap3A_839 = vector.shape_cast %get3A_256 : vector<16xf32> to vector<1x1x16xf32>
      tpu.vector_store %arg8[%swap3A_834, %swap3A_835, %swap3A_836], %swap3A_839 {add = true, strides = array<i32>} : memref<50x4x128xf32, #tpu.memory_space<vmem>>, vector<1x1x16xf32>,
      %swap3A_840 = arith.constant 1 : i32
      %swap3A_841 = arith.index_cast %scan3A_762 : i32 to index
      %swap3A_842 = arith.index_cast %swap3A_840 : i32 to index
      %swap3A_843 = arith.constant 48 : index
      %swap3A_844 = tpu.vector_load %arg8[%swap3A_841, %swap3A_842, %swap3A_843] {strides = array<i32>} : memref<50x4x128xf32, #tpu.memory_space<vmem>>, vector<1x1x16xf32>,
      %swap3A_845 = vector.shape_cast %swap3A_844 : vector<1x1x16xf32> to vector<16xf32>
      %swap3A_846 = vector.shape_cast %get3A_260 : vector<16xf32> to vector<1x1x16xf32>
      tpu.vector_store %arg8[%swap3A_841, %swap3A_842, %swap3A_843], %swap3A_846 {add = true, strides = array<i32>} : memref<50x4x128xf32, #tpu.memory_space<vmem>>, vector<1x1x16xf32>,
      %swap3A_847 = arith.constant 1 : i32
      %swap3A_848 = arith.index_cast %scan3A_762 : i32 to index
      %swap3A_849 = arith.index_cast %swap3A_847 : i32 to index
      %swap3A_850 = arith.constant 64 : index
      %swap3A_851 = tpu.vector_load %arg8[%swap3A_848, %swap3A_849, %swap3A_850] {strides = array<i32>} : memref<50x4x128xf32, #tpu.memory_space<vmem>>, vector<1x1x16xf32>,
      %swap3A_852 = vector.shape_cast %swap3A_851 : vector<1x1x16xf32> to vector<16xf32>
      %swap3A_853 = vector.shape_cast %get3A_264 : vector<16xf32> to vector<1x1x16xf32>
      tpu.vector_store %arg8[%swap3A_848, %swap3A_849, %swap3A_850], %swap3A_853 {add = true, strides = array<i32>} : memref<50x4x128xf32, #tpu.memory_space<vmem>>, vector<1x1x16xf32>,
      %swap3A_854 = arith.constant 1 : i32
      %swap3A_855 = arith.index_cast %scan3A_762 : i32 to index
      %swap3A_856 = arith.index_cast %swap3A_854 : i32 to index
      %swap3A_857 = arith.constant 80 : index
      %swap3A_858 = tpu.vector_load %arg8[%swap3A_855, %swap3A_856, %swap3A_857] {strides = array<i32>} : memref<50x4x128xf32, #tpu.memory_space<vmem>>, vector<1x1x16xf32>,
      %swap3A_859 = vector.shape_cast %swap3A_858 : vector<1x1x16xf32> to vector<16xf32>
      %swap3A_860 = vector.shape_cast %get3A_268 : vector<16xf32> to vector<1x1x16xf32>
      tpu.vector_store %arg8[%swap3A_855, %swap3A_856, %swap3A_857], %swap3A_860 {add = true, strides = array<i32>} : memref<50x4x128xf32, #tpu.memory_space<vmem>>, vector<1x1x16xf32>,
      %swap3A_861 = arith.constant 1 : i32
      %swap3A_862 = arith.index_cast %scan3A_762 : i32 to index
      %swap3A_863 = arith.index_cast %swap3A_861 : i32 to index
      %swap3A_864 = arith.constant 96 : index
      %swap3A_865 = tpu.vector_load %arg8[%swap3A_862, %swap3A_863, %swap3A_864] {strides = array<i32>} : memref<50x4x128xf32, #tpu.memory_space<vmem>>, vector<1x1x16xf32>,
      %swap3A_866 = vector.shape_cast %swap3A_865 : vector<1x1x16xf32> to vector<16xf32>
      %swap3A_867 = vector.shape_cast %get3A_272 : vector<16xf32> to vector<1x1x16xf32>
      tpu.vector_store %arg8[%swap3A_862, %swap3A_863, %swap3A_864], %swap3A_867 {add = true, strides = array<i32>} : memref<50x4x128xf32, #tpu.memory_space<vmem>>, vector<1x1x16xf32>,
      %swap3A_868 = arith.constant 1 : i32
      %swap3A_869 = arith.index_cast %scan3A_762 : i32 to index
      %swap3A_870 = arith.index_cast %swap3A_868 : i32 to index
      %swap3A_871 = arith.constant 112 : index
      %swap3A_872 = tpu.vector_load %arg8[%swap3A_869, %swap3A_870, %swap3A_871] {strides = array<i32>} : memref<50x4x128xf32, #tpu.memory_space<vmem>>, vector<1x1x16xf32>,
      %swap3A_873 = vector.shape_cast %swap3A_872 : vector<1x1x16xf32> to vector<16xf32>
      %swap3A_874 = vector.shape_cast %get3A_276 : vector<16xf32> to vector<1x1x16xf32>
      tpu.vector_store %arg8[%swap3A_869, %swap3A_870, %swap3A_871], %swap3A_874 {add = true, strides = array<i32>} : memref<50x4x128xf32, #tpu.memory_space<vmem>>, vector<1x1x16xf32>,
      %swap3A_875 = arith.constant 2 : i32
      %swap3A_876 = arith.index_cast %scan3A_762 : i32 to index
      %swap3A_877 = arith.index_cast %swap3A_875 : i32 to index
      %swap3A_878 = arith.constant 0 : index
      %swap3A_879 = tpu.vector_load %arg8[%swap3A_876, %swap3A_877, %swap3A_878] {strides = array<i32>} : memref<50x4x128xf32, #tpu.memory_space<vmem>>, vector<1x1x16xf32>,
      %swap3A_880 = vector.shape_cast %swap3A_879 : vector<1x1x16xf32> to vector<16xf32>
      %swap3A_881 = vector.shape_cast %get3A_280 : vector<16xf32> to vector<1x1x16xf32>
      tpu.vector_store %arg8[%swap3A_876, %swap3A_877, %swap3A_878], %swap3A_881 {add = true, strides = array<i32>} : memref<50x4x128xf32, #tpu.memory_space<vmem>>, vector<1x1x16xf32>,
      %swap3A_882 = arith.constant 2 : i32
      %swap3A_883 = arith.index_cast %scan3A_762 : i32 to index
      %swap3A_884 = arith.index_cast %swap3A_882 : i32 to index
      %swap3A_885 = arith.constant 16 : index
      %swap3A_886 = tpu.vector_load %arg8[%swap3A_883, %swap3A_884, %swap3A_885] {strides = array<i32>} : memref<50x4x128xf32, #tpu.memory_space<vmem>>, vector<1x1x16xf32>,
      %swap3A_887 = vector.shape_cast %swap3A_886 : vector<1x1x16xf32> to vector<16xf32>
      %swap3A_888 = vector.shape_cast %get3A_284 : vector<16xf32> to vector<1x1x16xf32>
      tpu.vector_store %arg8[%swap3A_883, %swap3A_884, %swap3A_885], %swap3A_888 {add = true, strides = array<i32>} : memref<50x4x128xf32, #tpu.memory_space<vmem>>, vector<1x1x16xf32>,
      %swap3A_889 = arith.constant 2 : i32
      %swap3A_890 = arith.index_cast %scan3A_762 : i32 to index
      %swap3A_891 = arith.index_cast %swap3A_889 : i32 to index
      %swap3A_892 = arith.constant 32 : index
      %swap3A_893 = tpu.vector_load %arg8[%swap3A_890, %swap3A_891, %swap3A_892] {strides = array<i32>} : memref<50x4x128xf32, #tpu.memory_space<vmem>>, vector<1x1x16xf32>,
      %swap3A_894 = vector.shape_cast %swap3A_893 : vector<1x1x16xf32> to vector<16xf32>
      %swap3A_895 = vector.shape_cast %get3A_288 : vector<16xf32> to vector<1x1x16xf32>
      tpu.vector_store %arg8[%swap3A_890, %swap3A_891, %swap3A_892], %swap3A_895 {add = true, strides = array<i32>} : memref<50x4x128xf32, #tpu.memory_space<vmem>>, vector<1x1x16xf32>,
      %swap3A_896 = arith.constant 2 : i32
      %swap3A_897 = arith.index_cast %scan3A_762 : i32 to index
      %swap3A_898 = arith.index_cast %swap3A_896 : i32 to index
      %swap3A_899 = arith.constant 48 : index
      %swap3A_900 = tpu.vector_load %arg8[%swap3A_897, %swap3A_898, %swap3A_899] {strides = array<i32>} : memref<50x4x128xf32, #tpu.memory_space<vmem>>, vector<1x1x16xf32>,
      %swap3A_901 = vector.shape_cast %swap3A_900 : vector<1x1x16xf32> to vector<16xf32>
      %swap3A_902 = vector.shape_cast %get3A_292 : vector<16xf32> to vector<1x1x16xf32>
      tpu.vector_store %arg8[%swap3A_897, %swap3A_898, %swap3A_899], %swap3A_902 {add = true, strides = array<i32>} : memref<50x4x128xf32, #tpu.memory_space<vmem>>, vector<1x1x16xf32>,
      %swap3A_903 = arith.constant 2 : i32
      %swap3A_904 = arith.index_cast %scan3A_762 : i32 to index
      %swap3A_905 = arith.index_cast %swap3A_903 : i32 to index
      %swap3A_906 = arith.constant 64 : index
      %swap3A_907 = tpu.vector_load %arg8[%swap3A_904, %swap3A_905, %swap3A_906] {strides = array<i32>} : memref<50x4x128xf32, #tpu.memory_space<vmem>>, vector<1x1x16xf32>,
      %swap3A_908 = vector.shape_cast %swap3A_907 : vector<1x1x16xf32> to vector<16xf32>
      %swap3A_909 = vector.shape_cast %get3A_296 : vector<16xf32> to vector<1x1x16xf32>
      tpu.vector_store %arg8[%swap3A_904, %swap3A_905, %swap3A_906], %swap3A_909 {add = true, strides = array<i32>} : memref<50x4x128xf32, #tpu.memory_space<vmem>>, vector<1x1x16xf32>,
      %swap3A_910 = arith.constant 2 : i32
      %swap3A_911 = arith.index_cast %scan3A_762 : i32 to index
      %swap3A_912 = arith.index_cast %swap3A_910 : i32 to index
      %swap3A_913 = arith.constant 80 : index
      %swap3A_914 = tpu.vector_load %arg8[%swap3A_911, %swap3A_912, %swap3A_913] {strides = array<i32>} : memref<50x4x128xf32, #tpu.memory_space<vmem>>, vector<1x1x16xf32>,
      %swap3A_915 = vector.shape_cast %swap3A_914 : vector<1x1x16xf32> to vector<16xf32>
      %swap3A_916 = vector.shape_cast %get3A_300 : vector<16xf32> to vector<1x1x16xf32>
      tpu.vector_store %arg8[%swap3A_911, %swap3A_912, %swap3A_913], %swap3A_916 {add = true, strides = array<i32>} : memref<50x4x128xf32, #tpu.memory_space<vmem>>, vector<1x1x16xf32>,
      %swap3A_917 = arith.constant 2 : i32
      %swap3A_918 = arith.index_cast %scan3A_762 : i32 to index
      %swap3A_919 = arith.index_cast %swap3A_917 : i32 to index
      %swap3A_920 = arith.constant 96 : index
      %swap3A_921 = tpu.vector_load %arg8[%swap3A_918, %swap3A_919, %swap3A_920] {strides = array<i32>} : memref<50x4x128xf32, #tpu.memory_space<vmem>>, vector<1x1x16xf32>,
      %swap3A_922 = vector.shape_cast %swap3A_921 : vector<1x1x16xf32> to vector<16xf32>
      %swap3A_923 = vector.shape_cast %get3A_304 : vector<16xf32> to vector<1x1x16xf32>
      tpu.vector_store %arg8[%swap3A_918, %swap3A_919, %swap3A_920], %swap3A_923 {add = true, strides = array<i32>} : memref<50x4x128xf32, #tpu.memory_space<vmem>>, vector<1x1x16xf32>,
      %swap3A_924 = arith.constant 2 : i32
      %swap3A_925 = arith.index_cast %scan3A_762 : i32 to index
      %swap3A_926 = arith.index_cast %swap3A_924 : i32 to index
      %swap3A_927 = arith.constant 112 : index
      %swap3A_928 = tpu.vector_load %arg8[%swap3A_925, %swap3A_926, %swap3A_927] {strides = array<i32>} : memref<50x4x128xf32, #tpu.memory_space<vmem>>, vector<1x1x16xf32>,
      %swap3A_929 = vector.shape_cast %swap3A_928 : vector<1x1x16xf32> to vector<16xf32>
      %swap3A_930 = vector.shape_cast %get3A_308 : vector<16xf32> to vector<1x1x16xf32>
      tpu.vector_store %arg8[%swap3A_925, %swap3A_926, %swap3A_927], %swap3A_930 {add = true, strides = array<i32>} : memref<50x4x128xf32, #tpu.memory_space<vmem>>, vector<1x1x16xf32>,
      %swap3A_931 = arith.constant 3 : i32
      %swap3A_932 = arith.index_cast %scan3A_762 : i32 to index
      %swap3A_933 = arith.index_cast %swap3A_931 : i32 to index
      %swap3A_934 = arith.constant 0 : index
      %swap3A_935 = tpu.vector_load %arg8[%swap3A_932, %swap3A_933, %swap3A_934] {strides = array<i32>} : memref<50x4x128xf32, #tpu.memory_space<vmem>>, vector<1x1x16xf32>,
      %swap3A_936 = vector.shape_cast %swap3A_935 : vector<1x1x16xf32> to vector<16xf32>
      %swap3A_937 = vector.shape_cast %get3A_312 : vector<16xf32> to vector<1x1x16xf32>
      tpu.vector_store %arg8[%swap3A_932, %swap3A_933, %swap3A_934], %swap3A_937 {add = true, strides = array<i32>} : memref<50x4x128xf32, #tpu.memory_space<vmem>>, vector<1x1x16xf32>,
      %swap3A_938 = arith.constant 3 : i32
      %swap3A_939 = arith.index_cast %scan3A_762 : i32 to index
      %swap3A_940 = arith.index_cast %swap3A_938 : i32 to index
      %swap3A_941 = arith.constant 16 : index
      %swap3A_942 = tpu.vector_load %arg8[%swap3A_939, %swap3A_940, %swap3A_941] {strides = array<i32>} : memref<50x4x128xf32, #tpu.memory_space<vmem>>, vector<1x1x16xf32>,
      %swap3A_943 = vector.shape_cast %swap3A_942 : vector<1x1x16xf32> to vector<16xf32>
      %swap3A_944 = vector.shape_cast %get3A_316 : vector<16xf32> to vector<1x1x16xf32>
      tpu.vector_store %arg8[%swap3A_939, %swap3A_940, %swap3A_941], %swap3A_944 {add = true, strides = array<i32>} : memref<50x4x128xf32, #tpu.memory_space<vmem>>, vector<1x1x16xf32>,
      %swap3A_945 = arith.constant 3 : i32
      %swap3A_946 = arith.index_cast %scan3A_762 : i32 to index
      %swap3A_947 = arith.index_cast %swap3A_945 : i32 to index
      %swap3A_948 = arith.constant 32 : index
      %swap3A_949 = tpu.vector_load %arg8[%swap3A_946, %swap3A_947, %swap3A_948] {strides = array<i32>} : memref<50x4x128xf32, #tpu.memory_space<vmem>>, vector<1x1x16xf32>,
      %swap3A_950 = vector.shape_cast %swap3A_949 : vector<1x1x16xf32> to vector<16xf32>
      %swap3A_951 = vector.shape_cast %get3A_320 : vector<16xf32> to vector<1x1x16xf32>
      tpu.vector_store %arg8[%swap3A_946, %swap3A_947, %swap3A_948], %swap3A_951 {add = true, strides = array<i32>} : memref<50x4x128xf32, #tpu.memory_space<vmem>>, vector<1x1x16xf32>,
      %swap3A_952 = arith.constant 3 : i32
      %swap3A_953 = arith.index_cast %scan3A_762 : i32 to index
      %swap3A_954 = arith.index_cast %swap3A_952 : i32 to index
      %swap3A_955 = arith.constant 48 : index
      %swap3A_956 = tpu.vector_load %arg8[%swap3A_953, %swap3A_954, %swap3A_955] {strides = array<i32>} : memref<50x4x128xf32, #tpu.memory_space<vmem>>, vector<1x1x16xf32>,
      %swap3A_957 = vector.shape_cast %swap3A_956 : vector<1x1x16xf32> to vector<16xf32>
      %swap3A_958 = vector.shape_cast %get3A_324 : vector<16xf32> to vector<1x1x16xf32>
      tpu.vector_store %arg8[%swap3A_953, %swap3A_954, %swap3A_955], %swap3A_958 {add = true, strides = array<i32>} : memref<50x4x128xf32, #tpu.memory_space<vmem>>, vector<1x1x16xf32>,
      %swap3A_959 = arith.constant 3 : i32
      %swap3A_960 = arith.index_cast %scan3A_762 : i32 to index
      %swap3A_961 = arith.index_cast %swap3A_959 : i32 to index
      %swap3A_962 = arith.constant 64 : index
      %swap3A_963 = tpu.vector_load %arg8[%swap3A_960, %swap3A_961, %swap3A_962] {strides = array<i32>} : memref<50x4x128xf32, #tpu.memory_space<vmem>>, vector<1x1x16xf32>,
      %swap3A_964 = vector.shape_cast %swap3A_963 : vector<1x1x16xf32> to vector<16xf32>
      %swap3A_965 = vector.shape_cast %get3A_328 : vector<16xf32> to vector<1x1x16xf32>
      tpu.vector_store %arg8[%swap3A_960, %swap3A_961, %swap3A_962], %swap3A_965 {add = true, strides = array<i32>} : memref<50x4x128xf32, #tpu.memory_space<vmem>>, vector<1x1x16xf32>,
      %swap3A_966 = arith.constant 3 : i32
      %swap3A_967 = arith.index_cast %scan3A_762 : i32 to index
      %swap3A_968 = arith.index_cast %swap3A_966 : i32 to index
      %swap3A_969 = arith.constant 80 : index
      %swap3A_970 = tpu.vector_load %arg8[%swap3A_967, %swap3A_968, %swap3A_969] {strides = array<i32>} : memref<50x4x128xf32, #tpu.memory_space<vmem>>, vector<1x1x16xf32>,
      %swap3A_971 = vector.shape_cast %swap3A_970 : vector<1x1x16xf32> to vector<16xf32>
      %swap3A_972 = vector.shape_cast %get3A_332 : vector<16xf32> to vector<1x1x16xf32>
      tpu.vector_store %arg8[%swap3A_967, %swap3A_968, %swap3A_969], %swap3A_972 {add = true, strides = array<i32>} : memref<50x4x128xf32, #tpu.memory_space<vmem>>, vector<1x1x16xf32>,
      %swap3A_973 = arith.constant 3 : i32
      %swap3A_974 = arith.index_cast %scan3A_762 : i32 to index
      %swap3A_975 = arith.index_cast %swap3A_973 : i32 to index
      %swap3A_976 = arith.constant 96 : index
      %swap3A_977 = tpu.vector_load %arg8[%swap3A_974, %swap3A_975, %swap3A_976] {strides = array<i32>} : memref<50x4x128xf32, #tpu.memory_space<vmem>>, vector<1x1x16xf32>,
      %swap3A_978 = vector.shape_cast %swap3A_977 : vector<1x1x16xf32> to vector<16xf32>
      %swap3A_979 = vector.shape_cast %get3A_336 : vector<16xf32> to vector<1x1x16xf32>
      tpu.vector_store %arg8[%swap3A_974, %swap3A_975, %swap3A_976], %swap3A_979 {add = true, strides = array<i32>} : memref<50x4x128xf32, #tpu.memory_space<vmem>>, vector<1x1x16xf32>,
      %swap3A_980 = arith.constant 3 : i32
      %swap3A_981 = arith.index_cast %scan3A_762 : i32 to index
      %swap3A_982 = arith.index_cast %swap3A_980 : i32 to index
      %swap3A_983 = arith.constant 112 : index
      %swap3A_984 = tpu.vector_load %arg8[%swap3A_981, %swap3A_982, %swap3A_983] {strides = array<i32>} : memref<50x4x128xf32, #tpu.memory_space<vmem>>, vector<1x1x16xf32>,
      %swap3A_985 = vector.shape_cast %swap3A_984 : vector<1x1x16xf32> to vector<16xf32>
      %swap3A_986 = vector.shape_cast %get3A_340 : vector<16xf32> to vector<1x1x16xf32>
      tpu.vector_store %arg8[%swap3A_981, %swap3A_982, %swap3A_983], %swap3A_986 {add = true, strides = array<i32>} : memref<50x4x128xf32, #tpu.memory_space<vmem>>, vector<1x1x16xf32>,
    }
    %scan3A_346 = arith.constant 50 : i32
    %mul3A_347 = arith.constant 128 : i32
    %mul3A_348 = arith.muli %add3A, %mul3A_347 : i32
    %add3A_349 = arith.constant 126 : i32
    %add3A_350 = arith.addi %mul3A_348, %add3A_349 : i32
    %jit3A_351 = arith.constant 8 : i32
    %div3A_352 = arith.divsi %add3A_350, %jit3A_351 : i32
    %sign3A_353 = arith.constant 0 : i32
    %sign3A_354 = arith.cmpi sgt, %add3A_350, %sign3A_353 : i32
    %sign3A_355 = arith.extui %sign3A_354 : i1 to i32
    %sign3A_356 = arith.constant 0 : i32
    %sign3A_357 = arith.cmpi slt, %add3A_350, %sign3A_356 : i32
    %sign3A_358 = arith.extui %sign3A_357 : i1 to i32
    %sign3A_359 = arith.subi %sign3A_355, %sign3A_358 : i32
    %sign3A_360 = arith.constant 0 : i32
    %sign3A_361 = arith.cmpi sgt, %jit3A_351, %sign3A_360 : i32
    %sign3A_362 = arith.extui %sign3A_361 : i1 to i32
    %sign3A_363 = arith.constant 0 : i32
    %sign3A_364 = arith.cmpi slt, %jit3A_351, %sign3A_363 : i32
    %sign3A_365 = arith.extui %sign3A_364 : i1 to i32
    %sign3A_366 = arith.subi %sign3A_362, %sign3A_365 : i32
    %ne3A_367 = arith.cmpi ne, %sign3A_359, %sign3A_366 : i32
    %rem3A_368 = arith.remsi %add3A_350, %jit3A_351 : i32
    %ne3A_369 = arith.constant 0 : i32
    %ne3A_370 = arith.cmpi ne, %rem3A_368, %ne3A_369 : i32
    %and3A_371 = arith.andi %ne3A_367, %ne3A_370 : i1
    %sub3A_372 = arith.constant 1 : i32
    %sub3A_373 = arith.subi %div3A_352, %sub3A_372 : i32
    %select_n3A_374 = arith.select %and3A_371, %sub3A_373, %div3A_352 : i32
    %jit3A_375 = arith.constant 8 : i32
    %eq3A_376 = arith.constant 0 : i32
    %eq3A_377 = arith.cmpi eq, %jit3A_375, %eq3A_376 : i32
    %jit3A_378 = arith.constant 1 : i32
    %select_n3A_379 = arith.select %eq3A_377, %jit3A_378, %jit3A_375 : i32
    %rem3A_380 = arith.remsi %add3A_350, %select_n3A_379 : i32
    %ne3A_381 = arith.constant 0 : i32
    %ne3A_382 = arith.cmpi ne, %rem3A_380, %ne3A_381 : i32
    %lt3A_383 = arith.constant 0 : i32
    %lt3A_384 = arith.cmpi slt, %rem3A_380, %lt3A_383 : i32
    %lt3A_385 = arith.constant 0 : i32
    %lt3A_386 = arith.cmpi slt, %select_n3A_379, %lt3A_385 : i32
    %ne3A_387 = arith.xori %lt3A_384, %lt3A_386 : i1
    %and3A_388 = arith.andi %ne3A_387, %ne3A_382 : i1
    %add3A_389 = arith.addi %rem3A_380, %select_n3A_379 : i32
    %select_n3A_390 = arith.select %and3A_388, %add3A_389, %rem3A_380 : i32
    %dma_start3A_391 = arith.constant 0 : i32
    %dma_start3A_392 = arith.constant 0 : i32
    %dma_start3A_393 = arith.constant 0 : i32
    %dma_start3A_394 = tpu.memref_slice %arg7[%dma_start3A_391, %select_n3A_374, %dma_start3A_392, %select_n3A_390, %dma_start3A_393] : memref<50x512x4x8x128xf32, #tpu.memory_space<hbm>> -> memref<50x1x4x1x128xf32, #tpu.memory_space<hbm>>
    %dma_start3A_395 = tpu.memref_squeeze %dma_start3A_394 : memref<50x1x4x1x128xf32, #tpu.memory_space<hbm>> -> memref<50x4x128xf32, #tpu.memory_space<hbm>>
    %dma_start3A_396 = arith.constant 0 : i32
    %dma_start3A_397 = arith.constant 0 : i32
    %dma_start3A_398 = arith.constant 0 : i32
    %dma_start3A_399 = tpu.memref_slice %arg7[%dma_start3A_396, %select_n3A_374, %dma_start3A_397, %select_n3A_390, %dma_start3A_398] : memref<50x512x4x8x128xf32, #tpu.memory_space<hbm>> -> memref<50x1x4x1x128xf32, #tpu.memory_space<hbm>>
    %dma_start3A_400 = tpu.memref_squeeze %dma_start3A_399 : memref<50x1x4x1x128xf32, #tpu.memory_space<hbm>> -> memref<50x4x128xf32, #tpu.memory_space<hbm>>
    tpu.enqueue_dma source(%arg8 : memref<50x4x128xf32, #tpu.memory_space<vmem>>) target(%dma_start3A_400 : memref<50x4x128xf32, #tpu.memory_space<hbm>>) target_semaphore(%arg21 : memref<!tpu.dma_semaphore, #tpu.memory_space<semaphore_mem>>)
    %dma_wait3A_401 = arith.constant 0 : i32
    %dma_wait3A_402 = tpu.memref_slice %arg12[%dma_wait3A_401] : memref<64xi32, #tpu.memory_space<vmem>> -> memref<50xi32, #tpu.memory_space<vmem>>
    %dma_wait3A_403 = arith.constant 0 : i32
    %dma_wait3A_404 = arith.constant 0 : i32
    %dma_wait3A_405 = arith.constant 0 : i32
    %dma_wait3A_406 = tpu.memref_slice %arg17[%dma_wait3A_403, %dma_wait3A_404, %dma_wait3A_405] : memref<1104x4x128xf32, #tpu.memory_space<vmem_shared>> -> memref<1104x4x128xf32, #tpu.memory_space<vmem_shared>>
    tpu.wait_indirect_dma semaphore(%arg19 : memref<!tpu.dma_semaphore, #tpu.memory_space<semaphore_mem>>) src(%dma_wait3A_406 : memref<1104x4x128xf32, #tpu.memory_space<vmem_shared>>) dst(%arg9 : memref<50x4x128xf32, #tpu.memory_space<vmem>>)
    %get3A_407 = arith.constant 127 : index
    %get3A_408 = tpu.vector_load %arg15[%get3A_407] {strides = array<i32>} : memref<144xi32, #tpu.memory_space<vmem>>, vector<16xi32>,
    %get3A_409 = vector.shape_cast %get3A_408 : vector<16xi32> to vector<16xi32>
    %slice3A_410 = vector.extract_strided_slice %get3A_409 {offsets = [0], sizes = [1], strides = [1]} : vector<16xi32> to vector<1xi32>
    %squeeze3A_411 = vector.extract %slice3A_410[0] : i32 from vector<1xi32>
    %get3A_412 = arith.index_cast %squeeze3A_411 : i32 to index
    %get3A_413 = arith.constant 0 : index
    %get3A_414 = tpu.vector_load %arg16[%get3A_412, %get3A_413] {strides = array<i32>} : memref<10x512xf32, #tpu.memory_space<vmem>>, vector<1x16xf32>,
    %get3A_415 = vector.shape_cast %get3A_414 : vector<1x16xf32> to vector<16xf32>
    %get3A_416 = arith.index_cast %squeeze3A_411 : i32 to index
    %get3A_417 = arith.constant 16 : index
    %get3A_418 = tpu.vector_load %arg16[%get3A_416, %get3A_417] {strides = array<i32>} : memref<10x512xf32, #tpu.memory_space<vmem>>, vector<1x16xf32>,
    %get3A_419 = vector.shape_cast %get3A_418 : vector<1x16xf32> to vector<16xf32>
    %get3A_420 = arith.index_cast %squeeze3A_411 : i32 to index
    %get3A_421 = arith.constant 32 : index
    %get3A_422 = tpu.vector_load %arg16[%get3A_420, %get3A_421] {strides = array<i32>} : memref<10x512xf32, #tpu.memory_space<vmem>>, vector<1x16xf32>,
    %get3A_423 = vector.shape_cast %get3A_422 : vector<1x16xf32> to vector<16xf32>
    %get3A_424 = arith.index_cast %squeeze3A_411 : i32 to index
    %get3A_425 = arith.constant 48 : index
    %get3A_426 = tpu.vector_load %arg16[%get3A_424, %get3A_425] {strides = array<i32>} : memref<10x512xf32, #tpu.memory_space<vmem>>, vector<1x16xf32>,
    %get3A_427 = vector.shape_cast %get3A_426 : vector<1x16xf32> to vector<16xf32>
    %get3A_428 = arith.index_cast %squeeze3A_411 : i32 to index
    %get3A_429 = arith.constant 64 : index
    %get3A_430 = tpu.vector_load %arg16[%get3A_428, %get3A_429] {strides = array<i32>} : memref<10x512xf32, #tpu.memory_space<vmem>>, vector<1x16xf32>,
    %get3A_431 = vector.shape_cast %get3A_430 : vector<1x16xf32> to vector<16xf32>
    %get3A_432 = arith.index_cast %squeeze3A_411 : i32 to index
    %get3A_433 = arith.constant 80 : index
    %get3A_434 = tpu.vector_load %arg16[%get3A_432, %get3A_433] {strides = array<i32>} : memref<10x512xf32, #tpu.memory_space<vmem>>, vector<1x16xf32>,
    %get3A_435 = vector.shape_cast %get3A_434 : vector<1x16xf32> to vector<16xf32>
    %get3A_436 = arith.index_cast %squeeze3A_411 : i32 to index
    %get3A_437 = arith.constant 96 : index
    %get3A_438 = tpu.vector_load %arg16[%get3A_436, %get3A_437] {strides = array<i32>} : memref<10x512xf32, #tpu.memory_space<vmem>>, vector<1x16xf32>,
    %get3A_439 = vector.shape_cast %get3A_438 : vector<1x16xf32> to vector<16xf32>
    %get3A_440 = arith.index_cast %squeeze3A_411 : i32 to index
    %get3A_441 = arith.constant 112 : index
    %get3A_442 = tpu.vector_load %arg16[%get3A_440, %get3A_441] {strides = array<i32>} : memref<10x512xf32, #tpu.memory_space<vmem>>, vector<1x16xf32>,
    %get3A_443 = vector.shape_cast %get3A_442 : vector<1x16xf32> to vector<16xf32>
    %get3A_444 = arith.index_cast %squeeze3A_411 : i32 to index
    %get3A_445 = arith.constant 128 : index
    %get3A_446 = tpu.vector_load %arg16[%get3A_444, %get3A_445] {strides = array<i32>} : memref<10x512xf32, #tpu.memory_space<vmem>>, vector<1x16xf32>,
    %get3A_447 = vector.shape_cast %get3A_446 : vector<1x16xf32> to vector<16xf32>
    %get3A_448 = arith.index_cast %squeeze3A_411 : i32 to index
    %get3A_449 = arith.constant 144 : index
    %get3A_450 = tpu.vector_load %arg16[%get3A_448, %get3A_449] {strides = array<i32>} : memref<10x512xf32, #tpu.memory_space<vmem>>, vector<1x16xf32>,
    %get3A_451 = vector.shape_cast %get3A_450 : vector<1x16xf32> to vector<16xf32>
    %get3A_452 = arith.index_cast %squeeze3A_411 : i32 to index
    %get3A_453 = arith.constant 160 : index
    %get3A_454 = tpu.vector_load %arg16[%get3A_452, %get3A_453] {strides = array<i32>} : memref<10x512xf32, #tpu.memory_space<vmem>>, vector<1x16xf32>,
    %get3A_455 = vector.shape_cast %get3A_454 : vector<1x16xf32> to vector<16xf32>
    %get3A_456 = arith.index_cast %squeeze3A_411 : i32 to index
    %get3A_457 = arith.constant 176 : index
    %get3A_458 = tpu.vector_load %arg16[%get3A_456, %get3A_457] {strides = array<i32>} : memref<10x512xf32, #tpu.memory_space<vmem>>, vector<1x16xf32>,
    %get3A_459 = vector.shape_cast %get3A_458 : vector<1x16xf32> to vector<16xf32>
    %get3A_460 = arith.index_cast %squeeze3A_411 : i32 to index
    %get3A_461 = arith.constant 192 : index
    %get3A_462 = tpu.vector_load %arg16[%get3A_460, %get3A_461] {strides = array<i32>} : memref<10x512xf32, #tpu.memory_space<vmem>>, vector<1x16xf32>,
    %get3A_463 = vector.shape_cast %get3A_462 : vector<1x16xf32> to vector<16xf32>
    %get3A_464 = arith.index_cast %squeeze3A_411 : i32 to index
    %get3A_465 = arith.constant 208 : index
    %get3A_466 = tpu.vector_load %arg16[%get3A_464, %get3A_465] {strides = array<i32>} : memref<10x512xf32, #tpu.memory_space<vmem>>, vector<1x16xf32>,
    %get3A_467 = vector.shape_cast %get3A_466 : vector<1x16xf32> to vector<16xf32>
    %get3A_468 = arith.index_cast %squeeze3A_411 : i32 to index
    %get3A_469 = arith.constant 224 : index
    %get3A_470 = tpu.vector_load %arg16[%get3A_468, %get3A_469] {strides = array<i32>} : memref<10x512xf32, #tpu.memory_space<vmem>>, vector<1x16xf32>,
    %get3A_471 = vector.shape_cast %get3A_470 : vector<1x16xf32> to vector<16xf32>
    %get3A_472 = arith.index_cast %squeeze3A_411 : i32 to index
    %get3A_473 = arith.constant 240 : index
    %get3A_474 = tpu.vector_load %arg16[%get3A_472, %get3A_473] {strides = array<i32>} : memref<10x512xf32, #tpu.memory_space<vmem>>, vector<1x16xf32>,
    %get3A_475 = vector.shape_cast %get3A_474 : vector<1x16xf32> to vector<16xf32>
    %get3A_476 = arith.index_cast %squeeze3A_411 : i32 to index
    %get3A_477 = arith.constant 256 : index
    %get3A_478 = tpu.vector_load %arg16[%get3A_476, %get3A_477] {strides = array<i32>} : memref<10x512xf32, #tpu.memory_space<vmem>>, vector<1x16xf32>,
    %get3A_479 = vector.shape_cast %get3A_478 : vector<1x16xf32> to vector<16xf32>
    %get3A_480 = arith.index_cast %squeeze3A_411 : i32 to index
    %get3A_481 = arith.constant 272 : index
    %get3A_482 = tpu.vector_load %arg16[%get3A_480, %get3A_481] {strides = array<i32>} : memref<10x512xf32, #tpu.memory_space<vmem>>, vector<1x16xf32>,
    %get3A_483 = vector.shape_cast %get3A_482 : vector<1x16xf32> to vector<16xf32>
    %get3A_484 = arith.index_cast %squeeze3A_411 : i32 to index
    %get3A_485 = arith.constant 288 : index
    %get3A_486 = tpu.vector_load %arg16[%get3A_484, %get3A_485] {strides = array<i32>} : memref<10x512xf32, #tpu.memory_space<vmem>>, vector<1x16xf32>,
    %get3A_487 = vector.shape_cast %get3A_486 : vector<1x16xf32> to vector<16xf32>
    %get3A_488 = arith.index_cast %squeeze3A_411 : i32 to index
    %get3A_489 = arith.constant 304 : index
    %get3A_490 = tpu.vector_load %arg16[%get3A_488, %get3A_489] {strides = array<i32>} : memref<10x512xf32, #tpu.memory_space<vmem>>, vector<1x16xf32>,
    %get3A_491 = vector.shape_cast %get3A_490 : vector<1x16xf32> to vector<16xf32>
    %get3A_492 = arith.index_cast %squeeze3A_411 : i32 to index
    %get3A_493 = arith.constant 320 : index
    %get3A_494 = tpu.vector_load %arg16[%get3A_492, %get3A_493] {strides = array<i32>} : memref<10x512xf32, #tpu.memory_space<vmem>>, vector<1x16xf32>,
    %get3A_495 = vector.shape_cast %get3A_494 : vector<1x16xf32> to vector<16xf32>
    %get3A_496 = arith.index_cast %squeeze3A_411 : i32 to index
    %get3A_497 = arith.constant 336 : index
    %get3A_498 = tpu.vector_load %arg16[%get3A_496, %get3A_497] {strides = array<i32>} : memref<10x512xf32, #tpu.memory_space<vmem>>, vector<1x16xf32>,
    %get3A_499 = vector.shape_cast %get3A_498 : vector<1x16xf32> to vector<16xf32>
    %get3A_500 = arith.index_cast %squeeze3A_411 : i32 to index
    %get3A_501 = arith.constant 352 : index
    %get3A_502 = tpu.vector_load %arg16[%get3A_500, %get3A_501] {strides = array<i32>} : memref<10x512xf32, #tpu.memory_space<vmem>>, vector<1x16xf32>,
    %get3A_503 = vector.shape_cast %get3A_502 : vector<1x16xf32> to vector<16xf32>
    %get3A_504 = arith.index_cast %squeeze3A_411 : i32 to index
    %get3A_505 = arith.constant 368 : index
    %get3A_506 = tpu.vector_load %arg16[%get3A_504, %get3A_505] {strides = array<i32>} : memref<10x512xf32, #tpu.memory_space<vmem>>, vector<1x16xf32>,
    %get3A_507 = vector.shape_cast %get3A_506 : vector<1x16xf32> to vector<16xf32>
    %get3A_508 = arith.index_cast %squeeze3A_411 : i32 to index
    %get3A_509 = arith.constant 384 : index
    %get3A_510 = tpu.vector_load %arg16[%get3A_508, %get3A_509] {strides = array<i32>} : memref<10x512xf32, #tpu.memory_space<vmem>>, vector<1x16xf32>,
    %get3A_511 = vector.shape_cast %get3A_510 : vector<1x16xf32> to vector<16xf32>
    %get3A_512 = arith.index_cast %squeeze3A_411 : i32 to index
    %get3A_513 = arith.constant 400 : index
    %get3A_514 = tpu.vector_load %arg16[%get3A_512, %get3A_513] {strides = array<i32>} : memref<10x512xf32, #tpu.memory_space<vmem>>, vector<1x16xf32>,
    %get3A_515 = vector.shape_cast %get3A_514 : vector<1x16xf32> to vector<16xf32>
    %get3A_516 = arith.index_cast %squeeze3A_411 : i32 to index
    %get3A_517 = arith.constant 416 : index
    %get3A_518 = tpu.vector_load %arg16[%get3A_516, %get3A_517] {strides = array<i32>} : memref<10x512xf32, #tpu.memory_space<vmem>>, vector<1x16xf32>,
    %get3A_519 = vector.shape_cast %get3A_518 : vector<1x16xf32> to vector<16xf32>
    %get3A_520 = arith.index_cast %squeeze3A_411 : i32 to index
    %get3A_521 = arith.constant 432 : index
    %get3A_522 = tpu.vector_load %arg16[%get3A_520, %get3A_521] {strides = array<i32>} : memref<10x512xf32, #tpu.memory_space<vmem>>, vector<1x16xf32>,
    %get3A_523 = vector.shape_cast %get3A_522 : vector<1x16xf32> to vector<16xf32>
    %get3A_524 = arith.index_cast %squeeze3A_411 : i32 to index
    %get3A_525 = arith.constant 448 : index
    %get3A_526 = tpu.vector_load %arg16[%get3A_524, %get3A_525] {strides = array<i32>} : memref<10x512xf32, #tpu.memory_space<vmem>>, vector<1x16xf32>,
    %get3A_527 = vector.shape_cast %get3A_526 : vector<1x16xf32> to vector<16xf32>
    %get3A_528 = arith.index_cast %squeeze3A_411 : i32 to index
    %get3A_529 = arith.constant 464 : index
    %get3A_530 = tpu.vector_load %arg16[%get3A_528, %get3A_529] {strides = array<i32>} : memref<10x512xf32, #tpu.memory_space<vmem>>, vector<1x16xf32>,
    %get3A_531 = vector.shape_cast %get3A_530 : vector<1x16xf32> to vector<16xf32>
    %get3A_532 = arith.index_cast %squeeze3A_411 : i32 to index
    %get3A_533 = arith.constant 480 : index
    %get3A_534 = tpu.vector_load %arg16[%get3A_532, %get3A_533] {strides = array<i32>} : memref<10x512xf32, #tpu.memory_space<vmem>>, vector<1x16xf32>,
    %get3A_535 = vector.shape_cast %get3A_534 : vector<1x16xf32> to vector<16xf32>
    %get3A_536 = arith.index_cast %squeeze3A_411 : i32 to index
    %get3A_537 = arith.constant 496 : index
    %get3A_538 = tpu.vector_load %arg16[%get3A_536, %get3A_537] {strides = array<i32>} : memref<10x512xf32, #tpu.memory_space<vmem>>, vector<1x16xf32>,
    %get3A_539 = vector.shape_cast %get3A_538 : vector<1x16xf32> to vector<16xf32>
    %scan3A_540 = arith.constant 0 : i32
    %scan3A_541 = arith.constant 0 : i32
    %scan3A_542 = arith.constant 50 : i32
    %scan3A_543 = arith.addi %scan3A_541, %scan3A_542 : i32
    %scan3A_544 = arith.constant 1 : i32
    scf.for %scan3A_762 = %scan3A_541 to %scan3A_543 step %scan3A_544  : i32 {
      %swap3A_763 = arith.constant 0 : i32
      %swap3A_764 = arith.index_cast %scan3A_762 : i32 to index
      %swap3A_765 = arith.index_cast %swap3A_763 : i32 to index
      %swap3A_766 = arith.constant 0 : index
      %swap3A_767 = tpu.vector_load %arg9[%swap3A_764, %swap3A_765, %swap3A_766] {strides = array<i32>} : memref<50x4x128xf32, #tpu.memory_space<vmem>>, vector<1x1x16xf32>,
      %swap3A_768 = vector.shape_cast %swap3A_767 : vector<1x1x16xf32> to vector<16xf32>
      %swap3A_769 = vector.shape_cast %get3A_415 : vector<16xf32> to vector<1x1x16xf32>
      tpu.vector_store %arg9[%swap3A_764, %swap3A_765, %swap3A_766], %swap3A_769 {add = true, strides = array<i32>} : memref<50x4x128xf32, #tpu.memory_space<vmem>>, vector<1x1x16xf32>,
      %swap3A_770 = arith.constant 0 : i32
      %swap3A_771 = arith.index_cast %scan3A_762 : i32 to index
      %swap3A_772 = arith.index_cast %swap3A_770 : i32 to index
      %swap3A_773 = arith.constant 16 : index
      %swap3A_774 = tpu.vector_load %arg9[%swap3A_771, %swap3A_772, %swap3A_773] {strides = array<i32>} : memref<50x4x128xf32, #tpu.memory_space<vmem>>, vector<1x1x16xf32>,
      %swap3A_775 = vector.shape_cast %swap3A_774 : vector<1x1x16xf32> to vector<16xf32>
      %swap3A_776 = vector.shape_cast %get3A_419 : vector<16xf32> to vector<1x1x16xf32>
      tpu.vector_store %arg9[%swap3A_771, %swap3A_772, %swap3A_773], %swap3A_776 {add = true, strides = array<i32>} : memref<50x4x128xf32, #tpu.memory_space<vmem>>, vector<1x1x16xf32>,
      %swap3A_777 = arith.constant 0 : i32
      %swap3A_778 = arith.index_cast %scan3A_762 : i32 to index
      %swap3A_779 = arith.index_cast %swap3A_777 : i32 to index
      %swap3A_780 = arith.constant 32 : index
      %swap3A_781 = tpu.vector_load %arg9[%swap3A_778, %swap3A_779, %swap3A_780] {strides = array<i32>} : memref<50x4x128xf32, #tpu.memory_space<vmem>>, vector<1x1x16xf32>,
      %swap3A_782 = vector.shape_cast %swap3A_781 : vector<1x1x16xf32> to vector<16xf32>
      %swap3A_783 = vector.shape_cast %get3A_423 : vector<16xf32> to vector<1x1x16xf32>
      tpu.vector_store %arg9[%swap3A_778, %swap3A_779, %swap3A_780], %swap3A_783 {add = true, strides = array<i32>} : memref<50x4x128xf32, #tpu.memory_space<vmem>>, vector<1x1x16xf32>,
      %swap3A_784 = arith.constant 0 : i32
      %swap3A_785 = arith.index_cast %scan3A_762 : i32 to index
      %swap3A_786 = arith.index_cast %swap3A_784 : i32 to index
      %swap3A_787 = arith.constant 48 : index
      %swap3A_788 = tpu.vector_load %arg9[%swap3A_785, %swap3A_786, %swap3A_787] {strides = array<i32>} : memref<50x4x128xf32, #tpu.memory_space<vmem>>, vector<1x1x16xf32>,
      %swap3A_789 = vector.shape_cast %swap3A_788 : vector<1x1x16xf32> to vector<16xf32>
      %swap3A_790 = vector.shape_cast %get3A_427 : vector<16xf32> to vector<1x1x16xf32>
      tpu.vector_store %arg9[%swap3A_785, %swap3A_786, %swap3A_787], %swap3A_790 {add = true, strides = array<i32>} : memref<50x4x128xf32, #tpu.memory_space<vmem>>, vector<1x1x16xf32>,
      %swap3A_791 = arith.constant 0 : i32
      %swap3A_792 = arith.index_cast %scan3A_762 : i32 to index
      %swap3A_793 = arith.index_cast %swap3A_791 : i32 to index
      %swap3A_794 = arith.constant 64 : index
      %swap3A_795 = tpu.vector_load %arg9[%swap3A_792, %swap3A_793, %swap3A_794] {strides = array<i32>} : memref<50x4x128xf32, #tpu.memory_space<vmem>>, vector<1x1x16xf32>,
      %swap3A_796 = vector.shape_cast %swap3A_795 : vector<1x1x16xf32> to vector<16xf32>
      %swap3A_797 = vector.shape_cast %get3A_431 : vector<16xf32> to vector<1x1x16xf32>
      tpu.vector_store %arg9[%swap3A_792, %swap3A_793, %swap3A_794], %swap3A_797 {add = true, strides = array<i32>} : memref<50x4x128xf32, #tpu.memory_space<vmem>>, vector<1x1x16xf32>,
      %swap3A_798 = arith.constant 0 : i32
      %swap3A_799 = arith.index_cast %scan3A_762 : i32 to index
      %swap3A_800 = arith.index_cast %swap3A_798 : i32 to index
      %swap3A_801 = arith.constant 80 : index
      %swap3A_802 = tpu.vector_load %arg9[%swap3A_799, %swap3A_800, %swap3A_801] {strides = array<i32>} : memref<50x4x128xf32, #tpu.memory_space<vmem>>, vector<1x1x16xf32>,
      %swap3A_803 = vector.shape_cast %swap3A_802 : vector<1x1x16xf32> to vector<16xf32>
      %swap3A_804 = vector.shape_cast %get3A_435 : vector<16xf32> to vector<1x1x16xf32>
      tpu.vector_store %arg9[%swap3A_799, %swap3A_800, %swap3A_801], %swap3A_804 {add = true, strides = array<i32>} : memref<50x4x128xf32, #tpu.memory_space<vmem>>, vector<1x1x16xf32>,
      %swap3A_805 = arith.constant 0 : i32
      %swap3A_806 = arith.index_cast %scan3A_762 : i32 to index
      %swap3A_807 = arith.index_cast %swap3A_805 : i32 to index
      %swap3A_808 = arith.constant 96 : index
      %swap3A_809 = tpu.vector_load %arg9[%swap3A_806, %swap3A_807, %swap3A_808] {strides = array<i32>} : memref<50x4x128xf32, #tpu.memory_space<vmem>>, vector<1x1x16xf32>,
      %swap3A_810 = vector.shape_cast %swap3A_809 : vector<1x1x16xf32> to vector<16xf32>
      %swap3A_811 = vector.shape_cast %get3A_439 : vector<16xf32> to vector<1x1x16xf32>
      tpu.vector_store %arg9[%swap3A_806, %swap3A_807, %swap3A_808], %swap3A_811 {add = true, strides = array<i32>} : memref<50x4x128xf32, #tpu.memory_space<vmem>>, vector<1x1x16xf32>,
      %swap3A_812 = arith.constant 0 : i32
      %swap3A_813 = arith.index_cast %scan3A_762 : i32 to index
      %swap3A_814 = arith.index_cast %swap3A_812 : i32 to index
      %swap3A_815 = arith.constant 112 : index
      %swap3A_816 = tpu.vector_load %arg9[%swap3A_813, %swap3A_814, %swap3A_815] {strides = array<i32>} : memref<50x4x128xf32, #tpu.memory_space<vmem>>, vector<1x1x16xf32>,
      %swap3A_817 = vector.shape_cast %swap3A_816 : vector<1x1x16xf32> to vector<16xf32>
      %swap3A_818 = vector.shape_cast %get3A_443 : vector<16xf32> to vector<1x1x16xf32>
      tpu.vector_store %arg9[%swap3A_813, %swap3A_814, %swap3A_815], %swap3A_818 {add = true, strides = array<i32>} : memref<50x4x128xf32, #tpu.memory_space<vmem>>, vector<1x1x16xf32>,
      %swap3A_819 = arith.constant 1 : i32
      %swap3A_820 = arith.index_cast %scan3A_762 : i32 to index
      %swap3A_821 = arith.index_cast %swap3A_819 : i32 to index
      %swap3A_822 = arith.constant 0 : index
      %swap3A_823 = tpu.vector_load %arg9[%swap3A_820, %swap3A_821, %swap3A_822] {strides = array<i32>} : memref<50x4x128xf32, #tpu.memory_space<vmem>>, vector<1x1x16xf32>,
      %swap3A_824 = vector.shape_cast %swap3A_823 : vector<1x1x16xf32> to vector<16xf32>
      %swap3A_825 = vector.shape_cast %get3A_447 : vector<16xf32> to vector<1x1x16xf32>
      tpu.vector_store %arg9[%swap3A_820, %swap3A_821, %swap3A_822], %swap3A_825 {add = true, strides = array<i32>} : memref<50x4x128xf32, #tpu.memory_space<vmem>>, vector<1x1x16xf32>,
      %swap3A_826 = arith.constant 1 : i32
      %swap3A_827 = arith.index_cast %scan3A_762 : i32 to index
      %swap3A_828 = arith.index_cast %swap3A_826 : i32 to index
      %swap3A_829 = arith.constant 16 : index
      %swap3A_830 = tpu.vector_load %arg9[%swap3A_827, %swap3A_828, %swap3A_829] {strides = array<i32>} : memref<50x4x128xf32, #tpu.memory_space<vmem>>, vector<1x1x16xf32>,
      %swap3A_831 = vector.shape_cast %swap3A_830 : vector<1x1x16xf32> to vector<16xf32>
      %swap3A_832 = vector.shape_cast %get3A_451 : vector<16xf32> to vector<1x1x16xf32>
      tpu.vector_store %arg9[%swap3A_827, %swap3A_828, %swap3A_829], %swap3A_832 {add = true, strides = array<i32>} : memref<50x4x128xf32, #tpu.memory_space<vmem>>, vector<1x1x16xf32>,
      %swap3A_833 = arith.constant 1 : i32
      %swap3A_834 = arith.index_cast %scan3A_762 : i32 to index
      %swap3A_835 = arith.index_cast %swap3A_833 : i32 to index
      %swap3A_836 = arith.constant 32 : index
      %swap3A_837 = tpu.vector_load %arg9[%swap3A_834, %swap3A_835, %swap3A_836] {strides = array<i32>} : memref<50x4x128xf32, #tpu.memory_space<vmem>>, vector<1x1x16xf32>,
      %swap3A_838 = vector.shape_cast %swap3A_837 : vector<1x1x16xf32> to vector<16xf32>
      %swap3A_839 = vector.shape_cast %get3A_455 : vector<16xf32> to vector<1x1x16xf32>
      tpu.vector_store %arg9[%swap3A_834, %swap3A_835, %swap3A_836], %swap3A_839 {add = true, strides = array<i32>} : memref<50x4x128xf32, #tpu.memory_space<vmem>>, vector<1x1x16xf32>,
      %swap3A_840 = arith.constant 1 : i32
      %swap3A_841 = arith.index_cast %scan3A_762 : i32 to index
      %swap3A_842 = arith.index_cast %swap3A_840 : i32 to index
      %swap3A_843 = arith.constant 48 : index
      %swap3A_844 = tpu.vector_load %arg9[%swap3A_841, %swap3A_842, %swap3A_843] {strides = array<i32>} : memref<50x4x128xf32, #tpu.memory_space<vmem>>, vector<1x1x16xf32>,
      %swap3A_845 = vector.shape_cast %swap3A_844 : vector<1x1x16xf32> to vector<16xf32>
      %swap3A_846 = vector.shape_cast %get3A_459 : vector<16xf32> to vector<1x1x16xf32>
      tpu.vector_store %arg9[%swap3A_841, %swap3A_842, %swap3A_843], %swap3A_846 {add = true, strides = array<i32>} : memref<50x4x128xf32, #tpu.memory_space<vmem>>, vector<1x1x16xf32>,
      %swap3A_847 = arith.constant 1 : i32
      %swap3A_848 = arith.index_cast %scan3A_762 : i32 to index
      %swap3A_849 = arith.index_cast %swap3A_847 : i32 to index
      %swap3A_850 = arith.constant 64 : index
      %swap3A_851 = tpu.vector_load %arg9[%swap3A_848, %swap3A_849, %swap3A_850] {strides = array<i32>} : memref<50x4x128xf32, #tpu.memory_space<vmem>>, vector<1x1x16xf32>,
      %swap3A_852 = vector.shape_cast %swap3A_851 : vector<1x1x16xf32> to vector<16xf32>
      %swap3A_853 = vector.shape_cast %get3A_463 : vector<16xf32> to vector<1x1x16xf32>
      tpu.vector_store %arg9[%swap3A_848, %swap3A_849, %swap3A_850], %swap3A_853 {add = true, strides = array<i32>} : memref<50x4x128xf32, #tpu.memory_space<vmem>>, vector<1x1x16xf32>,
      %swap3A_854 = arith.constant 1 : i32
      %swap3A_855 = arith.index_cast %scan3A_762 : i32 to index
      %swap3A_856 = arith.index_cast %swap3A_854 : i32 to index
      %swap3A_857 = arith.constant 80 : index
      %swap3A_858 = tpu.vector_load %arg9[%swap3A_855, %swap3A_856, %swap3A_857] {strides = array<i32>} : memref<50x4x128xf32, #tpu.memory_space<vmem>>, vector<1x1x16xf32>,
      %swap3A_859 = vector.shape_cast %swap3A_858 : vector<1x1x16xf32> to vector<16xf32>
      %swap3A_860 = vector.shape_cast %get3A_467 : vector<16xf32> to vector<1x1x16xf32>
      tpu.vector_store %arg9[%swap3A_855, %swap3A_856, %swap3A_857], %swap3A_860 {add = true, strides = array<i32>} : memref<50x4x128xf32, #tpu.memory_space<vmem>>, vector<1x1x16xf32>,
      %swap3A_861 = arith.constant 1 : i32
      %swap3A_862 = arith.index_cast %scan3A_762 : i32 to index
      %swap3A_863 = arith.index_cast %swap3A_861 : i32 to index
      %swap3A_864 = arith.constant 96 : index
      %swap3A_865 = tpu.vector_load %arg9[%swap3A_862, %swap3A_863, %swap3A_864] {strides = array<i32>} : memref<50x4x128xf32, #tpu.memory_space<vmem>>, vector<1x1x16xf32>,
      %swap3A_866 = vector.shape_cast %swap3A_865 : vector<1x1x16xf32> to vector<16xf32>
      %swap3A_867 = vector.shape_cast %get3A_471 : vector<16xf32> to vector<1x1x16xf32>
      tpu.vector_store %arg9[%swap3A_862, %swap3A_863, %swap3A_864], %swap3A_867 {add = true, strides = array<i32>} : memref<50x4x128xf32, #tpu.memory_space<vmem>>, vector<1x1x16xf32>,
      %swap3A_868 = arith.constant 1 : i32
      %swap3A_869 = arith.index_cast %scan3A_762 : i32 to index
      %swap3A_870 = arith.index_cast %swap3A_868 : i32 to index
      %swap3A_871 = arith.constant 112 : index
      %swap3A_872 = tpu.vector_load %arg9[%swap3A_869, %swap3A_870, %swap3A_871] {strides = array<i32>} : memref<50x4x128xf32, #tpu.memory_space<vmem>>, vector<1x1x16xf32>,
      %swap3A_873 = vector.shape_cast %swap3A_872 : vector<1x1x16xf32> to vector<16xf32>
      %swap3A_874 = vector.shape_cast %get3A_475 : vector<16xf32> to vector<1x1x16xf32>
      tpu.vector_store %arg9[%swap3A_869, %swap3A_870, %swap3A_871], %swap3A_874 {add = true, strides = array<i32>} : memref<50x4x128xf32, #tpu.memory_space<vmem>>, vector<1x1x16xf32>,
      %swap3A_875 = arith.constant 2 : i32
      %swap3A_876 = arith.index_cast %scan3A_762 : i32 to index
      %swap3A_877 = arith.index_cast %swap3A_875 : i32 to index
      %swap3A_878 = arith.constant 0 : index
      %swap3A_879 = tpu.vector_load %arg9[%swap3A_876, %swap3A_877, %swap3A_878] {strides = array<i32>} : memref<50x4x128xf32, #tpu.memory_space<vmem>>, vector<1x1x16xf32>,
      %swap3A_880 = vector.shape_cast %swap3A_879 : vector<1x1x16xf32> to vector<16xf32>
      %swap3A_881 = vector.shape_cast %get3A_479 : vector<16xf32> to vector<1x1x16xf32>
      tpu.vector_store %arg9[%swap3A_876, %swap3A_877, %swap3A_878], %swap3A_881 {add = true, strides = array<i32>} : memref<50x4x128xf32, #tpu.memory_space<vmem>>, vector<1x1x16xf32>,
      %swap3A_882 = arith.constant 2 : i32
      %swap3A_883 = arith.index_cast %scan3A_762 : i32 to index
      %swap3A_884 = arith.index_cast %swap3A_882 : i32 to index
      %swap3A_885 = arith.constant 16 : index
      %swap3A_886 = tpu.vector_load %arg9[%swap3A_883, %swap3A_884, %swap3A_885] {strides = array<i32>} : memref<50x4x128xf32, #tpu.memory_space<vmem>>, vector<1x1x16xf32>,
      %swap3A_887 = vector.shape_cast %swap3A_886 : vector<1x1x16xf32> to vector<16xf32>
      %swap3A_888 = vector.shape_cast %get3A_483 : vector<16xf32> to vector<1x1x16xf32>
      tpu.vector_store %arg9[%swap3A_883, %swap3A_884, %swap3A_885], %swap3A_888 {add = true, strides = array<i32>} : memref<50x4x128xf32, #tpu.memory_space<vmem>>, vector<1x1x16xf32>,
      %swap3A_889 = arith.constant 2 : i32
      %swap3A_890 = arith.index_cast %scan3A_762 : i32 to index
      %swap3A_891 = arith.index_cast %swap3A_889 : i32 to index
      %swap3A_892 = arith.constant 32 : index
      %swap3A_893 = tpu.vector_load %arg9[%swap3A_890, %swap3A_891, %swap3A_892] {strides = array<i32>} : memref<50x4x128xf32, #tpu.memory_space<vmem>>, vector<1x1x16xf32>,
      %swap3A_894 = vector.shape_cast %swap3A_893 : vector<1x1x16xf32> to vector<16xf32>
      %swap3A_895 = vector.shape_cast %get3A_487 : vector<16xf32> to vector<1x1x16xf32>
      tpu.vector_store %arg9[%swap3A_890, %swap3A_891, %swap3A_892], %swap3A_895 {add = true, strides = array<i32>} : memref<50x4x128xf32, #tpu.memory_space<vmem>>, vector<1x1x16xf32>,
      %swap3A_896 = arith.constant 2 : i32
      %swap3A_897 = arith.index_cast %scan3A_762 : i32 to index
      %swap3A_898 = arith.index_cast %swap3A_896 : i32 to index
      %swap3A_899 = arith.constant 48 : index
      %swap3A_900 = tpu.vector_load %arg9[%swap3A_897, %swap3A_898, %swap3A_899] {strides = array<i32>} : memref<50x4x128xf32, #tpu.memory_space<vmem>>, vector<1x1x16xf32>,
      %swap3A_901 = vector.shape_cast %swap3A_900 : vector<1x1x16xf32> to vector<16xf32>
      %swap3A_902 = vector.shape_cast %get3A_491 : vector<16xf32> to vector<1x1x16xf32>
      tpu.vector_store %arg9[%swap3A_897, %swap3A_898, %swap3A_899], %swap3A_902 {add = true, strides = array<i32>} : memref<50x4x128xf32, #tpu.memory_space<vmem>>, vector<1x1x16xf32>,
      %swap3A_903 = arith.constant 2 : i32
      %swap3A_904 = arith.index_cast %scan3A_762 : i32 to index
      %swap3A_905 = arith.index_cast %swap3A_903 : i32 to index
      %swap3A_906 = arith.constant 64 : index
      %swap3A_907 = tpu.vector_load %arg9[%swap3A_904, %swap3A_905, %swap3A_906] {strides = array<i32>} : memref<50x4x128xf32, #tpu.memory_space<vmem>>, vector<1x1x16xf32>,
      %swap3A_908 = vector.shape_cast %swap3A_907 : vector<1x1x16xf32> to vector<16xf32>
      %swap3A_909 = vector.shape_cast %get3A_495 : vector<16xf32> to vector<1x1x16xf32>
      tpu.vector_store %arg9[%swap3A_904, %swap3A_905, %swap3A_906], %swap3A_909 {add = true, strides = array<i32>} : memref<50x4x128xf32, #tpu.memory_space<vmem>>, vector<1x1x16xf32>,
      %swap3A_910 = arith.constant 2 : i32
      %swap3A_911 = arith.index_cast %scan3A_762 : i32 to index
      %swap3A_912 = arith.index_cast %swap3A_910 : i32 to index
      %swap3A_913 = arith.constant 80 : index
      %swap3A_914 = tpu.vector_load %arg9[%swap3A_911, %swap3A_912, %swap3A_913] {strides = array<i32>} : memref<50x4x128xf32, #tpu.memory_space<vmem>>, vector<1x1x16xf32>,
      %swap3A_915 = vector.shape_cast %swap3A_914 : vector<1x1x16xf32> to vector<16xf32>
      %swap3A_916 = vector.shape_cast %get3A_499 : vector<16xf32> to vector<1x1x16xf32>
      tpu.vector_store %arg9[%swap3A_911, %swap3A_912, %swap3A_913], %swap3A_916 {add = true, strides = array<i32>} : memref<50x4x128xf32, #tpu.memory_space<vmem>>, vector<1x1x16xf32>,
      %swap3A_917 = arith.constant 2 : i32
      %swap3A_918 = arith.index_cast %scan3A_762 : i32 to index
      %swap3A_919 = arith.index_cast %swap3A_917 : i32 to index
      %swap3A_920 = arith.constant 96 : index
      %swap3A_921 = tpu.vector_load %arg9[%swap3A_918, %swap3A_919, %swap3A_920] {strides = array<i32>} : memref<50x4x128xf32, #tpu.memory_space<vmem>>, vector<1x1x16xf32>,
      %swap3A_922 = vector.shape_cast %swap3A_921 : vector<1x1x16xf32> to vector<16xf32>
      %swap3A_923 = vector.shape_cast %get3A_503 : vector<16xf32> to vector<1x1x16xf32>
      tpu.vector_store %arg9[%swap3A_918, %swap3A_919, %swap3A_920], %swap3A_923 {add = true, strides = array<i32>} : memref<50x4x128xf32, #tpu.memory_space<vmem>>, vector<1x1x16xf32>,
      %swap3A_924 = arith.constant 2 : i32
      %swap3A_925 = arith.index_cast %scan3A_762 : i32 to index
      %swap3A_926 = arith.index_cast %swap3A_924 : i32 to index
      %swap3A_927 = arith.constant 112 : index
      %swap3A_928 = tpu.vector_load %arg9[%swap3A_925, %swap3A_926, %swap3A_927] {strides = array<i32>} : memref<50x4x128xf32, #tpu.memory_space<vmem>>, vector<1x1x16xf32>,
      %swap3A_929 = vector.shape_cast %swap3A_928 : vector<1x1x16xf32> to vector<16xf32>
      %swap3A_930 = vector.shape_cast %get3A_507 : vector<16xf32> to vector<1x1x16xf32>
      tpu.vector_store %arg9[%swap3A_925, %swap3A_926, %swap3A_927], %swap3A_930 {add = true, strides = array<i32>} : memref<50x4x128xf32, #tpu.memory_space<vmem>>, vector<1x1x16xf32>,
      %swap3A_931 = arith.constant 3 : i32
      %swap3A_932 = arith.index_cast %scan3A_762 : i32 to index
      %swap3A_933 = arith.index_cast %swap3A_931 : i32 to index
      %swap3A_934 = arith.constant 0 : index
      %swap3A_935 = tpu.vector_load %arg9[%swap3A_932, %swap3A_933, %swap3A_934] {strides = array<i32>} : memref<50x4x128xf32, #tpu.memory_space<vmem>>, vector<1x1x16xf32>,
      %swap3A_936 = vector.shape_cast %swap3A_935 : vector<1x1x16xf32> to vector<16xf32>
      %swap3A_937 = vector.shape_cast %get3A_511 : vector<16xf32> to vector<1x1x16xf32>
      tpu.vector_store %arg9[%swap3A_932, %swap3A_933, %swap3A_934], %swap3A_937 {add = true, strides = array<i32>} : memref<50x4x128xf32, #tpu.memory_space<vmem>>, vector<1x1x16xf32>,
      %swap3A_938 = arith.constant 3 : i32
      %swap3A_939 = arith.index_cast %scan3A_762 : i32 to index
      %swap3A_940 = arith.index_cast %swap3A_938 : i32 to index
      %swap3A_941 = arith.constant 16 : index
      %swap3A_942 = tpu.vector_load %arg9[%swap3A_939, %swap3A_940, %swap3A_941] {strides = array<i32>} : memref<50x4x128xf32, #tpu.memory_space<vmem>>, vector<1x1x16xf32>,
      %swap3A_943 = vector.shape_cast %swap3A_942 : vector<1x1x16xf32> to vector<16xf32>
      %swap3A_944 = vector.shape_cast %get3A_515 : vector<16xf32> to vector<1x1x16xf32>
      tpu.vector_store %arg9[%swap3A_939, %swap3A_940, %swap3A_941], %swap3A_944 {add = true, strides = array<i32>} : memref<50x4x128xf32, #tpu.memory_space<vmem>>, vector<1x1x16xf32>,
      %swap3A_945 = arith.constant 3 : i32
      %swap3A_946 = arith.index_cast %scan3A_762 : i32 to index
      %swap3A_947 = arith.index_cast %swap3A_945 : i32 to index
      %swap3A_948 = arith.constant 32 : index
      %swap3A_949 = tpu.vector_load %arg9[%swap3A_946, %swap3A_947, %swap3A_948] {strides = array<i32>} : memref<50x4x128xf32, #tpu.memory_space<vmem>>, vector<1x1x16xf32>,
      %swap3A_950 = vector.shape_cast %swap3A_949 : vector<1x1x16xf32> to vector<16xf32>
      %swap3A_951 = vector.shape_cast %get3A_519 : vector<16xf32> to vector<1x1x16xf32>
      tpu.vector_store %arg9[%swap3A_946, %swap3A_947, %swap3A_948], %swap3A_951 {add = true, strides = array<i32>} : memref<50x4x128xf32, #tpu.memory_space<vmem>>, vector<1x1x16xf32>,
      %swap3A_952 = arith.constant 3 : i32
      %swap3A_953 = arith.index_cast %scan3A_762 : i32 to index
      %swap3A_954 = arith.index_cast %swap3A_952 : i32 to index
      %swap3A_955 = arith.constant 48 : index
      %swap3A_956 = tpu.vector_load %arg9[%swap3A_953, %swap3A_954, %swap3A_955] {strides = array<i32>} : memref<50x4x128xf32, #tpu.memory_space<vmem>>, vector<1x1x16xf32>,
      %swap3A_957 = vector.shape_cast %swap3A_956 : vector<1x1x16xf32> to vector<16xf32>
      %swap3A_958 = vector.shape_cast %get3A_523 : vector<16xf32> to vector<1x1x16xf32>
      tpu.vector_store %arg9[%swap3A_953, %swap3A_954, %swap3A_955], %swap3A_958 {add = true, strides = array<i32>} : memref<50x4x128xf32, #tpu.memory_space<vmem>>, vector<1x1x16xf32>,
      %swap3A_959 = arith.constant 3 : i32
      %swap3A_960 = arith.index_cast %scan3A_762 : i32 to index
      %swap3A_961 = arith.index_cast %swap3A_959 : i32 to index
      %swap3A_962 = arith.constant 64 : index
      %swap3A_963 = tpu.vector_load %arg9[%swap3A_960, %swap3A_961, %swap3A_962] {strides = array<i32>} : memref<50x4x128xf32, #tpu.memory_space<vmem>>, vector<1x1x16xf32>,
      %swap3A_964 = vector.shape_cast %swap3A_963 : vector<1x1x16xf32> to vector<16xf32>
      %swap3A_965 = vector.shape_cast %get3A_527 : vector<16xf32> to vector<1x1x16xf32>
      tpu.vector_store %arg9[%swap3A_960, %swap3A_961, %swap3A_962], %swap3A_965 {add = true, strides = array<i32>} : memref<50x4x128xf32, #tpu.memory_space<vmem>>, vector<1x1x16xf32>,
      %swap3A_966 = arith.constant 3 : i32
      %swap3A_967 = arith.index_cast %scan3A_762 : i32 to index
      %swap3A_968 = arith.index_cast %swap3A_966 : i32 to index
      %swap3A_969 = arith.constant 80 : index
      %swap3A_970 = tpu.vector_load %arg9[%swap3A_967, %swap3A_968, %swap3A_969] {strides = array<i32>} : memref<50x4x128xf32, #tpu.memory_space<vmem>>, vector<1x1x16xf32>,
      %swap3A_971 = vector.shape_cast %swap3A_970 : vector<1x1x16xf32> to vector<16xf32>
      %swap3A_972 = vector.shape_cast %get3A_531 : vector<16xf32> to vector<1x1x16xf32>
      tpu.vector_store %arg9[%swap3A_967, %swap3A_968, %swap3A_969], %swap3A_972 {add = true, strides = array<i32>} : memref<50x4x128xf32, #tpu.memory_space<vmem>>, vector<1x1x16xf32>,
      %swap3A_973 = arith.constant 3 : i32
      %swap3A_974 = arith.index_cast %scan3A_762 : i32 to index
      %swap3A_975 = arith.index_cast %swap3A_973 : i32 to index
      %swap3A_976 = arith.constant 96 : index
      %swap3A_977 = tpu.vector_load %arg9[%swap3A_974, %swap3A_975, %swap3A_976] {strides = array<i32>} : memref<50x4x128xf32, #tpu.memory_space<vmem>>, vector<1x1x16xf32>,
      %swap3A_978 = vector.shape_cast %swap3A_977 : vector<1x1x16xf32> to vector<16xf32>
      %swap3A_979 = vector.shape_cast %get3A_535 : vector<16xf32> to vector<1x1x16xf32>
      tpu.vector_store %arg9[%swap3A_974, %swap3A_975, %swap3A_976], %swap3A_979 {add = true, strides = array<i32>} : memref<50x4x128xf32, #tpu.memory_space<vmem>>, vector<1x1x16xf32>,
      %swap3A_980 = arith.constant 3 : i32
      %swap3A_981 = arith.index_cast %scan3A_762 : i32 to index
      %swap3A_982 = arith.index_cast %swap3A_980 : i32 to index
      %swap3A_983 = arith.constant 112 : index
      %swap3A_984 = tpu.vector_load %arg9[%swap3A_981, %swap3A_982, %swap3A_983] {strides = array<i32>} : memref<50x4x128xf32, #tpu.memory_space<vmem>>, vector<1x1x16xf32>,
      %swap3A_985 = vector.shape_cast %swap3A_984 : vector<1x1x16xf32> to vector<16xf32>
      %swap3A_986 = vector.shape_cast %get3A_539 : vector<16xf32> to vector<1x1x16xf32>
      tpu.vector_store %arg9[%swap3A_981, %swap3A_982, %swap3A_983], %swap3A_986 {add = true, strides = array<i32>} : memref<50x4x128xf32, #tpu.memory_space<vmem>>, vector<1x1x16xf32>,
    }
    %scan3A_545 = arith.constant 50 : i32
    %mul3A_546 = arith.constant 128 : i32
    %mul3A_547 = arith.muli %add3A, %mul3A_546 : i32
    %add3A_548 = arith.constant 127 : i32
    %add3A_549 = arith.addi %mul3A_547, %add3A_548 : i32
    %jit3A_550 = arith.constant 8 : i32
    %div3A_551 = arith.divsi %add3A_549, %jit3A_550 : i32
    %sign3A_552 = arith.constant 0 : i32
    %sign3A_553 = arith.cmpi sgt, %add3A_549, %sign3A_552 : i32
    %sign3A_554 = arith.extui %sign3A_553 : i1 to i32
    %sign3A_555 = arith.constant 0 : i32
    %sign3A_556 = arith.cmpi slt, %add3A_549, %sign3A_555 : i32
    %sign3A_557 = arith.extui %sign3A_556 : i1 to i32
    %sign3A_558 = arith.subi %sign3A_554, %sign3A_557 : i32
    %sign3A_559 = arith.constant 0 : i32
    %sign3A_560 = arith.cmpi sgt, %jit3A_550, %sign3A_559 : i32
    %sign3A_561 = arith.extui %sign3A_560 : i1 to i32
    %sign3A_562 = arith.constant 0 : i32
    %sign3A_563 = arith.cmpi slt, %jit3A_550, %sign3A_562 : i32
    %sign3A_564 = arith.extui %sign3A_563 : i1 to i32
    %sign3A_565 = arith.subi %sign3A_561, %sign3A_564 : i32
    %ne3A_566 = arith.cmpi ne, %sign3A_558, %sign3A_565 : i32
    %rem3A_567 = arith.remsi %add3A_549, %jit3A_550 : i32
    %ne3A_568 = arith.constant 0 : i32
    %ne3A_569 = arith.cmpi ne, %rem3A_567, %ne3A_568 : i32
    %and3A_570 = arith.andi %ne3A_566, %ne3A_569 : i1
    %sub3A_571 = arith.constant 1 : i32
    %sub3A_572 = arith.subi %div3A_551, %sub3A_571 : i32
    %select_n3A_573 = arith.select %and3A_570, %sub3A_572, %div3A_551 : i32
    %jit3A_574 = arith.constant 8 : i32
    %eq3A_575 = arith.constant 0 : i32
    %eq3A_576 = arith.cmpi eq, %jit3A_574, %eq3A_575 : i32
    %jit3A_577 = arith.constant 1 : i32
    %select_n3A_578 = arith.select %eq3A_576, %jit3A_577, %jit3A_574 : i32
    %rem3A_579 = arith.remsi %add3A_549, %select_n3A_578 : i32
    %ne3A_580 = arith.constant 0 : i32
    %ne3A_581 = arith.cmpi ne, %rem3A_579, %ne3A_580 : i32
    %lt3A_582 = arith.constant 0 : i32
    %lt3A_583 = arith.cmpi slt, %rem3A_579, %lt3A_582 : i32
    %lt3A_584 = arith.constant 0 : i32
    %lt3A_585 = arith.cmpi slt, %select_n3A_578, %lt3A_584 : i32
    %ne3A_586 = arith.xori %lt3A_583, %lt3A_585 : i1
    %and3A_587 = arith.andi %ne3A_586, %ne3A_581 : i1
    %add3A_588 = arith.addi %rem3A_579, %select_n3A_578 : i32
    %select_n3A_589 = arith.select %and3A_587, %add3A_588, %rem3A_579 : i32
    %dma_start3A_590 = arith.constant 0 : i32
    %dma_start3A_591 = arith.constant 0 : i32
    %dma_start3A_592 = arith.constant 0 : i32
    %dma_start3A_593 = tpu.memref_slice %arg7[%dma_start3A_590, %select_n3A_573, %dma_start3A_591, %select_n3A_589, %dma_start3A_592] : memref<50x512x4x8x128xf32, #tpu.memory_space<hbm>> -> memref<50x1x4x1x128xf32, #tpu.memory_space<hbm>>
    %dma_start3A_594 = tpu.memref_squeeze %dma_start3A_593 : memref<50x1x4x1x128xf32, #tpu.memory_space<hbm>> -> memref<50x4x128xf32, #tpu.memory_space<hbm>>
    %dma_start3A_595 = arith.constant 0 : i32
    %dma_start3A_596 = arith.constant 0 : i32
    %dma_start3A_597 = arith.constant 0 : i32
    %dma_start3A_598 = tpu.memref_slice %arg7[%dma_start3A_595, %select_n3A_573, %dma_start3A_596, %select_n3A_589, %dma_start3A_597] : memref<50x512x4x8x128xf32, #tpu.memory_space<hbm>> -> memref<50x1x4x1x128xf32, #tpu.memory_space<hbm>>
    %dma_start3A_599 = tpu.memref_squeeze %dma_start3A_598 : memref<50x1x4x1x128xf32, #tpu.memory_space<hbm>> -> memref<50x4x128xf32, #tpu.memory_space<hbm>>
    tpu.enqueue_dma source(%arg9 : memref<50x4x128xf32, #tpu.memory_space<vmem>>) target(%dma_start3A_599 : memref<50x4x128xf32, #tpu.memory_space<hbm>>) target_semaphore(%arg22 : memref<!tpu.dma_semaphore, #tpu.memory_space<semaphore_mem>>)
    %mul3A_600 = arith.constant 128 : i32
    %mul3A_601 = arith.muli %add3A, %mul3A_600 : i32
    %add3A_602 = arith.constant 0 : i32
    %add3A_603 = arith.addi %mul3A_601, %add3A_602 : i32
    %jit3A_604 = arith.constant 8 : i32
    %div3A_605 = arith.divsi %add3A_603, %jit3A_604 : i32
    %sign3A_606 = arith.constant 0 : i32
    %sign3A_607 = arith.cmpi sgt, %add3A_603, %sign3A_606 : i32
    %sign3A_608 = arith.extui %sign3A_607 : i1 to i32
    %sign3A_609 = arith.constant 0 : i32
    %sign3A_610 = arith.cmpi slt, %add3A_603, %sign3A_609 : i32
    %sign3A_611 = arith.extui %sign3A_610 : i1 to i32
    %sign3A_612 = arith.subi %sign3A_608, %sign3A_611 : i32
    %sign3A_613 = arith.constant 0 : i32
    %sign3A_614 = arith.cmpi sgt, %jit3A_604, %sign3A_613 : i32
    %sign3A_615 = arith.extui %sign3A_614 : i1 to i32
    %sign3A_616 = arith.constant 0 : i32
    %sign3A_617 = arith.cmpi slt, %jit3A_604, %sign3A_616 : i32
    %sign3A_618 = arith.extui %sign3A_617 : i1 to i32
    %sign3A_619 = arith.subi %sign3A_615, %sign3A_618 : i32
    %ne3A_620 = arith.cmpi ne, %sign3A_612, %sign3A_619 : i32
    %rem3A_621 = arith.remsi %add3A_603, %jit3A_604 : i32
    %ne3A_622 = arith.constant 0 : i32
    %ne3A_623 = arith.cmpi ne, %rem3A_621, %ne3A_622 : i32
    %and3A_624 = arith.andi %ne3A_620, %ne3A_623 : i1
    %sub3A_625 = arith.constant 1 : i32
    %sub3A_626 = arith.subi %div3A_605, %sub3A_625 : i32
    %select_n3A_627 = arith.select %and3A_624, %sub3A_626, %div3A_605 : i32
    %jit3A_628 = arith.constant 8 : i32
    %eq3A_629 = arith.constant 0 : i32
    %eq3A_630 = arith.cmpi eq, %jit3A_628, %eq3A_629 : i32
    %jit3A_631 = arith.constant 1 : i32
    %select_n3A_632 = arith.select %eq3A_630, %jit3A_631, %jit3A_628 : i32
    %rem3A_633 = arith.remsi %add3A_603, %select_n3A_632 : i32
    %ne3A_634 = arith.constant 0 : i32
    %ne3A_635 = arith.cmpi ne, %rem3A_633, %ne3A_634 : i32
    %lt3A_636 = arith.constant 0 : i32
    %lt3A_637 = arith.cmpi slt, %rem3A_633, %lt3A_636 : i32
    %lt3A_638 = arith.constant 0 : i32
    %lt3A_639 = arith.cmpi slt, %select_n3A_632, %lt3A_638 : i32
    %ne3A_640 = arith.xori %lt3A_637, %lt3A_639 : i1
    %and3A_641 = arith.andi %ne3A_640, %ne3A_635 : i1
    %add3A_642 = arith.addi %rem3A_633, %select_n3A_632 : i32
    %select_n3A_643 = arith.select %and3A_641, %add3A_642, %rem3A_633 : i32
    %dma_wait3A_644 = arith.constant 0 : i32
    %dma_wait3A_645 = arith.constant 0 : i32
    %dma_wait3A_646 = arith.constant 0 : i32
    %dma_wait3A_647 = tpu.memref_slice %arg7[%dma_wait3A_644, %select_n3A_627, %dma_wait3A_645, %select_n3A_643, %dma_wait3A_646] : memref<50x512x4x8x128xf32, #tpu.memory_space<hbm>> -> memref<50x1x4x1x128xf32, #tpu.memory_space<hbm>>
    %dma_wait3A_648 = tpu.memref_squeeze %dma_wait3A_647 : memref<50x1x4x1x128xf32, #tpu.memory_space<hbm>> -> memref<50x4x128xf32, #tpu.memory_space<hbm>>
    %dma_wait3A_649 = arith.constant 0 : i32
    %dma_wait3A_650 = arith.constant 0 : i32
    %dma_wait3A_651 = arith.constant 0 : i32
    %dma_wait3A_652 = tpu.memref_slice %arg7[%dma_wait3A_649, %select_n3A_627, %dma_wait3A_650, %select_n3A_643, %dma_wait3A_651] : memref<50x512x4x8x128xf32, #tpu.memory_space<hbm>> -> memref<50x1x4x1x128xf32, #tpu.memory_space<hbm>>
    %dma_wait3A_653 = tpu.memref_squeeze %dma_wait3A_652 : memref<50x1x4x1x128xf32, #tpu.memory_space<hbm>> -> memref<50x4x128xf32, #tpu.memory_space<hbm>>
    tpu.wait_dma2 semaphore(%arg23 : memref<!tpu.dma_semaphore, #tpu.memory_space<semaphore_mem>>) src(%arg10 : memref<50x4x128xf32, #tpu.memory_space<vmem>>) dst(%dma_wait3A_653 : memref<50x4x128xf32, #tpu.memory_space<hbm>>)
    %mul3A_654 = arith.constant 128 : i32
    %mul3A_655 = arith.muli %add3A, %mul3A_654 : i32
    %add3A_656 = arith.constant 0 : i32
    %add3A_657 = arith.addi %mul3A_655, %add3A_656 : i32
    %jit3A_658 = arith.constant 8 : i32
    %div3A_659 = arith.divsi %add3A_657, %jit3A_658 : i32
    %sign3A_660 = arith.constant 0 : i32
    %sign3A_661 = arith.cmpi sgt, %add3A_657, %sign3A_660 : i32
    %sign3A_662 = arith.extui %sign3A_661 : i1 to i32
    %sign3A_663 = arith.constant 0 : i32
    %sign3A_664 = arith.cmpi slt, %add3A_657, %sign3A_663 : i32
    %sign3A_665 = arith.extui %sign3A_664 : i1 to i32
    %sign3A_666 = arith.subi %sign3A_662, %sign3A_665 : i32
    %sign3A_667 = arith.constant 0 : i32
    %sign3A_668 = arith.cmpi sgt, %jit3A_658, %sign3A_667 : i32
    %sign3A_669 = arith.extui %sign3A_668 : i1 to i32
    %sign3A_670 = arith.constant 0 : i32
    %sign3A_671 = arith.cmpi slt, %jit3A_658, %sign3A_670 : i32
    %sign3A_672 = arith.extui %sign3A_671 : i1 to i32
    %sign3A_673 = arith.subi %sign3A_669, %sign3A_672 : i32
    %ne3A_674 = arith.cmpi ne, %sign3A_666, %sign3A_673 : i32
    %rem3A_675 = arith.remsi %add3A_657, %jit3A_658 : i32
    %ne3A_676 = arith.constant 0 : i32
    %ne3A_677 = arith.cmpi ne, %rem3A_675, %ne3A_676 : i32
    %and3A_678 = arith.andi %ne3A_674, %ne3A_677 : i1
    %sub3A_679 = arith.constant 1 : i32
    %sub3A_680 = arith.subi %div3A_659, %sub3A_679 : i32
    %select_n3A_681 = arith.select %and3A_678, %sub3A_680, %div3A_659 : i32
    %jit3A_682 = arith.constant 8 : i32
    %eq3A_683 = arith.constant 0 : i32
    %eq3A_684 = arith.cmpi eq, %jit3A_682, %eq3A_683 : i32
    %jit3A_685 = arith.constant 1 : i32
    %select_n3A_686 = arith.select %eq3A_684, %jit3A_685, %jit3A_682 : i32
    %rem3A_687 = arith.remsi %add3A_657, %select_n3A_686 : i32
    %ne3A_688 = arith.constant 0 : i32
    %ne3A_689 = arith.cmpi ne, %rem3A_687, %ne3A_688 : i32
    %lt3A_690 = arith.constant 0 : i32
    %lt3A_691 = arith.cmpi slt, %rem3A_687, %lt3A_690 : i32
    %lt3A_692 = arith.constant 0 : i32
    %lt3A_693 = arith.cmpi slt, %select_n3A_686, %lt3A_692 : i32
    %ne3A_694 = arith.xori %lt3A_691, %lt3A_693 : i1
    %and3A_695 = arith.andi %ne3A_694, %ne3A_689 : i1
    %add3A_696 = arith.addi %rem3A_687, %select_n3A_686 : i32
    %select_n3A_697 = arith.select %and3A_695, %add3A_696, %rem3A_687 : i32
    %dma_wait3A_698 = arith.constant 0 : i32
    %dma_wait3A_699 = arith.constant 0 : i32
    %dma_wait3A_700 = arith.constant 0 : i32
    %dma_wait3A_701 = tpu.memref_slice %arg7[%dma_wait3A_698, %select_n3A_681, %dma_wait3A_699, %select_n3A_697, %dma_wait3A_700] : memref<50x512x4x8x128xf32, #tpu.memory_space<hbm>> -> memref<50x1x4x1x128xf32, #tpu.memory_space<hbm>>
    %dma_wait3A_702 = tpu.memref_squeeze %dma_wait3A_701 : memref<50x1x4x1x128xf32, #tpu.memory_space<hbm>> -> memref<50x4x128xf32, #tpu.memory_space<hbm>>
    %dma_wait3A_703 = arith.constant 0 : i32
    %dma_wait3A_704 = arith.constant 0 : i32
    %dma_wait3A_705 = arith.constant 0 : i32
    %dma_wait3A_706 = tpu.memref_slice %arg7[%dma_wait3A_703, %select_n3A_681, %dma_wait3A_704, %select_n3A_697, %dma_wait3A_705] : memref<50x512x4x8x128xf32, #tpu.memory_space<hbm>> -> memref<50x1x4x1x128xf32, #tpu.memory_space<hbm>>
    %dma_wait3A_707 = tpu.memref_squeeze %dma_wait3A_706 : memref<50x1x4x1x128xf32, #tpu.memory_space<hbm>> -> memref<50x4x128xf32, #tpu.memory_space<hbm>>
    tpu.wait_dma2 semaphore(%arg21 : memref<!tpu.dma_semaphore, #tpu.memory_space<semaphore_mem>>) src(%arg8 : memref<50x4x128xf32, #tpu.memory_space<vmem>>) dst(%dma_wait3A_707 : memref<50x4x128xf32, #tpu.memory_space<hbm>>)
    %mul3A_708 = arith.constant 128 : i32
    %mul3A_709 = arith.muli %add3A, %mul3A_708 : i32
    %add3A_710 = arith.constant 0 : i32
    %add3A_711 = arith.addi %mul3A_709, %add3A_710 : i32
    %jit3A_712 = arith.constant 8 : i32
    %div3A_713 = arith.divsi %add3A_711, %jit3A_712 : i32
    %sign3A_714 = arith.constant 0 : i32
    %sign3A_715 = arith.cmpi sgt, %add3A_711, %sign3A_714 : i32
    %sign3A_716 = arith.extui %sign3A_715 : i1 to i32
    %sign3A_717 = arith.constant 0 : i32
    %sign3A_718 = arith.cmpi slt, %add3A_711, %sign3A_717 : i32
    %sign3A_719 = arith.extui %sign3A_718 : i1 to i32
    %sign3A_720 = arith.subi %sign3A_716, %sign3A_719 : i32
    %sign3A_721 = arith.constant 0 : i32
    %sign3A_722 = arith.cmpi sgt, %jit3A_712, %sign3A_721 : i32
    %sign3A_723 = arith.extui %sign3A_722 : i1 to i32
    %sign3A_724 = arith.constant 0 : i32
    %sign3A_725 = arith.cmpi slt, %jit3A_712, %sign3A_724 : i32
    %sign3A_726 = arith.extui %sign3A_725 : i1 to i32
    %sign3A_727 = arith.subi %sign3A_723, %sign3A_726 : i32
    %ne3A_728 = arith.cmpi ne, %sign3A_720, %sign3A_727 : i32
    %rem3A_729 = arith.remsi %add3A_711, %jit3A_712 : i32
    %ne3A_730 = arith.constant 0 : i32
    %ne3A_731 = arith.cmpi ne, %rem3A_729, %ne3A_730 : i32
    %and3A_732 = arith.andi %ne3A_728, %ne3A_731 : i1
    %sub3A_733 = arith.constant 1 : i32
    %sub3A_734 = arith.subi %div3A_713, %sub3A_733 : i32
    %select_n3A_735 = arith.select %and3A_732, %sub3A_734, %div3A_713 : i32
    %jit3A_736 = arith.constant 8 : i32
    %eq3A_737 = arith.constant 0 : i32
    %eq3A_738 = arith.cmpi eq, %jit3A_736, %eq3A_737 : i32
    %jit3A_739 = arith.constant 1 : i32
    %select_n3A_740 = arith.select %eq3A_738, %jit3A_739, %jit3A_736 : i32
    %rem3A_741 = arith.remsi %add3A_711, %select_n3A_740 : i32
    %ne3A_742 = arith.constant 0 : i32
    %ne3A_743 = arith.cmpi ne, %rem3A_741, %ne3A_742 : i32
    %lt3A_744 = arith.constant 0 : i32
    %lt3A_745 = arith.cmpi slt, %rem3A_741, %lt3A_744 : i32
    %lt3A_746 = arith.constant 0 : i32
    %lt3A_747 = arith.cmpi slt, %select_n3A_740, %lt3A_746 : i32
    %ne3A_748 = arith.xori %lt3A_745, %lt3A_747 : i1
    %and3A_749 = arith.andi %ne3A_748, %ne3A_743 : i1
    %add3A_750 = arith.addi %rem3A_741, %select_n3A_740 : i32
    %select_n3A_751 = arith.select %and3A_749, %add3A_750, %rem3A_741 : i32
    %dma_wait3A_752 = arith.constant 0 : i32
    %dma_wait3A_753 = arith.constant 0 : i32
    %dma_wait3A_754 = arith.constant 0 : i32
    %dma_wait3A_755 = tpu.memref_slice %arg7[%dma_wait3A_752, %select_n3A_735, %dma_wait3A_753, %select_n3A_751, %dma_wait3A_754] : memref<50x512x4x8x128xf32, #tpu.memory_space<hbm>> -> memref<50x1x4x1x128xf32, #tpu.memory_space<hbm>>
    %dma_wait3A_756 = tpu.memref_squeeze %dma_wait3A_755 : memref<50x1x4x1x128xf32, #tpu.memory_space<hbm>> -> memref<50x4x128xf32, #tpu.memory_space<hbm>>
    %dma_wait3A_757 = arith.constant 0 : i32
    %dma_wait3A_758 = arith.constant 0 : i32
    %dma_wait3A_759 = arith.constant 0 : i32
    %dma_wait3A_760 = tpu.memref_slice %arg7[%dma_wait3A_757, %select_n3A_735, %dma_wait3A_758, %select_n3A_751, %dma_wait3A_759] : memref<50x512x4x8x128xf32, #tpu.memory_space<hbm>> -> memref<50x1x4x1x128xf32, #tpu.memory_space<hbm>>
    %dma_wait3A_761 = tpu.memref_squeeze %dma_wait3A_760 : memref<50x1x4x1x128xf32, #tpu.memory_space<hbm>> -> memref<50x4x128xf32, #tpu.memory_space<hbm>>
    tpu.wait_dma2 semaphore(%arg22 : memref<!tpu.dma_semaphore, #tpu.memory_space<semaphore_mem>>) src(%arg9 : memref<50x4x128xf32, #tpu.memory_space<vmem>>) dst(%dma_wait3A_761 : memref<50x4x128xf32, #tpu.memory_space<hbm>>)
    return
  }
}

</mosaic_0001>

<sc_bundles>
// kernel: _run.3.cloned.1.call-start
scs
__scs_entry_jumppad:
0x0: {  	(pc) =	sbr.rel $0x88, $3  }
0x1: {  	(tag) =	ssettag $0x0;
	lr =	simm.s32 $0x1  }
0x2: {  	[smem:$0x3F9C] =	sst lr;
	_ =	strace $0xD0000000  }
0x3: {  	_ = 	snop  }
0x4: {  	_ = 	snop  }
0x5: {  	_ = 	snop  }
0x6: {  	_ = 	snop  }
0x7: {  	_ = 	snop  }
__scs_overlays_trampoline_lowered:
0x8: {  	[smem:$0x3FAB] =	sst s0  }
0x9: {  	[smem:$0x3FAC] =	sst s1  }
0xa: {  	[smem:$0x3FAD] =	sst s2  }
0xb: {  	[smem:$0x3FAE] =	sst s3  }
0xc: {  	[smem:$0x3FAF] =	sst s4  }
0xd: {  	[smem:$0x3FB0] =	sst s5  }
0xe: {  	[smem:$0x3FB1] =	sst s6  }
0xf: {  	[smem:$0x3FB2] =	sst s7  }
0x10: {  	[smem:$0x3FB3] =	sst s8  }
0x11: {  	[smem:$0x3FB4] =	sst s9;
	s0 =	simm.s32 @!p0 $0x0  }
0x12: {  	s1 =	sld [smem:$0x3F9A];
	s0 =	simm.s32 @p0 $0x1  }
0x13: {  	[smem:$0x3FB5] =	sst s0;
	s0 =	simm.s32 @!p1 $0x0  }
0x14: {  	s2 =	sld [smem:$0x3F99];
	s0 =	simm.s32 @p1 $0x1  }
0x15: {  	[smem:$0x3FB6] =	sst s0;
	s0 =	simm.s32 @!p2 $0x0  }
0x16: {  	s3 =	sld [smem:$0x3FDB];
	s0 =	simm.s32 @p2 $0x1  }
0x17: {  	s4 =	simm.s32 $0x1BF5;
	[smem:$0x3FB8] =	sst s0  }
0x18: {  	s0 =	sld [smem:$0x3F9B];
	_ =	swait.ge [sflag:s4], $0x0  }
0x19: {  	s7 =	sld [smem:$0x3F9C]  }
0x1a: {  	s8 =	sadd.s32 $0xFFFFE003, lr  }
0x1b: {  	s9 =	sadd.s32 $0xFFFFFEF7, lr;
	s5 =	simm.s32 $0xFFFFFFFF;
	p2 =	slt.u32 s8, $0xFFFFF086  }
0x1c: {  	p1 =	slt.u32 s9, $0xF7A;
	s5 =	simm.s32 @!p2 $0x0  }
0x1d: {  	s5 =	simm.s32 @p1 $0x1;
	p0 =	seq.s32 s7, s2  }
0x1e: {  	s7 =	smul.u32 @!p0 $0xF7A, s2;
	p2 =	seq.s32 @!p0 s5, $0x0  }
0x1f: {  	s9 =	smul.u32 $0xF7A, s1;
	s8 =	simm.s32 @!p0 $0x1BF5;
	p2 =	por !p2, p0  }
0x20: {  	[sflag:s8] =	ssyncset.s32 @!p0 $0xFFFFF086;
	s6 =	sadd.s32 @!p0 s3, s7;
	s7 =	simm.s32 @!p0 $0x108  }
0x21: {  	s3 =	sadd.s32 s3, s9;
	s6 =	sadd.s32 @!p0 $0x88, s6;
	s7 =	simm.s32 @p2 $0x1082  }
0x22: {  	[simem:s7], [sflag:s8] =	dma.local @!p0 [hbm:s6], $0xF7A  }
0x23: {  	s9 =	sor.u32 $0xD0000000, s2;
	s6 =	simm.s32 $0x108;
	_ =	swait.ge @!p0 [sflag:s8], $0x0  }
0x24: {  	s3 =	sadd.s32 $0x88, s3;
	s6 =	simm.s32 @!p1 $0x1082;
	[sflag:s4] =	ssyncset.s32 $0xFFFFF086  }
0x25: {  	[simem:s6], [sflag:s4] =	dma.local [hbm:s3], $0xF7A  }
0x26: {  	[smem:$0x3F9C] =	sst s1;
	(tag) =	ssettag s2;
	_ =	strace s9  }
0x27: {  	s1 =	sld [smem:$0x3FAC]  }
0x28: {  	s2 =	sld [smem:$0x3FAD]  }
0x29: {  	s4 =	sld [smem:$0x3FAF]  }
0x2a: {  	p0 =	seq.s32 s5, $0x0;
	s5 =	sld [smem:$0x3FB0]  }
0x2b: {  	s6 =	sld [smem:$0x3FB1]  }
0x2c: {  	s7 =	sld [smem:$0x3FB2]  }
0x2d: {  	s3 =	simm.s32 $0x108;
	s8 =	sld [smem:$0x3FB3]  }
0x2e: {  	s3 =	simm.s32 @!p0 $0x1082;
	s9 =	sld [smem:$0x3FB4]  }
0x2f: {  	lr =	sadd.s32 s0, s3;
	s0 =	sld [smem:$0x3FAB]  }
0x30: {  	s3 =	sld [smem:$0x3FAE]  }
0x31: {  	[smem:$0x3FB7] =	sst s10  }
0x32: {  	s10 =	sld [smem:$0x3FB5];
	_ =	sdelay $0x3  }
0x33: {  	p0 =	seq.s32 s10, $0x1;
	s10 =	sld [smem:$0x3FB7];
	_ =	sdelay $0x3  }
0x34: {  	[smem:$0x3FB7] =	sst s10  }
0x35: {  	s10 =	sld [smem:$0x3FB6];
	_ =	sdelay $0x3  }
0x36: {  	p1 =	seq.s32 s10, $0x1;
	s10 =	sld [smem:$0x3FB7];
	_ =	sdelay $0x3  }
0x37: {  	[smem:$0x3FB7] =	sst s10  }
0x38: {  	s10 =	sld [smem:$0x3FB8]  }
0x39: {  	_ = 	snop;
	(pc) =	sbr.ind lr, $3  }
0x3a: {  	_ = 	snop  }
0x3b: {  	_ = 	snop  }
0x3c: {  	p2 =	seq.s32 s10, $0x1;
	s10 =	sld [smem:$0x3FB7]  }
0x3d: {  	_ =	shalt  }
0x3e: {  	_ =	shalt  }
0x3f: {  	_ =	shalt  }
0x40: {  	_ =	shalt  }
0x41: {  	_ =	shalt  }
0x42: {  	_ =	shalt  }
0x43: {  	_ =	shalt  }
0x44: {  	_ =	shalt  }
0x45: {  	_ =	shalt  }
0x46: {  	_ =	shalt  }
0x47: {  	_ =	shalt  }
0x48: {  	_ =	shalt  }
0x49: {  	_ =	shalt  }
0x4a: {  	_ =	shalt  }
0x4b: {  	_ =	shalt  }
0x4c: {  	_ =	shalt  }
0x4d: {  	_ =	shalt  }
0x4e: {  	_ =	shalt  }
0x4f: {  	_ =	shalt  }
0x50: {  	_ =	shalt  }
0x51: {  	_ =	shalt  }
0x52: {  	_ =	shalt  }
0x53: {  	_ =	shalt  }
0x54: {  	_ =	shalt  }
0x55: {  	_ =	shalt  }
0x56: {  	_ =	shalt  }
0x57: {  	_ =	shalt  }
0x58: {  	_ =	shalt  }
0x59: {  	_ =	shalt  }
0x5a: {  	_ =	shalt  }
0x5b: {  	_ =	shalt  }
0x5c: {  	_ =	shalt  }
0x5d: {  	_ =	shalt  }
0x5e: {  	_ =	shalt  }
0x5f: {  	_ =	shalt  }
0x60: {  	_ =	shalt  }
0x61: {  	_ =	shalt  }
0x62: {  	_ =	shalt  }
0x63: {  	_ =	shalt  }
0x64: {  	_ =	shalt  }
0x65: {  	_ =	shalt  }
0x66: {  	_ =	shalt  }
0x67: {  	_ =	shalt  }
0x68: {  	_ =	shalt  }
0x69: {  	_ =	shalt  }
0x6a: {  	_ =	shalt  }
0x6b: {  	_ =	shalt  }
0x6c: {  	_ =	shalt  }
0x6d: {  	_ =	shalt  }
0x6e: {  	_ =	shalt  }
0x6f: {  	_ =	shalt  }
0x70: {  	_ =	shalt  }
0x71: {  	_ =	shalt  }
0x72: {  	_ =	shalt  }
0x73: {  	_ =	shalt  }
0x74: {  	_ =	shalt  }
0x75: {  	_ =	shalt  }
0x76: {  	_ =	shalt  }
0x77: {  	_ =	shalt  }
0x78: {  	_ =	shalt  }
0x79: {  	_ =	shalt  }
0x7a: {  	_ =	shalt  }
0x7b: {  	_ =	shalt  }
0x7c: {  	_ =	shalt  }
0x7d: {  	_ =	shalt  }
0x7e: {  	_ =	shalt  }
0x7f: {  	_ =	shalt  }
0x80: {  	_ =	shalt  }
0x81: {  	_ =	shalt  }
0x82: {  	_ =	shalt  }
0x83: {  	_ =	shalt  }
0x84: {  	_ =	shalt  }
0x85: {  	_ =	shalt  }
0x86: {  	_ =	shalt  }
0x87: {  	_ =	shalt  }
.Lfunc_end0:
.L_simem_size_0:
called_computation_lowered:
.L_overlay_start_0:
0x88: {  	s2 =	sld [smem:$0x3FD9]  }
0x89: {  	s3 =	sld [smem:$0x3FFE];
	_ =	sdelay $0x1  }
0x8a: {  	s1 =	srdreg.scid  }
0x8b: {  	s0 =	sand.u32 $0x1, s1  }
0x8c: {  	s17 =	sshll.u32 s0, $0xA;
	s2 =	sadd.s32 s3, s2  }
0x8d: {  	s2 =	sadd.s32 s2, s17  }
0x8e: {  	[smem:$0x3FC3] =	sst s2  }
0x8f: {  	_ = 	snop  }
0x90: {  	s2 =	sld [smem:$0x3FC9]  }
0x91: {  	s18 =	sld [smem:$0x3FC8]  }
0x92: {  	s4 =	sld [smem:$0x3FC7]  }
0x93: {  	s5 =	sld [smem:$0x3FC6]  }
0x94: {  	s6 =	sld [smem:$0x3FD0];
	(tm) =	ssettm $0x1  }
0x95: {  	s7 =	sld [smem:$0x3FFB];
	_ =	sdelay $0x3  }
0x96: {  	_ =	strace s7  }
0x97: {  	s7 =	sld [smem:$0x3FFC];
	_ =	sdelay $0x3  }
0x98: {  	_ =	strace s7  }
0x99: {  	s7 =	sld [smem:$0x3FFD];
	_ =	sdelay $0x3  }
0x9a: {  	_ =	strace s7  }
0x9b: {  	_ =	strace $0x8FFFFFFF  }
0x9c: {  	s19 =	sld [smem:$0x3FDB];
	_ =	sdelay $0x1  }
0x9d: {  	s8 =	simm.s32 $_scs_section_size  }
0x9e: {  	s9 =	simm.s32 $_size__tile_overlayer_lowered;
	s10 =	simm.s32 $_tile_overlayer_lowered  }
0x9f: {  	s22 =	simm.s32 $0x1BFF;
	s21 =	sshll.u32 s10, $0x1;
	s7 =	sadd.s32 s8, s19  }
0xa0: {  	s11 =	simm.s32 $0x0;
	s20 =	sshll.u32 s9, $0x1;
	s9 =	sadd.s32 s21, s7  }
0xa1: {  	[timem:s11], [sflag:s22] =	dma.local [hbm:s9], s20  }
0xa2: {  	_ =	swait.ge [sflag:s22], s20  }
0xa3: {  	s8 =	ssub.s32 $0x0, s20;
	[sflag:s22] =	ssyncset.done $0x0  }
0xa4: {  	[sflag:s22] =	ssyncadd.s32 s8;
	_ =	sdelay $0x1  }
0xa5: {  	s23 =	simm.s32 $0x1B8B  }
0xa6: {  	_ =	swait.ge [sflag:s23], $0x1  }
0xa7: {  	[sflag:s23] =	ssyncset.done $0x0  }
0xa8: {  	s25 =	simm.s32 $0x1B8E;
	s24 =	sld [smem:$0x3FFE];
	[sflag:s23] =	ssyncadd.s32 $0xFFFFFFFF  }
0xa9: {  	s26 =	simm.s32 $execute0_lowered;
	[smem:$0x3FD2] =	sst s25  }
0xaa: {  	s9 =	sshll.u32 s26, $0x1;
	_ =	strace $0x80000046;
	[dreg:$0x1] =	wrdreg $0xFFFFFFFF  }
0xab: {  	s28 =	simm.s32 $_size_execute0_lowered;
	s7 =	sadd.s32 s7, s9;
	[dreg:$0x0] =	wrdreg $0x0  }
0xac: {  	s9 =	sshll.u32 s28, $0x1;
	[dreg:$0x2] =	wrdreg s7  }
0xad: {  	[dreg:$0x3] =	wrdreg s9  }
0xae: {  	[dreg:$0x4] =	wrdreg $0xC0  }
0xaf: {  	_ =	task [dreg:s11], $0x5FFFF  }
0xb0: {  	[dreg:$0x1] =	wrdreg $0xFFFFFFFF  }
0xb1: {  	[dreg:$0x0] =	wrdreg $0x60  }
0xb2: {  	[dreg:$0x2] =	wrdreg s2  }
0xb3: {  	[dreg:$0x3] =	wrdreg s18  }
0xb4: {  	[dreg:$0x4] =	wrdreg s4  }
0xb5: {  	[dreg:$0x5] =	wrdreg s5  }
0xb6: {  	[dreg:$0x6] =	wrdreg s24  }
0xb7: {  	[dreg:$0x7] =	wrdreg s6  }
0xb8: {  	[dreg:$0x8] =	wrdreg $0x15AD00  }
0xb9: {  	[dreg:$0x9] =	wrdreg $0x9  }
0xba: {  	_ =	task.clear_ibuf [dreg:s11], $0xAFFFF;
	_ =	strace $0x90000046  }
0xbb: {  	s29 =	simm.s32 $0x9;
	_ =	strace $0x80000048  }
0xbc: {  	_ =	swait.ge [sflag:s29], $0x1  }
0xbd: {  	[sflag:s29] =	ssyncadd.s32 $0xFFFFFFFF  }
0xbe: {  	_ =	strace $0x90000048  }
0xbf: {  	_ =	sfence  }
0xc0: {  	s30 =	sld [smem:$0x0];
	_ =	sdelay $0x2  }
0xc1: {  	s31 =	sshll.u32 s1, $0xD;
	s1 =	sshrl.u32 s1, $0x2  }
0xc2: {  	s3 =	sand.u32 $0x4000, s31;
	s1 =	sadd.s32 s1, s30  }
0xc3: {  	s0 =	sor.u32 s3, s0;
	s1 =	sshll.u32 s1, $0x11  }
0xc4: {  	s0 =	sor.u32 s1, s0  }
0xc5: {  	s0 =	sadd.s32 $0x8F2B, s0  }
0xc6: {  	[sflag:s0] =	ssyncadd.remote.s32 $0x1  }
0xc7: {  	_ =	sfence.sel $0xFFFF  }
0xc8: {  	[dreg:$0x0] =	wrdreg $0xFFFFFFFF;
	(pc) =	sbr.abs _section_cstart, $3  }
0xc9: {  	[dreg:$0x1] =	wrdreg $0xFFFFFFFF  }
0xca: {  	_ =	task.clear_ibuf [dreg:s11], $0x2FFFF;
	_ =	strace $0x9FFFFFFF  }
0xcb: {  	(tm) =	ssettm $0x7FFFFFFF  }
tec
execute0_lowered:
.L_overlay_start_1:
0x0: {  	(tag) =	ssettag $0x1  }
0x1: {  	s0 =	rddreg [dreg:$0x0]  }
0x2: {  	s1 =	rddreg [dreg:$0x1]  }
0x3: {  	s2 =	rddreg [dreg:$0x4]  }
0x4: {  	s8 =	rddreg [dreg:$0x5]  }
0x5: {  	s9 =	rddreg [dreg:$0x6]  }
0x6: {  	s3 =	srdreg.scid;
	s7 =	stileid.u32;
	s5 =	simm.s32 $0x0  }
0x7: {  	s11 =	simm.s32 $0x6400;
	s12 =	simm.s32 $0xC800;
	s3 =	sand.u32 $0x1, s3  }
0x8: {  	s4 =	sshll.u32 s7, $0x1;
	[smem:$0x7FF] =	sst s5;
	s23 =	smul.u32 $0x45, s7  }
0x9: {  	s2 =	sadd.s32 $0x400, s2;
	s25 =	smul.u32 $0x22800, s7;
	s20 =	ssub.s32 $0x2, s3  }
0xa: {  	s3 =	sor.u32 s3, s4;
	_ =	strace $0x80000047;
	[dreg:$0x11] =	wrdreg s2  }
0xb: {  	s28 =	simm.s32 $0x400;
	s6 =	smul.u32 $0x320, s3;
	[dreg:$0x12] =	wrdreg s23  }
0xc: {  	s24 =	sshll.u32 s3, $0xD;
	s10 =	sshll.u32 s3, $0x7;
	s3 =	sshll.u32 s3, $0x4  }
0xd: {  	s29 =	sshrl.u32 s25, $0x2;
	s1 =	sadd.s32 s1, s3;
	[dreg:$0x14] =	wrdreg s10  }
0xe: {  	s21 =	sshrl.u32 s20, $0x1;
	s31 =	sadd.s32 s29, s9;
	[dreg:$0x15] =	wrdreg s1  }
0xf: {  	s22 =	ssub.s32 s20, s21;
	s0 =	sadd.s32 s0, s6;
	[dreg:$0x8] =	wrdreg s31  }
0x10: {  	s30 =	smax.u32 s22, $0x1;
	[dreg:$0x13] =	wrdreg s0;
	s0 =	sadd.s32 s24, s8  }
0x11: {  	v0 =	vlaneseq.u32;
	s18 =	sadd.s32 $0x6400, s29;
	[dreg:$0x18] =	wrdreg s30;
	s26 =	sadd.s32 $0x1E60, s0  }
0x12: {  	v1 =	vimm.s32 $0x0;
	v2 =	vor.u32 $0x10, v0;
	s9 =	simm.s32 $0x7;
	s0 =	sadd.s32 $0x1E70, s0;
	[dreg:$0x16] =	wrdreg s26  }
0x13: {  	v3 =	vor.u32 $0x20, v0;
	v4 =	vor.u32 $0x30, v0;
	v5 =	vmov s18;
	s1 =	simm.s32 $0x0;
	[dreg:$0x17] =	wrdreg s0;
	s26 =	simm.s32 $0x80  }
.LBB2_1:
0x14: {  	[dreg:$0x19] =	wrdreg s1  }
0x15: {  	s0 =	rddreg [dreg:$0x2]  }
0x16: {  	s3 =	simm.s32 $0x0;
	s8 =	rddreg [dreg:$0x12]  }
0x17: {  	[tilespmem:s3], [sflag:$0x7] =	stream.linear.gather [hbm4b:s0+s3], $0x2C00, $0x38;
	[tilespmem:$0x1E4D0] =	vst v63  }
0x18: {  	s10 =	smulhi.u32 $0x51EB851F, s8;
	_ =	swait.ge [sflag:s9], $0x2C00  }
0x19: {  	[sflag:s9] =	ssyncset.done $0x0  }
0x1a: {  	s13 =	sshrl.u32 s10, $0x4;
	[sflag:s9] =	ssyncadd.s32 $0xFFFFD400  }
0x1b: {  	s0 =	smul.u32 $0x19000, s13;
	s2 =	rddreg [dreg:$0x3]  }
0x1c: {  	[tilespmem:s11], [sflag:$0x7] =	stream.linear.gather [hbm4b:s2+s3], $0x6400, $0x38;
	[tilespmem:$0x1E4D0] =	vst v63  }
0x1d: {  	s14 =	ssub.s32 $0x0, s0;
	_ =	swait.ge [sflag:s9], $0x6400  }
0x1e: {  	s2 =	sadd.s32 $0x7C0, s14;
	[sflag:s9] =	ssyncset.done $0x0  }
0x1f: {  	s1 =	sshll.u32 s10, $0x5;
	s29 =	sshra.s32 s2, $0x2;
	[sflag:s9] =	ssyncadd.s32 $0xFFFF9C00  }
0x20: {  	s20 =	sand.u32 $0x3FFFFE00, s1;
	v6 =	vld.idx.msk [tilespmem:v5+s29+$0xFFFFFE10 ss:$0x1], $0xffff  }
0x21: {  	v7 =	vld [tilespmem:s20+$0x0];
	_ =	sdelay $0x4  }
0x22: {  	v6 =	vadd.f32 v6, v7  }
0x23: {  	s15 =	ssub.s32 $0x40, s0  }
0x24: {  	s21 =	sadd.s32 $0x0, s18;
	s1 =	sshra.s32 s15, $0x2;
	[tilespmem:$0xC800] =	vst v6  }
0x25: {  	s1 =	sadd.s32 s1, s21;
	v6 =	vld [tilespmem:s20+$0x10]  }
0x26: {  	v7 =	vld [tilespmem:s1+$0x0];
	_ =	sdelay $0x4  }
0x27: {  	v6 =	vadd.f32 v7, v6  }
0x28: {  	s16 =	ssub.s32 $0x80, s0  }
0x29: {  	s1 =	sshra.s32 s16, $0x2;
	[tilespmem:$0xC810] =	vst v6  }
0x2a: {  	s1 =	sadd.s32 s1, s21;
	v6 =	vld [tilespmem:s20+$0x20]  }
0x2b: {  	v7 =	vld [tilespmem:s1+$0x0];
	_ =	sdelay $0x4  }
0x2c: {  	v6 =	vadd.f32 v7, v6  }
0x2d: {  	s17 =	ssub.s32 $0xC0, s0  }
0x2e: {  	s1 =	sshra.s32 s17, $0x2;
	[tilespmem:$0xC820] =	vst v6  }
0x2f: {  	s1 =	sadd.s32 s1, s21;
	v6 =	vld [tilespmem:s20+$0x30]  }
0x30: {  	v7 =	vld [tilespmem:s1+$0x0];
	_ =	sdelay $0x4  }
0x31: {  	v6 =	vadd.f32 v7, v6  }
0x32: {  	s19 =	ssub.s32 $0x100, s0  }
0x33: {  	s1 =	sshra.s32 s19, $0x2;
	[tilespmem:$0xC830] =	vst v6  }
0x34: {  	s1 =	sadd.s32 s1, s21;
	v6 =	vld [tilespmem:s20+$0x40]  }
0x35: {  	v7 =	vld [tilespmem:s1+$0x0];
	_ =	sdelay $0x4  }
0x36: {  	v6 =	vadd.f32 v7, v6  }
0x37: {  	s22 =	ssub.s32 $0x140, s0  }
0x38: {  	s1 =	sshra.s32 s22, $0x2;
	[tilespmem:$0xC840] =	vst v6  }
0x39: {  	s1 =	sadd.s32 s1, s21;
	v6 =	vld [tilespmem:s20+$0x50]  }
0x3a: {  	v7 =	vld [tilespmem:s1+$0x0];
	_ =	sdelay $0x4  }
0x3b: {  	v6 =	vadd.f32 v7, v6  }
0x3c: {  	s23 =	ssub.s32 $0x180, s0  }
0x3d: {  	s1 =	sshra.s32 s23, $0x2;
	[tilespmem:$0xC850] =	vst v6  }
0x3e: {  	s1 =	sadd.s32 s1, s21;
	v6 =	vld [tilespmem:s20+$0x60]  }
0x3f: {  	v7 =	vld [tilespmem:s1+$0x0];
	_ =	sdelay $0x4  }
0x40: {  	v6 =	vadd.f32 v7, v6  }
0x41: {  	s24 =	ssub.s32 $0x1C0, s0  }
0x42: {  	s1 =	sshra.s32 s24, $0x2;
	[tilespmem:$0xC860] =	vst v6  }
0x43: {  	s1 =	sadd.s32 s1, s21;
	v6 =	vld [tilespmem:s20+$0x70]  }
0x44: {  	v7 =	vld [tilespmem:s1+$0x0];
	_ =	sdelay $0x4  }
0x45: {  	v6 =	vadd.f32 v7, v6  }
0x46: {  	s25 =	ssub.s32 $0x200, s0  }
0x47: {  	s1 =	sshra.s32 s25, $0x2;
	[tilespmem:$0xC870] =	vst v6  }
0x48: {  	s1 =	sadd.s32 s1, s21;
	v6 =	vld [tilespmem:s20+$0x80]  }
0x49: {  	v7 =	vld [tilespmem:s1+$0x0];
	_ =	sdelay $0x4  }
0x4a: {  	v6 =	vadd.f32 v7, v6  }
0x4b: {  	s30 =	ssub.s32 $0x240, s0  }
0x4c: {  	s1 =	sshra.s32 s30, $0x2;
	[tilespmem:$0xC880] =	vst v6  }
0x4d: {  	s1 =	sadd.s32 s1, s21;
	v6 =	vld [tilespmem:s20+$0x90]  }
0x4e: {  	v7 =	vld [tilespmem:s1+$0x0];
	_ =	sdelay $0x4  }
0x4f: {  	v6 =	vadd.f32 v7, v6  }
0x50: {  	s31 =	ssub.s32 $0x280, s0  }
0x51: {  	s1 =	sshra.s32 s31, $0x2;
	[tilespmem:$0xC890] =	vst v6  }
0x52: {  	s1 =	sadd.s32 s1, s21;
	v6 =	vld [tilespmem:s20+$0xA0]  }
0x53: {  	v7 =	vld [tilespmem:s1+$0x0];
	_ =	sdelay $0x4  }
0x54: {  	v6 =	vadd.f32 v7, v6  }
0x55: {  	s2 =	ssub.s32 $0x2C0, s0  }
0x56: {  	s1 =	sshra.s32 s2, $0x2;
	[tilespmem:$0xC8A0] =	vst v6  }
0x57: {  	s1 =	sadd.s32 s1, s21;
	v6 =	vld [tilespmem:s20+$0xB0]  }
0x58: {  	v7 =	vld [tilespmem:s1+$0x0];
	_ =	sdelay $0x4  }
0x59: {  	v6 =	vadd.f32 v7, v6  }
0x5a: {  	s3 =	ssub.s32 $0x300, s0  }
0x5b: {  	s1 =	sshra.s32 s3, $0x2;
	[tilespmem:$0xC8B0] =	vst v6  }
0x5c: {  	s1 =	sadd.s32 s1, s21;
	v6 =	vld [tilespmem:s20+$0xC0]  }
0x5d: {  	v7 =	vld [tilespmem:s1+$0x0];
	_ =	sdelay $0x4  }
0x5e: {  	v6 =	vadd.f32 v7, v6  }
0x5f: {  	s4 =	ssub.s32 $0x340, s0  }
0x60: {  	s1 =	sshra.s32 s4, $0x2;
	[tilespmem:$0xC8C0] =	vst v6  }
0x61: {  	s1 =	sadd.s32 s1, s21;
	v6 =	vld [tilespmem:s20+$0xD0]  }
0x62: {  	v7 =	vld [tilespmem:s1+$0x0];
	_ =	sdelay $0x4  }
0x63: {  	v6 =	vadd.f32 v7, v6  }
0x64: {  	s5 =	ssub.s32 $0x380, s0  }
0x65: {  	s1 =	sshra.s32 s5, $0x2;
	[tilespmem:$0xC8D0] =	vst v6  }
0x66: {  	s1 =	sadd.s32 s1, s21;
	v6 =	vld [tilespmem:s20+$0xE0]  }
0x67: {  	v7 =	vld [tilespmem:s1+$0x0];
	_ =	sdelay $0x4  }
0x68: {  	v6 =	vadd.f32 v7, v6  }
0x69: {  	s6 =	ssub.s32 $0x3C0, s0  }
0x6a: {  	s1 =	sshra.s32 s6, $0x2;
	[tilespmem:$0xC8E0] =	vst v6  }
0x6b: {  	s1 =	sadd.s32 s1, s21;
	v6 =	vld [tilespmem:s20+$0xF0]  }
0x6c: {  	v7 =	vld [tilespmem:s1+$0x0];
	_ =	sdelay $0x4  }
0x6d: {  	v6 =	vadd.f32 v7, v6  }
0x6e: {  	s7 =	ssub.s32 $0x400, s0  }
0x6f: {  	s1 =	sshra.s32 s7, $0x2;
	[tilespmem:$0xC8F0] =	vst v6  }
0x70: {  	s1 =	sadd.s32 s1, s21;
	v6 =	vld [tilespmem:s20+$0x100]  }
0x71: {  	v7 =	vld [tilespmem:s1+$0x0];
	_ =	sdelay $0x4  }
0x72: {  	v6 =	vadd.f32 v7, v6  }
0x73: {  	s10 =	ssub.s32 $0x440, s0  }
0x74: {  	s1 =	sshra.s32 s10, $0x2;
	[tilespmem:$0xC900] =	vst v6  }
0x75: {  	s1 =	sadd.s32 s1, s21;
	v6 =	vld [tilespmem:s20+$0x110]  }
0x76: {  	v7 =	vld [tilespmem:s1+$0x0];
	_ =	sdelay $0x4  }
0x77: {  	v6 =	vadd.f32 v7, v6  }
0x78: {  	s11 =	ssub.s32 $0x480, s0  }
0x79: {  	s1 =	sshra.s32 s11, $0x2;
	[tilespmem:$0xC910] =	vst v6  }
0x7a: {  	s1 =	sadd.s32 s1, s21;
	v6 =	vld [tilespmem:s20+$0x120]  }
0x7b: {  	v7 =	vld [tilespmem:s1+$0x0];
	_ =	sdelay $0x4  }
0x7c: {  	v6 =	vadd.f32 v7, v6  }
0x7d: {  	s13 =	ssub.s32 $0x4C0, s0  }
0x7e: {  	s1 =	sshra.s32 s13, $0x2;
	[tilespmem:$0xC920] =	vst v6  }
0x7f: {  	s1 =	sadd.s32 s1, s21;
	v6 =	vld [tilespmem:s20+$0x130]  }
0x80: {  	v7 =	vld [tilespmem:s1+$0x0];
	_ =	sdelay $0x4  }
0x81: {  	v6 =	vadd.f32 v7, v6  }
0x82: {  	s14 =	ssub.s32 $0x500, s0  }
0x83: {  	s1 =	sshra.s32 s14, $0x2;
	[tilespmem:$0xC930] =	vst v6  }
0x84: {  	s1 =	sadd.s32 s1, s21;
	v6 =	vld [tilespmem:s20+$0x140]  }
0x85: {  	v7 =	vld [tilespmem:s1+$0x0];
	_ =	sdelay $0x4  }
0x86: {  	v6 =	vadd.f32 v7, v6  }
0x87: {  	s15 =	ssub.s32 $0x540, s0  }
0x88: {  	s1 =	sshra.s32 s15, $0x2;
	[tilespmem:$0xC940] =	vst v6  }
0x89: {  	s1 =	sadd.s32 s1, s21;
	v6 =	vld [tilespmem:s20+$0x150]  }
0x8a: {  	v7 =	vld [tilespmem:s1+$0x0];
	_ =	sdelay $0x4  }
0x8b: {  	v6 =	vadd.f32 v7, v6  }
0x8c: {  	s16 =	ssub.s32 $0x580, s0  }
0x8d: {  	s1 =	sshra.s32 s16, $0x2;
	[tilespmem:$0xC950] =	vst v6  }
0x8e: {  	s1 =	sadd.s32 s1, s21;
	v6 =	vld [tilespmem:s20+$0x160]  }
0x8f: {  	v7 =	vld [tilespmem:s1+$0x0];
	_ =	sdelay $0x4  }
0x90: {  	v6 =	vadd.f32 v7, v6  }
0x91: {  	s17 =	ssub.s32 $0x5C0, s0  }
0x92: {  	s1 =	sshra.s32 s17, $0x2;
	[tilespmem:$0xC960] =	vst v6  }
0x93: {  	s1 =	sadd.s32 s1, s21;
	v6 =	vld [tilespmem:s20+$0x170]  }
0x94: {  	v7 =	vld [tilespmem:s1+$0x0];
	_ =	sdelay $0x4  }
0x95: {  	v6 =	vadd.f32 v7, v6  }
0x96: {  	s19 =	ssub.s32 $0x600, s0  }
0x97: {  	s1 =	sshra.s32 s19, $0x2;
	[tilespmem:$0xC970] =	vst v6  }
0x98: {  	s1 =	sadd.s32 s1, s21;
	v6 =	vld [tilespmem:s20+$0x180]  }
0x99: {  	v7 =	vld [tilespmem:s1+$0x0];
	_ =	sdelay $0x4  }
0x9a: {  	v6 =	vadd.f32 v7, v6  }
0x9b: {  	s22 =	ssub.s32 $0x640, s0  }
0x9c: {  	s1 =	sshra.s32 s22, $0x2;
	[tilespmem:$0xC980] =	vst v6  }
0x9d: {  	s1 =	sadd.s32 s1, s21;
	v6 =	vld [tilespmem:s20+$0x190]  }
0x9e: {  	v7 =	vld [tilespmem:s1+$0x0];
	_ =	sdelay $0x4  }
0x9f: {  	v6 =	vadd.f32 v7, v6  }
0xa0: {  	s23 =	ssub.s32 $0x680, s0  }
0xa1: {  	s1 =	sshra.s32 s23, $0x2;
	[tilespmem:$0xC990] =	vst v6  }
0xa2: {  	s1 =	sadd.s32 s1, s21;
	v6 =	vld [tilespmem:s20+$0x1A0]  }
0xa3: {  	v7 =	vld [tilespmem:s1+$0x0];
	_ =	sdelay $0x4  }
0xa4: {  	v6 =	vadd.f32 v7, v6  }
0xa5: {  	s24 =	ssub.s32 $0x6C0, s0  }
0xa6: {  	s1 =	sshra.s32 s24, $0x2;
	[tilespmem:$0xC9A0] =	vst v6  }
0xa7: {  	s1 =	sadd.s32 s1, s21;
	v6 =	vld [tilespmem:s20+$0x1B0]  }
0xa8: {  	v7 =	vld [tilespmem:s1+$0x0];
	_ =	sdelay $0x4  }
0xa9: {  	v6 =	vadd.f32 v7, v6  }
0xaa: {  	s25 =	ssub.s32 $0x700, s0  }
0xab: {  	s1 =	sshra.s32 s25, $0x2;
	[tilespmem:$0xC9B0] =	vst v6  }
0xac: {  	s1 =	sadd.s32 s1, s21;
	v6 =	vld [tilespmem:s20+$0x1C0]  }
0xad: {  	v7 =	vld [tilespmem:s1+$0x0];
	_ =	sdelay $0x3  }
0xae: {  	s31 =	ssub.s32 $0x740, s0  }
0xaf: {  	s2 =	sshra.s32 s31, $0x2;
	v6 =	vadd.f32 v7, v6  }
0xb0: {  	s30 =	rddreg [dreg:$0x8];
	s2 =	sadd.s32 s2, s21  }
0xb1: {  	s6 =	simm.s32 $0x800;
	s11 =	ssub.s32 $0x780, s0;
	s1 =	sadd.s32 $0x0, s30;
	[tilespmem:$0xC9C0] =	vst v6  }
.LBB2_2:
0xb2: {  	v6 =	vld [tilespmem:s20+$0x1D0]  }
0xb3: {  	v7 =	vld [tilespmem:s2+$0x0];
	_ =	sdelay $0x4  }
0xb4: {  	v6 =	vadd.f32 v7, v6;
	_ =	sdelay $0x1  }
0xb5: {  	s19 =	sshra.s32 s11, $0x2;
	[tilespmem:$0xC9D0] =	vst v6  }
0xb6: {  	s2 =	sadd.s32 s19, s21;
	v6 =	vld [tilespmem:s20+$0x1E0]  }
0xb7: {  	v7 =	vld [tilespmem:s2+$0x0];
	_ =	sdelay $0x4  }
0xb8: {  	v6 =	vadd.f32 v7, v6;
	_ =	sdelay $0x1  }
0xb9: {  	[tilespmem:$0xC9E0] =	vst v6  }
0xba: {  	v6 =	vld.idx.msk [tilespmem:v5+s29+$0x0 ss:$0x1], $0xffff  }
0xbb: {  	v7 =	vld [tilespmem:s20+$0x1F0];
	_ =	sdelay $0x2  }
0xbc: {  	s8 =	sadd.s32 $0x1, s8  }
0xbd: {  	s20 =	smulhi.u32 $0x51EB851F, s8  }
0xbe: {  	v6 =	vadd.f32 v6, v7  }
0xbf: {  	s3 =	sshrl.u32 s20, $0x4  }
0xc0: {  	s0 =	smov.u32 s6;
	s11 =	smul.u32 $0x19000, s3;
	[tilespmem:$0xC9F0] =	vst v6  }
0xc1: {  	[spmem:s1] =	stream.linear.scatter [tilespmem:s12], [sflag:$0x7], $0x200, $0x38;
	[tilespmem:$0x1E4D0] =	vst v63  }
0xc2: {  	s3 =	ssub.s32 s0, s11;
	_ =	swait.ge [sflag:s9], $0x200  }
0xc3: {  	s3 =	sadd.s32 $0x7C0, s3;
	[sflag:s9] =	ssyncset.done $0x0  }
0xc4: {  	s2 =	sshll.u32 s20, $0x5;
	s29 =	sshra.s32 s3, $0x2;
	[sflag:s9] =	ssyncadd.s32 $0xFFFFFE00  }
0xc5: {  	s20 =	sand.u32 $0x3FFFFE00, s2;
	v6 =	vld.idx.msk [tilespmem:v5+s29+$0xFFFFFE10 ss:$0x1], $0xffff  }
0xc6: {  	v7 =	vld [tilespmem:s20+$0x0];
	_ =	sdelay $0x4  }
0xc7: {  	v6 =	vadd.f32 v6, v7  }
0xc8: {  	s21 =	ssub.s32 $0x40, s11;
	s9 =	sshra.s32 s0, $0x2  }
0xc9: {  	s4 =	sshra.s32 s21, $0x2;
	s21 =	sadd.s32 s9, s18;
	[tilespmem:$0xC800] =	vst v6  }
0xca: {  	s4 =	sadd.s32 s4, s21;
	v6 =	vld [tilespmem:s20+$0x10]  }
0xcb: {  	v7 =	vld [tilespmem:s4+$0x0];
	_ =	sdelay $0x4  }
0xcc: {  	v6 =	vadd.f32 v7, v6  }
0xcd: {  	s22 =	ssub.s32 $0x80, s11  }
0xce: {  	s13 =	sshra.s32 s22, $0x2;
	[tilespmem:$0xC810] =	vst v6  }
0xcf: {  	s13 =	sadd.s32 s13, s21;
	v6 =	vld [tilespmem:s20+$0x20]  }
0xd0: {  	v7 =	vld [tilespmem:s13+$0x0];
	_ =	sdelay $0x4  }
0xd1: {  	v6 =	vadd.f32 v7, v6  }
0xd2: {  	s5 =	ssub.s32 $0xC0, s11  }
0xd3: {  	s12 =	sshra.s32 s5, $0x2;
	[tilespmem:$0xC820] =	vst v6  }
0xd4: {  	s12 =	sadd.s32 s12, s21;
	v6 =	vld [tilespmem:s20+$0x30]  }
0xd5: {  	v7 =	vld [tilespmem:s12+$0x0];
	_ =	sdelay $0x4  }
0xd6: {  	v6 =	vadd.f32 v7, v6  }
0xd7: {  	s23 =	ssub.s32 $0x100, s11  }
0xd8: {  	s1 =	sshra.s32 s23, $0x2;
	[tilespmem:$0xC830] =	vst v6  }
0xd9: {  	s1 =	sadd.s32 s1, s21;
	v6 =	vld [tilespmem:s20+$0x40]  }
0xda: {  	v7 =	vld [tilespmem:s1+$0x0];
	_ =	sdelay $0x4  }
0xdb: {  	v6 =	vadd.f32 v7, v6  }
0xdc: {  	s24 =	ssub.s32 $0x140, s11  }
0xdd: {  	s7 =	ssub.s32 $0x1C0, s11;
	s2 =	sshra.s32 s24, $0x2;
	[tilespmem:$0xC840] =	vst v6  }
0xde: {  	s15 =	sshra.s32 s7, $0x2;
	s7 =	sadd.s32 s2, s21;
	v6 =	vld [tilespmem:s20+$0x50]  }
0xdf: {  	v7 =	vld [tilespmem:s7+$0x0];
	_ =	sdelay $0x4  }
0xe0: {  	v6 =	vadd.f32 v7, v6  }
0xe1: {  	s25 =	ssub.s32 $0x180, s11  }
0xe2: {  	s14 =	ssub.s32 $0x2C0, s11;
	s5 =	sshra.s32 s25, $0x2;
	[tilespmem:$0xC850] =	vst v6  }
0xe3: {  	s17 =	sshra.s32 s14, $0x2;
	s14 =	sadd.s32 s5, s21;
	v6 =	vld [tilespmem:s20+$0x60]  }
0xe4: {  	v7 =	vld [tilespmem:s14+$0x0];
	_ =	sdelay $0x4  }
0xe5: {  	v6 =	vadd.f32 v7, v6;
	_ =	sdelay $0x1  }
0xe6: {  	[tilespmem:$0xC860] =	vst v6  }
0xe7: {  	s19 =	sadd.s32 s15, s21;
	v6 =	vld [tilespmem:s20+$0x70]  }
0xe8: {  	v7 =	vld [tilespmem:s19+$0x0];
	_ =	sdelay $0x4  }
0xe9: {  	v6 =	vadd.f32 v7, v6  }
0xea: {  	s30 =	ssub.s32 $0x200, s11  }
0xeb: {  	s16 =	sshra.s32 s30, $0x2;
	[tilespmem:$0xC870] =	vst v6  }
0xec: {  	s16 =	sadd.s32 s16, s21;
	v6 =	vld [tilespmem:s20+$0x80]  }
0xed: {  	v7 =	vld [tilespmem:s16+$0x0];
	_ =	sdelay $0x4  }
0xee: {  	v6 =	vadd.f32 v7, v6  }
0xef: {  	s10 =	ssub.s32 $0x240, s11  }
0xf0: {  	s10 =	sshra.s32 s10, $0x2;
	[tilespmem:$0xC880] =	vst v6  }
0xf1: {  	s15 =	sadd.s32 s10, s21;
	v6 =	vld [tilespmem:s20+$0x90]  }
0xf2: {  	v7 =	vld [tilespmem:s15+$0x0];
	_ =	sdelay $0x4  }
0xf3: {  	v6 =	vadd.f32 v7, v6  }
0xf4: {  	s31 =	ssub.s32 $0x280, s11  }
0xf5: {  	s3 =	sshra.s32 s31, $0x2;
	[tilespmem:$0xC890] =	vst v6  }
0xf6: {  	s3 =	sadd.s32 s3, s21;
	v6 =	vld [tilespmem:s20+$0xA0]  }
0xf7: {  	v7 =	vld [tilespmem:s3+$0x0];
	_ =	sdelay $0x4  }
0xf8: {  	v6 =	vadd.f32 v7, v6;
	_ =	sdelay $0x1  }
0xf9: {  	[tilespmem:$0xC8A0] =	vst v6  }
0xfa: {  	s10 =	sadd.s32 s17, s21;
	v6 =	vld [tilespmem:s20+$0xB0]  }
0xfb: {  	v7 =	vld [tilespmem:s10+$0x0];
	_ =	sdelay $0x4  }
0xfc: {  	v6 =	vadd.f32 v7, v6  }
0xfd: {  	s22 =	ssub.s32 $0x300, s11  }
0xfe: {  	s5 =	sshra.s32 s22, $0x2;
	[tilespmem:$0xC8B0] =	vst v6  }
0xff: {  	s31 =	sadd.s32 s5, s21;
	v6 =	vld [tilespmem:s20+$0xC0]  }
0x100: {  	v7 =	vld [tilespmem:s31+$0x0];
	_ =	sdelay $0x4  }
0x101: {  	v6 =	vadd.f32 v7, v6  }
0x102: {  	s23 =	ssub.s32 $0x340, s11  }
0x103: {  	s17 =	sshra.s32 s23, $0x2;
	[tilespmem:$0xC8C0] =	vst v6  }
0x104: {  	s30 =	sadd.s32 s17, s21;
	v6 =	vld [tilespmem:s20+$0xD0]  }
0x105: {  	v7 =	vld [tilespmem:s30+$0x0];
	_ =	sdelay $0x4  }
0x106: {  	v6 =	vadd.f32 v7, v6  }
0x107: {  	s25 =	ssub.s32 $0x380, s11  }
0x108: {  	s7 =	sshra.s32 s25, $0x2;
	[tilespmem:$0xC8D0] =	vst v6  }
0x109: {  	s1 =	sadd.s32 s7, s21;
	v6 =	vld [tilespmem:s20+$0xE0]  }
0x10a: {  	v7 =	vld [tilespmem:s1+$0x0];
	_ =	sdelay $0x4  }
0x10b: {  	v6 =	vadd.f32 v7, v6  }
0x10c: {  	s22 =	ssub.s32 $0x3C0, s11  }
0x10d: {  	s23 =	sshra.s32 s22, $0x2;
	[tilespmem:$0xC8E0] =	vst v6  }
0x10e: {  	s22 =	sadd.s32 s23, s21;
	v6 =	vld [tilespmem:s20+$0xF0]  }
0x10f: {  	v7 =	vld [tilespmem:s22+$0x0];
	_ =	sdelay $0x4  }
0x110: {  	v6 =	vadd.f32 v7, v6  }
0x111: {  	s0 =	ssub.s32 $0x400, s11  }
0x112: {  	s0 =	sshra.s32 s0, $0x2;
	[tilespmem:$0xC8F0] =	vst v6  }
0x113: {  	s0 =	sadd.s32 s0, s21;
	v6 =	vld [tilespmem:s20+$0x100]  }
0x114: {  	v7 =	vld [tilespmem:s0+$0x0];
	_ =	sdelay $0x4  }
0x115: {  	v6 =	vadd.f32 v7, v6  }
0x116: {  	s5 =	ssub.s32 $0x440, s11  }
0x117: {  	s10 =	sshra.s32 s5, $0x2;
	[tilespmem:$0xC900] =	vst v6  }
0x118: {  	s0 =	sadd.s32 s10, s21;
	v6 =	vld [tilespmem:s20+$0x110]  }
0x119: {  	v7 =	vld [tilespmem:s0+$0x0];
	_ =	sdelay $0x4  }
0x11a: {  	v6 =	vadd.f32 v7, v6  }
0x11b: {  	s4 =	ssub.s32 $0x480, s11  }
0x11c: {  	s13 =	sshra.s32 s4, $0x2;
	[tilespmem:$0xC910] =	vst v6  }
0x11d: {  	s0 =	sadd.s32 s13, s21;
	v6 =	vld [tilespmem:s20+$0x120]  }
0x11e: {  	v7 =	vld [tilespmem:s0+$0x0];
	_ =	sdelay $0x4  }
0x11f: {  	v6 =	vadd.f32 v7, v6  }
0x120: {  	s17 =	ssub.s32 $0x4C0, s11  }
0x121: {  	s17 =	sshra.s32 s17, $0x2;
	[tilespmem:$0xC920] =	vst v6  }
0x122: {  	s17 =	sadd.s32 s17, s21;
	v6 =	vld [tilespmem:s20+$0x130]  }
0x123: {  	v7 =	vld [tilespmem:s17+$0x0];
	_ =	sdelay $0x4  }
0x124: {  	v6 =	vadd.f32 v7, v6  }
0x125: {  	s24 =	ssub.s32 $0x500, s11  }
0x126: {  	s14 =	sshra.s32 s24, $0x2;
	[tilespmem:$0xC930] =	vst v6  }
0x127: {  	s0 =	sadd.s32 s14, s21;
	v6 =	vld [tilespmem:s20+$0x140]  }
0x128: {  	v7 =	vld [tilespmem:s0+$0x0];
	_ =	sdelay $0x4  }
0x129: {  	v6 =	vadd.f32 v7, v6  }
0x12a: {  	s23 =	ssub.s32 $0x540, s11  }
0x12b: {  	s15 =	sshra.s32 s23, $0x2;
	[tilespmem:$0xC940] =	vst v6  }
0x12c: {  	s0 =	sadd.s32 s15, s21;
	v6 =	vld [tilespmem:s20+$0x150]  }
0x12d: {  	v7 =	vld [tilespmem:s0+$0x0];
	_ =	sdelay $0x3  }
0x12e: {  	s2 =	ssub.s32 $0x580, s11  }
0x12f: {  	[dreg:$0x10] =	wrdreg s2;
	v6 =	vadd.f32 v7, v6  }
0x130: {  	s16 =	rddreg [dreg:$0x10]  }
0x131: {  	s0 =	sshra.s32 s16, $0x2;
	[tilespmem:$0xC950] =	vst v6  }
0x132: {  	s0 =	sadd.s32 s0, s21;
	v6 =	vld [tilespmem:s20+$0x160]  }
0x133: {  	v7 =	vld [tilespmem:s0+$0x0];
	_ =	sdelay $0x3  }
0x134: {  	s2 =	ssub.s32 $0x5C0, s11  }
0x135: {  	[dreg:$0xf] =	wrdreg s2;
	v6 =	vadd.f32 v7, v6  }
0x136: {  	s17 =	rddreg [dreg:$0xf]  }
0x137: {  	s0 =	sshra.s32 s17, $0x2;
	[tilespmem:$0xC960] =	vst v6  }
0x138: {  	s0 =	sadd.s32 s0, s21;
	v6 =	vld [tilespmem:s20+$0x170]  }
0x139: {  	v7 =	vld [tilespmem:s0+$0x0];
	_ =	sdelay $0x3  }
0x13a: {  	s2 =	ssub.s32 $0x600, s11  }
0x13b: {  	[dreg:$0xe] =	wrdreg s2;
	v6 =	vadd.f32 v7, v6  }
0x13c: {  	s19 =	rddreg [dreg:$0xe]  }
0x13d: {  	s0 =	sshra.s32 s19, $0x2;
	[tilespmem:$0xC970] =	vst v6  }
0x13e: {  	s0 =	sadd.s32 s0, s21;
	v6 =	vld [tilespmem:s20+$0x180]  }
0x13f: {  	v7 =	vld [tilespmem:s0+$0x0];
	_ =	sdelay $0x3  }
0x140: {  	s2 =	ssub.s32 $0x640, s11  }
0x141: {  	[dreg:$0xd] =	wrdreg s2;
	v6 =	vadd.f32 v7, v6  }
0x142: {  	s22 =	rddreg [dreg:$0xd]  }
0x143: {  	s0 =	sshra.s32 s22, $0x2;
	[tilespmem:$0xC980] =	vst v6  }
0x144: {  	s0 =	sadd.s32 s0, s21;
	v6 =	vld [tilespmem:s20+$0x190]  }
0x145: {  	v7 =	vld [tilespmem:s0+$0x0];
	_ =	sdelay $0x3  }
0x146: {  	s2 =	ssub.s32 $0x680, s11  }
0x147: {  	[dreg:$0xc] =	wrdreg s2;
	v6 =	vadd.f32 v7, v6  }
0x148: {  	s23 =	rddreg [dreg:$0xc]  }
0x149: {  	s0 =	sshra.s32 s23, $0x2;
	[tilespmem:$0xC990] =	vst v6  }
0x14a: {  	s0 =	sadd.s32 s0, s21;
	v6 =	vld [tilespmem:s20+$0x1A0]  }
0x14b: {  	v7 =	vld [tilespmem:s0+$0x0];
	_ =	sdelay $0x3  }
0x14c: {  	s2 =	ssub.s32 $0x6C0, s11  }
0x14d: {  	[dreg:$0xb] =	wrdreg s2;
	v6 =	vadd.f32 v7, v6  }
0x14e: {  	s24 =	rddreg [dreg:$0xb]  }
0x14f: {  	s0 =	sshra.s32 s24, $0x2;
	[tilespmem:$0xC9A0] =	vst v6  }
0x150: {  	s0 =	sadd.s32 s0, s21;
	v6 =	vld [tilespmem:s20+$0x1B0]  }
0x151: {  	v7 =	vld [tilespmem:s0+$0x0];
	_ =	sdelay $0x3  }
0x152: {  	s2 =	ssub.s32 $0x700, s11  }
0x153: {  	[dreg:$0xa] =	wrdreg s2;
	v6 =	vadd.f32 v7, v6  }
0x154: {  	s25 =	rddreg [dreg:$0xa]  }
0x155: {  	s0 =	sshra.s32 s25, $0x2;
	[tilespmem:$0xC9B0] =	vst v6  }
0x156: {  	s0 =	sadd.s32 s0, s21;
	v6 =	vld [tilespmem:s20+$0x1C0]  }
0x157: {  	v7 =	vld [tilespmem:s0+$0x0];
	_ =	sdelay $0x1  }
0x158: {  	p0 =	sne.s32 s6, $0x22000  }
.Ltmp0:
0x159: {  	s2 =	ssub.s32 $0x740, s11;
	(pc) =	sbr.rel @p0 .LBB2_2-.Ltmp0, $4  }
0x15a: {  	[dreg:$0x9] =	wrdreg s2  }
0x15b: {  	s6 =	sadd.s32 $0x800, s6;
	s11 =	ssub.s32 $0x780, s11;
	s31 =	rddreg [dreg:$0x9];
	v6 =	vadd.f32 v7, v6  }
0x15c: {  	s12 =	simm.s32 $0xC800;
	s30 =	rddreg [dreg:$0x8];
	s0 =	sshra.s32 s31, $0x2  }
0x15d: {  	s1 =	sadd.s32 s9, s30;
	s9 =	simm.s32 $0x7;
	s2 =	sadd.s32 s0, s21;
	[tilespmem:$0xC9C0] =	vst v6  }
0x15e: {  	v6 =	vld [tilespmem:s20+$0x1D0]  }
0x15f: {  	v7 =	vld [tilespmem:s2+$0x0];
	_ =	sdelay $0x4  }
0x160: {  	v6 =	vadd.f32 v7, v6;
	_ =	sdelay $0x1  }
0x161: {  	s0 =	sshra.s32 s11, $0x2;
	[tilespmem:$0xC9D0] =	vst v6  }
0x162: {  	s0 =	sadd.s32 s0, s21;
	v6 =	vld [tilespmem:s20+$0x1E0]  }
0x163: {  	v7 =	vld [tilespmem:s0+$0x0];
	_ =	sdelay $0x4  }
0x164: {  	v6 =	vadd.f32 v7, v6;
	_ =	sdelay $0x1  }
0x165: {  	[tilespmem:$0xC9E0] =	vst v6  }
0x166: {  	v6 =	vld.idx.msk [tilespmem:v5+s29+$0x0 ss:$0x1], $0xffff  }
0x167: {  	v7 =	vld [tilespmem:s20+$0x1F0];
	_ =	sdelay $0x4  }
0x168: {  	v6 =	vadd.f32 v6, v7;
	_ =	sdelay $0x1  }
0x169: {  	[tilespmem:$0xC9F0] =	vst v6  }
0x16a: {  	[spmem:s1] =	stream.linear.scatter [tilespmem:s12], [sflag:$0x7], $0x200, $0x38;
	[tilespmem:$0x1E4D0] =	vst v63  }
0x16b: {  	_ =	swait.ge [sflag:s9], $0x200  }
0x16c: {  	s19 =	simm.s32 $0x0;
	[sflag:s9] =	ssyncset.done $0x0  }
0x16d: {  	s24 =	simm.s32 $0x12CC0;
	s23 =	rddreg [dreg:$0x13];
	[sflag:s9] =	ssyncadd.s32 $0xFFFFFE00  }
0x16e: {  	[tilespmem:s24], [sflag:$0x7] =	stream.linear.gather [hbm4b:s23+s19], $0x1900, $0x38;
	[tilespmem:$0x1E4D0] =	vst v63  }
0x16f: {  	_ =	swait.ge [sflag:s9], $0x1900  }
0x170: {  	[sflag:s9] =	ssyncset.done $0x0  }
0x171: {  	[sflag:s9] =	ssyncadd.s32 $0xFFFFE700  }
0x172: {  	[tilespmem:$0x145C0] =	vst v1  }
0x173: {  	[tilespmem:$0x145D0] =	vst v1  }
0x174: {  	[tilespmem:$0x145E0] =	vst v1  }
0x175: {  	[tilespmem:$0x145F0] =	vst v1  }
0x176: {  	[tilespmem:$0x14600] =	vst v1  }
0x177: {  	[tilespmem:$0x14610] =	vst v1  }
0x178: {  	[tilespmem:$0x14620] =	vst v1  }
0x179: {  	s29 =	simm.s32 $0x14640;
	s25 =	rddreg [dreg:$0x15];
	[tilespmem:$0x14630] =	vst v1  }
0x17a: {  	[tilespmem:s29], [sflag:$0x7] =	stream.linear.gather [hbm4b:s25+s19], $0x80, $0x38;
	[tilespmem:$0x1E4D0] =	vst v63  }
0x17b: {  	_ =	swait.ge [sflag:s9], $0x80  }
0x17c: {  	[sflag:s9] =	ssyncset.done $0x0  }
0x17d: {  	s31 =	simm.s32 $0x146D0;
	s30 =	rddreg [dreg:$0x11];
	[sflag:s9] =	ssyncadd.s32 $0xFFFFFF80  }
0x17e: {  	[tilespmem:s31], [sflag:$0x7] =	stream.linear.gather [hbm4b:s30+s19], $0x1400, $0x38;
	[tilespmem:$0x1E4D0] =	vst v63  }
0x17f: {  	_ =	swait.ge [sflag:s9], $0x1400  }
0x180: {  	[sflag:s9] =	ssyncset.done $0x0  }
0x181: {  	[sflag:s9] =	ssyncadd.s32 $0xFFFFEC00  }
0x182: {  	[bflag:$0x0] =	sbarrier.arrive $0xFFFF  }
0x183: {  	v6 =	vld [tilespmem:$0x12CC0]  }
0x184: {  	v7 =	vld [tilespmem:$0x12CD0]  }
0x185: {  	v8 =	vld [tilespmem:$0x12CE0]  }
0x186: {  	v9 =	vld [tilespmem:$0x12CF0];
	_ =	sdelay $0x1  }
0x187: {  	v6 =	vmul.u32 $0x32, v6  }
0x188: {  	v7 =	vmul.u32 $0x32, v7  }
0x189: {  	v8 =	vmul.u32 $0x32, v8;
	v6 =	vadd.s32 v0, v6  }
0x18a: {  	s8 =	simm.s32 $0x32;
	s13 =	simm.s32 $0x12C00;
	s11 =	simm.s32 $0x6400;
	[tilespmem:$0x12C00] =	vst v6;
	v6 =	vadd.s32 v2, v7;
	v7 =	vmul.u32 $0x32, v9  }
0x18b: {  	s14 =	simm.s32 $0x12C40;
	s15 =	simm.s32 $0x1;
	s7 =	rddreg [dreg:$0x6];
	[tilespmem:$0x12C10] =	vst v6;
	v6 =	vadd.s32 v3, v8  }
0x18c: {  	s16 =	simm.s32 $0x12C80;
	s17 =	simm.s32 $0x2;
	s5 =	rddreg [dreg:$0x5];
	[tilespmem:$0x12C20] =	vst v6;
	v6 =	vadd.s32 v4, v7  }
0x18d: {  	s21 =	simm.s32 $0x3;
	s20 =	simm.s32 $0x4;
	s10 =	rddreg [dreg:$0x14];
	[tilespmem:$0x12C30] =	vst v6  }
0x18e: {  	[tilespmem:s19], [sflag:$0x1] =	stream.indirect.gather [spmem:s7], $0x200, s13, s8, $0xb8;
	[tilespmem:$0x1E4D0] =	vst v63  }
.LBB2_4:
0x18f: {  	s0 =	smul.u32 $0x3, s19;
	_ =	sdelay $0x1  }
0x190: {  	s6 =	sadd.s32 $0x1, s0  }
0x191: {  	s1 =	smul.u32 $0x32, s6;
	_ =	sdelay $0x1  }
0x192: {  	v6 =	vld [tilespmem:s1+$0x12CC0];
	_ =	sdelay $0x4  }
0x193: {  	v6 =	vmul.u32 $0x32, v6;
	_ =	sdelay $0x1  }
0x194: {  	v6 =	vadd.s32 v0, v6  }
0x195: {  	s1 =	sand.u32 $0x7FFE, s1;
	[tilespmem:$0x12C40] =	vst v6  }
0x196: {  	v6 =	vld [tilespmem:s1+$0x12CD0];
	_ =	sdelay $0x4  }
0x197: {  	v6 =	vmul.u32 $0x32, v6;
	_ =	sdelay $0x1  }
0x198: {  	v6 =	vadd.s32 v2, v6  }
0x199: {  	[tilespmem:$0x12C50] =	vst v6  }
0x19a: {  	v6 =	vld [tilespmem:s1+$0x12CE0];
	_ =	sdelay $0x4  }
0x19b: {  	v6 =	vmul.u32 $0x32, v6;
	_ =	sdelay $0x1  }
0x19c: {  	v6 =	vadd.s32 v3, v6  }
0x19d: {  	[tilespmem:$0x12C60] =	vst v6  }
0x19e: {  	v6 =	vld [tilespmem:s1+$0x12CF0];
	_ =	sdelay $0x4  }
0x19f: {  	v6 =	vmul.u32 $0x32, v6;
	_ =	sdelay $0x1  }
0x1a0: {  	p0 =	seq.s32 s19, $0x0;
	v6 =	vadd.s32 v4, v6  }
0x1a1: {  	s1 =	simm.s32 @!p0 $0x5;
	[tilespmem:$0x12C70] =	vst v6  }
0x1a2: {  	_ =	swait.ge @!p0 [sflag:s1], $0x6400  }
0x1a3: {  	[sflag:s1] =	ssyncset.done @!p0 $0x0  }
0x1a4: {  	[sflag:s1] =	ssyncadd.s32 @!p0 $0xFFFF9C00  }
0x1a5: {  	[tilespmem:s11], [sflag:$0x2] =	stream.indirect.gather [spmem:s7], $0x200, s14, s8, $0xb8;
	[tilespmem:$0x1E4D0] =	vst v63  }
0x1a6: {  	_ =	swait.ge [sflag:s15], $0x6400  }
0x1a7: {  	[sflag:s15] =	ssyncset.done $0x0  }
0x1a8: {  	[sflag:s15] =	ssyncadd.s32 $0xFFFF9C00  }
0x1a9: {  	v6 =	vld [tilespmem:s0+$0x14640];
	_ =	sdelay $0x4  }
0x1aa: {  	(v2sf) =	vpush v6, $0x0;
	_ =	sdelay $0xe  }
0x1ab: {  	s31 =	spop (v2sf)  }
0x1ac: {  	s1 =	sshll.u32 s31, $0xB  }
0x1ad: {  	s1 =	sshra.s32 s1, $0x2  }
0x1ae: {  	v16 =	vld [tilespmem:s1+$0x146D0]  }
0x1af: {  	v17 =	vld [tilespmem:s1+$0x146E0]  }
0x1b0: {  	v18 =	vld [tilespmem:s1+$0x146F0]  }
0x1b1: {  	v19 =	vld [tilespmem:s1+$0x14700]  }
0x1b2: {  	v20 =	vld [tilespmem:s1+$0x14710]  }
0x1b3: {  	v21 =	vld [tilespmem:s1+$0x14720]  }
0x1b4: {  	v22 =	vld [tilespmem:s1+$0x14730]  }
0x1b5: {  	v23 =	vld [tilespmem:s1+$0x14740]  }
0x1b6: {  	v24 =	vld [tilespmem:s1+$0x14750]  }
0x1b7: {  	v25 =	vld [tilespmem:s1+$0x14760]  }
0x1b8: {  	v26 =	vld [tilespmem:s1+$0x14770]  }
0x1b9: {  	v27 =	vld [tilespmem:s1+$0x14780]  }
0x1ba: {  	v28 =	vld [tilespmem:s1+$0x14790]  }
0x1bb: {  	v29 =	vld [tilespmem:s1+$0x147A0]  }
0x1bc: {  	v30 =	vld [tilespmem:s1+$0x147B0]  }
0x1bd: {  	v31 =	vld [tilespmem:s1+$0x147C0]  }
0x1be: {  	v32 =	vld [tilespmem:s1+$0x147D0]  }
0x1bf: {  	v33 =	vld [tilespmem:s1+$0x147E0]  }
0x1c0: {  	v34 =	vld [tilespmem:s1+$0x147F0]  }
0x1c1: {  	v35 =	vld [tilespmem:s1+$0x14800]  }
0x1c2: {  	v36 =	vld [tilespmem:s1+$0x14810]  }
0x1c3: {  	v15 =	vld [tilespmem:s1+$0x14820]  }
0x1c4: {  	v14 =	vld [tilespmem:s1+$0x14830]  }
0x1c5: {  	v13 =	vld [tilespmem:s1+$0x14840]  }
0x1c6: {  	v12 =	vld [tilespmem:s1+$0x14850]  }
0x1c7: {  	v11 =	vld [tilespmem:s1+$0x14860]  }
0x1c8: {  	v10 =	vld [tilespmem:s1+$0x14870]  }
0x1c9: {  	v37 =	vld [tilespmem:s1+$0x148C0]  }
0x1ca: {  	v9 =	vld [tilespmem:s1+$0x14880]  }
0x1cb: {  	v8 =	vld [tilespmem:s1+$0x14890]  }
0x1cc: {  	v7 =	vld [tilespmem:s1+$0x148A0]  }
0x1cd: {  	s2 =	simm.s32 $0x800;
	v6 =	vld [tilespmem:s1+$0x148B0];
	s1 =	simm.s32 $0x0  }
.LBB2_5:
0x1ce: {  	p1 =	sne.s32 s2, $0x18800;
	[tilespmem:s1+$0x1F0] =	vst.add.f32.msk $0xffff, v37  }
0x1cf: {  	[tilespmem:s1+$0x0] =	vst.add.f32.msk $0xffff, v16  }
0x1d0: {  	[tilespmem:s1+$0x10] =	vst.add.f32.msk $0xffff, v17  }
0x1d1: {  	[tilespmem:s1+$0x20] =	vst.add.f32.msk $0xffff, v18  }
0x1d2: {  	[tilespmem:s1+$0x30] =	vst.add.f32.msk $0xffff, v19  }
0x1d3: {  	[tilespmem:s1+$0x40] =	vst.add.f32.msk $0xffff, v20  }
0x1d4: {  	[tilespmem:s1+$0x50] =	vst.add.f32.msk $0xffff, v21  }
0x1d5: {  	[tilespmem:s1+$0x60] =	vst.add.f32.msk $0xffff, v22  }
0x1d6: {  	[tilespmem:s1+$0x70] =	vst.add.f32.msk $0xffff, v23  }
0x1d7: {  	[tilespmem:s1+$0x80] =	vst.add.f32.msk $0xffff, v24  }
0x1d8: {  	[tilespmem:s1+$0x90] =	vst.add.f32.msk $0xffff, v25  }
0x1d9: {  	[tilespmem:s1+$0xA0] =	vst.add.f32.msk $0xffff, v26  }
0x1da: {  	[tilespmem:s1+$0xB0] =	vst.add.f32.msk $0xffff, v27  }
0x1db: {  	[tilespmem:s1+$0xC0] =	vst.add.f32.msk $0xffff, v28  }
0x1dc: {  	[tilespmem:s1+$0xD0] =	vst.add.f32.msk $0xffff, v29  }
0x1dd: {  	[tilespmem:s1+$0xE0] =	vst.add.f32.msk $0xffff, v30  }
0x1de: {  	[tilespmem:s1+$0xF0] =	vst.add.f32.msk $0xffff, v31  }
0x1df: {  	[tilespmem:s1+$0x100] =	vst.add.f32.msk $0xffff, v32  }
0x1e0: {  	[tilespmem:s1+$0x110] =	vst.add.f32.msk $0xffff, v33  }
0x1e1: {  	[tilespmem:s1+$0x120] =	vst.add.f32.msk $0xffff, v34  }
0x1e2: {  	[tilespmem:s1+$0x130] =	vst.add.f32.msk $0xffff, v35  }
0x1e3: {  	[tilespmem:s1+$0x140] =	vst.add.f32.msk $0xffff, v36  }
0x1e4: {  	[tilespmem:s1+$0x150] =	vst.add.f32.msk $0xffff, v15  }
0x1e5: {  	[tilespmem:s1+$0x160] =	vst.add.f32.msk $0xffff, v14  }
0x1e6: {  	[tilespmem:s1+$0x170] =	vst.add.f32.msk $0xffff, v13  }
0x1e7: {  	[tilespmem:s1+$0x180] =	vst.add.f32.msk $0xffff, v12  }
0x1e8: {  	[tilespmem:s1+$0x190] =	vst.add.f32.msk $0xffff, v11  }
.Ltmp1:
0x1e9: {  	[tilespmem:s1+$0x1A0] =	vst.add.f32.msk $0xffff, v10;
	(pc) =	sbr.rel @p1 .LBB2_5-.Ltmp1, $4  }
0x1ea: {  	[tilespmem:s1+$0x1B0] =	vst.add.f32.msk $0xffff, v9  }
0x1eb: {  	[tilespmem:s1+$0x1C0] =	vst.add.f32.msk $0xffff, v8  }
0x1ec: {  	[tilespmem:s1+$0x1D0] =	vst.add.f32.msk $0xffff, v7  }
0x1ed: {  	[tilespmem:s1+$0x1E0] =	vst.add.f32.msk $0xffff, v6;
	s1 =	sshra.s32 s2, $0x2;
	s2 =	sadd.s32 $0x800, s2  }
0x1ee: {  	[tilespmem:s1+$0x1F0] =	vst.add.f32.msk $0xffff, v37  }
0x1ef: {  	[tilespmem:s1+$0x0] =	vst.add.f32.msk $0xffff, v16  }
0x1f0: {  	[tilespmem:s1+$0x10] =	vst.add.f32.msk $0xffff, v17  }
0x1f1: {  	[tilespmem:s1+$0x20] =	vst.add.f32.msk $0xffff, v18  }
0x1f2: {  	[tilespmem:s1+$0x30] =	vst.add.f32.msk $0xffff, v19  }
0x1f3: {  	[tilespmem:s1+$0x40] =	vst.add.f32.msk $0xffff, v20  }
0x1f4: {  	[tilespmem:s1+$0x50] =	vst.add.f32.msk $0xffff, v21  }
0x1f5: {  	[tilespmem:s1+$0x60] =	vst.add.f32.msk $0xffff, v22  }
0x1f6: {  	[tilespmem:s1+$0x70] =	vst.add.f32.msk $0xffff, v23  }
0x1f7: {  	[tilespmem:s1+$0x80] =	vst.add.f32.msk $0xffff, v24  }
0x1f8: {  	[tilespmem:s1+$0x90] =	vst.add.f32.msk $0xffff, v25  }
0x1f9: {  	[tilespmem:s1+$0xA0] =	vst.add.f32.msk $0xffff, v26  }
0x1fa: {  	[tilespmem:s1+$0xB0] =	vst.add.f32.msk $0xffff, v27  }
0x1fb: {  	[tilespmem:s1+$0xC0] =	vst.add.f32.msk $0xffff, v28  }
0x1fc: {  	[tilespmem:s1+$0xD0] =	vst.add.f32.msk $0xffff, v29  }
0x1fd: {  	[tilespmem:s1+$0xE0] =	vst.add.f32.msk $0xffff, v30  }
0x1fe: {  	[tilespmem:s1+$0xF0] =	vst.add.f32.msk $0xffff, v31  }
0x1ff: {  	[tilespmem:s1+$0x100] =	vst.add.f32.msk $0xffff, v32  }
0x200: {  	[tilespmem:s1+$0x110] =	vst.add.f32.msk $0xffff, v33  }
0x201: {  	[tilespmem:s1+$0x120] =	vst.add.f32.msk $0xffff, v34  }
0x202: {  	[tilespmem:s1+$0x130] =	vst.add.f32.msk $0xffff, v35  }
0x203: {  	[tilespmem:s1+$0x140] =	vst.add.f32.msk $0xffff, v36;
	s2 =	sadd.s32 s10, s0;
	s3 =	sand.u32 $0x7, s0  }
0x204: {  	[tilespmem:s1+$0x150] =	vst.add.f32.msk $0xffff, v15;
	p1 =	seq.s32 s2, $0x0;
	p2 =	sne.s32 s3, $0x0  }
0x205: {  	[tilespmem:s1+$0x160] =	vst.add.f32.msk $0xffff, v14;
	p1 =	por !p1, !p2  }
0x206: {  	[tilespmem:s1+$0x170] =	vst.add.f32.msk $0xffff, v13;
	s3 =	simm.s32 $0x1;
	p1 =	por !p1, !p1  }
0x207: {  	[tilespmem:s1+$0x180] =	vst.add.f32.msk $0xffff, v12;
	s4 =	smul.u32 $0x180, s19;
	s2 =	sshrl.u32 s2, $0x3;
	s3 =	simm.s32 @!p1 $0x0  }
0x208: {  	[tilespmem:s1+$0x190] =	vst.add.f32.msk $0xffff, v11;
	s2 =	ssub.s32 s2, s3  }
0x209: {  	[tilespmem:s1+$0x1A0] =	vst.add.f32.msk $0xffff, v10;
	s31 =	sand.u32 $0x380, s4;
	s2 =	sshll.u32 s2, $0xC  }
0x20a: {  	[tilespmem:s1+$0x1B0] =	vst.add.f32.msk $0xffff, v9;
	s2 =	sor.u32 s31, s2  }
0x20b: {  	[tilespmem:s1+$0x1C0] =	vst.add.f32.msk $0xffff, v8;
	s2 =	sshrl.u32 s2, $0x3  }
0x20c: {  	[tilespmem:s1+$0x1D0] =	vst.add.f32.msk $0xffff, v7;
	s2 =	sadd.s32 s5, s2  }
0x20d: {  	[tilespmem:s1+$0x1E0] =	vst.add.f32.msk $0xffff, v6;
	s1 =	simm.s32 $0x800;
	s4 =	simm.s32 $0x0;
	s3 =	sadd.s32 $0x40000, s2  }
.LBB2_7:
0x20e: {  	[hbm4b:s2+s26] =	stream.strided.scatter [tilespmem:s4], [sflag:$0x4], $0x200, s28, s26, $0x38;
	[tilespmem:$0x1E4D0] =	vst v63  }
0x20f: {  	s4 =	smov.u32 s1;
	s2 =	smov.u32 s3;
	p1 =	sne.s32 s1, $0x18800  }
.Ltmp2:
0x210: {  	s1 =	sadd.s32 $0x800, s1;
	(pc) =	sbr.rel @p1 .LBB2_7-.Ltmp2, $2  }
0x211: {  	_ =	sdelay $0x2  }
0x212: {  	s3 =	sadd.s32 $0x40000, s3;
	s4 =	sshra.s32 s4, $0x2  }
0x213: {  	s1 =	sadd.s32 $0x2, s0  }
0x214: {  	s0 =	smul.u32 $0x32, s1  }
0x215: {  	[hbm4b:s2+s26] =	stream.strided.scatter [tilespmem:s4], [sflag:$0x4], $0x200, s28, s26, $0x38;
	[tilespmem:$0x1E4D0] =	vst v63  }
0x216: {  	v6 =	vld [tilespmem:s0+$0x12CC0];
	_ =	sdelay $0x4  }
0x217: {  	v6 =	vmul.u32 $0x32, v6;
	_ =	sdelay $0x1  }
0x218: {  	v6 =	vadd.s32 v0, v6  }
0x219: {  	s0 =	sand.u32 $0x7FFE, s0;
	[tilespmem:$0x12C80] =	vst v6  }
0x21a: {  	v6 =	vld [tilespmem:s0+$0x12CD0];
	_ =	sdelay $0x4  }
0x21b: {  	v6 =	vmul.u32 $0x32, v6;
	_ =	sdelay $0x1  }
0x21c: {  	v6 =	vadd.s32 v2, v6  }
0x21d: {  	[tilespmem:$0x12C90] =	vst v6  }
0x21e: {  	v6 =	vld [tilespmem:s0+$0x12CE0];
	_ =	sdelay $0x4  }
0x21f: {  	v6 =	vmul.u32 $0x32, v6;
	_ =	sdelay $0x1  }
0x220: {  	v6 =	vadd.s32 v3, v6  }
0x221: {  	[tilespmem:$0x12CA0] =	vst v6  }
0x222: {  	v6 =	vld [tilespmem:s0+$0x12CF0];
	_ =	sdelay $0x4  }
0x223: {  	v6 =	vmul.u32 $0x32, v6;
	_ =	sdelay $0x1  }
0x224: {  	v6 =	vadd.s32 v4, v6  }
0x225: {  	s0 =	simm.s32 @!p0 $0x6;
	[tilespmem:$0x12CB0] =	vst v6  }
0x226: {  	_ =	swait.ge @!p0 [sflag:s0], $0x6400  }
0x227: {  	[sflag:s0] =	ssyncset.done @!p0 $0x0  }
0x228: {  	[sflag:s0] =	ssyncadd.s32 @!p0 $0xFFFF9C00  }
0x229: {  	[tilespmem:s12], [sflag:$0x3] =	stream.indirect.gather [spmem:s7], $0x200, s16, s8, $0xb8;
	[tilespmem:$0x1E4D0] =	vst v63  }
0x22a: {  	_ =	swait.ge [sflag:s17], $0x6400  }
0x22b: {  	[sflag:s17] =	ssyncset.done $0x0  }
0x22c: {  	[sflag:s17] =	ssyncadd.s32 $0xFFFF9C00  }
0x22d: {  	v6 =	vld [tilespmem:s6+$0x14640];
	_ =	sdelay $0x4  }
0x22e: {  	(v2sf) =	vpush v6, $0x0;
	_ =	sdelay $0xe  }
0x22f: {  	s31 =	spop (v2sf)  }
0x230: {  	s0 =	sshll.u32 s31, $0xB  }
0x231: {  	s0 =	sshra.s32 s0, $0x2  }
0x232: {  	v9 =	vld [tilespmem:s0+$0x146D0]  }
0x233: {  	v10 =	vld [tilespmem:s0+$0x146E0]  }
0x234: {  	v11 =	vld [tilespmem:s0+$0x146F0]  }
0x235: {  	v12 =	vld [tilespmem:s0+$0x14700]  }
0x236: {  	v13 =	vld [tilespmem:s0+$0x14710]  }
0x237: {  	v14 =	vld [tilespmem:s0+$0x14720]  }
0x238: {  	v15 =	vld [tilespmem:s0+$0x14730]  }
0x239: {  	v16 =	vld [tilespmem:s0+$0x14740]  }
0x23a: {  	v17 =	vld [tilespmem:s0+$0x14750]  }
0x23b: {  	v18 =	vld [tilespmem:s0+$0x14760]  }
0x23c: {  	v19 =	vld [tilespmem:s0+$0x14770]  }
0x23d: {  	v20 =	vld [tilespmem:s0+$0x14780]  }
0x23e: {  	v21 =	vld [tilespmem:s0+$0x14790]  }
0x23f: {  	v22 =	vld [tilespmem:s0+$0x147A0]  }
0x240: {  	v23 =	vld [tilespmem:s0+$0x147B0]  }
0x241: {  	v24 =	vld [tilespmem:s0+$0x147C0]  }
0x242: {  	v25 =	vld [tilespmem:s0+$0x147D0]  }
0x243: {  	v26 =	vld [tilespmem:s0+$0x147E0]  }
0x244: {  	v27 =	vld [tilespmem:s0+$0x147F0]  }
0x245: {  	v28 =	vld [tilespmem:s0+$0x14800]  }
0x246: {  	v29 =	vld [tilespmem:s0+$0x14810]  }
0x247: {  	v30 =	vld [tilespmem:s0+$0x14820]  }
0x248: {  	v31 =	vld [tilespmem:s0+$0x14830]  }
0x249: {  	v32 =	vld [tilespmem:s0+$0x14840]  }
0x24a: {  	v33 =	vld [tilespmem:s0+$0x14850]  }
0x24b: {  	v34 =	vld [tilespmem:s0+$0x14860]  }
0x24c: {  	v35 =	vld [tilespmem:s0+$0x14870]  }
0x24d: {  	v37 =	vld [tilespmem:s0+$0x148C0]  }
0x24e: {  	v36 =	vld [tilespmem:s0+$0x14880]  }
0x24f: {  	v8 =	vld [tilespmem:s0+$0x14890]  }
0x250: {  	v7 =	vld [tilespmem:s0+$0x148A0]  }
0x251: {  	s2 =	simm.s32 $0x800;
	v6 =	vld [tilespmem:s0+$0x148B0];
	s0 =	simm.s32 $0x0  }
.LBB2_9:
0x252: {  	p0 =	sne.s32 s2, $0x18800;
	[tilespmem:s0+$0x65F0] =	vst.add.f32.msk $0xffff, v37  }
0x253: {  	[tilespmem:s0+$0x6400] =	vst.add.f32.msk $0xffff, v9  }
0x254: {  	[tilespmem:s0+$0x6410] =	vst.add.f32.msk $0xffff, v10  }
0x255: {  	[tilespmem:s0+$0x6420] =	vst.add.f32.msk $0xffff, v11  }
0x256: {  	[tilespmem:s0+$0x6430] =	vst.add.f32.msk $0xffff, v12  }
0x257: {  	[tilespmem:s0+$0x6440] =	vst.add.f32.msk $0xffff, v13  }
0x258: {  	[tilespmem:s0+$0x6450] =	vst.add.f32.msk $0xffff, v14  }
0x259: {  	[tilespmem:s0+$0x6460] =	vst.add.f32.msk $0xffff, v15  }
0x25a: {  	[tilespmem:s0+$0x6470] =	vst.add.f32.msk $0xffff, v16  }
0x25b: {  	[tilespmem:s0+$0x6480] =	vst.add.f32.msk $0xffff, v17  }
0x25c: {  	[tilespmem:s0+$0x6490] =	vst.add.f32.msk $0xffff, v18  }
0x25d: {  	[tilespmem:s0+$0x64A0] =	vst.add.f32.msk $0xffff, v19  }
0x25e: {  	[tilespmem:s0+$0x64B0] =	vst.add.f32.msk $0xffff, v20  }
0x25f: {  	[tilespmem:s0+$0x64C0] =	vst.add.f32.msk $0xffff, v21  }
0x260: {  	[tilespmem:s0+$0x64D0] =	vst.add.f32.msk $0xffff, v22  }
0x261: {  	[tilespmem:s0+$0x64E0] =	vst.add.f32.msk $0xffff, v23  }
0x262: {  	[tilespmem:s0+$0x64F0] =	vst.add.f32.msk $0xffff, v24  }
0x263: {  	[tilespmem:s0+$0x6500] =	vst.add.f32.msk $0xffff, v25  }
0x264: {  	[tilespmem:s0+$0x6510] =	vst.add.f32.msk $0xffff, v26  }
0x265: {  	[tilespmem:s0+$0x6520] =	vst.add.f32.msk $0xffff, v27  }
0x266: {  	[tilespmem:s0+$0x6530] =	vst.add.f32.msk $0xffff, v28  }
0x267: {  	[tilespmem:s0+$0x6540] =	vst.add.f32.msk $0xffff, v29  }
0x268: {  	[tilespmem:s0+$0x6550] =	vst.add.f32.msk $0xffff, v30  }
0x269: {  	[tilespmem:s0+$0x6560] =	vst.add.f32.msk $0xffff, v31  }
0x26a: {  	[tilespmem:s0+$0x6570] =	vst.add.f32.msk $0xffff, v32  }
0x26b: {  	[tilespmem:s0+$0x6580] =	vst.add.f32.msk $0xffff, v33  }
0x26c: {  	[tilespmem:s0+$0x6590] =	vst.add.f32.msk $0xffff, v34  }
.Ltmp3:
0x26d: {  	[tilespmem:s0+$0x65A0] =	vst.add.f32.msk $0xffff, v35;
	(pc) =	sbr.rel @p0 .LBB2_9-.Ltmp3, $4  }
0x26e: {  	[tilespmem:s0+$0x65B0] =	vst.add.f32.msk $0xffff, v36  }
0x26f: {  	[tilespmem:s0+$0x65C0] =	vst.add.f32.msk $0xffff, v8  }
0x270: {  	[tilespmem:s0+$0x65D0] =	vst.add.f32.msk $0xffff, v7  }
0x271: {  	[tilespmem:s0+$0x65E0] =	vst.add.f32.msk $0xffff, v6;
	s0 =	sshra.s32 s2, $0x2;
	s2 =	sadd.s32 $0x800, s2  }
0x272: {  	[tilespmem:s0+$0x65F0] =	vst.add.f32.msk $0xffff, v37  }
0x273: {  	[tilespmem:s0+$0x6400] =	vst.add.f32.msk $0xffff, v9  }
0x274: {  	[tilespmem:s0+$0x6410] =	vst.add.f32.msk $0xffff, v10  }
0x275: {  	[tilespmem:s0+$0x6420] =	vst.add.f32.msk $0xffff, v11  }
0x276: {  	[tilespmem:s0+$0x6430] =	vst.add.f32.msk $0xffff, v12  }
0x277: {  	[tilespmem:s0+$0x6440] =	vst.add.f32.msk $0xffff, v13  }
0x278: {  	[tilespmem:s0+$0x6450] =	vst.add.f32.msk $0xffff, v14  }
0x279: {  	[tilespmem:s0+$0x6460] =	vst.add.f32.msk $0xffff, v15  }
0x27a: {  	[tilespmem:s0+$0x6470] =	vst.add.f32.msk $0xffff, v16  }
0x27b: {  	[tilespmem:s0+$0x6480] =	vst.add.f32.msk $0xffff, v17  }
0x27c: {  	[tilespmem:s0+$0x6490] =	vst.add.f32.msk $0xffff, v18  }
0x27d: {  	[tilespmem:s0+$0x64A0] =	vst.add.f32.msk $0xffff, v19  }
0x27e: {  	[tilespmem:s0+$0x64B0] =	vst.add.f32.msk $0xffff, v20  }
0x27f: {  	[tilespmem:s0+$0x64C0] =	vst.add.f32.msk $0xffff, v21  }
0x280: {  	[tilespmem:s0+$0x64D0] =	vst.add.f32.msk $0xffff, v22  }
0x281: {  	[tilespmem:s0+$0x64E0] =	vst.add.f32.msk $0xffff, v23  }
0x282: {  	[tilespmem:s0+$0x64F0] =	vst.add.f32.msk $0xffff, v24  }
0x283: {  	[tilespmem:s0+$0x6500] =	vst.add.f32.msk $0xffff, v25  }
0x284: {  	[tilespmem:s0+$0x6510] =	vst.add.f32.msk $0xffff, v26  }
0x285: {  	[tilespmem:s0+$0x6520] =	vst.add.f32.msk $0xffff, v27  }
0x286: {  	[tilespmem:s0+$0x6530] =	vst.add.f32.msk $0xffff, v28  }
0x287: {  	[tilespmem:s0+$0x6540] =	vst.add.f32.msk $0xffff, v29  }
0x288: {  	[tilespmem:s0+$0x6550] =	vst.add.f32.msk $0xffff, v30  }
0x289: {  	[tilespmem:s0+$0x6560] =	vst.add.f32.msk $0xffff, v31  }
0x28a: {  	[tilespmem:s0+$0x6570] =	vst.add.f32.msk $0xffff, v32  }
0x28b: {  	[tilespmem:s0+$0x6580] =	vst.add.f32.msk $0xffff, v33  }
0x28c: {  	[tilespmem:s0+$0x6590] =	vst.add.f32.msk $0xffff, v34  }
0x28d: {  	[tilespmem:s0+$0x65A0] =	vst.add.f32.msk $0xffff, v35  }
0x28e: {  	[tilespmem:s0+$0x65B0] =	vst.add.f32.msk $0xffff, v36;
	s2 =	sadd.s32 s10, s6;
	s3 =	sshll.u32 s6, $0x4  }
0x28f: {  	[tilespmem:s0+$0x65C0] =	vst.add.f32.msk $0xffff, v8;
	s2 =	sshll.u32 s2, $0x6;
	s3 =	sand.u32 $0x70, s3  }
0x290: {  	[tilespmem:s0+$0x65D0] =	vst.add.f32.msk $0xffff, v7;
	s2 =	sand.u32 $0xFFFFE00, s2;
	s3 =	sadd.s32 s5, s3  }
0x291: {  	[tilespmem:s0+$0x65E0] =	vst.add.f32.msk $0xffff, v6;
	s31 =	simm.s32 $0x6400;
	s0 =	sadd.s32 s2, s3;
	s2 =	simm.s32 $0x800  }
0x292: {  	[hbm4b:s0+s26] =	stream.strided.scatter [tilespmem:s31], [sflag:$0x5], $0x200, s28, s26, $0x38;
	[tilespmem:$0x1E4D0] =	vst v63  }
.LBB2_11:
0x293: {  	p0 =	sne.s32 s2, $0x18800  }
.Ltmp4:
0x294: {  	_ = 	snop;
	(pc) =	sbr.rel @p0 .LBB2_11-.Ltmp4, $4  }
0x295: {  	_ = 	snop  }
0x296: {  	s3 =	sshra.s32 s2, $0x2;
	s2 =	sadd.s32 $0x800, s2  }
0x297: {  	s0 =	sadd.s32 $0x40000, s0;
	s3 =	sadd.s32 $0x6400, s3  }
0x298: {  	[hbm4b:s0+s26] =	stream.strided.scatter [tilespmem:s3], [sflag:$0x5], $0x200, s28, s26, $0x38;
	[tilespmem:$0x1E4D0] =	vst v63  }
0x299: {  	s0 =	smul.u32 $0x258, s19;
	_ =	sdelay $0x1  }
0x29a: {  	s0 =	sshra.s32 s0, $0x2  }
0x29b: {  	v6 =	vld [tilespmem:s0+$0x12D56];
	_ =	sdelay $0x4  }
0x29c: {  	v6 =	vmul.u32 $0x32, v6;
	_ =	sdelay $0x1  }
0x29d: {  	v6 =	vadd.s32 v0, v6  }
0x29e: {  	[tilespmem:$0x12C00] =	vst v6  }
0x29f: {  	v6 =	vld [tilespmem:s0+$0x12D66];
	_ =	sdelay $0x4  }
0x2a0: {  	v6 =	vmul.u32 $0x32, v6;
	_ =	sdelay $0x1  }
0x2a1: {  	v6 =	vadd.s32 v2, v6  }
0x2a2: {  	[tilespmem:$0x12C10] =	vst v6  }
0x2a3: {  	v6 =	vld [tilespmem:s0+$0x12D76];
	_ =	sdelay $0x4  }
0x2a4: {  	v6 =	vmul.u32 $0x32, v6;
	_ =	sdelay $0x1  }
0x2a5: {  	v6 =	vadd.s32 v3, v6  }
0x2a6: {  	[tilespmem:$0x12C20] =	vst v6  }
0x2a7: {  	v6 =	vld [tilespmem:s0+$0x12D86];
	_ =	sdelay $0x4  }
0x2a8: {  	v6 =	vmul.u32 $0x32, v6;
	_ =	sdelay $0x1  }
0x2a9: {  	v6 =	vadd.s32 v4, v6  }
0x2aa: {  	[tilespmem:$0x12C30] =	vst v6  }
0x2ab: {  	_ =	swait.ge [sflag:s20], $0x6400  }
0x2ac: {  	[sflag:s20] =	ssyncset.done $0x0  }
0x2ad: {  	s25 =	simm.s32 $0x0;
	[sflag:s20] =	ssyncadd.s32 $0xFFFF9C00  }
0x2ae: {  	[tilespmem:s25], [sflag:$0x1] =	stream.indirect.gather [spmem:s7], $0x200, s13, s8, $0xb8;
	[tilespmem:$0x1E4D0] =	vst v63  }
0x2af: {  	_ =	swait.ge [sflag:s21], $0x6400  }
0x2b0: {  	[sflag:s21] =	ssyncset.done $0x0  }
0x2b1: {  	[sflag:s21] =	ssyncadd.s32 $0xFFFF9C00  }
0x2b2: {  	v6 =	vld [tilespmem:s1+$0x14640];
	_ =	sdelay $0x4  }
0x2b3: {  	(v2sf) =	vpush v6, $0x0;
	_ =	sdelay $0xe  }
0x2b4: {  	s29 =	spop (v2sf)  }
0x2b5: {  	s0 =	sshll.u32 s29, $0xB  }
0x2b6: {  	s2 =	sshra.s32 s0, $0x2  }
0x2b7: {  	v6 =	vld [tilespmem:s2+$0x146D0]  }
0x2b8: {  	v7 =	vld [tilespmem:s2+$0x146E0]  }
0x2b9: {  	v8 =	vld [tilespmem:s2+$0x146F0]  }
0x2ba: {  	v9 =	vld [tilespmem:s2+$0x14700]  }
0x2bb: {  	v10 =	vld [tilespmem:s2+$0x14710]  }
0x2bc: {  	v11 =	vld [tilespmem:s2+$0x14720]  }
0x2bd: {  	v12 =	vld [tilespmem:s2+$0x14730]  }
0x2be: {  	v13 =	vld [tilespmem:s2+$0x14740]  }
0x2bf: {  	v14 =	vld [tilespmem:s2+$0x14750]  }
0x2c0: {  	v15 =	vld [tilespmem:s2+$0x14760]  }
0x2c1: {  	v16 =	vld [tilespmem:s2+$0x14770]  }
0x2c2: {  	v17 =	vld [tilespmem:s2+$0x14780]  }
0x2c3: {  	v18 =	vld [tilespmem:s2+$0x14790]  }
0x2c4: {  	v19 =	vld [tilespmem:s2+$0x147A0]  }
0x2c5: {  	v20 =	vld [tilespmem:s2+$0x147B0]  }
0x2c6: {  	v21 =	vld [tilespmem:s2+$0x147C0]  }
0x2c7: {  	v22 =	vld [tilespmem:s2+$0x147D0]  }
0x2c8: {  	v23 =	vld [tilespmem:s2+$0x147E0]  }
0x2c9: {  	v24 =	vld [tilespmem:s2+$0x147F0]  }
0x2ca: {  	v25 =	vld [tilespmem:s2+$0x14800]  }
0x2cb: {  	v26 =	vld [tilespmem:s2+$0x14810]  }
0x2cc: {  	v27 =	vld [tilespmem:s2+$0x14820]  }
0x2cd: {  	v28 =	vld [tilespmem:s2+$0x14830]  }
0x2ce: {  	v29 =	vld [tilespmem:s2+$0x14840]  }
0x2cf: {  	v30 =	vld [tilespmem:s2+$0x14850]  }
0x2d0: {  	v31 =	vld [tilespmem:s2+$0x14860]  }
0x2d1: {  	v32 =	vld [tilespmem:s2+$0x14870]  }
0x2d2: {  	v37 =	vld [tilespmem:s2+$0x148C0]  }
0x2d3: {  	s30 =	sadd.s32 s10, s1;
	s31 =	sshll.u32 s1, $0x4;
	v33 =	vld [tilespmem:s2+$0x14880]  }
0x2d4: {  	s1 =	sand.u32 $0x70, s31;
	s0 =	sshll.u32 s30, $0x6;
	v34 =	vld [tilespmem:s2+$0x14890]  }
0x2d5: {  	s1 =	sadd.s32 s5, s1;
	v35 =	vld [tilespmem:s2+$0x148A0];
	s0 =	sand.u32 $0xFFFFE00, s0  }
0x2d6: {  	v36 =	vld [tilespmem:s2+$0x148B0];
	s2 =	simm.s32 $0x800;
	s0 =	sadd.s32 s0, s1;
	s1 =	simm.s32 $0x0  }
.LBB2_13:
0x2d7: {  	p0 =	seq.s32 s2, $0x18800;
	[tilespmem:s1+$0xC9F0] =	vst.add.f32.msk $0xffff, v37  }
0x2d8: {  	[tilespmem:s1+$0xC800] =	vst.add.f32.msk $0xffff, v6  }
0x2d9: {  	[tilespmem:s1+$0xC810] =	vst.add.f32.msk $0xffff, v7  }
0x2da: {  	[tilespmem:s1+$0xC820] =	vst.add.f32.msk $0xffff, v8  }
0x2db: {  	[tilespmem:s1+$0xC830] =	vst.add.f32.msk $0xffff, v9  }
0x2dc: {  	[tilespmem:s1+$0xC840] =	vst.add.f32.msk $0xffff, v10  }
0x2dd: {  	[tilespmem:s1+$0xC850] =	vst.add.f32.msk $0xffff, v11  }
0x2de: {  	[tilespmem:s1+$0xC860] =	vst.add.f32.msk $0xffff, v12  }
0x2df: {  	[tilespmem:s1+$0xC870] =	vst.add.f32.msk $0xffff, v13  }
0x2e0: {  	[tilespmem:s1+$0xC880] =	vst.add.f32.msk $0xffff, v14  }
0x2e1: {  	[tilespmem:s1+$0xC890] =	vst.add.f32.msk $0xffff, v15  }
0x2e2: {  	[tilespmem:s1+$0xC8A0] =	vst.add.f32.msk $0xffff, v16  }
0x2e3: {  	[tilespmem:s1+$0xC8B0] =	vst.add.f32.msk $0xffff, v17  }
0x2e4: {  	[tilespmem:s1+$0xC8C0] =	vst.add.f32.msk $0xffff, v18  }
0x2e5: {  	[tilespmem:s1+$0xC8D0] =	vst.add.f32.msk $0xffff, v19  }
0x2e6: {  	[tilespmem:s1+$0xC8E0] =	vst.add.f32.msk $0xffff, v20  }
0x2e7: {  	[tilespmem:s1+$0xC8F0] =	vst.add.f32.msk $0xffff, v21  }
0x2e8: {  	[tilespmem:s1+$0xC900] =	vst.add.f32.msk $0xffff, v22  }
0x2e9: {  	[tilespmem:s1+$0xC910] =	vst.add.f32.msk $0xffff, v23  }
0x2ea: {  	[tilespmem:s1+$0xC920] =	vst.add.f32.msk $0xffff, v24  }
0x2eb: {  	[tilespmem:s1+$0xC930] =	vst.add.f32.msk $0xffff, v25  }
0x2ec: {  	[tilespmem:s1+$0xC940] =	vst.add.f32.msk $0xffff, v26  }
0x2ed: {  	[tilespmem:s1+$0xC950] =	vst.add.f32.msk $0xffff, v27  }
0x2ee: {  	[tilespmem:s1+$0xC960] =	vst.add.f32.msk $0xffff, v28  }
0x2ef: {  	[tilespmem:s1+$0xC970] =	vst.add.f32.msk $0xffff, v29  }
0x2f0: {  	[tilespmem:s1+$0xC980] =	vst.add.f32.msk $0xffff, v30  }
0x2f1: {  	[tilespmem:s1+$0xC990] =	vst.add.f32.msk $0xffff, v31  }
.Ltmp5:
0x2f2: {  	[tilespmem:s1+$0xC9A0] =	vst.add.f32.msk $0xffff, v32;
	(pc) =	sbr.rel @!p0 .LBB2_13-.Ltmp5, $4  }
0x2f3: {  	[tilespmem:s1+$0xC9B0] =	vst.add.f32.msk $0xffff, v33  }
0x2f4: {  	[tilespmem:s1+$0xC9C0] =	vst.add.f32.msk $0xffff, v34  }
0x2f5: {  	[tilespmem:s1+$0xC9D0] =	vst.add.f32.msk $0xffff, v35  }
0x2f6: {  	[tilespmem:s1+$0xC9E0] =	vst.add.f32.msk $0xffff, v36;
	s1 =	sshra.s32 s2, $0x2;
	s2 =	sadd.s32 $0x800, s2  }
0x2f7: {  	[tilespmem:s1+$0xC9F0] =	vst.add.f32.msk $0xffff, v37  }
0x2f8: {  	[tilespmem:s1+$0xC800] =	vst.add.f32.msk $0xffff, v6  }
0x2f9: {  	[tilespmem:s1+$0xC810] =	vst.add.f32.msk $0xffff, v7  }
0x2fa: {  	[tilespmem:s1+$0xC820] =	vst.add.f32.msk $0xffff, v8  }
0x2fb: {  	[tilespmem:s1+$0xC830] =	vst.add.f32.msk $0xffff, v9  }
0x2fc: {  	[tilespmem:s1+$0xC840] =	vst.add.f32.msk $0xffff, v10  }
0x2fd: {  	[tilespmem:s1+$0xC850] =	vst.add.f32.msk $0xffff, v11  }
0x2fe: {  	[tilespmem:s1+$0xC860] =	vst.add.f32.msk $0xffff, v12  }
0x2ff: {  	[tilespmem:s1+$0xC870] =	vst.add.f32.msk $0xffff, v13  }
0x300: {  	[tilespmem:s1+$0xC880] =	vst.add.f32.msk $0xffff, v14  }
0x301: {  	[tilespmem:s1+$0xC890] =	vst.add.f32.msk $0xffff, v15  }
0x302: {  	[tilespmem:s1+$0xC8A0] =	vst.add.f32.msk $0xffff, v16  }
0x303: {  	[tilespmem:s1+$0xC8B0] =	vst.add.f32.msk $0xffff, v17  }
0x304: {  	[tilespmem:s1+$0xC8C0] =	vst.add.f32.msk $0xffff, v18  }
0x305: {  	[tilespmem:s1+$0xC8D0] =	vst.add.f32.msk $0xffff, v19  }
0x306: {  	[tilespmem:s1+$0xC8E0] =	vst.add.f32.msk $0xffff, v20  }
0x307: {  	[tilespmem:s1+$0xC8F0] =	vst.add.f32.msk $0xffff, v21  }
0x308: {  	[tilespmem:s1+$0xC900] =	vst.add.f32.msk $0xffff, v22  }
0x309: {  	[tilespmem:s1+$0xC910] =	vst.add.f32.msk $0xffff, v23  }
0x30a: {  	[tilespmem:s1+$0xC920] =	vst.add.f32.msk $0xffff, v24  }
0x30b: {  	[tilespmem:s1+$0xC930] =	vst.add.f32.msk $0xffff, v25  }
0x30c: {  	[tilespmem:s1+$0xC940] =	vst.add.f32.msk $0xffff, v26  }
0x30d: {  	[tilespmem:s1+$0xC950] =	vst.add.f32.msk $0xffff, v27  }
0x30e: {  	[tilespmem:s1+$0xC960] =	vst.add.f32.msk $0xffff, v28  }
0x30f: {  	[tilespmem:s1+$0xC970] =	vst.add.f32.msk $0xffff, v29  }
0x310: {  	[tilespmem:s1+$0xC980] =	vst.add.f32.msk $0xffff, v30  }
0x311: {  	[tilespmem:s1+$0xC990] =	vst.add.f32.msk $0xffff, v31  }
0x312: {  	[tilespmem:s1+$0xC9A0] =	vst.add.f32.msk $0xffff, v32  }
0x313: {  	[tilespmem:s1+$0xC9B0] =	vst.add.f32.msk $0xffff, v33  }
0x314: {  	[tilespmem:s1+$0xC9C0] =	vst.add.f32.msk $0xffff, v34  }
0x315: {  	[tilespmem:s1+$0xC9D0] =	vst.add.f32.msk $0xffff, v35  }
0x316: {  	[tilespmem:s1+$0xC9E0] =	vst.add.f32.msk $0xffff, v36;
	s31 =	simm.s32 $0xC800;
	s1 =	simm.s32 $0x800  }
0x317: {  	[hbm4b:s0+s26] =	stream.strided.scatter [tilespmem:s31], [sflag:$0x6], $0x200, s28, s26, $0x38;
	[tilespmem:$0x1E4D0] =	vst v63  }
.LBB2_15:
0x318: {  	p0 =	sne.s32 s1, $0x18800  }
.Ltmp6:
0x319: {  	_ = 	snop;
	(pc) =	sbr.rel @p0 .LBB2_15-.Ltmp6, $4  }
0x31a: {  	_ = 	snop  }
0x31b: {  	s2 =	sshra.s32 s1, $0x2;
	s1 =	sadd.s32 $0x800, s1  }
0x31c: {  	s0 =	sadd.s32 $0x40000, s0;
	s2 =	sadd.s32 $0xC800, s2  }
0x31d: {  	[hbm4b:s0+s26] =	stream.strided.scatter [tilespmem:s2], [sflag:$0x6], $0x200, s28, s26, $0x38;
	[tilespmem:$0x1E4D0] =	vst v63  }
0x31e: {  	s19 =	sadd.s32 $0x1, s19  }
0x31f: {  	p0 =	sne.s32 s19, $0x2A  }
.Ltmp7:
0x320: {  	_ = 	snop;
	(pc) =	sbr.rel @p0 .LBB2_4-.Ltmp7, $1  }
0x321: {  	_ =	sdelay $0x3  }
0x322: {  	v6 =	vld [tilespmem:$0x1458E]  }
0x323: {  	v7 =	vld [tilespmem:$0x1459E]  }
0x324: {  	v8 =	vld [tilespmem:$0x145AE]  }
0x325: {  	v9 =	vld [tilespmem:$0x145BE];
	_ =	sdelay $0x1  }
0x326: {  	v6 =	vmul.u32 $0x32, v6  }
0x327: {  	v7 =	vmul.u32 $0x32, v7  }
0x328: {  	v8 =	vmul.u32 $0x32, v8;
	v6 =	vadd.s32 v0, v6  }
0x329: {  	[tilespmem:$0x12C40] =	vst v6;
	v6 =	vadd.s32 v2, v7;
	v7 =	vmul.u32 $0x32, v9  }
0x32a: {  	[tilespmem:$0x12C50] =	vst v6;
	v6 =	vadd.s32 v3, v8  }
0x32b: {  	[tilespmem:$0x12C60] =	vst v6;
	v6 =	vadd.s32 v4, v7  }
0x32c: {  	s4 =	simm.s32 $0x5;
	[tilespmem:$0x12C70] =	vst v6  }
0x32d: {  	_ =	swait.ge [sflag:s4], $0x6400  }
0x32e: {  	[sflag:s4] =	ssyncset.done $0x0  }
0x32f: {  	[sflag:s4] =	ssyncadd.s32 $0xFFFF9C00  }
0x330: {  	[tilespmem:s11], [sflag:$0x2] =	stream.indirect.gather [spmem:s7], $0x200, s14, s8, $0xb8;
	[tilespmem:$0x1E4D0] =	vst v63  }
0x331: {  	_ =	swait.ge [sflag:s15], $0x6400  }
0x332: {  	[sflag:s15] =	ssyncset.done $0x0  }
0x333: {  	[sflag:s15] =	ssyncadd.s32 $0xFFFF9C00  }
0x334: {  	v6 =	vld [tilespmem:$0x146BE];
	_ =	sdelay $0x4  }
0x335: {  	(v2sf) =	vpush v6, $0x0;
	_ =	sdelay $0xe  }
0x336: {  	s0 =	spop (v2sf)  }
0x337: {  	s0 =	sshll.u32 s0, $0xB  }
0x338: {  	s0 =	sshra.s32 s0, $0x2  }
0x339: {  	v6 =	vld [tilespmem:s0+$0x146D0]  }
0x33a: {  	v7 =	vld [tilespmem:s0+$0x146E0]  }
0x33b: {  	v8 =	vld [tilespmem:s0+$0x146F0]  }
0x33c: {  	v9 =	vld [tilespmem:s0+$0x14700]  }
0x33d: {  	v10 =	vld [tilespmem:s0+$0x14710]  }
0x33e: {  	v11 =	vld [tilespmem:s0+$0x14720]  }
0x33f: {  	v12 =	vld [tilespmem:s0+$0x14730]  }
0x340: {  	v13 =	vld [tilespmem:s0+$0x14740]  }
0x341: {  	v14 =	vld [tilespmem:s0+$0x14750]  }
0x342: {  	v15 =	vld [tilespmem:s0+$0x14760]  }
0x343: {  	v16 =	vld [tilespmem:s0+$0x14770]  }
0x344: {  	v17 =	vld [tilespmem:s0+$0x14780]  }
0x345: {  	v18 =	vld [tilespmem:s0+$0x14790]  }
0x346: {  	v19 =	vld [tilespmem:s0+$0x147A0]  }
0x347: {  	v20 =	vld [tilespmem:s0+$0x147B0]  }
0x348: {  	v21 =	vld [tilespmem:s0+$0x147C0]  }
0x349: {  	v22 =	vld [tilespmem:s0+$0x147D0]  }
0x34a: {  	v23 =	vld [tilespmem:s0+$0x147E0]  }
0x34b: {  	v24 =	vld [tilespmem:s0+$0x147F0]  }
0x34c: {  	v25 =	vld [tilespmem:s0+$0x14800]  }
0x34d: {  	v26 =	vld [tilespmem:s0+$0x14810]  }
0x34e: {  	v27 =	vld [tilespmem:s0+$0x14820]  }
0x34f: {  	v28 =	vld [tilespmem:s0+$0x14830]  }
0x350: {  	v29 =	vld [tilespmem:s0+$0x14840]  }
0x351: {  	v30 =	vld [tilespmem:s0+$0x14850]  }
0x352: {  	v31 =	vld [tilespmem:s0+$0x14860]  }
0x353: {  	v32 =	vld [tilespmem:s0+$0x14870]  }
0x354: {  	v37 =	vld [tilespmem:s0+$0x148C0]  }
0x355: {  	v33 =	vld [tilespmem:s0+$0x14880]  }
0x356: {  	v34 =	vld [tilespmem:s0+$0x14890]  }
0x357: {  	v35 =	vld [tilespmem:s0+$0x148A0]  }
0x358: {  	s1 =	simm.s32 $0x800;
	v36 =	vld [tilespmem:s0+$0x148B0];
	s0 =	simm.s32 $0x0  }
.LBB2_18:
0x359: {  	p0 =	seq.s32 s1, $0x18800;
	[tilespmem:s0+$0x1F0] =	vst.add.f32.msk $0xffff, v37  }
0x35a: {  	[tilespmem:s0+$0x0] =	vst.add.f32.msk $0xffff, v6  }
0x35b: {  	[tilespmem:s0+$0x10] =	vst.add.f32.msk $0xffff, v7  }
0x35c: {  	[tilespmem:s0+$0x20] =	vst.add.f32.msk $0xffff, v8  }
0x35d: {  	[tilespmem:s0+$0x30] =	vst.add.f32.msk $0xffff, v9  }
0x35e: {  	[tilespmem:s0+$0x40] =	vst.add.f32.msk $0xffff, v10  }
0x35f: {  	[tilespmem:s0+$0x50] =	vst.add.f32.msk $0xffff, v11  }
0x360: {  	[tilespmem:s0+$0x60] =	vst.add.f32.msk $0xffff, v12  }
0x361: {  	[tilespmem:s0+$0x70] =	vst.add.f32.msk $0xffff, v13  }
0x362: {  	[tilespmem:s0+$0x80] =	vst.add.f32.msk $0xffff, v14  }
0x363: {  	[tilespmem:s0+$0x90] =	vst.add.f32.msk $0xffff, v15  }
0x364: {  	[tilespmem:s0+$0xA0] =	vst.add.f32.msk $0xffff, v16  }
0x365: {  	[tilespmem:s0+$0xB0] =	vst.add.f32.msk $0xffff, v17  }
0x366: {  	[tilespmem:s0+$0xC0] =	vst.add.f32.msk $0xffff, v18  }
0x367: {  	[tilespmem:s0+$0xD0] =	vst.add.f32.msk $0xffff, v19  }
0x368: {  	[tilespmem:s0+$0xE0] =	vst.add.f32.msk $0xffff, v20  }
0x369: {  	[tilespmem:s0+$0xF0] =	vst.add.f32.msk $0xffff, v21  }
0x36a: {  	[tilespmem:s0+$0x100] =	vst.add.f32.msk $0xffff, v22  }
0x36b: {  	[tilespmem:s0+$0x110] =	vst.add.f32.msk $0xffff, v23  }
0x36c: {  	[tilespmem:s0+$0x120] =	vst.add.f32.msk $0xffff, v24  }
0x36d: {  	[tilespmem:s0+$0x130] =	vst.add.f32.msk $0xffff, v25  }
0x36e: {  	[tilespmem:s0+$0x140] =	vst.add.f32.msk $0xffff, v26  }
0x36f: {  	[tilespmem:s0+$0x150] =	vst.add.f32.msk $0xffff, v27  }
0x370: {  	[tilespmem:s0+$0x160] =	vst.add.f32.msk $0xffff, v28  }
0x371: {  	[tilespmem:s0+$0x170] =	vst.add.f32.msk $0xffff, v29  }
0x372: {  	[tilespmem:s0+$0x180] =	vst.add.f32.msk $0xffff, v30  }
0x373: {  	[tilespmem:s0+$0x190] =	vst.add.f32.msk $0xffff, v31  }
.Ltmp8:
0x374: {  	[tilespmem:s0+$0x1A0] =	vst.add.f32.msk $0xffff, v32;
	(pc) =	sbr.rel @!p0 .LBB2_18-.Ltmp8, $4  }
0x375: {  	[tilespmem:s0+$0x1B0] =	vst.add.f32.msk $0xffff, v33  }
0x376: {  	[tilespmem:s0+$0x1C0] =	vst.add.f32.msk $0xffff, v34  }
0x377: {  	[tilespmem:s0+$0x1D0] =	vst.add.f32.msk $0xffff, v35  }
0x378: {  	[tilespmem:s0+$0x1E0] =	vst.add.f32.msk $0xffff, v36;
	s0 =	sshra.s32 s1, $0x2;
	s1 =	sadd.s32 $0x800, s1  }
0x379: {  	[tilespmem:s0+$0x1F0] =	vst.add.f32.msk $0xffff, v37  }
0x37a: {  	[tilespmem:s0+$0x0] =	vst.add.f32.msk $0xffff, v6  }
0x37b: {  	[tilespmem:s0+$0x10] =	vst.add.f32.msk $0xffff, v7  }
0x37c: {  	[tilespmem:s0+$0x20] =	vst.add.f32.msk $0xffff, v8  }
0x37d: {  	[tilespmem:s0+$0x30] =	vst.add.f32.msk $0xffff, v9  }
0x37e: {  	[tilespmem:s0+$0x40] =	vst.add.f32.msk $0xffff, v10  }
0x37f: {  	[tilespmem:s0+$0x50] =	vst.add.f32.msk $0xffff, v11  }
0x380: {  	[tilespmem:s0+$0x60] =	vst.add.f32.msk $0xffff, v12  }
0x381: {  	[tilespmem:s0+$0x70] =	vst.add.f32.msk $0xffff, v13  }
0x382: {  	[tilespmem:s0+$0x80] =	vst.add.f32.msk $0xffff, v14  }
0x383: {  	[tilespmem:s0+$0x90] =	vst.add.f32.msk $0xffff, v15  }
0x384: {  	[tilespmem:s0+$0xA0] =	vst.add.f32.msk $0xffff, v16  }
0x385: {  	[tilespmem:s0+$0xB0] =	vst.add.f32.msk $0xffff, v17  }
0x386: {  	[tilespmem:s0+$0xC0] =	vst.add.f32.msk $0xffff, v18  }
0x387: {  	[tilespmem:s0+$0xD0] =	vst.add.f32.msk $0xffff, v19  }
0x388: {  	[tilespmem:s0+$0xE0] =	vst.add.f32.msk $0xffff, v20  }
0x389: {  	[tilespmem:s0+$0xF0] =	vst.add.f32.msk $0xffff, v21  }
0x38a: {  	[tilespmem:s0+$0x100] =	vst.add.f32.msk $0xffff, v22  }
0x38b: {  	[tilespmem:s0+$0x110] =	vst.add.f32.msk $0xffff, v23  }
0x38c: {  	[tilespmem:s0+$0x120] =	vst.add.f32.msk $0xffff, v24  }
0x38d: {  	[tilespmem:s0+$0x130] =	vst.add.f32.msk $0xffff, v25  }
0x38e: {  	[tilespmem:s0+$0x140] =	vst.add.f32.msk $0xffff, v26  }
0x38f: {  	[tilespmem:s0+$0x150] =	vst.add.f32.msk $0xffff, v27  }
0x390: {  	[tilespmem:s0+$0x160] =	vst.add.f32.msk $0xffff, v28  }
0x391: {  	[tilespmem:s0+$0x170] =	vst.add.f32.msk $0xffff, v29  }
0x392: {  	[tilespmem:s0+$0x180] =	vst.add.f32.msk $0xffff, v30  }
0x393: {  	[tilespmem:s0+$0x190] =	vst.add.f32.msk $0xffff, v31  }
0x394: {  	[tilespmem:s0+$0x1A0] =	vst.add.f32.msk $0xffff, v32  }
0x395: {  	[tilespmem:s0+$0x1B0] =	vst.add.f32.msk $0xffff, v33  }
0x396: {  	[tilespmem:s0+$0x1C0] =	vst.add.f32.msk $0xffff, v34  }
0x397: {  	[tilespmem:s0+$0x1D0] =	vst.add.f32.msk $0xffff, v35;
	s2 =	rddreg [dreg:$0x16]  }
0x398: {  	[tilespmem:s0+$0x1E0] =	vst.add.f32.msk $0xffff, v36;
	s0 =	simm.s32 $0x800;
	s3 =	simm.s32 $0x0;
	s1 =	sadd.s32 $0x40000, s2  }
.LBB2_20:
0x399: {  	[hbm4b:s2+s26] =	stream.strided.scatter [tilespmem:s3], [sflag:$0x4], $0x200, s28, s26, $0x38;
	[tilespmem:$0x1E4D0] =	vst v63  }
0x39a: {  	s3 =	smov.u32 s0;
	s2 =	smov.u32 s1;
	p0 =	sne.s32 s0, $0x18800  }
.Ltmp9:
0x39b: {  	s0 =	sadd.s32 $0x800, s0;
	(pc) =	sbr.rel @p0 .LBB2_20-.Ltmp9, $2  }
0x39c: {  	_ =	sdelay $0x2  }
0x39d: {  	s1 =	sadd.s32 $0x40000, s1;
	s3 =	sshra.s32 s3, $0x2  }
0x39e: {  	[hbm4b:s2+s26] =	stream.strided.scatter [tilespmem:s3], [sflag:$0x4], $0x200, s28, s26, $0x38;
	[tilespmem:$0x1E4D0] =	vst v63  }
0x39f: {  	_ =	swait.ge [sflag:s17], $0x6400  }
0x3a0: {  	[sflag:s17] =	ssyncset.done $0x0  }
0x3a1: {  	[sflag:s17] =	ssyncadd.s32 $0xFFFF9C00  }
0x3a2: {  	v6 =	vld [tilespmem:$0x146BF];
	_ =	sdelay $0x4  }
0x3a3: {  	(v2sf) =	vpush v6, $0x0;
	_ =	sdelay $0xe  }
0x3a4: {  	s0 =	spop (v2sf)  }
0x3a5: {  	s0 =	sshll.u32 s0, $0xB  }
0x3a6: {  	s0 =	sshra.s32 s0, $0x2  }
0x3a7: {  	v6 =	vld [tilespmem:s0+$0x146D0]  }
0x3a8: {  	v7 =	vld [tilespmem:s0+$0x146E0]  }
0x3a9: {  	v8 =	vld [tilespmem:s0+$0x146F0]  }
0x3aa: {  	v9 =	vld [tilespmem:s0+$0x14700]  }
0x3ab: {  	v10 =	vld [tilespmem:s0+$0x14710]  }
0x3ac: {  	v11 =	vld [tilespmem:s0+$0x14720]  }
0x3ad: {  	v12 =	vld [tilespmem:s0+$0x14730]  }
0x3ae: {  	v13 =	vld [tilespmem:s0+$0x14740]  }
0x3af: {  	v14 =	vld [tilespmem:s0+$0x14750]  }
0x3b0: {  	v15 =	vld [tilespmem:s0+$0x14760]  }
0x3b1: {  	v16 =	vld [tilespmem:s0+$0x14770]  }
0x3b2: {  	v17 =	vld [tilespmem:s0+$0x14780]  }
0x3b3: {  	v18 =	vld [tilespmem:s0+$0x14790]  }
0x3b4: {  	v19 =	vld [tilespmem:s0+$0x147A0]  }
0x3b5: {  	v20 =	vld [tilespmem:s0+$0x147B0]  }
0x3b6: {  	v21 =	vld [tilespmem:s0+$0x147C0]  }
0x3b7: {  	v22 =	vld [tilespmem:s0+$0x147D0]  }
0x3b8: {  	v23 =	vld [tilespmem:s0+$0x147E0]  }
0x3b9: {  	v24 =	vld [tilespmem:s0+$0x147F0]  }
0x3ba: {  	v25 =	vld [tilespmem:s0+$0x14800]  }
0x3bb: {  	v26 =	vld [tilespmem:s0+$0x14810]  }
0x3bc: {  	v27 =	vld [tilespmem:s0+$0x14820]  }
0x3bd: {  	v28 =	vld [tilespmem:s0+$0x14830]  }
0x3be: {  	v29 =	vld [tilespmem:s0+$0x14840]  }
0x3bf: {  	v30 =	vld [tilespmem:s0+$0x14850]  }
0x3c0: {  	v31 =	vld [tilespmem:s0+$0x14860]  }
0x3c1: {  	v32 =	vld [tilespmem:s0+$0x14870]  }
0x3c2: {  	v37 =	vld [tilespmem:s0+$0x148C0]  }
0x3c3: {  	v33 =	vld [tilespmem:s0+$0x14880]  }
0x3c4: {  	v34 =	vld [tilespmem:s0+$0x14890]  }
0x3c5: {  	v35 =	vld [tilespmem:s0+$0x148A0]  }
0x3c6: {  	s1 =	simm.s32 $0x800;
	v36 =	vld [tilespmem:s0+$0x148B0];
	s0 =	simm.s32 $0x0  }
.LBB2_22:
0x3c7: {  	p0 =	sne.s32 s1, $0x18800;
	[tilespmem:s0+$0x65F0] =	vst.add.f32.msk $0xffff, v37  }
0x3c8: {  	[tilespmem:s0+$0x6400] =	vst.add.f32.msk $0xffff, v6  }
0x3c9: {  	[tilespmem:s0+$0x6410] =	vst.add.f32.msk $0xffff, v7  }
0x3ca: {  	[tilespmem:s0+$0x6420] =	vst.add.f32.msk $0xffff, v8  }
0x3cb: {  	[tilespmem:s0+$0x6430] =	vst.add.f32.msk $0xffff, v9  }
0x3cc: {  	[tilespmem:s0+$0x6440] =	vst.add.f32.msk $0xffff, v10  }
0x3cd: {  	[tilespmem:s0+$0x6450] =	vst.add.f32.msk $0xffff, v11  }
0x3ce: {  	[tilespmem:s0+$0x6460] =	vst.add.f32.msk $0xffff, v12  }
0x3cf: {  	[tilespmem:s0+$0x6470] =	vst.add.f32.msk $0xffff, v13  }
0x3d0: {  	[tilespmem:s0+$0x6480] =	vst.add.f32.msk $0xffff, v14  }
0x3d1: {  	[tilespmem:s0+$0x6490] =	vst.add.f32.msk $0xffff, v15  }
0x3d2: {  	[tilespmem:s0+$0x64A0] =	vst.add.f32.msk $0xffff, v16  }
0x3d3: {  	[tilespmem:s0+$0x64B0] =	vst.add.f32.msk $0xffff, v17  }
0x3d4: {  	[tilespmem:s0+$0x64C0] =	vst.add.f32.msk $0xffff, v18  }
0x3d5: {  	[tilespmem:s0+$0x64D0] =	vst.add.f32.msk $0xffff, v19  }
0x3d6: {  	[tilespmem:s0+$0x64E0] =	vst.add.f32.msk $0xffff, v20  }
0x3d7: {  	[tilespmem:s0+$0x64F0] =	vst.add.f32.msk $0xffff, v21  }
0x3d8: {  	[tilespmem:s0+$0x6500] =	vst.add.f32.msk $0xffff, v22  }
0x3d9: {  	[tilespmem:s0+$0x6510] =	vst.add.f32.msk $0xffff, v23  }
0x3da: {  	[tilespmem:s0+$0x6520] =	vst.add.f32.msk $0xffff, v24  }
0x3db: {  	[tilespmem:s0+$0x6530] =	vst.add.f32.msk $0xffff, v25  }
0x3dc: {  	[tilespmem:s0+$0x6540] =	vst.add.f32.msk $0xffff, v26  }
0x3dd: {  	[tilespmem:s0+$0x6550] =	vst.add.f32.msk $0xffff, v27  }
0x3de: {  	[tilespmem:s0+$0x6560] =	vst.add.f32.msk $0xffff, v28  }
0x3df: {  	[tilespmem:s0+$0x6570] =	vst.add.f32.msk $0xffff, v29  }
0x3e0: {  	[tilespmem:s0+$0x6580] =	vst.add.f32.msk $0xffff, v30  }
0x3e1: {  	[tilespmem:s0+$0x6590] =	vst.add.f32.msk $0xffff, v31  }
.Ltmp10:
0x3e2: {  	[tilespmem:s0+$0x65A0] =	vst.add.f32.msk $0xffff, v32;
	(pc) =	sbr.rel @p0 .LBB2_22-.Ltmp10, $4  }
0x3e3: {  	[tilespmem:s0+$0x65B0] =	vst.add.f32.msk $0xffff, v33  }
0x3e4: {  	[tilespmem:s0+$0x65C0] =	vst.add.f32.msk $0xffff, v34  }
0x3e5: {  	[tilespmem:s0+$0x65D0] =	vst.add.f32.msk $0xffff, v35  }
0x3e6: {  	[tilespmem:s0+$0x65E0] =	vst.add.f32.msk $0xffff, v36;
	s0 =	sshra.s32 s1, $0x2;
	s1 =	sadd.s32 $0x800, s1  }
0x3e7: {  	[tilespmem:s0+$0x65F0] =	vst.add.f32.msk $0xffff, v37  }
0x3e8: {  	[tilespmem:s0+$0x6400] =	vst.add.f32.msk $0xffff, v6  }
0x3e9: {  	[tilespmem:s0+$0x6410] =	vst.add.f32.msk $0xffff, v7  }
0x3ea: {  	[tilespmem:s0+$0x6420] =	vst.add.f32.msk $0xffff, v8  }
0x3eb: {  	[tilespmem:s0+$0x6430] =	vst.add.f32.msk $0xffff, v9  }
0x3ec: {  	[tilespmem:s0+$0x6440] =	vst.add.f32.msk $0xffff, v10  }
0x3ed: {  	[tilespmem:s0+$0x6450] =	vst.add.f32.msk $0xffff, v11  }
0x3ee: {  	[tilespmem:s0+$0x6460] =	vst.add.f32.msk $0xffff, v12  }
0x3ef: {  	[tilespmem:s0+$0x6470] =	vst.add.f32.msk $0xffff, v13  }
0x3f0: {  	[tilespmem:s0+$0x6480] =	vst.add.f32.msk $0xffff, v14  }
0x3f1: {  	[tilespmem:s0+$0x6490] =	vst.add.f32.msk $0xffff, v15  }
0x3f2: {  	[tilespmem:s0+$0x64A0] =	vst.add.f32.msk $0xffff, v16  }
0x3f3: {  	[tilespmem:s0+$0x64B0] =	vst.add.f32.msk $0xffff, v17  }
0x3f4: {  	[tilespmem:s0+$0x64C0] =	vst.add.f32.msk $0xffff, v18  }
0x3f5: {  	[tilespmem:s0+$0x64D0] =	vst.add.f32.msk $0xffff, v19  }
0x3f6: {  	[tilespmem:s0+$0x64E0] =	vst.add.f32.msk $0xffff, v20  }
0x3f7: {  	[tilespmem:s0+$0x64F0] =	vst.add.f32.msk $0xffff, v21  }
0x3f8: {  	[tilespmem:s0+$0x6500] =	vst.add.f32.msk $0xffff, v22  }
0x3f9: {  	[tilespmem:s0+$0x6510] =	vst.add.f32.msk $0xffff, v23  }
0x3fa: {  	[tilespmem:s0+$0x6520] =	vst.add.f32.msk $0xffff, v24  }
0x3fb: {  	[tilespmem:s0+$0x6530] =	vst.add.f32.msk $0xffff, v25  }
0x3fc: {  	[tilespmem:s0+$0x6540] =	vst.add.f32.msk $0xffff, v26  }
0x3fd: {  	[tilespmem:s0+$0x6550] =	vst.add.f32.msk $0xffff, v27  }
0x3fe: {  	[tilespmem:s0+$0x6560] =	vst.add.f32.msk $0xffff, v28  }
0x3ff: {  	[tilespmem:s0+$0x6570] =	vst.add.f32.msk $0xffff, v29  }
0x400: {  	[tilespmem:s0+$0x6580] =	vst.add.f32.msk $0xffff, v30  }
0x401: {  	[tilespmem:s0+$0x6590] =	vst.add.f32.msk $0xffff, v31  }
0x402: {  	[tilespmem:s0+$0x65A0] =	vst.add.f32.msk $0xffff, v32  }
0x403: {  	[tilespmem:s0+$0x65B0] =	vst.add.f32.msk $0xffff, v33  }
0x404: {  	[tilespmem:s0+$0x65C0] =	vst.add.f32.msk $0xffff, v34  }
0x405: {  	[tilespmem:s0+$0x65D0] =	vst.add.f32.msk $0xffff, v35  }
0x406: {  	[tilespmem:s0+$0x65E0] =	vst.add.f32.msk $0xffff, v36;
	s31 =	simm.s32 $0x6400;
	s1 =	rddreg [dreg:$0x17];
	s0 =	simm.s32 $0x800  }
0x407: {  	[hbm4b:s1+s26] =	stream.strided.scatter [tilespmem:s31], [sflag:$0x5], $0x200, s28, s26, $0x38;
	[tilespmem:$0x1E4D0] =	vst v63  }
.LBB2_24:
0x408: {  	p0 =	sne.s32 s0, $0x18800  }
.Ltmp11:
0x409: {  	_ = 	snop;
	(pc) =	sbr.rel @p0 .LBB2_24-.Ltmp11, $4  }
0x40a: {  	_ = 	snop  }
0x40b: {  	s2 =	sshra.s32 s0, $0x2;
	s0 =	sadd.s32 $0x800, s0  }
0x40c: {  	s1 =	sadd.s32 $0x40000, s1;
	s2 =	sadd.s32 $0x6400, s2  }
0x40d: {  	[hbm4b:s1+s26] =	stream.strided.scatter [tilespmem:s2], [sflag:$0x5], $0x200, s28, s26, $0x38;
	[tilespmem:$0x1E4D0] =	vst v63  }
0x40e: {  	s0 =	simm.s32 $0x6  }
0x40f: {  	_ =	swait.ge [sflag:s0], $0x6400  }
0x410: {  	[sflag:s0] =	ssyncset.done $0x0  }
0x411: {  	[sflag:s0] =	ssyncadd.s32 $0xFFFF9C00  }
0x412: {  	_ =	swait.ge [sflag:s20], $0x6400  }
0x413: {  	[sflag:s20] =	ssyncset.done $0x0  }
0x414: {  	[sflag:s20] =	ssyncadd.s32 $0xFFFF9C00  }
0x415: {  	_ =	swait.ge [sflag:s4], $0x6400  }
0x416: {  	s1 =	rddreg [dreg:$0x19]  }
0x417: {  	s31 =	rddreg [dreg:$0x18];
	s1 =	sadd.s32 $0x1, s1  }
0x418: {  	p0 =	sne.s32 s1, s31  }
.Ltmp12:
0x419: {  	_ = 	snop;
	(pc) =	sbr.rel @p0 .LBB2_1-.Ltmp12, $3  }
0x41a: {  	_ =	sdelay $0x1  }
0x41b: {  	[sflag:s4] =	ssyncset.done $0x0  }
0x41c: {  	[sflag:s4] =	ssyncadd.s32 $0xFFFF9C00  }
0x41d: {  	_ =	sfence.sel $0x180000  }
0x41e: {  	[bflag:$0x0] =	sbarrier.arrive $0xFFFF  }
0x41f: {  	_ =	strace $0x90000047  }
0x420: {  	s0 =	stileid.u32;
	[bflag:$0x2] =	sbarrier.arrive $0xFFFF  }
0x421: {  	p0 =	sne.s32 s0, $0x0;
	s0 =	rddreg [dreg:$0x7]  }
0x422: {  	s0 =	sadd.s32 @!p0 $0x100000, s0  }
0x423: {  	[sflag:s0] =	ssyncadd.tile.s32 @!p0 $0x1;
	_ =	shalt  }
.Lfunc_end2:
_tile_overlayer_lowered:
.L_overlay_start_2:
0x424: {  	(tag) =	ssettag $0x2  }
0x425: {  	s0 =	rddreg [dreg:$0x0];
	s2 =	stileid.u32  }
0x426: {  	s1 =	rddreg [dreg:$0x1];
	p0 =	sne.s32 s2, $0x0  }
0x427: {  	s3 =	rddreg [dreg:$0x2];
	[bflag:$0x3] =	sbarrier.arrive $0xFFFF;
	s2 =	simm.s32 @!p0 $0x1C07  }
0x428: {  	[timem:s3], [sflag:s2] =	dma.local @!p0 [hbm:s0], s1  }
0x429: {  	s0 =	simm.s32 @!p0 $0x7  }
0x42a: {  	_ =	swait.ge @!p0 [sflag:s0], s1  }
0x42b: {  	s1 =	ssub.s32 @!p0 $0x0, s1;
	[sflag:s0] =	ssyncset.done @!p0 $0x0  }
0x42c: {  	[sflag:s0] =	ssyncadd.s32 @!p0 s1  }
0x42d: {  	[bflag:$0x3] =	sbarrier.arrive $0xFFFF  }
0x42e: {  	_ =	shalt  }

</sc_bundles>
